<compile_context>
chip_gen: v7x
topology: tpu7x:2x2x1
jax: 0.10.2.dev20260603
libtpu: 0.0.44.dev20260713+nightly
codegen_flags: <defaults>
</compile_context>

<pallas_src>
import functools

import jax
import jax.numpy as jnp
from jax import lax
from jax.experimental import pallas as pl
from jax.experimental.pallas import tpu as pltpu
from jax.experimental.pallas import tpu_sc as plsc

N_NODES = 100000
N_EDGES = 6400000
F = 4
LANES = 128
NC = 2
NS = 16
BLK_ROWS = 8
BLOCKS_PER_TILE = 196
EDGES_PAD = NC * NS * BLOCKS_PER_TILE * BLK_ROWS * LANES
EDGE_ROWS_PER_TILE = BLOCKS_PER_TILE * BLK_ROWS

NP = 100096
ROWS_PER_TILE_STAGE = NP // NS

assert NP % (NS * 8) == 0 and NP >= N_NODES + 1


@functools.partial(
    pl.kernel,
    mesh=plsc.VectorSubcoreMesh(core_axis_name="c", subcore_axis_name="s"),
    out_type=jax.ShapeDtypeStruct((NC * NP, F), jnp.float32),
    compiler_params=pltpu.CompilerParams(use_tc_tiling_on_sc=False),
    scratch_types=[
        pltpu.VMEM((BLK_ROWS, LANES), jnp.int32),
        pltpu.VMEM((BLK_ROWS, LANES), jnp.int32),
        pltpu.VMEM((BLK_ROWS, LANES, F), jnp.float32),
        pltpu.VMEM_SHARED((NP, F), jnp.float32),
        pltpu.VMEM_SHARED((NP, F), jnp.float32),
    ],
)
def _edge_aggregate(y_hbm, z_hbm, src_hbm, dst_hbm, out_hbm,
                    sidx, didx, msg, sh_y, sh_acc):
    c = lax.axis_index("c")
    s = lax.axis_index("s")
    r0 = s * ROWS_PER_TILE_STAGE
    pltpu.sync_copy(y_hbm.at[pl.ds(r0, ROWS_PER_TILE_STAGE)],
                    sh_y.at[pl.ds(r0, ROWS_PER_TILE_STAGE)])
    pltpu.sync_copy(z_hbm.at[pl.ds(r0, ROWS_PER_TILE_STAGE)],
                    sh_acc.at[pl.ds(r0, ROWS_PER_TILE_STAGE)])
    plsc.subcore_barrier()

    row_base = (c * NS + s) * EDGE_ROWS_PER_TILE

    def body(i, carry):
        rb = row_base + i * BLK_ROWS
        pltpu.sync_copy(src_hbm.at[pl.ds(rb, BLK_ROWS)], sidx)
        pltpu.sync_copy(dst_hbm.at[pl.ds(rb, BLK_ROWS)], didx)
        for j in range(BLK_ROWS):
            pltpu.sync_copy(sh_y.at[sidx.at[j]], msg.at[j])
            pltpu.sync_copy(msg.at[j], sh_acc.at[didx.at[j]], add=True)
        return carry

    lax.fori_loop(0, BLOCKS_PER_TILE, body, 0)
    plsc.subcore_barrier()
    pltpu.sync_copy(sh_acc.at[pl.ds(r0, ROWS_PER_TILE_STAGE)],
                    out_hbm.at[pl.ds(c * NP + r0, ROWS_PER_TILE_STAGE)])


def kernel(x, edge_index, W1, b1, W2, b2, W3, b3, Wr, br):
    src = edge_index[0]
    dst = edge_index[1]
    pad = EDGES_PAD - N_EDGES
    srcp = jnp.concatenate(
        [src, jnp.full((pad,), N_NODES, src.dtype)]).reshape(-1, LANES)
    dstp = jnp.concatenate(
        [dst, jnp.zeros((pad,), dst.dtype)]).reshape(-1, LANES)
    zeros_np = jnp.zeros((NP, F), jnp.float32)

    ones_y = zeros_np.at[:N_NODES].set(1.0)
    deg_parts = _edge_aggregate(ones_y, zeros_np, srcp, dstp)
    deg = deg_parts.reshape(NC, NP, F).sum(0)[:N_NODES, 0] + 1.0
    dinv = lax.rsqrt(deg)

    def layer(h, W, b):
        xw = h @ W
        f = xw.shape[1]
        y = dinv[:, None] * xw
        ypad = zeros_np.at[:N_NODES, :f].set(y)
        parts = _edge_aggregate(ypad, zeros_np, srcp, dstp)
        agg = parts.reshape(NC, NP, F).sum(0)[:N_NODES, :f]
        return jnp.tanh(dinv[:, None] * (agg + y) + b)

    h = layer(x, W1, b1)
    h = layer(h, W2, b2)
    h = layer(h, W3, b3)
    return (h @ Wr + br).sum()

# --- scband reference (transcript-rebuilt; emitter-appended) ---
"""Pipeline reference for scband-convex-hull-model-11957188952280 (READ-ONLY COPY).

The authoritative reference and input builder live on the scoring server;
editing this copy changes nothing except your own understanding.
"""

import jax, jax.numpy as jnp
import numpy as np

N = 100000
E = 6400000


def gcn_conv(x, edge_index, W, b):
    # PyG GCNConv: x' = D^{-1/2} (A + I) D^{-1/2} (x W) + b, self-loops added
    src = edge_index[0]
    dst = edge_index[1]
    loop = jnp.arange(N, dtype=src.dtype)
    src = jnp.concatenate([src, loop])
    dst = jnp.concatenate([dst, loop])
    deg = jnp.zeros((N,), jnp.float32).at[dst].add(1.0)
    dinv = jnp.where(deg > 0, deg ** -0.5, 0.0)
    norm = dinv[src] * dinv[dst]
    xw = x @ W
    msg = xw[src] * norm[:, None]
    out = jnp.zeros((N, W.shape[1]), x.dtype).at[dst].add(msg)
    return out + b


def setup_inputs(seed: int = 0) -> dict:
    key = jax.random.key(seed)
    ks = jax.random.split(key, 12)
    x = jax.random.normal(ks[0], (N, 2), dtype=jnp.float32)
    edge_index = jax.random.randint(ks[1], (2, E), 0, N)
    def glorot(k, fan_in, fan_out):
        lim = (6.0 / (fan_in + fan_out)) ** 0.5
        return jax.random.uniform(k, (fan_in, fan_out), jnp.float32, -lim, lim)
    W1 = glorot(ks[2], 2, 4)
    b1 = jnp.zeros((4,), jnp.float32)
    W2 = glorot(ks[3], 4, 4)
    b2 = jnp.zeros((4,), jnp.float32)
    W3 = glorot(ks[4], 4, 2)
    b3 = jnp.zeros((2,), jnp.float32)
    Wr = glorot(ks[5], 2, 1)
    br = jnp.zeros((1,), jnp.float32)
    return {"x": x, "edge_index": edge_index, "W1": W1, "b1": b1,
            "W2": W2, "b2": b2, "W3": W3, "b3": b3, "Wr": Wr, "br": br}


def reference(x, edge_index, W1, b1, W2, b2, W3, b3, Wr, br):
    h = jnp.tanh(gcn_conv(x, edge_index, W1, b1))
    h = jnp.tanh(gcn_conv(h, edge_index, W2, b2))
    h = jnp.tanh(gcn_conv(h, edge_index, W3, b3))
    return (h @ Wr + br).sum()

if __name__ == "__main__":
    import jax
    _d = setup_inputs()
    print(jax.jit(kernel)(*tuple(_d.values())))

</pallas_src>

<mosaic_0001>
#map = affine_map<(d0, d1) -> (0, 0)>
module attributes {stable_mosaic.version = 14 : i64} {
  func.func @_edge_aggregate(%arg0: i32, %arg1: i32, %arg2: memref<100096x4xf32, #tpu.memory_space<hbm>>, %arg3: memref<100096x4xf32, #tpu.memory_space<hbm>>, %arg4: memref<50176x128xi32, #tpu.memory_space<hbm>>, %arg5: memref<50176x128xi32, #tpu.memory_space<hbm>>, %arg6: memref<200192x4xf32, #tpu.memory_space<hbm>>, %arg7: memref<8x128xi32, #tpu.memory_space<vmem>>, %arg8: memref<8x128xi32, #tpu.memory_space<vmem>>, %arg9: memref<8x128x4xf32, #tpu.memory_space<vmem>>, %arg10: memref<100096x4xf32, #tpu.memory_space<vmem_shared>>, %arg11: memref<100096x4xf32, #tpu.memory_space<vmem_shared>>) attributes {dimension_semantics = [#tpu.dimension_semantics<core_parallel>, #tpu.dimension_semantics<subcore_parallel>], iteration_bounds = array<i64: 2, 16>, scalar_prefetch = 0 : i64, scratch_operands = 5 : i64, tpu.core_type = #tpu.core_type<sc_vector_subcore>, window_params = [{transform_indices = #map}, {transform_indices = #map}, {transform_indices = #map}, {transform_indices = #map}, {transform_indices = #map}]} {
    %mul3A = arith.constant 6256 : i32
    %mul3A_0 = arith.muli %arg1, %mul3A : i32
    "tpu.region"() ({
      %run_scoped3A = tpu.sem_alloc : memref<!tpu.dma_semaphore, #tpu.memory_space<semaphore_mem>>
      %dma_start3A = arith.constant 0 : i32
      %dma_start3A_14 = tpu.memref_slice %arg10[%mul3A_0, %dma_start3A] : memref<100096x4xf32, #tpu.memory_space<vmem_shared>> -> memref<6256x4xf32, #tpu.memory_space<vmem_shared>>
      %dma_start3A_15 = arith.constant 0 : i32
      %dma_start3A_16 = tpu.memref_slice %arg2[%mul3A_0, %dma_start3A_15] : memref<100096x4xf32, #tpu.memory_space<hbm>> -> memref<6256x4xf32, #tpu.memory_space<hbm>>
      tpu.enqueue_dma source(%dma_start3A_16 : memref<6256x4xf32, #tpu.memory_space<hbm>>) target(%dma_start3A_14 : memref<6256x4xf32, #tpu.memory_space<vmem_shared>>) target_semaphore(%run_scoped3A : memref<!tpu.dma_semaphore, #tpu.memory_space<semaphore_mem>>)
      %dma_wait3A = arith.constant 0 : i32
      %dma_wait3A_17 = tpu.memref_slice %arg10[%mul3A_0, %dma_wait3A] : memref<100096x4xf32, #tpu.memory_space<vmem_shared>> -> memref<6256x4xf32, #tpu.memory_space<vmem_shared>>
      %dma_wait3A_18 = arith.constant 0 : i32
      %dma_wait3A_19 = tpu.memref_slice %arg2[%mul3A_0, %dma_wait3A_18] : memref<100096x4xf32, #tpu.memory_space<hbm>> -> memref<6256x4xf32, #tpu.memory_space<hbm>>
      tpu.wait_dma2 semaphore(%run_scoped3A : memref<!tpu.dma_semaphore, #tpu.memory_space<semaphore_mem>>) src(%dma_wait3A_19 : memref<6256x4xf32, #tpu.memory_space<hbm>>) dst(%dma_wait3A_17 : memref<6256x4xf32, #tpu.memory_space<vmem_shared>>)
      tpu.yield
    }) : () -> ()
    "tpu.region"() ({
      %run_scoped3A = tpu.sem_alloc : memref<!tpu.dma_semaphore, #tpu.memory_space<semaphore_mem>>
      %dma_start3A = arith.constant 0 : i32
      %dma_start3A_14 = tpu.memref_slice %arg11[%mul3A_0, %dma_start3A] : memref<100096x4xf32, #tpu.memory_space<vmem_shared>> -> memref<6256x4xf32, #tpu.memory_space<vmem_shared>>
      %dma_start3A_15 = arith.constant 0 : i32
      %dma_start3A_16 = tpu.memref_slice %arg3[%mul3A_0, %dma_start3A_15] : memref<100096x4xf32, #tpu.memory_space<hbm>> -> memref<6256x4xf32, #tpu.memory_space<hbm>>
      tpu.enqueue_dma source(%dma_start3A_16 : memref<6256x4xf32, #tpu.memory_space<hbm>>) target(%dma_start3A_14 : memref<6256x4xf32, #tpu.memory_space<vmem_shared>>) target_semaphore(%run_scoped3A : memref<!tpu.dma_semaphore, #tpu.memory_space<semaphore_mem>>)
      %dma_wait3A = arith.constant 0 : i32
      %dma_wait3A_17 = tpu.memref_slice %arg11[%mul3A_0, %dma_wait3A] : memref<100096x4xf32, #tpu.memory_space<vmem_shared>> -> memref<6256x4xf32, #tpu.memory_space<vmem_shared>>
      %dma_wait3A_18 = arith.constant 0 : i32
      %dma_wait3A_19 = tpu.memref_slice %arg3[%mul3A_0, %dma_wait3A_18] : memref<100096x4xf32, #tpu.memory_space<hbm>> -> memref<6256x4xf32, #tpu.memory_space<hbm>>
      tpu.wait_dma2 semaphore(%run_scoped3A : memref<!tpu.dma_semaphore, #tpu.memory_space<semaphore_mem>>) src(%dma_wait3A_19 : memref<6256x4xf32, #tpu.memory_space<hbm>>) dst(%dma_wait3A_17 : memref<6256x4xf32, #tpu.memory_space<vmem_shared>>)
      tpu.yield
    }) : () -> ()
    %barrier3A = arith.constant 0 : index
    tpu.barrier barrier_id(%barrier3A)
    %mul3A_1 = arith.constant 16 : i32
    %mul3A_2 = arith.muli %arg0, %mul3A_1 : i32
    %add3A = arith.addi %mul3A_2, %arg1 : i32
    %mul3A_3 = arith.constant 1568 : i32
    %mul3A_4 = arith.muli %add3A, %mul3A_3 : i32
    %scan3A = arith.constant 0 : i32
    %scan3A_5 = arith.constant 0 : i32
    %scan3A_6 = arith.constant 196 : i32
    %scan3A_7 = arith.addi %scan3A_5, %scan3A_6 : i32
    %scan3A_8 = arith.constant 1 : i32
    scf.for %scan3A_14 = %scan3A_5 to %scan3A_7 step %scan3A_8  : i32 {
      %mul3A_15 = arith.constant 8 : i32
      %mul3A_16 = arith.muli %scan3A_14, %mul3A_15 : i32
      %add3A_17 = arith.addi %mul3A_4, %mul3A_16 : i32
      "tpu.region"() ({
        %run_scoped3A_49 = tpu.sem_alloc : memref<!tpu.dma_semaphore, #tpu.memory_space<semaphore_mem>>
        %dma_start3A = arith.constant 0 : i32
        %dma_start3A_50 = tpu.memref_slice %arg4[%add3A_17, %dma_start3A] : memref<50176x128xi32, #tpu.memory_space<hbm>> -> memref<8x128xi32, #tpu.memory_space<hbm>>
        %dma_start3A_51 = arith.constant 0 : i32
        %dma_start3A_52 = tpu.memref_slice %arg4[%add3A_17, %dma_start3A_51] : memref<50176x128xi32, #tpu.memory_space<hbm>> -> memref<8x128xi32, #tpu.memory_space<hbm>>
        tpu.enqueue_dma source(%dma_start3A_52 : memref<8x128xi32, #tpu.memory_space<hbm>>) target(%arg7 : memref<8x128xi32, #tpu.memory_space<vmem>>) target_semaphore(%run_scoped3A_49 : memref<!tpu.dma_semaphore, #tpu.memory_space<semaphore_mem>>)
        %dma_wait3A = arith.constant 0 : i32
        %dma_wait3A_53 = tpu.memref_slice %arg4[%add3A_17, %dma_wait3A] : memref<50176x128xi32, #tpu.memory_space<hbm>> -> memref<8x128xi32, #tpu.memory_space<hbm>>
        %dma_wait3A_54 = arith.constant 0 : i32
        %dma_wait3A_55 = tpu.memref_slice %arg4[%add3A_17, %dma_wait3A_54] : memref<50176x128xi32, #tpu.memory_space<hbm>> -> memref<8x128xi32, #tpu.memory_space<hbm>>
        tpu.wait_dma2 semaphore(%run_scoped3A_49 : memref<!tpu.dma_semaphore, #tpu.memory_space<semaphore_mem>>) src(%dma_wait3A_55 : memref<8x128xi32, #tpu.memory_space<hbm>>) dst(%arg7 : memref<8x128xi32, #tpu.memory_space<vmem>>)
        tpu.yield
      }) : () -> ()
      "tpu.region"() ({
        %run_scoped3A_49 = tpu.sem_alloc : memref<!tpu.dma_semaphore, #tpu.memory_space<semaphore_mem>>
        %dma_start3A = arith.constant 0 : i32
        %dma_start3A_50 = tpu.memref_slice %arg5[%add3A_17, %dma_start3A] : memref<50176x128xi32, #tpu.memory_space<hbm>> -> memref<8x128xi32, #tpu.memory_space<hbm>>
        %dma_start3A_51 = arith.constant 0 : i32
        %dma_start3A_52 = tpu.memref_slice %arg5[%add3A_17, %dma_start3A_51] : memref<50176x128xi32, #tpu.memory_space<hbm>> -> memref<8x128xi32, #tpu.memory_space<hbm>>
        tpu.enqueue_dma source(%dma_start3A_52 : memref<8x128xi32, #tpu.memory_space<hbm>>) target(%arg8 : memref<8x128xi32, #tpu.memory_space<vmem>>) target_semaphore(%run_scoped3A_49 : memref<!tpu.dma_semaphore, #tpu.memory_space<semaphore_mem>>)
        %dma_wait3A = arith.constant 0 : i32
        %dma_wait3A_53 = tpu.memref_slice %arg5[%add3A_17, %dma_wait3A] : memref<50176x128xi32, #tpu.memory_space<hbm>> -> memref<8x128xi32, #tpu.memory_space<hbm>>
        %dma_wait3A_54 = arith.constant 0 : i32
        %dma_wait3A_55 = tpu.memref_slice %arg5[%add3A_17, %dma_wait3A_54] : memref<50176x128xi32, #tpu.memory_space<hbm>> -> memref<8x128xi32, #tpu.memory_space<hbm>>
        tpu.wait_dma2 semaphore(%run_scoped3A_49 : memref<!tpu.dma_semaphore, #tpu.memory_space<semaphore_mem>>) src(%dma_wait3A_55 : memref<8x128xi32, #tpu.memory_space<hbm>>) dst(%arg8 : memref<8x128xi32, #tpu.memory_space<vmem>>)
        tpu.yield
      }) : () -> ()
      %run_scoped3A = arith.constant 0 : i32
      %run_scoped3A_18 = arith.constant 0 : i32
      "tpu.region"() ({
        %run_scoped3A_49 = tpu.sem_alloc : memref<!tpu.dma_semaphore, #tpu.memory_space<semaphore_mem>>
        %dma_start3A = arith.constant 0 : i32
        %dma_start3A_50 = arith.constant 0 : i32
        %dma_start3A_51 = tpu.memref_slice %arg9[%run_scoped3A_18, %dma_start3A, %dma_start3A_50] : memref<8x128x4xf32, #tpu.memory_space<vmem>> -> memref<1x128x4xf32, #tpu.memory_space<vmem>>
        %dma_start3A_52 = tpu.memref_squeeze %dma_start3A_51 : memref<1x128x4xf32, #tpu.memory_space<vmem>> -> memref<128x4xf32, #tpu.memory_space<vmem>>
        %dma_start3A_53 = arith.constant 0 : i32
        %dma_start3A_54 = tpu.memref_slice %arg7[%run_scoped3A, %dma_start3A_53] : memref<8x128xi32, #tpu.memory_space<vmem>> -> memref<1x128xi32, #tpu.memory_space<vmem>>
        %dma_start3A_55 = tpu.memref_squeeze %dma_start3A_54 : memref<1x128xi32, #tpu.memory_space<vmem>> -> memref<128xi32, #tpu.memory_space<vmem>>
        %dma_start3A_56 = arith.constant 0 : i32
        %dma_start3A_57 = arith.constant 0 : i32
        %dma_start3A_58 = tpu.memref_slice %arg10[%dma_start3A_56, %dma_start3A_57] : memref<100096x4xf32, #tpu.memory_space<vmem_shared>> -> memref<100096x4xf32, #tpu.memory_space<vmem_shared>>
        tpu.enqueue_indirect_dma source(%dma_start3A_58 : memref<100096x4xf32, #tpu.memory_space<vmem_shared>>) target(%dma_start3A_52 : memref<128x4xf32, #tpu.memory_space<vmem>>) offsets(%dma_start3A_55 : memref<128xi32, #tpu.memory_space<vmem>>) semaphore(%run_scoped3A_49 : memref<!tpu.dma_semaphore, #tpu.memory_space<semaphore_mem>>)
        %dma_wait3A = arith.constant 0 : i32
        %dma_wait3A_59 = arith.constant 0 : i32
        %dma_wait3A_60 = tpu.memref_slice %arg9[%run_scoped3A_18, %dma_wait3A, %dma_wait3A_59] : memref<8x128x4xf32, #tpu.memory_space<vmem>> -> memref<1x128x4xf32, #tpu.memory_space<vmem>>
        %dma_wait3A_61 = tpu.memref_squeeze %dma_wait3A_60 : memref<1x128x4xf32, #tpu.memory_space<vmem>> -> memref<128x4xf32, #tpu.memory_space<vmem>>
        %dma_wait3A_62 = arith.constant 0 : i32
        %dma_wait3A_63 = tpu.memref_slice %arg7[%run_scoped3A, %dma_wait3A_62] : memref<8x128xi32, #tpu.memory_space<vmem>> -> memref<1x128xi32, #tpu.memory_space<vmem>>
        %dma_wait3A_64 = tpu.memref_squeeze %dma_wait3A_63 : memref<1x128xi32, #tpu.memory_space<vmem>> -> memref<128xi32, #tpu.memory_space<vmem>>
        %dma_wait3A_65 = arith.constant 0 : i32
        %dma_wait3A_66 = arith.constant 0 : i32
        %dma_wait3A_67 = tpu.memref_slice %arg10[%dma_wait3A_65, %dma_wait3A_66] : memref<100096x4xf32, #tpu.memory_space<vmem_shared>> -> memref<100096x4xf32, #tpu.memory_space<vmem_shared>>
        tpu.wait_indirect_dma semaphore(%run_scoped3A_49 : memref<!tpu.dma_semaphore, #tpu.memory_space<semaphore_mem>>) src(%dma_wait3A_67 : memref<100096x4xf32, #tpu.memory_space<vmem_shared>>) dst(%dma_wait3A_61 : memref<128x4xf32, #tpu.memory_space<vmem>>)
        tpu.yield
      }) : () -> ()
      %run_scoped3A_19 = arith.constant 0 : i32
      %run_scoped3A_20 = arith.constant 0 : i32
      "tpu.region"() ({
        %run_scoped3A_49 = tpu.sem_alloc : memref<!tpu.dma_semaphore, #tpu.memory_space<semaphore_mem>>
        %dma_start3A = arith.constant 0 : i32
        %dma_start3A_50 = arith.constant 0 : i32
        %dma_start3A_51 = tpu.memref_slice %arg9[%run_scoped3A_19, %dma_start3A, %dma_start3A_50] : memref<8x128x4xf32, #tpu.memory_space<vmem>> -> memref<1x128x4xf32, #tpu.memory_space<vmem>>
        %dma_start3A_52 = tpu.memref_squeeze %dma_start3A_51 : memref<1x128x4xf32, #tpu.memory_space<vmem>> -> memref<128x4xf32, #tpu.memory_space<vmem>>
        %dma_start3A_53 = arith.constant 0 : i32
        %dma_start3A_54 = tpu.memref_slice %arg8[%run_scoped3A_20, %dma_start3A_53] : memref<8x128xi32, #tpu.memory_space<vmem>> -> memref<1x128xi32, #tpu.memory_space<vmem>>
        %dma_start3A_55 = tpu.memref_squeeze %dma_start3A_54 : memref<1x128xi32, #tpu.memory_space<vmem>> -> memref<128xi32, #tpu.memory_space<vmem>>
        %dma_start3A_56 = arith.constant 0 : i32
        %dma_start3A_57 = arith.constant 0 : i32
        %dma_start3A_58 = tpu.memref_slice %arg11[%dma_start3A_56, %dma_start3A_57] : memref<100096x4xf32, #tpu.memory_space<vmem_shared>> -> memref<100096x4xf32, #tpu.memory_space<vmem_shared>>
        tpu.enqueue_indirect_dma source(%dma_start3A_52 : memref<128x4xf32, #tpu.memory_space<vmem>>) target(%dma_start3A_58 : memref<100096x4xf32, #tpu.memory_space<vmem_shared>>) offsets(%dma_start3A_55 : memref<128xi32, #tpu.memory_space<vmem>>) semaphore(%run_scoped3A_49 : memref<!tpu.dma_semaphore, #tpu.memory_space<semaphore_mem>>) {add = true}
        %dma_wait3A = arith.constant 0 : i32
        %dma_wait3A_59 = arith.constant 0 : i32
        %dma_wait3A_60 = tpu.memref_slice %arg9[%run_scoped3A_19, %dma_wait3A, %dma_wait3A_59] : memref<8x128x4xf32, #tpu.memory_space<vmem>> -> memref<1x128x4xf32, #tpu.memory_space<vmem>>
        %dma_wait3A_61 = tpu.memref_squeeze %dma_wait3A_60 : memref<1x128x4xf32, #tpu.memory_space<vmem>> -> memref<128x4xf32, #tpu.memory_space<vmem>>
        %dma_wait3A_62 = arith.constant 0 : i32
        %dma_wait3A_63 = tpu.memref_slice %arg8[%run_scoped3A_20, %dma_wait3A_62] : memref<8x128xi32, #tpu.memory_space<vmem>> -> memref<1x128xi32, #tpu.memory_space<vmem>>
        %dma_wait3A_64 = tpu.memref_squeeze %dma_wait3A_63 : memref<1x128xi32, #tpu.memory_space<vmem>> -> memref<128xi32, #tpu.memory_space<vmem>>
        %dma_wait3A_65 = arith.constant 0 : i32
        %dma_wait3A_66 = arith.constant 0 : i32
        %dma_wait3A_67 = tpu.memref_slice %arg11[%dma_wait3A_65, %dma_wait3A_66] : memref<100096x4xf32, #tpu.memory_space<vmem_shared>> -> memref<100096x4xf32, #tpu.memory_space<vmem_shared>>
        tpu.wait_indirect_dma semaphore(%run_scoped3A_49 : memref<!tpu.dma_semaphore, #tpu.memory_space<semaphore_mem>>) src(%dma_wait3A_61 : memref<128x4xf32, #tpu.memory_space<vmem>>) dst(%dma_wait3A_67 : memref<100096x4xf32, #tpu.memory_space<vmem_shared>>)
        tpu.yield
      }) : () -> ()
      %run_scoped3A_21 = arith.constant 1 : i32
      %run_scoped3A_22 = arith.constant 1 : i32
      "tpu.region"() ({
        %run_scoped3A_49 = tpu.sem_alloc : memref<!tpu.dma_semaphore, #tpu.memory_space<semaphore_mem>>
        %dma_start3A = arith.constant 0 : i32
        %dma_start3A_50 = arith.constant 0 : i32
        %dma_start3A_51 = tpu.memref_slice %arg9[%run_scoped3A_22, %dma_start3A, %dma_start3A_50] : memref<8x128x4xf32, #tpu.memory_space<vmem>> -> memref<1x128x4xf32, #tpu.memory_space<vmem>>
        %dma_start3A_52 = tpu.memref_squeeze %dma_start3A_51 : memref<1x128x4xf32, #tpu.memory_space<vmem>> -> memref<128x4xf32, #tpu.memory_space<vmem>>
        %dma_start3A_53 = arith.constant 0 : i32
        %dma_start3A_54 = tpu.memref_slice %arg7[%run_scoped3A_21, %dma_start3A_53] : memref<8x128xi32, #tpu.memory_space<vmem>> -> memref<1x128xi32, #tpu.memory_space<vmem>>
        %dma_start3A_55 = tpu.memref_squeeze %dma_start3A_54 : memref<1x128xi32, #tpu.memory_space<vmem>> -> memref<128xi32, #tpu.memory_space<vmem>>
        %dma_start3A_56 = arith.constant 0 : i32
        %dma_start3A_57 = arith.constant 0 : i32
        %dma_start3A_58 = tpu.memref_slice %arg10[%dma_start3A_56, %dma_start3A_57] : memref<100096x4xf32, #tpu.memory_space<vmem_shared>> -> memref<100096x4xf32, #tpu.memory_space<vmem_shared>>
        tpu.enqueue_indirect_dma source(%dma_start3A_58 : memref<100096x4xf32, #tpu.memory_space<vmem_shared>>) target(%dma_start3A_52 : memref<128x4xf32, #tpu.memory_space<vmem>>) offsets(%dma_start3A_55 : memref<128xi32, #tpu.memory_space<vmem>>) semaphore(%run_scoped3A_49 : memref<!tpu.dma_semaphore, #tpu.memory_space<semaphore_mem>>)
        %dma_wait3A = arith.constant 0 : i32
        %dma_wait3A_59 = arith.constant 0 : i32
        %dma_wait3A_60 = tpu.memref_slice %arg9[%run_scoped3A_22, %dma_wait3A, %dma_wait3A_59] : memref<8x128x4xf32, #tpu.memory_space<vmem>> -> memref<1x128x4xf32, #tpu.memory_space<vmem>>
        %dma_wait3A_61 = tpu.memref_squeeze %dma_wait3A_60 : memref<1x128x4xf32, #tpu.memory_space<vmem>> -> memref<128x4xf32, #tpu.memory_space<vmem>>
        %dma_wait3A_62 = arith.constant 0 : i32
        %dma_wait3A_63 = tpu.memref_slice %arg7[%run_scoped3A_21, %dma_wait3A_62] : memref<8x128xi32, #tpu.memory_space<vmem>> -> memref<1x128xi32, #tpu.memory_space<vmem>>
        %dma_wait3A_64 = tpu.memref_squeeze %dma_wait3A_63 : memref<1x128xi32, #tpu.memory_space<vmem>> -> memref<128xi32, #tpu.memory_space<vmem>>
        %dma_wait3A_65 = arith.constant 0 : i32
        %dma_wait3A_66 = arith.constant 0 : i32
        %dma_wait3A_67 = tpu.memref_slice %arg10[%dma_wait3A_65, %dma_wait3A_66] : memref<100096x4xf32, #tpu.memory_space<vmem_shared>> -> memref<100096x4xf32, #tpu.memory_space<vmem_shared>>
        tpu.wait_indirect_dma semaphore(%run_scoped3A_49 : memref<!tpu.dma_semaphore, #tpu.memory_space<semaphore_mem>>) src(%dma_wait3A_67 : memref<100096x4xf32, #tpu.memory_space<vmem_shared>>) dst(%dma_wait3A_61 : memref<128x4xf32, #tpu.memory_space<vmem>>)
        tpu.yield
      }) : () -> ()
      %run_scoped3A_23 = arith.constant 1 : i32
      %run_scoped3A_24 = arith.constant 1 : i32
      "tpu.region"() ({
        %run_scoped3A_49 = tpu.sem_alloc : memref<!tpu.dma_semaphore, #tpu.memory_space<semaphore_mem>>
        %dma_start3A = arith.constant 0 : i32
        %dma_start3A_50 = arith.constant 0 : i32
        %dma_start3A_51 = tpu.memref_slice %arg9[%run_scoped3A_23, %dma_start3A, %dma_start3A_50] : memref<8x128x4xf32, #tpu.memory_space<vmem>> -> memref<1x128x4xf32, #tpu.memory_space<vmem>>
        %dma_start3A_52 = tpu.memref_squeeze %dma_start3A_51 : memref<1x128x4xf32, #tpu.memory_space<vmem>> -> memref<128x4xf32, #tpu.memory_space<vmem>>
        %dma_start3A_53 = arith.constant 0 : i32
        %dma_start3A_54 = tpu.memref_slice %arg8[%run_scoped3A_24, %dma_start3A_53] : memref<8x128xi32, #tpu.memory_space<vmem>> -> memref<1x128xi32, #tpu.memory_space<vmem>>
        %dma_start3A_55 = tpu.memref_squeeze %dma_start3A_54 : memref<1x128xi32, #tpu.memory_space<vmem>> -> memref<128xi32, #tpu.memory_space<vmem>>
        %dma_start3A_56 = arith.constant 0 : i32
        %dma_start3A_57 = arith.constant 0 : i32
        %dma_start3A_58 = tpu.memref_slice %arg11[%dma_start3A_56, %dma_start3A_57] : memref<100096x4xf32, #tpu.memory_space<vmem_shared>> -> memref<100096x4xf32, #tpu.memory_space<vmem_shared>>
        tpu.enqueue_indirect_dma source(%dma_start3A_52 : memref<128x4xf32, #tpu.memory_space<vmem>>) target(%dma_start3A_58 : memref<100096x4xf32, #tpu.memory_space<vmem_shared>>) offsets(%dma_start3A_55 : memref<128xi32, #tpu.memory_space<vmem>>) semaphore(%run_scoped3A_49 : memref<!tpu.dma_semaphore, #tpu.memory_space<semaphore_mem>>) {add = true}
        %dma_wait3A = arith.constant 0 : i32
        %dma_wait3A_59 = arith.constant 0 : i32
        %dma_wait3A_60 = tpu.memref_slice %arg9[%run_scoped3A_23, %dma_wait3A, %dma_wait3A_59] : memref<8x128x4xf32, #tpu.memory_space<vmem>> -> memref<1x128x4xf32, #tpu.memory_space<vmem>>
        %dma_wait3A_61 = tpu.memref_squeeze %dma_wait3A_60 : memref<1x128x4xf32, #tpu.memory_space<vmem>> -> memref<128x4xf32, #tpu.memory_space<vmem>>
        %dma_wait3A_62 = arith.constant 0 : i32
        %dma_wait3A_63 = tpu.memref_slice %arg8[%run_scoped3A_24, %dma_wait3A_62] : memref<8x128xi32, #tpu.memory_space<vmem>> -> memref<1x128xi32, #tpu.memory_space<vmem>>
        %dma_wait3A_64 = tpu.memref_squeeze %dma_wait3A_63 : memref<1x128xi32, #tpu.memory_space<vmem>> -> memref<128xi32, #tpu.memory_space<vmem>>
        %dma_wait3A_65 = arith.constant 0 : i32
        %dma_wait3A_66 = arith.constant 0 : i32
        %dma_wait3A_67 = tpu.memref_slice %arg11[%dma_wait3A_65, %dma_wait3A_66] : memref<100096x4xf32, #tpu.memory_space<vmem_shared>> -> memref<100096x4xf32, #tpu.memory_space<vmem_shared>>
        tpu.wait_indirect_dma semaphore(%run_scoped3A_49 : memref<!tpu.dma_semaphore, #tpu.memory_space<semaphore_mem>>) src(%dma_wait3A_61 : memref<128x4xf32, #tpu.memory_space<vmem>>) dst(%dma_wait3A_67 : memref<100096x4xf32, #tpu.memory_space<vmem_shared>>)
        tpu.yield
      }) : () -> ()
      %run_scoped3A_25 = arith.constant 2 : i32
      %run_scoped3A_26 = arith.constant 2 : i32
      "tpu.region"() ({
        %run_scoped3A_49 = tpu.sem_alloc : memref<!tpu.dma_semaphore, #tpu.memory_space<semaphore_mem>>
        %dma_start3A = arith.constant 0 : i32
        %dma_start3A_50 = arith.constant 0 : i32
        %dma_start3A_51 = tpu.memref_slice %arg9[%run_scoped3A_26, %dma_start3A, %dma_start3A_50] : memref<8x128x4xf32, #tpu.memory_space<vmem>> -> memref<1x128x4xf32, #tpu.memory_space<vmem>>
        %dma_start3A_52 = tpu.memref_squeeze %dma_start3A_51 : memref<1x128x4xf32, #tpu.memory_space<vmem>> -> memref<128x4xf32, #tpu.memory_space<vmem>>
        %dma_start3A_53 = arith.constant 0 : i32
        %dma_start3A_54 = tpu.memref_slice %arg7[%run_scoped3A_25, %dma_start3A_53] : memref<8x128xi32, #tpu.memory_space<vmem>> -> memref<1x128xi32, #tpu.memory_space<vmem>>
        %dma_start3A_55 = tpu.memref_squeeze %dma_start3A_54 : memref<1x128xi32, #tpu.memory_space<vmem>> -> memref<128xi32, #tpu.memory_space<vmem>>
        %dma_start3A_56 = arith.constant 0 : i32
        %dma_start3A_57 = arith.constant 0 : i32
        %dma_start3A_58 = tpu.memref_slice %arg10[%dma_start3A_56, %dma_start3A_57] : memref<100096x4xf32, #tpu.memory_space<vmem_shared>> -> memref<100096x4xf32, #tpu.memory_space<vmem_shared>>
        tpu.enqueue_indirect_dma source(%dma_start3A_58 : memref<100096x4xf32, #tpu.memory_space<vmem_shared>>) target(%dma_start3A_52 : memref<128x4xf32, #tpu.memory_space<vmem>>) offsets(%dma_start3A_55 : memref<128xi32, #tpu.memory_space<vmem>>) semaphore(%run_scoped3A_49 : memref<!tpu.dma_semaphore, #tpu.memory_space<semaphore_mem>>)
        %dma_wait3A = arith.constant 0 : i32
        %dma_wait3A_59 = arith.constant 0 : i32
        %dma_wait3A_60 = tpu.memref_slice %arg9[%run_scoped3A_26, %dma_wait3A, %dma_wait3A_59] : memref<8x128x4xf32, #tpu.memory_space<vmem>> -> memref<1x128x4xf32, #tpu.memory_space<vmem>>
        %dma_wait3A_61 = tpu.memref_squeeze %dma_wait3A_60 : memref<1x128x4xf32, #tpu.memory_space<vmem>> -> memref<128x4xf32, #tpu.memory_space<vmem>>
        %dma_wait3A_62 = arith.constant 0 : i32
        %dma_wait3A_63 = tpu.memref_slice %arg7[%run_scoped3A_25, %dma_wait3A_62] : memref<8x128xi32, #tpu.memory_space<vmem>> -> memref<1x128xi32, #tpu.memory_space<vmem>>
        %dma_wait3A_64 = tpu.memref_squeeze %dma_wait3A_63 : memref<1x128xi32, #tpu.memory_space<vmem>> -> memref<128xi32, #tpu.memory_space<vmem>>
        %dma_wait3A_65 = arith.constant 0 : i32
        %dma_wait3A_66 = arith.constant 0 : i32
        %dma_wait3A_67 = tpu.memref_slice %arg10[%dma_wait3A_65, %dma_wait3A_66] : memref<100096x4xf32, #tpu.memory_space<vmem_shared>> -> memref<100096x4xf32, #tpu.memory_space<vmem_shared>>
        tpu.wait_indirect_dma semaphore(%run_scoped3A_49 : memref<!tpu.dma_semaphore, #tpu.memory_space<semaphore_mem>>) src(%dma_wait3A_67 : memref<100096x4xf32, #tpu.memory_space<vmem_shared>>) dst(%dma_wait3A_61 : memref<128x4xf32, #tpu.memory_space<vmem>>)
        tpu.yield
      }) : () -> ()
      %run_scoped3A_27 = arith.constant 2 : i32
      %run_scoped3A_28 = arith.constant 2 : i32
      "tpu.region"() ({
        %run_scoped3A_49 = tpu.sem_alloc : memref<!tpu.dma_semaphore, #tpu.memory_space<semaphore_mem>>
        %dma_start3A = arith.constant 0 : i32
        %dma_start3A_50 = arith.constant 0 : i32
        %dma_start3A_51 = tpu.memref_slice %arg9[%run_scoped3A_27, %dma_start3A, %dma_start3A_50] : memref<8x128x4xf32, #tpu.memory_space<vmem>> -> memref<1x128x4xf32, #tpu.memory_space<vmem>>
        %dma_start3A_52 = tpu.memref_squeeze %dma_start3A_51 : memref<1x128x4xf32, #tpu.memory_space<vmem>> -> memref<128x4xf32, #tpu.memory_space<vmem>>
        %dma_start3A_53 = arith.constant 0 : i32
        %dma_start3A_54 = tpu.memref_slice %arg8[%run_scoped3A_28, %dma_start3A_53] : memref<8x128xi32, #tpu.memory_space<vmem>> -> memref<1x128xi32, #tpu.memory_space<vmem>>
        %dma_start3A_55 = tpu.memref_squeeze %dma_start3A_54 : memref<1x128xi32, #tpu.memory_space<vmem>> -> memref<128xi32, #tpu.memory_space<vmem>>
        %dma_start3A_56 = arith.constant 0 : i32
        %dma_start3A_57 = arith.constant 0 : i32
        %dma_start3A_58 = tpu.memref_slice %arg11[%dma_start3A_56, %dma_start3A_57] : memref<100096x4xf32, #tpu.memory_space<vmem_shared>> -> memref<100096x4xf32, #tpu.memory_space<vmem_shared>>
        tpu.enqueue_indirect_dma source(%dma_start3A_52 : memref<128x4xf32, #tpu.memory_space<vmem>>) target(%dma_start3A_58 : memref<100096x4xf32, #tpu.memory_space<vmem_shared>>) offsets(%dma_start3A_55 : memref<128xi32, #tpu.memory_space<vmem>>) semaphore(%run_scoped3A_49 : memref<!tpu.dma_semaphore, #tpu.memory_space<semaphore_mem>>) {add = true}
        %dma_wait3A = arith.constant 0 : i32
        %dma_wait3A_59 = arith.constant 0 : i32
        %dma_wait3A_60 = tpu.memref_slice %arg9[%run_scoped3A_27, %dma_wait3A, %dma_wait3A_59] : memref<8x128x4xf32, #tpu.memory_space<vmem>> -> memref<1x128x4xf32, #tpu.memory_space<vmem>>
        %dma_wait3A_61 = tpu.memref_squeeze %dma_wait3A_60 : memref<1x128x4xf32, #tpu.memory_space<vmem>> -> memref<128x4xf32, #tpu.memory_space<vmem>>
        %dma_wait3A_62 = arith.constant 0 : i32
        %dma_wait3A_63 = tpu.memref_slice %arg8[%run_scoped3A_28, %dma_wait3A_62] : memref<8x128xi32, #tpu.memory_space<vmem>> -> memref<1x128xi32, #tpu.memory_space<vmem>>
        %dma_wait3A_64 = tpu.memref_squeeze %dma_wait3A_63 : memref<1x128xi32, #tpu.memory_space<vmem>> -> memref<128xi32, #tpu.memory_space<vmem>>
        %dma_wait3A_65 = arith.constant 0 : i32
        %dma_wait3A_66 = arith.constant 0 : i32
        %dma_wait3A_67 = tpu.memref_slice %arg11[%dma_wait3A_65, %dma_wait3A_66] : memref<100096x4xf32, #tpu.memory_space<vmem_shared>> -> memref<100096x4xf32, #tpu.memory_space<vmem_shared>>
        tpu.wait_indirect_dma semaphore(%run_scoped3A_49 : memref<!tpu.dma_semaphore, #tpu.memory_space<semaphore_mem>>) src(%dma_wait3A_61 : memref<128x4xf32, #tpu.memory_space<vmem>>) dst(%dma_wait3A_67 : memref<100096x4xf32, #tpu.memory_space<vmem_shared>>)
        tpu.yield
      }) : () -> ()
      %run_scoped3A_29 = arith.constant 3 : i32
      %run_scoped3A_30 = arith.constant 3 : i32
      "tpu.region"() ({
        %run_scoped3A_49 = tpu.sem_alloc : memref<!tpu.dma_semaphore, #tpu.memory_space<semaphore_mem>>
        %dma_start3A = arith.constant 0 : i32
        %dma_start3A_50 = arith.constant 0 : i32
        %dma_start3A_51 = tpu.memref_slice %arg9[%run_scoped3A_30, %dma_start3A, %dma_start3A_50] : memref<8x128x4xf32, #tpu.memory_space<vmem>> -> memref<1x128x4xf32, #tpu.memory_space<vmem>>
        %dma_start3A_52 = tpu.memref_squeeze %dma_start3A_51 : memref<1x128x4xf32, #tpu.memory_space<vmem>> -> memref<128x4xf32, #tpu.memory_space<vmem>>
        %dma_start3A_53 = arith.constant 0 : i32
        %dma_start3A_54 = tpu.memref_slice %arg7[%run_scoped3A_29, %dma_start3A_53] : memref<8x128xi32, #tpu.memory_space<vmem>> -> memref<1x128xi32, #tpu.memory_space<vmem>>
        %dma_start3A_55 = tpu.memref_squeeze %dma_start3A_54 : memref<1x128xi32, #tpu.memory_space<vmem>> -> memref<128xi32, #tpu.memory_space<vmem>>
        %dma_start3A_56 = arith.constant 0 : i32
        %dma_start3A_57 = arith.constant 0 : i32
        %dma_start3A_58 = tpu.memref_slice %arg10[%dma_start3A_56, %dma_start3A_57] : memref<100096x4xf32, #tpu.memory_space<vmem_shared>> -> memref<100096x4xf32, #tpu.memory_space<vmem_shared>>
        tpu.enqueue_indirect_dma source(%dma_start3A_58 : memref<100096x4xf32, #tpu.memory_space<vmem_shared>>) target(%dma_start3A_52 : memref<128x4xf32, #tpu.memory_space<vmem>>) offsets(%dma_start3A_55 : memref<128xi32, #tpu.memory_space<vmem>>) semaphore(%run_scoped3A_49 : memref<!tpu.dma_semaphore, #tpu.memory_space<semaphore_mem>>)
        %dma_wait3A = arith.constant 0 : i32
        %dma_wait3A_59 = arith.constant 0 : i32
        %dma_wait3A_60 = tpu.memref_slice %arg9[%run_scoped3A_30, %dma_wait3A, %dma_wait3A_59] : memref<8x128x4xf32, #tpu.memory_space<vmem>> -> memref<1x128x4xf32, #tpu.memory_space<vmem>>
        %dma_wait3A_61 = tpu.memref_squeeze %dma_wait3A_60 : memref<1x128x4xf32, #tpu.memory_space<vmem>> -> memref<128x4xf32, #tpu.memory_space<vmem>>
        %dma_wait3A_62 = arith.constant 0 : i32
        %dma_wait3A_63 = tpu.memref_slice %arg7[%run_scoped3A_29, %dma_wait3A_62] : memref<8x128xi32, #tpu.memory_space<vmem>> -> memref<1x128xi32, #tpu.memory_space<vmem>>
        %dma_wait3A_64 = tpu.memref_squeeze %dma_wait3A_63 : memref<1x128xi32, #tpu.memory_space<vmem>> -> memref<128xi32, #tpu.memory_space<vmem>>
        %dma_wait3A_65 = arith.constant 0 : i32
        %dma_wait3A_66 = arith.constant 0 : i32
        %dma_wait3A_67 = tpu.memref_slice %arg10[%dma_wait3A_65, %dma_wait3A_66] : memref<100096x4xf32, #tpu.memory_space<vmem_shared>> -> memref<100096x4xf32, #tpu.memory_space<vmem_shared>>
        tpu.wait_indirect_dma semaphore(%run_scoped3A_49 : memref<!tpu.dma_semaphore, #tpu.memory_space<semaphore_mem>>) src(%dma_wait3A_67 : memref<100096x4xf32, #tpu.memory_space<vmem_shared>>) dst(%dma_wait3A_61 : memref<128x4xf32, #tpu.memory_space<vmem>>)
        tpu.yield
      }) : () -> ()
      %run_scoped3A_31 = arith.constant 3 : i32
      %run_scoped3A_32 = arith.constant 3 : i32
      "tpu.region"() ({
        %run_scoped3A_49 = tpu.sem_alloc : memref<!tpu.dma_semaphore, #tpu.memory_space<semaphore_mem>>
        %dma_start3A = arith.constant 0 : i32
        %dma_start3A_50 = arith.constant 0 : i32
        %dma_start3A_51 = tpu.memref_slice %arg9[%run_scoped3A_31, %dma_start3A, %dma_start3A_50] : memref<8x128x4xf32, #tpu.memory_space<vmem>> -> memref<1x128x4xf32, #tpu.memory_space<vmem>>
        %dma_start3A_52 = tpu.memref_squeeze %dma_start3A_51 : memref<1x128x4xf32, #tpu.memory_space<vmem>> -> memref<128x4xf32, #tpu.memory_space<vmem>>
        %dma_start3A_53 = arith.constant 0 : i32
        %dma_start3A_54 = tpu.memref_slice %arg8[%run_scoped3A_32, %dma_start3A_53] : memref<8x128xi32, #tpu.memory_space<vmem>> -> memref<1x128xi32, #tpu.memory_space<vmem>>
        %dma_start3A_55 = tpu.memref_squeeze %dma_start3A_54 : memref<1x128xi32, #tpu.memory_space<vmem>> -> memref<128xi32, #tpu.memory_space<vmem>>
        %dma_start3A_56 = arith.constant 0 : i32
        %dma_start3A_57 = arith.constant 0 : i32
        %dma_start3A_58 = tpu.memref_slice %arg11[%dma_start3A_56, %dma_start3A_57] : memref<100096x4xf32, #tpu.memory_space<vmem_shared>> -> memref<100096x4xf32, #tpu.memory_space<vmem_shared>>
        tpu.enqueue_indirect_dma source(%dma_start3A_52 : memref<128x4xf32, #tpu.memory_space<vmem>>) target(%dma_start3A_58 : memref<100096x4xf32, #tpu.memory_space<vmem_shared>>) offsets(%dma_start3A_55 : memref<128xi32, #tpu.memory_space<vmem>>) semaphore(%run_scoped3A_49 : memref<!tpu.dma_semaphore, #tpu.memory_space<semaphore_mem>>) {add = true}
        %dma_wait3A = arith.constant 0 : i32
        %dma_wait3A_59 = arith.constant 0 : i32
        %dma_wait3A_60 = tpu.memref_slice %arg9[%run_scoped3A_31, %dma_wait3A, %dma_wait3A_59] : memref<8x128x4xf32, #tpu.memory_space<vmem>> -> memref<1x128x4xf32, #tpu.memory_space<vmem>>
        %dma_wait3A_61 = tpu.memref_squeeze %dma_wait3A_60 : memref<1x128x4xf32, #tpu.memory_space<vmem>> -> memref<128x4xf32, #tpu.memory_space<vmem>>
        %dma_wait3A_62 = arith.constant 0 : i32
        %dma_wait3A_63 = tpu.memref_slice %arg8[%run_scoped3A_32, %dma_wait3A_62] : memref<8x128xi32, #tpu.memory_space<vmem>> -> memref<1x128xi32, #tpu.memory_space<vmem>>
        %dma_wait3A_64 = tpu.memref_squeeze %dma_wait3A_63 : memref<1x128xi32, #tpu.memory_space<vmem>> -> memref<128xi32, #tpu.memory_space<vmem>>
        %dma_wait3A_65 = arith.constant 0 : i32
        %dma_wait3A_66 = arith.constant 0 : i32
        %dma_wait3A_67 = tpu.memref_slice %arg11[%dma_wait3A_65, %dma_wait3A_66] : memref<100096x4xf32, #tpu.memory_space<vmem_shared>> -> memref<100096x4xf32, #tpu.memory_space<vmem_shared>>
        tpu.wait_indirect_dma semaphore(%run_scoped3A_49 : memref<!tpu.dma_semaphore, #tpu.memory_space<semaphore_mem>>) src(%dma_wait3A_61 : memref<128x4xf32, #tpu.memory_space<vmem>>) dst(%dma_wait3A_67 : memref<100096x4xf32, #tpu.memory_space<vmem_shared>>)
        tpu.yield
      }) : () -> ()
      %run_scoped3A_33 = arith.constant 4 : i32
      %run_scoped3A_34 = arith.constant 4 : i32
      "tpu.region"() ({
        %run_scoped3A_49 = tpu.sem_alloc : memref<!tpu.dma_semaphore, #tpu.memory_space<semaphore_mem>>
        %dma_start3A = arith.constant 0 : i32
        %dma_start3A_50 = arith.constant 0 : i32
        %dma_start3A_51 = tpu.memref_slice %arg9[%run_scoped3A_34, %dma_start3A, %dma_start3A_50] : memref<8x128x4xf32, #tpu.memory_space<vmem>> -> memref<1x128x4xf32, #tpu.memory_space<vmem>>
        %dma_start3A_52 = tpu.memref_squeeze %dma_start3A_51 : memref<1x128x4xf32, #tpu.memory_space<vmem>> -> memref<128x4xf32, #tpu.memory_space<vmem>>
        %dma_start3A_53 = arith.constant 0 : i32
        %dma_start3A_54 = tpu.memref_slice %arg7[%run_scoped3A_33, %dma_start3A_53] : memref<8x128xi32, #tpu.memory_space<vmem>> -> memref<1x128xi32, #tpu.memory_space<vmem>>
        %dma_start3A_55 = tpu.memref_squeeze %dma_start3A_54 : memref<1x128xi32, #tpu.memory_space<vmem>> -> memref<128xi32, #tpu.memory_space<vmem>>
        %dma_start3A_56 = arith.constant 0 : i32
        %dma_start3A_57 = arith.constant 0 : i32
        %dma_start3A_58 = tpu.memref_slice %arg10[%dma_start3A_56, %dma_start3A_57] : memref<100096x4xf32, #tpu.memory_space<vmem_shared>> -> memref<100096x4xf32, #tpu.memory_space<vmem_shared>>
        tpu.enqueue_indirect_dma source(%dma_start3A_58 : memref<100096x4xf32, #tpu.memory_space<vmem_shared>>) target(%dma_start3A_52 : memref<128x4xf32, #tpu.memory_space<vmem>>) offsets(%dma_start3A_55 : memref<128xi32, #tpu.memory_space<vmem>>) semaphore(%run_scoped3A_49 : memref<!tpu.dma_semaphore, #tpu.memory_space<semaphore_mem>>)
        %dma_wait3A = arith.constant 0 : i32
        %dma_wait3A_59 = arith.constant 0 : i32
        %dma_wait3A_60 = tpu.memref_slice %arg9[%run_scoped3A_34, %dma_wait3A, %dma_wait3A_59] : memref<8x128x4xf32, #tpu.memory_space<vmem>> -> memref<1x128x4xf32, #tpu.memory_space<vmem>>
        %dma_wait3A_61 = tpu.memref_squeeze %dma_wait3A_60 : memref<1x128x4xf32, #tpu.memory_space<vmem>> -> memref<128x4xf32, #tpu.memory_space<vmem>>
        %dma_wait3A_62 = arith.constant 0 : i32
        %dma_wait3A_63 = tpu.memref_slice %arg7[%run_scoped3A_33, %dma_wait3A_62] : memref<8x128xi32, #tpu.memory_space<vmem>> -> memref<1x128xi32, #tpu.memory_space<vmem>>
        %dma_wait3A_64 = tpu.memref_squeeze %dma_wait3A_63 : memref<1x128xi32, #tpu.memory_space<vmem>> -> memref<128xi32, #tpu.memory_space<vmem>>
        %dma_wait3A_65 = arith.constant 0 : i32
        %dma_wait3A_66 = arith.constant 0 : i32
        %dma_wait3A_67 = tpu.memref_slice %arg10[%dma_wait3A_65, %dma_wait3A_66] : memref<100096x4xf32, #tpu.memory_space<vmem_shared>> -> memref<100096x4xf32, #tpu.memory_space<vmem_shared>>
        tpu.wait_indirect_dma semaphore(%run_scoped3A_49 : memref<!tpu.dma_semaphore, #tpu.memory_space<semaphore_mem>>) src(%dma_wait3A_67 : memref<100096x4xf32, #tpu.memory_space<vmem_shared>>) dst(%dma_wait3A_61 : memref<128x4xf32, #tpu.memory_space<vmem>>)
        tpu.yield
      }) : () -> ()
      %run_scoped3A_35 = arith.constant 4 : i32
      %run_scoped3A_36 = arith.constant 4 : i32
      "tpu.region"() ({
        %run_scoped3A_49 = tpu.sem_alloc : memref<!tpu.dma_semaphore, #tpu.memory_space<semaphore_mem>>
        %dma_start3A = arith.constant 0 : i32
        %dma_start3A_50 = arith.constant 0 : i32
        %dma_start3A_51 = tpu.memref_slice %arg9[%run_scoped3A_35, %dma_start3A, %dma_start3A_50] : memref<8x128x4xf32, #tpu.memory_space<vmem>> -> memref<1x128x4xf32, #tpu.memory_space<vmem>>
        %dma_start3A_52 = tpu.memref_squeeze %dma_start3A_51 : memref<1x128x4xf32, #tpu.memory_space<vmem>> -> memref<128x4xf32, #tpu.memory_space<vmem>>
        %dma_start3A_53 = arith.constant 0 : i32
        %dma_start3A_54 = tpu.memref_slice %arg8[%run_scoped3A_36, %dma_start3A_53] : memref<8x128xi32, #tpu.memory_space<vmem>> -> memref<1x128xi32, #tpu.memory_space<vmem>>
        %dma_start3A_55 = tpu.memref_squeeze %dma_start3A_54 : memref<1x128xi32, #tpu.memory_space<vmem>> -> memref<128xi32, #tpu.memory_space<vmem>>
        %dma_start3A_56 = arith.constant 0 : i32
        %dma_start3A_57 = arith.constant 0 : i32
        %dma_start3A_58 = tpu.memref_slice %arg11[%dma_start3A_56, %dma_start3A_57] : memref<100096x4xf32, #tpu.memory_space<vmem_shared>> -> memref<100096x4xf32, #tpu.memory_space<vmem_shared>>
        tpu.enqueue_indirect_dma source(%dma_start3A_52 : memref<128x4xf32, #tpu.memory_space<vmem>>) target(%dma_start3A_58 : memref<100096x4xf32, #tpu.memory_space<vmem_shared>>) offsets(%dma_start3A_55 : memref<128xi32, #tpu.memory_space<vmem>>) semaphore(%run_scoped3A_49 : memref<!tpu.dma_semaphore, #tpu.memory_space<semaphore_mem>>) {add = true}
        %dma_wait3A = arith.constant 0 : i32
        %dma_wait3A_59 = arith.constant 0 : i32
        %dma_wait3A_60 = tpu.memref_slice %arg9[%run_scoped3A_35, %dma_wait3A, %dma_wait3A_59] : memref<8x128x4xf32, #tpu.memory_space<vmem>> -> memref<1x128x4xf32, #tpu.memory_space<vmem>>
        %dma_wait3A_61 = tpu.memref_squeeze %dma_wait3A_60 : memref<1x128x4xf32, #tpu.memory_space<vmem>> -> memref<128x4xf32, #tpu.memory_space<vmem>>
        %dma_wait3A_62 = arith.constant 0 : i32
        %dma_wait3A_63 = tpu.memref_slice %arg8[%run_scoped3A_36, %dma_wait3A_62] : memref<8x128xi32, #tpu.memory_space<vmem>> -> memref<1x128xi32, #tpu.memory_space<vmem>>
        %dma_wait3A_64 = tpu.memref_squeeze %dma_wait3A_63 : memref<1x128xi32, #tpu.memory_space<vmem>> -> memref<128xi32, #tpu.memory_space<vmem>>
        %dma_wait3A_65 = arith.constant 0 : i32
        %dma_wait3A_66 = arith.constant 0 : i32
        %dma_wait3A_67 = tpu.memref_slice %arg11[%dma_wait3A_65, %dma_wait3A_66] : memref<100096x4xf32, #tpu.memory_space<vmem_shared>> -> memref<100096x4xf32, #tpu.memory_space<vmem_shared>>
        tpu.wait_indirect_dma semaphore(%run_scoped3A_49 : memref<!tpu.dma_semaphore, #tpu.memory_space<semaphore_mem>>) src(%dma_wait3A_61 : memref<128x4xf32, #tpu.memory_space<vmem>>) dst(%dma_wait3A_67 : memref<100096x4xf32, #tpu.memory_space<vmem_shared>>)
        tpu.yield
      }) : () -> ()
      %run_scoped3A_37 = arith.constant 5 : i32
      %run_scoped3A_38 = arith.constant 5 : i32
      "tpu.region"() ({
        %run_scoped3A_49 = tpu.sem_alloc : memref<!tpu.dma_semaphore, #tpu.memory_space<semaphore_mem>>
        %dma_start3A = arith.constant 0 : i32
        %dma_start3A_50 = arith.constant 0 : i32
        %dma_start3A_51 = tpu.memref_slice %arg9[%run_scoped3A_38, %dma_start3A, %dma_start3A_50] : memref<8x128x4xf32, #tpu.memory_space<vmem>> -> memref<1x128x4xf32, #tpu.memory_space<vmem>>
        %dma_start3A_52 = tpu.memref_squeeze %dma_start3A_51 : memref<1x128x4xf32, #tpu.memory_space<vmem>> -> memref<128x4xf32, #tpu.memory_space<vmem>>
        %dma_start3A_53 = arith.constant 0 : i32
        %dma_start3A_54 = tpu.memref_slice %arg7[%run_scoped3A_37, %dma_start3A_53] : memref<8x128xi32, #tpu.memory_space<vmem>> -> memref<1x128xi32, #tpu.memory_space<vmem>>
        %dma_start3A_55 = tpu.memref_squeeze %dma_start3A_54 : memref<1x128xi32, #tpu.memory_space<vmem>> -> memref<128xi32, #tpu.memory_space<vmem>>
        %dma_start3A_56 = arith.constant 0 : i32
        %dma_start3A_57 = arith.constant 0 : i32
        %dma_start3A_58 = tpu.memref_slice %arg10[%dma_start3A_56, %dma_start3A_57] : memref<100096x4xf32, #tpu.memory_space<vmem_shared>> -> memref<100096x4xf32, #tpu.memory_space<vmem_shared>>
        tpu.enqueue_indirect_dma source(%dma_start3A_58 : memref<100096x4xf32, #tpu.memory_space<vmem_shared>>) target(%dma_start3A_52 : memref<128x4xf32, #tpu.memory_space<vmem>>) offsets(%dma_start3A_55 : memref<128xi32, #tpu.memory_space<vmem>>) semaphore(%run_scoped3A_49 : memref<!tpu.dma_semaphore, #tpu.memory_space<semaphore_mem>>)
        %dma_wait3A = arith.constant 0 : i32
        %dma_wait3A_59 = arith.constant 0 : i32
        %dma_wait3A_60 = tpu.memref_slice %arg9[%run_scoped3A_38, %dma_wait3A, %dma_wait3A_59] : memref<8x128x4xf32, #tpu.memory_space<vmem>> -> memref<1x128x4xf32, #tpu.memory_space<vmem>>
        %dma_wait3A_61 = tpu.memref_squeeze %dma_wait3A_60 : memref<1x128x4xf32, #tpu.memory_space<vmem>> -> memref<128x4xf32, #tpu.memory_space<vmem>>
        %dma_wait3A_62 = arith.constant 0 : i32
        %dma_wait3A_63 = tpu.memref_slice %arg7[%run_scoped3A_37, %dma_wait3A_62] : memref<8x128xi32, #tpu.memory_space<vmem>> -> memref<1x128xi32, #tpu.memory_space<vmem>>
        %dma_wait3A_64 = tpu.memref_squeeze %dma_wait3A_63 : memref<1x128xi32, #tpu.memory_space<vmem>> -> memref<128xi32, #tpu.memory_space<vmem>>
        %dma_wait3A_65 = arith.constant 0 : i32
        %dma_wait3A_66 = arith.constant 0 : i32
        %dma_wait3A_67 = tpu.memref_slice %arg10[%dma_wait3A_65, %dma_wait3A_66] : memref<100096x4xf32, #tpu.memory_space<vmem_shared>> -> memref<100096x4xf32, #tpu.memory_space<vmem_shared>>
        tpu.wait_indirect_dma semaphore(%run_scoped3A_49 : memref<!tpu.dma_semaphore, #tpu.memory_space<semaphore_mem>>) src(%dma_wait3A_67 : memref<100096x4xf32, #tpu.memory_space<vmem_shared>>) dst(%dma_wait3A_61 : memref<128x4xf32, #tpu.memory_space<vmem>>)
        tpu.yield
      }) : () -> ()
      %run_scoped3A_39 = arith.constant 5 : i32
      %run_scoped3A_40 = arith.constant 5 : i32
      "tpu.region"() ({
        %run_scoped3A_49 = tpu.sem_alloc : memref<!tpu.dma_semaphore, #tpu.memory_space<semaphore_mem>>
        %dma_start3A = arith.constant 0 : i32
        %dma_start3A_50 = arith.constant 0 : i32
        %dma_start3A_51 = tpu.memref_slice %arg9[%run_scoped3A_39, %dma_start3A, %dma_start3A_50] : memref<8x128x4xf32, #tpu.memory_space<vmem>> -> memref<1x128x4xf32, #tpu.memory_space<vmem>>
        %dma_start3A_52 = tpu.memref_squeeze %dma_start3A_51 : memref<1x128x4xf32, #tpu.memory_space<vmem>> -> memref<128x4xf32, #tpu.memory_space<vmem>>
        %dma_start3A_53 = arith.constant 0 : i32
        %dma_start3A_54 = tpu.memref_slice %arg8[%run_scoped3A_40, %dma_start3A_53] : memref<8x128xi32, #tpu.memory_space<vmem>> -> memref<1x128xi32, #tpu.memory_space<vmem>>
        %dma_start3A_55 = tpu.memref_squeeze %dma_start3A_54 : memref<1x128xi32, #tpu.memory_space<vmem>> -> memref<128xi32, #tpu.memory_space<vmem>>
        %dma_start3A_56 = arith.constant 0 : i32
        %dma_start3A_57 = arith.constant 0 : i32
        %dma_start3A_58 = tpu.memref_slice %arg11[%dma_start3A_56, %dma_start3A_57] : memref<100096x4xf32, #tpu.memory_space<vmem_shared>> -> memref<100096x4xf32, #tpu.memory_space<vmem_shared>>
        tpu.enqueue_indirect_dma source(%dma_start3A_52 : memref<128x4xf32, #tpu.memory_space<vmem>>) target(%dma_start3A_58 : memref<100096x4xf32, #tpu.memory_space<vmem_shared>>) offsets(%dma_start3A_55 : memref<128xi32, #tpu.memory_space<vmem>>) semaphore(%run_scoped3A_49 : memref<!tpu.dma_semaphore, #tpu.memory_space<semaphore_mem>>) {add = true}
        %dma_wait3A = arith.constant 0 : i32
        %dma_wait3A_59 = arith.constant 0 : i32
        %dma_wait3A_60 = tpu.memref_slice %arg9[%run_scoped3A_39, %dma_wait3A, %dma_wait3A_59] : memref<8x128x4xf32, #tpu.memory_space<vmem>> -> memref<1x128x4xf32, #tpu.memory_space<vmem>>
        %dma_wait3A_61 = tpu.memref_squeeze %dma_wait3A_60 : memref<1x128x4xf32, #tpu.memory_space<vmem>> -> memref<128x4xf32, #tpu.memory_space<vmem>>
        %dma_wait3A_62 = arith.constant 0 : i32
        %dma_wait3A_63 = tpu.memref_slice %arg8[%run_scoped3A_40, %dma_wait3A_62] : memref<8x128xi32, #tpu.memory_space<vmem>> -> memref<1x128xi32, #tpu.memory_space<vmem>>
        %dma_wait3A_64 = tpu.memref_squeeze %dma_wait3A_63 : memref<1x128xi32, #tpu.memory_space<vmem>> -> memref<128xi32, #tpu.memory_space<vmem>>
        %dma_wait3A_65 = arith.constant 0 : i32
        %dma_wait3A_66 = arith.constant 0 : i32
        %dma_wait3A_67 = tpu.memref_slice %arg11[%dma_wait3A_65, %dma_wait3A_66] : memref<100096x4xf32, #tpu.memory_space<vmem_shared>> -> memref<100096x4xf32, #tpu.memory_space<vmem_shared>>
        tpu.wait_indirect_dma semaphore(%run_scoped3A_49 : memref<!tpu.dma_semaphore, #tpu.memory_space<semaphore_mem>>) src(%dma_wait3A_61 : memref<128x4xf32, #tpu.memory_space<vmem>>) dst(%dma_wait3A_67 : memref<100096x4xf32, #tpu.memory_space<vmem_shared>>)
        tpu.yield
      }) : () -> ()
      %run_scoped3A_41 = arith.constant 6 : i32
      %run_scoped3A_42 = arith.constant 6 : i32
      "tpu.region"() ({
        %run_scoped3A_49 = tpu.sem_alloc : memref<!tpu.dma_semaphore, #tpu.memory_space<semaphore_mem>>
        %dma_start3A = arith.constant 0 : i32
        %dma_start3A_50 = arith.constant 0 : i32
        %dma_start3A_51 = tpu.memref_slice %arg9[%run_scoped3A_42, %dma_start3A, %dma_start3A_50] : memref<8x128x4xf32, #tpu.memory_space<vmem>> -> memref<1x128x4xf32, #tpu.memory_space<vmem>>
        %dma_start3A_52 = tpu.memref_squeeze %dma_start3A_51 : memref<1x128x4xf32, #tpu.memory_space<vmem>> -> memref<128x4xf32, #tpu.memory_space<vmem>>
        %dma_start3A_53 = arith.constant 0 : i32
        %dma_start3A_54 = tpu.memref_slice %arg7[%run_scoped3A_41, %dma_start3A_53] : memref<8x128xi32, #tpu.memory_space<vmem>> -> memref<1x128xi32, #tpu.memory_space<vmem>>
        %dma_start3A_55 = tpu.memref_squeeze %dma_start3A_54 : memref<1x128xi32, #tpu.memory_space<vmem>> -> memref<128xi32, #tpu.memory_space<vmem>>
        %dma_start3A_56 = arith.constant 0 : i32
        %dma_start3A_57 = arith.constant 0 : i32
        %dma_start3A_58 = tpu.memref_slice %arg10[%dma_start3A_56, %dma_start3A_57] : memref<100096x4xf32, #tpu.memory_space<vmem_shared>> -> memref<100096x4xf32, #tpu.memory_space<vmem_shared>>
        tpu.enqueue_indirect_dma source(%dma_start3A_58 : memref<100096x4xf32, #tpu.memory_space<vmem_shared>>) target(%dma_start3A_52 : memref<128x4xf32, #tpu.memory_space<vmem>>) offsets(%dma_start3A_55 : memref<128xi32, #tpu.memory_space<vmem>>) semaphore(%run_scoped3A_49 : memref<!tpu.dma_semaphore, #tpu.memory_space<semaphore_mem>>)
        %dma_wait3A = arith.constant 0 : i32
        %dma_wait3A_59 = arith.constant 0 : i32
        %dma_wait3A_60 = tpu.memref_slice %arg9[%run_scoped3A_42, %dma_wait3A, %dma_wait3A_59] : memref<8x128x4xf32, #tpu.memory_space<vmem>> -> memref<1x128x4xf32, #tpu.memory_space<vmem>>
        %dma_wait3A_61 = tpu.memref_squeeze %dma_wait3A_60 : memref<1x128x4xf32, #tpu.memory_space<vmem>> -> memref<128x4xf32, #tpu.memory_space<vmem>>
        %dma_wait3A_62 = arith.constant 0 : i32
        %dma_wait3A_63 = tpu.memref_slice %arg7[%run_scoped3A_41, %dma_wait3A_62] : memref<8x128xi32, #tpu.memory_space<vmem>> -> memref<1x128xi32, #tpu.memory_space<vmem>>
        %dma_wait3A_64 = tpu.memref_squeeze %dma_wait3A_63 : memref<1x128xi32, #tpu.memory_space<vmem>> -> memref<128xi32, #tpu.memory_space<vmem>>
        %dma_wait3A_65 = arith.constant 0 : i32
        %dma_wait3A_66 = arith.constant 0 : i32
        %dma_wait3A_67 = tpu.memref_slice %arg10[%dma_wait3A_65, %dma_wait3A_66] : memref<100096x4xf32, #tpu.memory_space<vmem_shared>> -> memref<100096x4xf32, #tpu.memory_space<vmem_shared>>
        tpu.wait_indirect_dma semaphore(%run_scoped3A_49 : memref<!tpu.dma_semaphore, #tpu.memory_space<semaphore_mem>>) src(%dma_wait3A_67 : memref<100096x4xf32, #tpu.memory_space<vmem_shared>>) dst(%dma_wait3A_61 : memref<128x4xf32, #tpu.memory_space<vmem>>)
        tpu.yield
      }) : () -> ()
      %run_scoped3A_43 = arith.constant 6 : i32
      %run_scoped3A_44 = arith.constant 6 : i32
      "tpu.region"() ({
        %run_scoped3A_49 = tpu.sem_alloc : memref<!tpu.dma_semaphore, #tpu.memory_space<semaphore_mem>>
        %dma_start3A = arith.constant 0 : i32
        %dma_start3A_50 = arith.constant 0 : i32
        %dma_start3A_51 = tpu.memref_slice %arg9[%run_scoped3A_43, %dma_start3A, %dma_start3A_50] : memref<8x128x4xf32, #tpu.memory_space<vmem>> -> memref<1x128x4xf32, #tpu.memory_space<vmem>>
        %dma_start3A_52 = tpu.memref_squeeze %dma_start3A_51 : memref<1x128x4xf32, #tpu.memory_space<vmem>> -> memref<128x4xf32, #tpu.memory_space<vmem>>
        %dma_start3A_53 = arith.constant 0 : i32
        %dma_start3A_54 = tpu.memref_slice %arg8[%run_scoped3A_44, %dma_start3A_53] : memref<8x128xi32, #tpu.memory_space<vmem>> -> memref<1x128xi32, #tpu.memory_space<vmem>>
        %dma_start3A_55 = tpu.memref_squeeze %dma_start3A_54 : memref<1x128xi32, #tpu.memory_space<vmem>> -> memref<128xi32, #tpu.memory_space<vmem>>
        %dma_start3A_56 = arith.constant 0 : i32
        %dma_start3A_57 = arith.constant 0 : i32
        %dma_start3A_58 = tpu.memref_slice %arg11[%dma_start3A_56, %dma_start3A_57] : memref<100096x4xf32, #tpu.memory_space<vmem_shared>> -> memref<100096x4xf32, #tpu.memory_space<vmem_shared>>
        tpu.enqueue_indirect_dma source(%dma_start3A_52 : memref<128x4xf32, #tpu.memory_space<vmem>>) target(%dma_start3A_58 : memref<100096x4xf32, #tpu.memory_space<vmem_shared>>) offsets(%dma_start3A_55 : memref<128xi32, #tpu.memory_space<vmem>>) semaphore(%run_scoped3A_49 : memref<!tpu.dma_semaphore, #tpu.memory_space<semaphore_mem>>) {add = true}
        %dma_wait3A = arith.constant 0 : i32
        %dma_wait3A_59 = arith.constant 0 : i32
        %dma_wait3A_60 = tpu.memref_slice %arg9[%run_scoped3A_43, %dma_wait3A, %dma_wait3A_59] : memref<8x128x4xf32, #tpu.memory_space<vmem>> -> memref<1x128x4xf32, #tpu.memory_space<vmem>>
        %dma_wait3A_61 = tpu.memref_squeeze %dma_wait3A_60 : memref<1x128x4xf32, #tpu.memory_space<vmem>> -> memref<128x4xf32, #tpu.memory_space<vmem>>
        %dma_wait3A_62 = arith.constant 0 : i32
        %dma_wait3A_63 = tpu.memref_slice %arg8[%run_scoped3A_44, %dma_wait3A_62] : memref<8x128xi32, #tpu.memory_space<vmem>> -> memref<1x128xi32, #tpu.memory_space<vmem>>
        %dma_wait3A_64 = tpu.memref_squeeze %dma_wait3A_63 : memref<1x128xi32, #tpu.memory_space<vmem>> -> memref<128xi32, #tpu.memory_space<vmem>>
        %dma_wait3A_65 = arith.constant 0 : i32
        %dma_wait3A_66 = arith.constant 0 : i32
        %dma_wait3A_67 = tpu.memref_slice %arg11[%dma_wait3A_65, %dma_wait3A_66] : memref<100096x4xf32, #tpu.memory_space<vmem_shared>> -> memref<100096x4xf32, #tpu.memory_space<vmem_shared>>
        tpu.wait_indirect_dma semaphore(%run_scoped3A_49 : memref<!tpu.dma_semaphore, #tpu.memory_space<semaphore_mem>>) src(%dma_wait3A_61 : memref<128x4xf32, #tpu.memory_space<vmem>>) dst(%dma_wait3A_67 : memref<100096x4xf32, #tpu.memory_space<vmem_shared>>)
        tpu.yield
      }) : () -> ()
      %run_scoped3A_45 = arith.constant 7 : i32
      %run_scoped3A_46 = arith.constant 7 : i32
      "tpu.region"() ({
        %run_scoped3A_49 = tpu.sem_alloc : memref<!tpu.dma_semaphore, #tpu.memory_space<semaphore_mem>>
        %dma_start3A = arith.constant 0 : i32
        %dma_start3A_50 = arith.constant 0 : i32
        %dma_start3A_51 = tpu.memref_slice %arg9[%run_scoped3A_46, %dma_start3A, %dma_start3A_50] : memref<8x128x4xf32, #tpu.memory_space<vmem>> -> memref<1x128x4xf32, #tpu.memory_space<vmem>>
        %dma_start3A_52 = tpu.memref_squeeze %dma_start3A_51 : memref<1x128x4xf32, #tpu.memory_space<vmem>> -> memref<128x4xf32, #tpu.memory_space<vmem>>
        %dma_start3A_53 = arith.constant 0 : i32
        %dma_start3A_54 = tpu.memref_slice %arg7[%run_scoped3A_45, %dma_start3A_53] : memref<8x128xi32, #tpu.memory_space<vmem>> -> memref<1x128xi32, #tpu.memory_space<vmem>>
        %dma_start3A_55 = tpu.memref_squeeze %dma_start3A_54 : memref<1x128xi32, #tpu.memory_space<vmem>> -> memref<128xi32, #tpu.memory_space<vmem>>
        %dma_start3A_56 = arith.constant 0 : i32
        %dma_start3A_57 = arith.constant 0 : i32
        %dma_start3A_58 = tpu.memref_slice %arg10[%dma_start3A_56, %dma_start3A_57] : memref<100096x4xf32, #tpu.memory_space<vmem_shared>> -> memref<100096x4xf32, #tpu.memory_space<vmem_shared>>
        tpu.enqueue_indirect_dma source(%dma_start3A_58 : memref<100096x4xf32, #tpu.memory_space<vmem_shared>>) target(%dma_start3A_52 : memref<128x4xf32, #tpu.memory_space<vmem>>) offsets(%dma_start3A_55 : memref<128xi32, #tpu.memory_space<vmem>>) semaphore(%run_scoped3A_49 : memref<!tpu.dma_semaphore, #tpu.memory_space<semaphore_mem>>)
        %dma_wait3A = arith.constant 0 : i32
        %dma_wait3A_59 = arith.constant 0 : i32
        %dma_wait3A_60 = tpu.memref_slice %arg9[%run_scoped3A_46, %dma_wait3A, %dma_wait3A_59] : memref<8x128x4xf32, #tpu.memory_space<vmem>> -> memref<1x128x4xf32, #tpu.memory_space<vmem>>
        %dma_wait3A_61 = tpu.memref_squeeze %dma_wait3A_60 : memref<1x128x4xf32, #tpu.memory_space<vmem>> -> memref<128x4xf32, #tpu.memory_space<vmem>>
        %dma_wait3A_62 = arith.constant 0 : i32
        %dma_wait3A_63 = tpu.memref_slice %arg7[%run_scoped3A_45, %dma_wait3A_62] : memref<8x128xi32, #tpu.memory_space<vmem>> -> memref<1x128xi32, #tpu.memory_space<vmem>>
        %dma_wait3A_64 = tpu.memref_squeeze %dma_wait3A_63 : memref<1x128xi32, #tpu.memory_space<vmem>> -> memref<128xi32, #tpu.memory_space<vmem>>
        %dma_wait3A_65 = arith.constant 0 : i32
        %dma_wait3A_66 = arith.constant 0 : i32
        %dma_wait3A_67 = tpu.memref_slice %arg10[%dma_wait3A_65, %dma_wait3A_66] : memref<100096x4xf32, #tpu.memory_space<vmem_shared>> -> memref<100096x4xf32, #tpu.memory_space<vmem_shared>>
        tpu.wait_indirect_dma semaphore(%run_scoped3A_49 : memref<!tpu.dma_semaphore, #tpu.memory_space<semaphore_mem>>) src(%dma_wait3A_67 : memref<100096x4xf32, #tpu.memory_space<vmem_shared>>) dst(%dma_wait3A_61 : memref<128x4xf32, #tpu.memory_space<vmem>>)
        tpu.yield
      }) : () -> ()
      %run_scoped3A_47 = arith.constant 7 : i32
      %run_scoped3A_48 = arith.constant 7 : i32
      "tpu.region"() ({
        %run_scoped3A_49 = tpu.sem_alloc : memref<!tpu.dma_semaphore, #tpu.memory_space<semaphore_mem>>
        %dma_start3A = arith.constant 0 : i32
        %dma_start3A_50 = arith.constant 0 : i32
        %dma_start3A_51 = tpu.memref_slice %arg9[%run_scoped3A_47, %dma_start3A, %dma_start3A_50] : memref<8x128x4xf32, #tpu.memory_space<vmem>> -> memref<1x128x4xf32, #tpu.memory_space<vmem>>
        %dma_start3A_52 = tpu.memref_squeeze %dma_start3A_51 : memref<1x128x4xf32, #tpu.memory_space<vmem>> -> memref<128x4xf32, #tpu.memory_space<vmem>>
        %dma_start3A_53 = arith.constant 0 : i32
        %dma_start3A_54 = tpu.memref_slice %arg8[%run_scoped3A_48, %dma_start3A_53] : memref<8x128xi32, #tpu.memory_space<vmem>> -> memref<1x128xi32, #tpu.memory_space<vmem>>
        %dma_start3A_55 = tpu.memref_squeeze %dma_start3A_54 : memref<1x128xi32, #tpu.memory_space<vmem>> -> memref<128xi32, #tpu.memory_space<vmem>>
        %dma_start3A_56 = arith.constant 0 : i32
        %dma_start3A_57 = arith.constant 0 : i32
        %dma_start3A_58 = tpu.memref_slice %arg11[%dma_start3A_56, %dma_start3A_57] : memref<100096x4xf32, #tpu.memory_space<vmem_shared>> -> memref<100096x4xf32, #tpu.memory_space<vmem_shared>>
        tpu.enqueue_indirect_dma source(%dma_start3A_52 : memref<128x4xf32, #tpu.memory_space<vmem>>) target(%dma_start3A_58 : memref<100096x4xf32, #tpu.memory_space<vmem_shared>>) offsets(%dma_start3A_55 : memref<128xi32, #tpu.memory_space<vmem>>) semaphore(%run_scoped3A_49 : memref<!tpu.dma_semaphore, #tpu.memory_space<semaphore_mem>>) {add = true}
        %dma_wait3A = arith.constant 0 : i32
        %dma_wait3A_59 = arith.constant 0 : i32
        %dma_wait3A_60 = tpu.memref_slice %arg9[%run_scoped3A_47, %dma_wait3A, %dma_wait3A_59] : memref<8x128x4xf32, #tpu.memory_space<vmem>> -> memref<1x128x4xf32, #tpu.memory_space<vmem>>
        %dma_wait3A_61 = tpu.memref_squeeze %dma_wait3A_60 : memref<1x128x4xf32, #tpu.memory_space<vmem>> -> memref<128x4xf32, #tpu.memory_space<vmem>>
        %dma_wait3A_62 = arith.constant 0 : i32
        %dma_wait3A_63 = tpu.memref_slice %arg8[%run_scoped3A_48, %dma_wait3A_62] : memref<8x128xi32, #tpu.memory_space<vmem>> -> memref<1x128xi32, #tpu.memory_space<vmem>>
        %dma_wait3A_64 = tpu.memref_squeeze %dma_wait3A_63 : memref<1x128xi32, #tpu.memory_space<vmem>> -> memref<128xi32, #tpu.memory_space<vmem>>
        %dma_wait3A_65 = arith.constant 0 : i32
        %dma_wait3A_66 = arith.constant 0 : i32
        %dma_wait3A_67 = tpu.memref_slice %arg11[%dma_wait3A_65, %dma_wait3A_66] : memref<100096x4xf32, #tpu.memory_space<vmem_shared>> -> memref<100096x4xf32, #tpu.memory_space<vmem_shared>>
        tpu.wait_indirect_dma semaphore(%run_scoped3A_49 : memref<!tpu.dma_semaphore, #tpu.memory_space<semaphore_mem>>) src(%dma_wait3A_61 : memref<128x4xf32, #tpu.memory_space<vmem>>) dst(%dma_wait3A_67 : memref<100096x4xf32, #tpu.memory_space<vmem_shared>>)
        tpu.yield
      }) : () -> ()
    }
    %scan3A_9 = arith.constant 196 : i32
    %barrier3A_10 = arith.constant 0 : index
    tpu.barrier barrier_id(%barrier3A_10)
    %mul3A_11 = arith.constant 100096 : i32
    %mul3A_12 = arith.muli %arg0, %mul3A_11 : i32
    %add3A_13 = arith.addi %mul3A_12, %mul3A_0 : i32
    "tpu.region"() ({
      %run_scoped3A = tpu.sem_alloc : memref<!tpu.dma_semaphore, #tpu.memory_space<semaphore_mem>>
      %dma_start3A = arith.constant 0 : i32
      %dma_start3A_14 = tpu.memref_slice %arg6[%add3A_13, %dma_start3A] : memref<200192x4xf32, #tpu.memory_space<hbm>> -> memref<6256x4xf32, #tpu.memory_space<hbm>>
      %dma_start3A_15 = arith.constant 0 : i32
      %dma_start3A_16 = tpu.memref_slice %arg11[%mul3A_0, %dma_start3A_15] : memref<100096x4xf32, #tpu.memory_space<vmem_shared>> -> memref<6256x4xf32, #tpu.memory_space<vmem_shared>>
      tpu.enqueue_dma source(%dma_start3A_16 : memref<6256x4xf32, #tpu.memory_space<vmem_shared>>) target(%dma_start3A_14 : memref<6256x4xf32, #tpu.memory_space<hbm>>) target_semaphore(%run_scoped3A : memref<!tpu.dma_semaphore, #tpu.memory_space<semaphore_mem>>)
      %dma_wait3A = arith.constant 0 : i32
      %dma_wait3A_17 = tpu.memref_slice %arg6[%add3A_13, %dma_wait3A] : memref<200192x4xf32, #tpu.memory_space<hbm>> -> memref<6256x4xf32, #tpu.memory_space<hbm>>
      %dma_wait3A_18 = arith.constant 0 : i32
      %dma_wait3A_19 = tpu.memref_slice %arg11[%mul3A_0, %dma_wait3A_18] : memref<100096x4xf32, #tpu.memory_space<vmem_shared>> -> memref<6256x4xf32, #tpu.memory_space<vmem_shared>>
      tpu.wait_dma2 semaphore(%run_scoped3A : memref<!tpu.dma_semaphore, #tpu.memory_space<semaphore_mem>>) src(%dma_wait3A_19 : memref<6256x4xf32, #tpu.memory_space<vmem_shared>>) dst(%dma_wait3A_17 : memref<6256x4xf32, #tpu.memory_space<hbm>>)
      tpu.yield
    }) : () -> ()
    return
  }
}

#map = affine_map<(d0, d1) -> (0, 0)>
module attributes {stable_mosaic.version = 14 : i64} {
  func.func @_edge_aggregate(%arg0: i32, %arg1: i32, %arg2: memref<100096x4xf32, #tpu.memory_space<hbm>>, %arg3: memref<100096x4xf32, #tpu.memory_space<hbm>>, %arg4: memref<50176x128xi32, #tpu.memory_space<hbm>>, %arg5: memref<50176x128xi32, #tpu.memory_space<hbm>>, %arg6: memref<200192x4xf32, #tpu.memory_space<hbm>>, %arg7: memref<8x128xi32, #tpu.memory_space<vmem>>, %arg8: memref<8x128xi32, #tpu.memory_space<vmem>>, %arg9: memref<8x128x4xf32, #tpu.memory_space<vmem>>, %arg10: memref<100096x4xf32, #tpu.memory_space<vmem_shared>>, %arg11: memref<100096x4xf32, #tpu.memory_space<vmem_shared>>) attributes {dimension_semantics = [#tpu.dimension_semantics<core_parallel>, #tpu.dimension_semantics<subcore_parallel>], iteration_bounds = array<i64: 2, 16>, scalar_prefetch = 0 : i64, scratch_operands = 5 : i64, tpu.core_type = #tpu.core_type<sc_vector_subcore>, window_params = [{transform_indices = #map}, {transform_indices = #map}, {transform_indices = #map}, {transform_indices = #map}, {transform_indices = #map}]} {
    %mul3A = arith.constant 6256 : i32
    %mul3A_0 = arith.muli %arg1, %mul3A : i32
    "tpu.region"() ({
      %run_scoped3A = tpu.sem_alloc : memref<!tpu.dma_semaphore, #tpu.memory_space<semaphore_mem>>
      %dma_start3A = arith.constant 0 : i32
      %dma_start3A_14 = tpu.memref_slice %arg10[%mul3A_0, %dma_start3A] : memref<100096x4xf32, #tpu.memory_space<vmem_shared>> -> memref<6256x4xf32, #tpu.memory_space<vmem_shared>>
      %dma_start3A_15 = arith.constant 0 : i32
      %dma_start3A_16 = tpu.memref_slice %arg2[%mul3A_0, %dma_start3A_15] : memref<100096x4xf32, #tpu.memory_space<hbm>> -> memref<6256x4xf32, #tpu.memory_space<hbm>>
      tpu.enqueue_dma source(%dma_start3A_16 : memref<6256x4xf32, #tpu.memory_space<hbm>>) target(%dma_start3A_14 : memref<6256x4xf32, #tpu.memory_space<vmem_shared>>) target_semaphore(%run_scoped3A : memref<!tpu.dma_semaphore, #tpu.memory_space<semaphore_mem>>)
      %dma_wait3A = arith.constant 0 : i32
      %dma_wait3A_17 = tpu.memref_slice %arg10[%mul3A_0, %dma_wait3A] : memref<100096x4xf32, #tpu.memory_space<vmem_shared>> -> memref<6256x4xf32, #tpu.memory_space<vmem_shared>>
      %dma_wait3A_18 = arith.constant 0 : i32
      %dma_wait3A_19 = tpu.memref_slice %arg2[%mul3A_0, %dma_wait3A_18] : memref<100096x4xf32, #tpu.memory_space<hbm>> -> memref<6256x4xf32, #tpu.memory_space<hbm>>
      tpu.wait_dma2 semaphore(%run_scoped3A : memref<!tpu.dma_semaphore, #tpu.memory_space<semaphore_mem>>) src(%dma_wait3A_19 : memref<6256x4xf32, #tpu.memory_space<hbm>>) dst(%dma_wait3A_17 : memref<6256x4xf32, #tpu.memory_space<vmem_shared>>)
      tpu.yield
    }) : () -> ()
    "tpu.region"() ({
      %run_scoped3A = tpu.sem_alloc : memref<!tpu.dma_semaphore, #tpu.memory_space<semaphore_mem>>
      %dma_start3A = arith.constant 0 : i32
      %dma_start3A_14 = tpu.memref_slice %arg11[%mul3A_0, %dma_start3A] : memref<100096x4xf32, #tpu.memory_space<vmem_shared>> -> memref<6256x4xf32, #tpu.memory_space<vmem_shared>>
      %dma_start3A_15 = arith.constant 0 : i32
      %dma_start3A_16 = tpu.memref_slice %arg3[%mul3A_0, %dma_start3A_15] : memref<100096x4xf32, #tpu.memory_space<hbm>> -> memref<6256x4xf32, #tpu.memory_space<hbm>>
      tpu.enqueue_dma source(%dma_start3A_16 : memref<6256x4xf32, #tpu.memory_space<hbm>>) target(%dma_start3A_14 : memref<6256x4xf32, #tpu.memory_space<vmem_shared>>) target_semaphore(%run_scoped3A : memref<!tpu.dma_semaphore, #tpu.memory_space<semaphore_mem>>)
      %dma_wait3A = arith.constant 0 : i32
      %dma_wait3A_17 = tpu.memref_slice %arg11[%mul3A_0, %dma_wait3A] : memref<100096x4xf32, #tpu.memory_space<vmem_shared>> -> memref<6256x4xf32, #tpu.memory_space<vmem_shared>>
      %dma_wait3A_18 = arith.constant 0 : i32
      %dma_wait3A_19 = tpu.memref_slice %arg3[%mul3A_0, %dma_wait3A_18] : memref<100096x4xf32, #tpu.memory_space<hbm>> -> memref<6256x4xf32, #tpu.memory_space<hbm>>
      tpu.wait_dma2 semaphore(%run_scoped3A : memref<!tpu.dma_semaphore, #tpu.memory_space<semaphore_mem>>) src(%dma_wait3A_19 : memref<6256x4xf32, #tpu.memory_space<hbm>>) dst(%dma_wait3A_17 : memref<6256x4xf32, #tpu.memory_space<vmem_shared>>)
      tpu.yield
    }) : () -> ()
    %barrier3A = arith.constant 0 : index
    tpu.barrier barrier_id(%barrier3A)
    %mul3A_1 = arith.constant 16 : i32
    %mul3A_2 = arith.muli %arg0, %mul3A_1 : i32
    %add3A = arith.addi %mul3A_2, %arg1 : i32
    %mul3A_3 = arith.constant 1568 : i32
    %mul3A_4 = arith.muli %add3A, %mul3A_3 : i32
    %scan3A = arith.constant 0 : i32
    %scan3A_5 = arith.constant 0 : i32
    %scan3A_6 = arith.constant 196 : i32
    %scan3A_7 = arith.addi %scan3A_5, %scan3A_6 : i32
    %scan3A_8 = arith.constant 1 : i32
    scf.for %scan3A_14 = %scan3A_5 to %scan3A_7 step %scan3A_8  : i32 {
      %mul3A_15 = arith.constant 8 : i32
      %mul3A_16 = arith.muli %scan3A_14, %mul3A_15 : i32
      %add3A_17 = arith.addi %mul3A_4, %mul3A_16 : i32
      "tpu.region"() ({
        %run_scoped3A_49 = tpu.sem_alloc : memref<!tpu.dma_semaphore, #tpu.memory_space<semaphore_mem>>
        %dma_start3A = arith.constant 0 : i32
        %dma_start3A_50 = tpu.memref_slice %arg4[%add3A_17, %dma_start3A] : memref<50176x128xi32, #tpu.memory_space<hbm>> -> memref<8x128xi32, #tpu.memory_space<hbm>>
        %dma_start3A_51 = arith.constant 0 : i32
        %dma_start3A_52 = tpu.memref_slice %arg4[%add3A_17, %dma_start3A_51] : memref<50176x128xi32, #tpu.memory_space<hbm>> -> memref<8x128xi32, #tpu.memory_space<hbm>>
        tpu.enqueue_dma source(%dma_start3A_52 : memref<8x128xi32, #tpu.memory_space<hbm>>) target(%arg7 : memref<8x128xi32, #tpu.memory_space<vmem>>) target_semaphore(%run_scoped3A_49 : memref<!tpu.dma_semaphore, #tpu.memory_space<semaphore_mem>>)
        %dma_wait3A = arith.constant 0 : i32
        %dma_wait3A_53 = tpu.memref_slice %arg4[%add3A_17, %dma_wait3A] : memref<50176x128xi32, #tpu.memory_space<hbm>> -> memref<8x128xi32, #tpu.memory_space<hbm>>
        %dma_wait3A_54 = arith.constant 0 : i32
        %dma_wait3A_55 = tpu.memref_slice %arg4[%add3A_17, %dma_wait3A_54] : memref<50176x128xi32, #tpu.memory_space<hbm>> -> memref<8x128xi32, #tpu.memory_space<hbm>>
        tpu.wait_dma2 semaphore(%run_scoped3A_49 : memref<!tpu.dma_semaphore, #tpu.memory_space<semaphore_mem>>) src(%dma_wait3A_55 : memref<8x128xi32, #tpu.memory_space<hbm>>) dst(%arg7 : memref<8x128xi32, #tpu.memory_space<vmem>>)
        tpu.yield
      }) : () -> ()
      "tpu.region"() ({
        %run_scoped3A_49 = tpu.sem_alloc : memref<!tpu.dma_semaphore, #tpu.memory_space<semaphore_mem>>
        %dma_start3A = arith.constant 0 : i32
        %dma_start3A_50 = tpu.memref_slice %arg5[%add3A_17, %dma_start3A] : memref<50176x128xi32, #tpu.memory_space<hbm>> -> memref<8x128xi32, #tpu.memory_space<hbm>>
        %dma_start3A_51 = arith.constant 0 : i32
        %dma_start3A_52 = tpu.memref_slice %arg5[%add3A_17, %dma_start3A_51] : memref<50176x128xi32, #tpu.memory_space<hbm>> -> memref<8x128xi32, #tpu.memory_space<hbm>>
        tpu.enqueue_dma source(%dma_start3A_52 : memref<8x128xi32, #tpu.memory_space<hbm>>) target(%arg8 : memref<8x128xi32, #tpu.memory_space<vmem>>) target_semaphore(%run_scoped3A_49 : memref<!tpu.dma_semaphore, #tpu.memory_space<semaphore_mem>>)
        %dma_wait3A = arith.constant 0 : i32
        %dma_wait3A_53 = tpu.memref_slice %arg5[%add3A_17, %dma_wait3A] : memref<50176x128xi32, #tpu.memory_space<hbm>> -> memref<8x128xi32, #tpu.memory_space<hbm>>
        %dma_wait3A_54 = arith.constant 0 : i32
        %dma_wait3A_55 = tpu.memref_slice %arg5[%add3A_17, %dma_wait3A_54] : memref<50176x128xi32, #tpu.memory_space<hbm>> -> memref<8x128xi32, #tpu.memory_space<hbm>>
        tpu.wait_dma2 semaphore(%run_scoped3A_49 : memref<!tpu.dma_semaphore, #tpu.memory_space<semaphore_mem>>) src(%dma_wait3A_55 : memref<8x128xi32, #tpu.memory_space<hbm>>) dst(%arg8 : memref<8x128xi32, #tpu.memory_space<vmem>>)
        tpu.yield
      }) : () -> ()
      %run_scoped3A = arith.constant 0 : i32
      %run_scoped3A_18 = arith.constant 0 : i32
      "tpu.region"() ({
        %run_scoped3A_49 = tpu.sem_alloc : memref<!tpu.dma_semaphore, #tpu.memory_space<semaphore_mem>>
        %dma_start3A = arith.constant 0 : i32
        %dma_start3A_50 = arith.constant 0 : i32
        %dma_start3A_51 = tpu.memref_slice %arg9[%run_scoped3A_18, %dma_start3A, %dma_start3A_50] : memref<8x128x4xf32, #tpu.memory_space<vmem>> -> memref<1x128x4xf32, #tpu.memory_space<vmem>>
        %dma_start3A_52 = tpu.memref_squeeze %dma_start3A_51 : memref<1x128x4xf32, #tpu.memory_space<vmem>> -> memref<128x4xf32, #tpu.memory_space<vmem>>
        %dma_start3A_53 = arith.constant 0 : i32
        %dma_start3A_54 = tpu.memref_slice %arg7[%run_scoped3A, %dma_start3A_53] : memref<8x128xi32, #tpu.memory_space<vmem>> -> memref<1x128xi32, #tpu.memory_space<vmem>>
        %dma_start3A_55 = tpu.memref_squeeze %dma_start3A_54 : memref<1x128xi32, #tpu.memory_space<vmem>> -> memref<128xi32, #tpu.memory_space<vmem>>
        %dma_start3A_56 = arith.constant 0 : i32
        %dma_start3A_57 = arith.constant 0 : i32
        %dma_start3A_58 = tpu.memref_slice %arg10[%dma_start3A_56, %dma_start3A_57] : memref<100096x4xf32, #tpu.memory_space<vmem_shared>> -> memref<100096x4xf32, #tpu.memory_space<vmem_shared>>
        tpu.enqueue_indirect_dma source(%dma_start3A_58 : memref<100096x4xf32, #tpu.memory_space<vmem_shared>>) target(%dma_start3A_52 : memref<128x4xf32, #tpu.memory_space<vmem>>) offsets(%dma_start3A_55 : memref<128xi32, #tpu.memory_space<vmem>>) semaphore(%run_scoped3A_49 : memref<!tpu.dma_semaphore, #tpu.memory_space<semaphore_mem>>)
        %dma_wait3A = arith.constant 0 : i32
        %dma_wait3A_59 = arith.constant 0 : i32
        %dma_wait3A_60 = tpu.memref_slice %arg9[%run_scoped3A_18, %dma_wait3A, %dma_wait3A_59] : memref<8x128x4xf32, #tpu.memory_space<vmem>> -> memref<1x128x4xf32, #tpu.memory_space<vmem>>
        %dma_wait3A_61 = tpu.memref_squeeze %dma_wait3A_60 : memref<1x128x4xf32, #tpu.memory_space<vmem>> -> memref<128x4xf32, #tpu.memory_space<vmem>>
        %dma_wait3A_62 = arith.constant 0 : i32
        %dma_wait3A_63 = tpu.memref_slice %arg7[%run_scoped3A, %dma_wait3A_62] : memref<8x128xi32, #tpu.memory_space<vmem>> -> memref<1x128xi32, #tpu.memory_space<vmem>>
        %dma_wait3A_64 = tpu.memref_squeeze %dma_wait3A_63 : memref<1x128xi32, #tpu.memory_space<vmem>> -> memref<128xi32, #tpu.memory_space<vmem>>
        %dma_wait3A_65 = arith.constant 0 : i32
        %dma_wait3A_66 = arith.constant 0 : i32
        %dma_wait3A_67 = tpu.memref_slice %arg10[%dma_wait3A_65, %dma_wait3A_66] : memref<100096x4xf32, #tpu.memory_space<vmem_shared>> -> memref<100096x4xf32, #tpu.memory_space<vmem_shared>>
        tpu.wait_indirect_dma semaphore(%run_scoped3A_49 : memref<!tpu.dma_semaphore, #tpu.memory_space<semaphore_mem>>) src(%dma_wait3A_67 : memref<100096x4xf32, #tpu.memory_space<vmem_shared>>) dst(%dma_wait3A_61 : memref<128x4xf32, #tpu.memory_space<vmem>>)
        tpu.yield
      }) : () -> ()
      %run_scoped3A_19 = arith.constant 0 : i32
      %run_scoped3A_20 = arith.constant 0 : i32
      "tpu.region"() ({
        %run_scoped3A_49 = tpu.sem_alloc : memref<!tpu.dma_semaphore, #tpu.memory_space<semaphore_mem>>
        %dma_start3A = arith.constant 0 : i32
        %dma_start3A_50 = arith.constant 0 : i32
        %dma_start3A_51 = tpu.memref_slice %arg9[%run_scoped3A_19, %dma_start3A, %dma_start3A_50] : memref<8x128x4xf32, #tpu.memory_space<vmem>> -> memref<1x128x4xf32, #tpu.memory_space<vmem>>
        %dma_start3A_52 = tpu.memref_squeeze %dma_start3A_51 : memref<1x128x4xf32, #tpu.memory_space<vmem>> -> memref<128x4xf32, #tpu.memory_space<vmem>>
        %dma_start3A_53 = arith.constant 0 : i32
        %dma_start3A_54 = tpu.memref_slice %arg8[%run_scoped3A_20, %dma_start3A_53] : memref<8x128xi32, #tpu.memory_space<vmem>> -> memref<1x128xi32, #tpu.memory_space<vmem>>
        %dma_start3A_55 = tpu.memref_squeeze %dma_start3A_54 : memref<1x128xi32, #tpu.memory_space<vmem>> -> memref<128xi32, #tpu.memory_space<vmem>>
        %dma_start3A_56 = arith.constant 0 : i32
        %dma_start3A_57 = arith.constant 0 : i32
        %dma_start3A_58 = tpu.memref_slice %arg11[%dma_start3A_56, %dma_start3A_57] : memref<100096x4xf32, #tpu.memory_space<vmem_shared>> -> memref<100096x4xf32, #tpu.memory_space<vmem_shared>>
        tpu.enqueue_indirect_dma source(%dma_start3A_52 : memref<128x4xf32, #tpu.memory_space<vmem>>) target(%dma_start3A_58 : memref<100096x4xf32, #tpu.memory_space<vmem_shared>>) offsets(%dma_start3A_55 : memref<128xi32, #tpu.memory_space<vmem>>) semaphore(%run_scoped3A_49 : memref<!tpu.dma_semaphore, #tpu.memory_space<semaphore_mem>>) {add = true}
        %dma_wait3A = arith.constant 0 : i32
        %dma_wait3A_59 = arith.constant 0 : i32
        %dma_wait3A_60 = tpu.memref_slice %arg9[%run_scoped3A_19, %dma_wait3A, %dma_wait3A_59] : memref<8x128x4xf32, #tpu.memory_space<vmem>> -> memref<1x128x4xf32, #tpu.memory_space<vmem>>
        %dma_wait3A_61 = tpu.memref_squeeze %dma_wait3A_60 : memref<1x128x4xf32, #tpu.memory_space<vmem>> -> memref<128x4xf32, #tpu.memory_space<vmem>>
        %dma_wait3A_62 = arith.constant 0 : i32
        %dma_wait3A_63 = tpu.memref_slice %arg8[%run_scoped3A_20, %dma_wait3A_62] : memref<8x128xi32, #tpu.memory_space<vmem>> -> memref<1x128xi32, #tpu.memory_space<vmem>>
        %dma_wait3A_64 = tpu.memref_squeeze %dma_wait3A_63 : memref<1x128xi32, #tpu.memory_space<vmem>> -> memref<128xi32, #tpu.memory_space<vmem>>
        %dma_wait3A_65 = arith.constant 0 : i32
        %dma_wait3A_66 = arith.constant 0 : i32
        %dma_wait3A_67 = tpu.memref_slice %arg11[%dma_wait3A_65, %dma_wait3A_66] : memref<100096x4xf32, #tpu.memory_space<vmem_shared>> -> memref<100096x4xf32, #tpu.memory_space<vmem_shared>>
        tpu.wait_indirect_dma semaphore(%run_scoped3A_49 : memref<!tpu.dma_semaphore, #tpu.memory_space<semaphore_mem>>) src(%dma_wait3A_61 : memref<128x4xf32, #tpu.memory_space<vmem>>) dst(%dma_wait3A_67 : memref<100096x4xf32, #tpu.memory_space<vmem_shared>>)
        tpu.yield
      }) : () -> ()
      %run_scoped3A_21 = arith.constant 1 : i32
      %run_scoped3A_22 = arith.constant 1 : i32
      "tpu.region"() ({
        %run_scoped3A_49 = tpu.sem_alloc : memref<!tpu.dma_semaphore, #tpu.memory_space<semaphore_mem>>
        %dma_start3A = arith.constant 0 : i32
        %dma_start3A_50 = arith.constant 0 : i32
        %dma_start3A_51 = tpu.memref_slice %arg9[%run_scoped3A_22, %dma_start3A, %dma_start3A_50] : memref<8x128x4xf32, #tpu.memory_space<vmem>> -> memref<1x128x4xf32, #tpu.memory_space<vmem>>
        %dma_start3A_52 = tpu.memref_squeeze %dma_start3A_51 : memref<1x128x4xf32, #tpu.memory_space<vmem>> -> memref<128x4xf32, #tpu.memory_space<vmem>>
        %dma_start3A_53 = arith.constant 0 : i32
        %dma_start3A_54 = tpu.memref_slice %arg7[%run_scoped3A_21, %dma_start3A_53] : memref<8x128xi32, #tpu.memory_space<vmem>> -> memref<1x128xi32, #tpu.memory_space<vmem>>
        %dma_start3A_55 = tpu.memref_squeeze %dma_start3A_54 : memref<1x128xi32, #tpu.memory_space<vmem>> -> memref<128xi32, #tpu.memory_space<vmem>>
        %dma_start3A_56 = arith.constant 0 : i32
        %dma_start3A_57 = arith.constant 0 : i32
        %dma_start3A_58 = tpu.memref_slice %arg10[%dma_start3A_56, %dma_start3A_57] : memref<100096x4xf32, #tpu.memory_space<vmem_shared>> -> memref<100096x4xf32, #tpu.memory_space<vmem_shared>>
        tpu.enqueue_indirect_dma source(%dma_start3A_58 : memref<100096x4xf32, #tpu.memory_space<vmem_shared>>) target(%dma_start3A_52 : memref<128x4xf32, #tpu.memory_space<vmem>>) offsets(%dma_start3A_55 : memref<128xi32, #tpu.memory_space<vmem>>) semaphore(%run_scoped3A_49 : memref<!tpu.dma_semaphore, #tpu.memory_space<semaphore_mem>>)
        %dma_wait3A = arith.constant 0 : i32
        %dma_wait3A_59 = arith.constant 0 : i32
        %dma_wait3A_60 = tpu.memref_slice %arg9[%run_scoped3A_22, %dma_wait3A, %dma_wait3A_59] : memref<8x128x4xf32, #tpu.memory_space<vmem>> -> memref<1x128x4xf32, #tpu.memory_space<vmem>>
        %dma_wait3A_61 = tpu.memref_squeeze %dma_wait3A_60 : memref<1x128x4xf32, #tpu.memory_space<vmem>> -> memref<128x4xf32, #tpu.memory_space<vmem>>
        %dma_wait3A_62 = arith.constant 0 : i32
        %dma_wait3A_63 = tpu.memref_slice %arg7[%run_scoped3A_21, %dma_wait3A_62] : memref<8x128xi32, #tpu.memory_space<vmem>> -> memref<1x128xi32, #tpu.memory_space<vmem>>
        %dma_wait3A_64 = tpu.memref_squeeze %dma_wait3A_63 : memref<1x128xi32, #tpu.memory_space<vmem>> -> memref<128xi32, #tpu.memory_space<vmem>>
        %dma_wait3A_65 = arith.constant 0 : i32
        %dma_wait3A_66 = arith.constant 0 : i32
        %dma_wait3A_67 = tpu.memref_slice %arg10[%dma_wait3A_65, %dma_wait3A_66] : memref<100096x4xf32, #tpu.memory_space<vmem_shared>> -> memref<100096x4xf32, #tpu.memory_space<vmem_shared>>
        tpu.wait_indirect_dma semaphore(%run_scoped3A_49 : memref<!tpu.dma_semaphore, #tpu.memory_space<semaphore_mem>>) src(%dma_wait3A_67 : memref<100096x4xf32, #tpu.memory_space<vmem_shared>>) dst(%dma_wait3A_61 : memref<128x4xf32, #tpu.memory_space<vmem>>)
        tpu.yield
      }) : () -> ()
      %run_scoped3A_23 = arith.constant 1 : i32
      %run_scoped3A_24 = arith.constant 1 : i32
      "tpu.region"() ({
        %run_scoped3A_49 = tpu.sem_alloc : memref<!tpu.dma_semaphore, #tpu.memory_space<semaphore_mem>>
        %dma_start3A = arith.constant 0 : i32
        %dma_start3A_50 = arith.constant 0 : i32
        %dma_start3A_51 = tpu.memref_slice %arg9[%run_scoped3A_23, %dma_start3A, %dma_start3A_50] : memref<8x128x4xf32, #tpu.memory_space<vmem>> -> memref<1x128x4xf32, #tpu.memory_space<vmem>>
        %dma_start3A_52 = tpu.memref_squeeze %dma_start3A_51 : memref<1x128x4xf32, #tpu.memory_space<vmem>> -> memref<128x4xf32, #tpu.memory_space<vmem>>
        %dma_start3A_53 = arith.constant 0 : i32
        %dma_start3A_54 = tpu.memref_slice %arg8[%run_scoped3A_24, %dma_start3A_53] : memref<8x128xi32, #tpu.memory_space<vmem>> -> memref<1x128xi32, #tpu.memory_space<vmem>>
        %dma_start3A_55 = tpu.memref_squeeze %dma_start3A_54 : memref<1x128xi32, #tpu.memory_space<vmem>> -> memref<128xi32, #tpu.memory_space<vmem>>
        %dma_start3A_56 = arith.constant 0 : i32
        %dma_start3A_57 = arith.constant 0 : i32
        %dma_start3A_58 = tpu.memref_slice %arg11[%dma_start3A_56, %dma_start3A_57] : memref<100096x4xf32, #tpu.memory_space<vmem_shared>> -> memref<100096x4xf32, #tpu.memory_space<vmem_shared>>
        tpu.enqueue_indirect_dma source(%dma_start3A_52 : memref<128x4xf32, #tpu.memory_space<vmem>>) target(%dma_start3A_58 : memref<100096x4xf32, #tpu.memory_space<vmem_shared>>) offsets(%dma_start3A_55 : memref<128xi32, #tpu.memory_space<vmem>>) semaphore(%run_scoped3A_49 : memref<!tpu.dma_semaphore, #tpu.memory_space<semaphore_mem>>) {add = true}
        %dma_wait3A = arith.constant 0 : i32
        %dma_wait3A_59 = arith.constant 0 : i32
        %dma_wait3A_60 = tpu.memref_slice %arg9[%run_scoped3A_23, %dma_wait3A, %dma_wait3A_59] : memref<8x128x4xf32, #tpu.memory_space<vmem>> -> memref<1x128x4xf32, #tpu.memory_space<vmem>>
        %dma_wait3A_61 = tpu.memref_squeeze %dma_wait3A_60 : memref<1x128x4xf32, #tpu.memory_space<vmem>> -> memref<128x4xf32, #tpu.memory_space<vmem>>
        %dma_wait3A_62 = arith.constant 0 : i32
        %dma_wait3A_63 = tpu.memref_slice %arg8[%run_scoped3A_24, %dma_wait3A_62] : memref<8x128xi32, #tpu.memory_space<vmem>> -> memref<1x128xi32, #tpu.memory_space<vmem>>
        %dma_wait3A_64 = tpu.memref_squeeze %dma_wait3A_63 : memref<1x128xi32, #tpu.memory_space<vmem>> -> memref<128xi32, #tpu.memory_space<vmem>>
        %dma_wait3A_65 = arith.constant 0 : i32
        %dma_wait3A_66 = arith.constant 0 : i32
        %dma_wait3A_67 = tpu.memref_slice %arg11[%dma_wait3A_65, %dma_wait3A_66] : memref<100096x4xf32, #tpu.memory_space<vmem_shared>> -> memref<100096x4xf32, #tpu.memory_space<vmem_shared>>
        tpu.wait_indirect_dma semaphore(%run_scoped3A_49 : memref<!tpu.dma_semaphore, #tpu.memory_space<semaphore_mem>>) src(%dma_wait3A_61 : memref<128x4xf32, #tpu.memory_space<vmem>>) dst(%dma_wait3A_67 : memref<100096x4xf32, #tpu.memory_space<vmem_shared>>)
        tpu.yield
      }) : () -> ()
      %run_scoped3A_25 = arith.constant 2 : i32
      %run_scoped3A_26 = arith.constant 2 : i32
      "tpu.region"() ({
        %run_scoped3A_49 = tpu.sem_alloc : memref<!tpu.dma_semaphore, #tpu.memory_space<semaphore_mem>>
        %dma_start3A = arith.constant 0 : i32
        %dma_start3A_50 = arith.constant 0 : i32
        %dma_start3A_51 = tpu.memref_slice %arg9[%run_scoped3A_26, %dma_start3A, %dma_start3A_50] : memref<8x128x4xf32, #tpu.memory_space<vmem>> -> memref<1x128x4xf32, #tpu.memory_space<vmem>>
        %dma_start3A_52 = tpu.memref_squeeze %dma_start3A_51 : memref<1x128x4xf32, #tpu.memory_space<vmem>> -> memref<128x4xf32, #tpu.memory_space<vmem>>
        %dma_start3A_53 = arith.constant 0 : i32
        %dma_start3A_54 = tpu.memref_slice %arg7[%run_scoped3A_25, %dma_start3A_53] : memref<8x128xi32, #tpu.memory_space<vmem>> -> memref<1x128xi32, #tpu.memory_space<vmem>>
        %dma_start3A_55 = tpu.memref_squeeze %dma_start3A_54 : memref<1x128xi32, #tpu.memory_space<vmem>> -> memref<128xi32, #tpu.memory_space<vmem>>
        %dma_start3A_56 = arith.constant 0 : i32
        %dma_start3A_57 = arith.constant 0 : i32
        %dma_start3A_58 = tpu.memref_slice %arg10[%dma_start3A_56, %dma_start3A_57] : memref<100096x4xf32, #tpu.memory_space<vmem_shared>> -> memref<100096x4xf32, #tpu.memory_space<vmem_shared>>
        tpu.enqueue_indirect_dma source(%dma_start3A_58 : memref<100096x4xf32, #tpu.memory_space<vmem_shared>>) target(%dma_start3A_52 : memref<128x4xf32, #tpu.memory_space<vmem>>) offsets(%dma_start3A_55 : memref<128xi32, #tpu.memory_space<vmem>>) semaphore(%run_scoped3A_49 : memref<!tpu.dma_semaphore, #tpu.memory_space<semaphore_mem>>)
        %dma_wait3A = arith.constant 0 : i32
        %dma_wait3A_59 = arith.constant 0 : i32
        %dma_wait3A_60 = tpu.memref_slice %arg9[%run_scoped3A_26, %dma_wait3A, %dma_wait3A_59] : memref<8x128x4xf32, #tpu.memory_space<vmem>> -> memref<1x128x4xf32, #tpu.memory_space<vmem>>
        %dma_wait3A_61 = tpu.memref_squeeze %dma_wait3A_60 : memref<1x128x4xf32, #tpu.memory_space<vmem>> -> memref<128x4xf32, #tpu.memory_space<vmem>>
        %dma_wait3A_62 = arith.constant 0 : i32
        %dma_wait3A_63 = tpu.memref_slice %arg7[%run_scoped3A_25, %dma_wait3A_62] : memref<8x128xi32, #tpu.memory_space<vmem>> -> memref<1x128xi32, #tpu.memory_space<vmem>>
        %dma_wait3A_64 = tpu.memref_squeeze %dma_wait3A_63 : memref<1x128xi32, #tpu.memory_space<vmem>> -> memref<128xi32, #tpu.memory_space<vmem>>
        %dma_wait3A_65 = arith.constant 0 : i32
        %dma_wait3A_66 = arith.constant 0 : i32
        %dma_wait3A_67 = tpu.memref_slice %arg10[%dma_wait3A_65, %dma_wait3A_66] : memref<100096x4xf32, #tpu.memory_space<vmem_shared>> -> memref<100096x4xf32, #tpu.memory_space<vmem_shared>>
        tpu.wait_indirect_dma semaphore(%run_scoped3A_49 : memref<!tpu.dma_semaphore, #tpu.memory_space<semaphore_mem>>) src(%dma_wait3A_67 : memref<100096x4xf32, #tpu.memory_space<vmem_shared>>) dst(%dma_wait3A_61 : memref<128x4xf32, #tpu.memory_space<vmem>>)
        tpu.yield
      }) : () -> ()
      %run_scoped3A_27 = arith.constant 2 : i32
      %run_scoped3A_28 = arith.constant 2 : i32
      "tpu.region"() ({
        %run_scoped3A_49 = tpu.sem_alloc : memref<!tpu.dma_semaphore, #tpu.memory_space<semaphore_mem>>
        %dma_start3A = arith.constant 0 : i32
        %dma_start3A_50 = arith.constant 0 : i32
        %dma_start3A_51 = tpu.memref_slice %arg9[%run_scoped3A_27, %dma_start3A, %dma_start3A_50] : memref<8x128x4xf32, #tpu.memory_space<vmem>> -> memref<1x128x4xf32, #tpu.memory_space<vmem>>
        %dma_start3A_52 = tpu.memref_squeeze %dma_start3A_51 : memref<1x128x4xf32, #tpu.memory_space<vmem>> -> memref<128x4xf32, #tpu.memory_space<vmem>>
        %dma_start3A_53 = arith.constant 0 : i32
        %dma_start3A_54 = tpu.memref_slice %arg8[%run_scoped3A_28, %dma_start3A_53] : memref<8x128xi32, #tpu.memory_space<vmem>> -> memref<1x128xi32, #tpu.memory_space<vmem>>
        %dma_start3A_55 = tpu.memref_squeeze %dma_start3A_54 : memref<1x128xi32, #tpu.memory_space<vmem>> -> memref<128xi32, #tpu.memory_space<vmem>>
        %dma_start3A_56 = arith.constant 0 : i32
        %dma_start3A_57 = arith.constant 0 : i32
        %dma_start3A_58 = tpu.memref_slice %arg11[%dma_start3A_56, %dma_start3A_57] : memref<100096x4xf32, #tpu.memory_space<vmem_shared>> -> memref<100096x4xf32, #tpu.memory_space<vmem_shared>>
        tpu.enqueue_indirect_dma source(%dma_start3A_52 : memref<128x4xf32, #tpu.memory_space<vmem>>) target(%dma_start3A_58 : memref<100096x4xf32, #tpu.memory_space<vmem_shared>>) offsets(%dma_start3A_55 : memref<128xi32, #tpu.memory_space<vmem>>) semaphore(%run_scoped3A_49 : memref<!tpu.dma_semaphore, #tpu.memory_space<semaphore_mem>>) {add = true}
        %dma_wait3A = arith.constant 0 : i32
        %dma_wait3A_59 = arith.constant 0 : i32
        %dma_wait3A_60 = tpu.memref_slice %arg9[%run_scoped3A_27, %dma_wait3A, %dma_wait3A_59] : memref<8x128x4xf32, #tpu.memory_space<vmem>> -> memref<1x128x4xf32, #tpu.memory_space<vmem>>
        %dma_wait3A_61 = tpu.memref_squeeze %dma_wait3A_60 : memref<1x128x4xf32, #tpu.memory_space<vmem>> -> memref<128x4xf32, #tpu.memory_space<vmem>>
        %dma_wait3A_62 = arith.constant 0 : i32
        %dma_wait3A_63 = tpu.memref_slice %arg8[%run_scoped3A_28, %dma_wait3A_62] : memref<8x128xi32, #tpu.memory_space<vmem>> -> memref<1x128xi32, #tpu.memory_space<vmem>>
        %dma_wait3A_64 = tpu.memref_squeeze %dma_wait3A_63 : memref<1x128xi32, #tpu.memory_space<vmem>> -> memref<128xi32, #tpu.memory_space<vmem>>
        %dma_wait3A_65 = arith.constant 0 : i32
        %dma_wait3A_66 = arith.constant 0 : i32
        %dma_wait3A_67 = tpu.memref_slice %arg11[%dma_wait3A_65, %dma_wait3A_66] : memref<100096x4xf32, #tpu.memory_space<vmem_shared>> -> memref<100096x4xf32, #tpu.memory_space<vmem_shared>>
        tpu.wait_indirect_dma semaphore(%run_scoped3A_49 : memref<!tpu.dma_semaphore, #tpu.memory_space<semaphore_mem>>) src(%dma_wait3A_61 : memref<128x4xf32, #tpu.memory_space<vmem>>) dst(%dma_wait3A_67 : memref<100096x4xf32, #tpu.memory_space<vmem_shared>>)
        tpu.yield
      }) : () -> ()
      %run_scoped3A_29 = arith.constant 3 : i32
      %run_scoped3A_30 = arith.constant 3 : i32
      "tpu.region"() ({
        %run_scoped3A_49 = tpu.sem_alloc : memref<!tpu.dma_semaphore, #tpu.memory_space<semaphore_mem>>
        %dma_start3A = arith.constant 0 : i32
        %dma_start3A_50 = arith.constant 0 : i32
        %dma_start3A_51 = tpu.memref_slice %arg9[%run_scoped3A_30, %dma_start3A, %dma_start3A_50] : memref<8x128x4xf32, #tpu.memory_space<vmem>> -> memref<1x128x4xf32, #tpu.memory_space<vmem>>
        %dma_start3A_52 = tpu.memref_squeeze %dma_start3A_51 : memref<1x128x4xf32, #tpu.memory_space<vmem>> -> memref<128x4xf32, #tpu.memory_space<vmem>>
        %dma_start3A_53 = arith.constant 0 : i32
        %dma_start3A_54 = tpu.memref_slice %arg7[%run_scoped3A_29, %dma_start3A_53] : memref<8x128xi32, #tpu.memory_space<vmem>> -> memref<1x128xi32, #tpu.memory_space<vmem>>
        %dma_start3A_55 = tpu.memref_squeeze %dma_start3A_54 : memref<1x128xi32, #tpu.memory_space<vmem>> -> memref<128xi32, #tpu.memory_space<vmem>>
        %dma_start3A_56 = arith.constant 0 : i32
        %dma_start3A_57 = arith.constant 0 : i32
        %dma_start3A_58 = tpu.memref_slice %arg10[%dma_start3A_56, %dma_start3A_57] : memref<100096x4xf32, #tpu.memory_space<vmem_shared>> -> memref<100096x4xf32, #tpu.memory_space<vmem_shared>>
        tpu.enqueue_indirect_dma source(%dma_start3A_58 : memref<100096x4xf32, #tpu.memory_space<vmem_shared>>) target(%dma_start3A_52 : memref<128x4xf32, #tpu.memory_space<vmem>>) offsets(%dma_start3A_55 : memref<128xi32, #tpu.memory_space<vmem>>) semaphore(%run_scoped3A_49 : memref<!tpu.dma_semaphore, #tpu.memory_space<semaphore_mem>>)
        %dma_wait3A = arith.constant 0 : i32
        %dma_wait3A_59 = arith.constant 0 : i32
        %dma_wait3A_60 = tpu.memref_slice %arg9[%run_scoped3A_30, %dma_wait3A, %dma_wait3A_59] : memref<8x128x4xf32, #tpu.memory_space<vmem>> -> memref<1x128x4xf32, #tpu.memory_space<vmem>>
        %dma_wait3A_61 = tpu.memref_squeeze %dma_wait3A_60 : memref<1x128x4xf32, #tpu.memory_space<vmem>> -> memref<128x4xf32, #tpu.memory_space<vmem>>
        %dma_wait3A_62 = arith.constant 0 : i32
        %dma_wait3A_63 = tpu.memref_slice %arg7[%run_scoped3A_29, %dma_wait3A_62] : memref<8x128xi32, #tpu.memory_space<vmem>> -> memref<1x128xi32, #tpu.memory_space<vmem>>
        %dma_wait3A_64 = tpu.memref_squeeze %dma_wait3A_63 : memref<1x128xi32, #tpu.memory_space<vmem>> -> memref<128xi32, #tpu.memory_space<vmem>>
        %dma_wait3A_65 = arith.constant 0 : i32
        %dma_wait3A_66 = arith.constant 0 : i32
        %dma_wait3A_67 = tpu.memref_slice %arg10[%dma_wait3A_65, %dma_wait3A_66] : memref<100096x4xf32, #tpu.memory_space<vmem_shared>> -> memref<100096x4xf32, #tpu.memory_space<vmem_shared>>
        tpu.wait_indirect_dma semaphore(%run_scoped3A_49 : memref<!tpu.dma_semaphore, #tpu.memory_space<semaphore_mem>>) src(%dma_wait3A_67 : memref<100096x4xf32, #tpu.memory_space<vmem_shared>>) dst(%dma_wait3A_61 : memref<128x4xf32, #tpu.memory_space<vmem>>)
        tpu.yield
      }) : () -> ()
      %run_scoped3A_31 = arith.constant 3 : i32
      %run_scoped3A_32 = arith.constant 3 : i32
      "tpu.region"() ({
        %run_scoped3A_49 = tpu.sem_alloc : memref<!tpu.dma_semaphore, #tpu.memory_space<semaphore_mem>>
        %dma_start3A = arith.constant 0 : i32
        %dma_start3A_50 = arith.constant 0 : i32
        %dma_start3A_51 = tpu.memref_slice %arg9[%run_scoped3A_31, %dma_start3A, %dma_start3A_50] : memref<8x128x4xf32, #tpu.memory_space<vmem>> -> memref<1x128x4xf32, #tpu.memory_space<vmem>>
        %dma_start3A_52 = tpu.memref_squeeze %dma_start3A_51 : memref<1x128x4xf32, #tpu.memory_space<vmem>> -> memref<128x4xf32, #tpu.memory_space<vmem>>
        %dma_start3A_53 = arith.constant 0 : i32
        %dma_start3A_54 = tpu.memref_slice %arg8[%run_scoped3A_32, %dma_start3A_53] : memref<8x128xi32, #tpu.memory_space<vmem>> -> memref<1x128xi32, #tpu.memory_space<vmem>>
        %dma_start3A_55 = tpu.memref_squeeze %dma_start3A_54 : memref<1x128xi32, #tpu.memory_space<vmem>> -> memref<128xi32, #tpu.memory_space<vmem>>
        %dma_start3A_56 = arith.constant 0 : i32
        %dma_start3A_57 = arith.constant 0 : i32
        %dma_start3A_58 = tpu.memref_slice %arg11[%dma_start3A_56, %dma_start3A_57] : memref<100096x4xf32, #tpu.memory_space<vmem_shared>> -> memref<100096x4xf32, #tpu.memory_space<vmem_shared>>
        tpu.enqueue_indirect_dma source(%dma_start3A_52 : memref<128x4xf32, #tpu.memory_space<vmem>>) target(%dma_start3A_58 : memref<100096x4xf32, #tpu.memory_space<vmem_shared>>) offsets(%dma_start3A_55 : memref<128xi32, #tpu.memory_space<vmem>>) semaphore(%run_scoped3A_49 : memref<!tpu.dma_semaphore, #tpu.memory_space<semaphore_mem>>) {add = true}
        %dma_wait3A = arith.constant 0 : i32
        %dma_wait3A_59 = arith.constant 0 : i32
        %dma_wait3A_60 = tpu.memref_slice %arg9[%run_scoped3A_31, %dma_wait3A, %dma_wait3A_59] : memref<8x128x4xf32, #tpu.memory_space<vmem>> -> memref<1x128x4xf32, #tpu.memory_space<vmem>>
        %dma_wait3A_61 = tpu.memref_squeeze %dma_wait3A_60 : memref<1x128x4xf32, #tpu.memory_space<vmem>> -> memref<128x4xf32, #tpu.memory_space<vmem>>
        %dma_wait3A_62 = arith.constant 0 : i32
        %dma_wait3A_63 = tpu.memref_slice %arg8[%run_scoped3A_32, %dma_wait3A_62] : memref<8x128xi32, #tpu.memory_space<vmem>> -> memref<1x128xi32, #tpu.memory_space<vmem>>
        %dma_wait3A_64 = tpu.memref_squeeze %dma_wait3A_63 : memref<1x128xi32, #tpu.memory_space<vmem>> -> memref<128xi32, #tpu.memory_space<vmem>>
        %dma_wait3A_65 = arith.constant 0 : i32
        %dma_wait3A_66 = arith.constant 0 : i32
        %dma_wait3A_67 = tpu.memref_slice %arg11[%dma_wait3A_65, %dma_wait3A_66] : memref<100096x4xf32, #tpu.memory_space<vmem_shared>> -> memref<100096x4xf32, #tpu.memory_space<vmem_shared>>
        tpu.wait_indirect_dma semaphore(%run_scoped3A_49 : memref<!tpu.dma_semaphore, #tpu.memory_space<semaphore_mem>>) src(%dma_wait3A_61 : memref<128x4xf32, #tpu.memory_space<vmem>>) dst(%dma_wait3A_67 : memref<100096x4xf32, #tpu.memory_space<vmem_shared>>)
        tpu.yield
      }) : () -> ()
      %run_scoped3A_33 = arith.constant 4 : i32
      %run_scoped3A_34 = arith.constant 4 : i32
      "tpu.region"() ({
        %run_scoped3A_49 = tpu.sem_alloc : memref<!tpu.dma_semaphore, #tpu.memory_space<semaphore_mem>>
        %dma_start3A = arith.constant 0 : i32
        %dma_start3A_50 = arith.constant 0 : i32
        %dma_start3A_51 = tpu.memref_slice %arg9[%run_scoped3A_34, %dma_start3A, %dma_start3A_50] : memref<8x128x4xf32, #tpu.memory_space<vmem>> -> memref<1x128x4xf32, #tpu.memory_space<vmem>>
        %dma_start3A_52 = tpu.memref_squeeze %dma_start3A_51 : memref<1x128x4xf32, #tpu.memory_space<vmem>> -> memref<128x4xf32, #tpu.memory_space<vmem>>
        %dma_start3A_53 = arith.constant 0 : i32
        %dma_start3A_54 = tpu.memref_slice %arg7[%run_scoped3A_33, %dma_start3A_53] : memref<8x128xi32, #tpu.memory_space<vmem>> -> memref<1x128xi32, #tpu.memory_space<vmem>>
        %dma_start3A_55 = tpu.memref_squeeze %dma_start3A_54 : memref<1x128xi32, #tpu.memory_space<vmem>> -> memref<128xi32, #tpu.memory_space<vmem>>
        %dma_start3A_56 = arith.constant 0 : i32
        %dma_start3A_57 = arith.constant 0 : i32
        %dma_start3A_58 = tpu.memref_slice %arg10[%dma_start3A_56, %dma_start3A_57] : memref<100096x4xf32, #tpu.memory_space<vmem_shared>> -> memref<100096x4xf32, #tpu.memory_space<vmem_shared>>
        tpu.enqueue_indirect_dma source(%dma_start3A_58 : memref<100096x4xf32, #tpu.memory_space<vmem_shared>>) target(%dma_start3A_52 : memref<128x4xf32, #tpu.memory_space<vmem>>) offsets(%dma_start3A_55 : memref<128xi32, #tpu.memory_space<vmem>>) semaphore(%run_scoped3A_49 : memref<!tpu.dma_semaphore, #tpu.memory_space<semaphore_mem>>)
        %dma_wait3A = arith.constant 0 : i32
        %dma_wait3A_59 = arith.constant 0 : i32
        %dma_wait3A_60 = tpu.memref_slice %arg9[%run_scoped3A_34, %dma_wait3A, %dma_wait3A_59] : memref<8x128x4xf32, #tpu.memory_space<vmem>> -> memref<1x128x4xf32, #tpu.memory_space<vmem>>
        %dma_wait3A_61 = tpu.memref_squeeze %dma_wait3A_60 : memref<1x128x4xf32, #tpu.memory_space<vmem>> -> memref<128x4xf32, #tpu.memory_space<vmem>>
        %dma_wait3A_62 = arith.constant 0 : i32
        %dma_wait3A_63 = tpu.memref_slice %arg7[%run_scoped3A_33, %dma_wait3A_62] : memref<8x128xi32, #tpu.memory_space<vmem>> -> memref<1x128xi32, #tpu.memory_space<vmem>>
        %dma_wait3A_64 = tpu.memref_squeeze %dma_wait3A_63 : memref<1x128xi32, #tpu.memory_space<vmem>> -> memref<128xi32, #tpu.memory_space<vmem>>
        %dma_wait3A_65 = arith.constant 0 : i32
        %dma_wait3A_66 = arith.constant 0 : i32
        %dma_wait3A_67 = tpu.memref_slice %arg10[%dma_wait3A_65, %dma_wait3A_66] : memref<100096x4xf32, #tpu.memory_space<vmem_shared>> -> memref<100096x4xf32, #tpu.memory_space<vmem_shared>>
        tpu.wait_indirect_dma semaphore(%run_scoped3A_49 : memref<!tpu.dma_semaphore, #tpu.memory_space<semaphore_mem>>) src(%dma_wait3A_67 : memref<100096x4xf32, #tpu.memory_space<vmem_shared>>) dst(%dma_wait3A_61 : memref<128x4xf32, #tpu.memory_space<vmem>>)
        tpu.yield
      }) : () -> ()
      %run_scoped3A_35 = arith.constant 4 : i32
      %run_scoped3A_36 = arith.constant 4 : i32
      "tpu.region"() ({
        %run_scoped3A_49 = tpu.sem_alloc : memref<!tpu.dma_semaphore, #tpu.memory_space<semaphore_mem>>
        %dma_start3A = arith.constant 0 : i32
        %dma_start3A_50 = arith.constant 0 : i32
        %dma_start3A_51 = tpu.memref_slice %arg9[%run_scoped3A_35, %dma_start3A, %dma_start3A_50] : memref<8x128x4xf32, #tpu.memory_space<vmem>> -> memref<1x128x4xf32, #tpu.memory_space<vmem>>
        %dma_start3A_52 = tpu.memref_squeeze %dma_start3A_51 : memref<1x128x4xf32, #tpu.memory_space<vmem>> -> memref<128x4xf32, #tpu.memory_space<vmem>>
        %dma_start3A_53 = arith.constant 0 : i32
        %dma_start3A_54 = tpu.memref_slice %arg8[%run_scoped3A_36, %dma_start3A_53] : memref<8x128xi32, #tpu.memory_space<vmem>> -> memref<1x128xi32, #tpu.memory_space<vmem>>
        %dma_start3A_55 = tpu.memref_squeeze %dma_start3A_54 : memref<1x128xi32, #tpu.memory_space<vmem>> -> memref<128xi32, #tpu.memory_space<vmem>>
        %dma_start3A_56 = arith.constant 0 : i32
        %dma_start3A_57 = arith.constant 0 : i32
        %dma_start3A_58 = tpu.memref_slice %arg11[%dma_start3A_56, %dma_start3A_57] : memref<100096x4xf32, #tpu.memory_space<vmem_shared>> -> memref<100096x4xf32, #tpu.memory_space<vmem_shared>>
        tpu.enqueue_indirect_dma source(%dma_start3A_52 : memref<128x4xf32, #tpu.memory_space<vmem>>) target(%dma_start3A_58 : memref<100096x4xf32, #tpu.memory_space<vmem_shared>>) offsets(%dma_start3A_55 : memref<128xi32, #tpu.memory_space<vmem>>) semaphore(%run_scoped3A_49 : memref<!tpu.dma_semaphore, #tpu.memory_space<semaphore_mem>>) {add = true}
        %dma_wait3A = arith.constant 0 : i32
        %dma_wait3A_59 = arith.constant 0 : i32
        %dma_wait3A_60 = tpu.memref_slice %arg9[%run_scoped3A_35, %dma_wait3A, %dma_wait3A_59] : memref<8x128x4xf32, #tpu.memory_space<vmem>> -> memref<1x128x4xf32, #tpu.memory_space<vmem>>
        %dma_wait3A_61 = tpu.memref_squeeze %dma_wait3A_60 : memref<1x128x4xf32, #tpu.memory_space<vmem>> -> memref<128x4xf32, #tpu.memory_space<vmem>>
        %dma_wait3A_62 = arith.constant 0 : i32
        %dma_wait3A_63 = tpu.memref_slice %arg8[%run_scoped3A_36, %dma_wait3A_62] : memref<8x128xi32, #tpu.memory_space<vmem>> -> memref<1x128xi32, #tpu.memory_space<vmem>>
        %dma_wait3A_64 = tpu.memref_squeeze %dma_wait3A_63 : memref<1x128xi32, #tpu.memory_space<vmem>> -> memref<128xi32, #tpu.memory_space<vmem>>
        %dma_wait3A_65 = arith.constant 0 : i32
        %dma_wait3A_66 = arith.constant 0 : i32
        %dma_wait3A_67 = tpu.memref_slice %arg11[%dma_wait3A_65, %dma_wait3A_66] : memref<100096x4xf32, #tpu.memory_space<vmem_shared>> -> memref<100096x4xf32, #tpu.memory_space<vmem_shared>>
        tpu.wait_indirect_dma semaphore(%run_scoped3A_49 : memref<!tpu.dma_semaphore, #tpu.memory_space<semaphore_mem>>) src(%dma_wait3A_61 : memref<128x4xf32, #tpu.memory_space<vmem>>) dst(%dma_wait3A_67 : memref<100096x4xf32, #tpu.memory_space<vmem_shared>>)
        tpu.yield
      }) : () -> ()
      %run_scoped3A_37 = arith.constant 5 : i32
      %run_scoped3A_38 = arith.constant 5 : i32
      "tpu.region"() ({
        %run_scoped3A_49 = tpu.sem_alloc : memref<!tpu.dma_semaphore, #tpu.memory_space<semaphore_mem>>
        %dma_start3A = arith.constant 0 : i32
        %dma_start3A_50 = arith.constant 0 : i32
        %dma_start3A_51 = tpu.memref_slice %arg9[%run_scoped3A_38, %dma_start3A, %dma_start3A_50] : memref<8x128x4xf32, #tpu.memory_space<vmem>> -> memref<1x128x4xf32, #tpu.memory_space<vmem>>
        %dma_start3A_52 = tpu.memref_squeeze %dma_start3A_51 : memref<1x128x4xf32, #tpu.memory_space<vmem>> -> memref<128x4xf32, #tpu.memory_space<vmem>>
        %dma_start3A_53 = arith.constant 0 : i32
        %dma_start3A_54 = tpu.memref_slice %arg7[%run_scoped3A_37, %dma_start3A_53] : memref<8x128xi32, #tpu.memory_space<vmem>> -> memref<1x128xi32, #tpu.memory_space<vmem>>
        %dma_start3A_55 = tpu.memref_squeeze %dma_start3A_54 : memref<1x128xi32, #tpu.memory_space<vmem>> -> memref<128xi32, #tpu.memory_space<vmem>>
        %dma_start3A_56 = arith.constant 0 : i32
        %dma_start3A_57 = arith.constant 0 : i32
        %dma_start3A_58 = tpu.memref_slice %arg10[%dma_start3A_56, %dma_start3A_57] : memref<100096x4xf32, #tpu.memory_space<vmem_shared>> -> memref<100096x4xf32, #tpu.memory_space<vmem_shared>>
        tpu.enqueue_indirect_dma source(%dma_start3A_58 : memref<100096x4xf32, #tpu.memory_space<vmem_shared>>) target(%dma_start3A_52 : memref<128x4xf32, #tpu.memory_space<vmem>>) offsets(%dma_start3A_55 : memref<128xi32, #tpu.memory_space<vmem>>) semaphore(%run_scoped3A_49 : memref<!tpu.dma_semaphore, #tpu.memory_space<semaphore_mem>>)
        %dma_wait3A = arith.constant 0 : i32
        %dma_wait3A_59 = arith.constant 0 : i32
        %dma_wait3A_60 = tpu.memref_slice %arg9[%run_scoped3A_38, %dma_wait3A, %dma_wait3A_59] : memref<8x128x4xf32, #tpu.memory_space<vmem>> -> memref<1x128x4xf32, #tpu.memory_space<vmem>>
        %dma_wait3A_61 = tpu.memref_squeeze %dma_wait3A_60 : memref<1x128x4xf32, #tpu.memory_space<vmem>> -> memref<128x4xf32, #tpu.memory_space<vmem>>
        %dma_wait3A_62 = arith.constant 0 : i32
        %dma_wait3A_63 = tpu.memref_slice %arg7[%run_scoped3A_37, %dma_wait3A_62] : memref<8x128xi32, #tpu.memory_space<vmem>> -> memref<1x128xi32, #tpu.memory_space<vmem>>
        %dma_wait3A_64 = tpu.memref_squeeze %dma_wait3A_63 : memref<1x128xi32, #tpu.memory_space<vmem>> -> memref<128xi32, #tpu.memory_space<vmem>>
        %dma_wait3A_65 = arith.constant 0 : i32
        %dma_wait3A_66 = arith.constant 0 : i32
        %dma_wait3A_67 = tpu.memref_slice %arg10[%dma_wait3A_65, %dma_wait3A_66] : memref<100096x4xf32, #tpu.memory_space<vmem_shared>> -> memref<100096x4xf32, #tpu.memory_space<vmem_shared>>
        tpu.wait_indirect_dma semaphore(%run_scoped3A_49 : memref<!tpu.dma_semaphore, #tpu.memory_space<semaphore_mem>>) src(%dma_wait3A_67 : memref<100096x4xf32, #tpu.memory_space<vmem_shared>>) dst(%dma_wait3A_61 : memref<128x4xf32, #tpu.memory_space<vmem>>)
        tpu.yield
      }) : () -> ()
      %run_scoped3A_39 = arith.constant 5 : i32
      %run_scoped3A_40 = arith.constant 5 : i32
      "tpu.region"() ({
        %run_scoped3A_49 = tpu.sem_alloc : memref<!tpu.dma_semaphore, #tpu.memory_space<semaphore_mem>>
        %dma_start3A = arith.constant 0 : i32
        %dma_start3A_50 = arith.constant 0 : i32
        %dma_start3A_51 = tpu.memref_slice %arg9[%run_scoped3A_39, %dma_start3A, %dma_start3A_50] : memref<8x128x4xf32, #tpu.memory_space<vmem>> -> memref<1x128x4xf32, #tpu.memory_space<vmem>>
        %dma_start3A_52 = tpu.memref_squeeze %dma_start3A_51 : memref<1x128x4xf32, #tpu.memory_space<vmem>> -> memref<128x4xf32, #tpu.memory_space<vmem>>
        %dma_start3A_53 = arith.constant 0 : i32
        %dma_start3A_54 = tpu.memref_slice %arg8[%run_scoped3A_40, %dma_start3A_53] : memref<8x128xi32, #tpu.memory_space<vmem>> -> memref<1x128xi32, #tpu.memory_space<vmem>>
        %dma_start3A_55 = tpu.memref_squeeze %dma_start3A_54 : memref<1x128xi32, #tpu.memory_space<vmem>> -> memref<128xi32, #tpu.memory_space<vmem>>
        %dma_start3A_56 = arith.constant 0 : i32
        %dma_start3A_57 = arith.constant 0 : i32
        %dma_start3A_58 = tpu.memref_slice %arg11[%dma_start3A_56, %dma_start3A_57] : memref<100096x4xf32, #tpu.memory_space<vmem_shared>> -> memref<100096x4xf32, #tpu.memory_space<vmem_shared>>
        tpu.enqueue_indirect_dma source(%dma_start3A_52 : memref<128x4xf32, #tpu.memory_space<vmem>>) target(%dma_start3A_58 : memref<100096x4xf32, #tpu.memory_space<vmem_shared>>) offsets(%dma_start3A_55 : memref<128xi32, #tpu.memory_space<vmem>>) semaphore(%run_scoped3A_49 : memref<!tpu.dma_semaphore, #tpu.memory_space<semaphore_mem>>) {add = true}
        %dma_wait3A = arith.constant 0 : i32
        %dma_wait3A_59 = arith.constant 0 : i32
        %dma_wait3A_60 = tpu.memref_slice %arg9[%run_scoped3A_39, %dma_wait3A, %dma_wait3A_59] : memref<8x128x4xf32, #tpu.memory_space<vmem>> -> memref<1x128x4xf32, #tpu.memory_space<vmem>>
        %dma_wait3A_61 = tpu.memref_squeeze %dma_wait3A_60 : memref<1x128x4xf32, #tpu.memory_space<vmem>> -> memref<128x4xf32, #tpu.memory_space<vmem>>
        %dma_wait3A_62 = arith.constant 0 : i32
        %dma_wait3A_63 = tpu.memref_slice %arg8[%run_scoped3A_40, %dma_wait3A_62] : memref<8x128xi32, #tpu.memory_space<vmem>> -> memref<1x128xi32, #tpu.memory_space<vmem>>
        %dma_wait3A_64 = tpu.memref_squeeze %dma_wait3A_63 : memref<1x128xi32, #tpu.memory_space<vmem>> -> memref<128xi32, #tpu.memory_space<vmem>>
        %dma_wait3A_65 = arith.constant 0 : i32
        %dma_wait3A_66 = arith.constant 0 : i32
        %dma_wait3A_67 = tpu.memref_slice %arg11[%dma_wait3A_65, %dma_wait3A_66] : memref<100096x4xf32, #tpu.memory_space<vmem_shared>> -> memref<100096x4xf32, #tpu.memory_space<vmem_shared>>
        tpu.wait_indirect_dma semaphore(%run_scoped3A_49 : memref<!tpu.dma_semaphore, #tpu.memory_space<semaphore_mem>>) src(%dma_wait3A_61 : memref<128x4xf32, #tpu.memory_space<vmem>>) dst(%dma_wait3A_67 : memref<100096x4xf32, #tpu.memory_space<vmem_shared>>)
        tpu.yield
      }) : () -> ()
      %run_scoped3A_41 = arith.constant 6 : i32
      %run_scoped3A_42 = arith.constant 6 : i32
      "tpu.region"() ({
        %run_scoped3A_49 = tpu.sem_alloc : memref<!tpu.dma_semaphore, #tpu.memory_space<semaphore_mem>>
        %dma_start3A = arith.constant 0 : i32
        %dma_start3A_50 = arith.constant 0 : i32
        %dma_start3A_51 = tpu.memref_slice %arg9[%run_scoped3A_42, %dma_start3A, %dma_start3A_50] : memref<8x128x4xf32, #tpu.memory_space<vmem>> -> memref<1x128x4xf32, #tpu.memory_space<vmem>>
        %dma_start3A_52 = tpu.memref_squeeze %dma_start3A_51 : memref<1x128x4xf32, #tpu.memory_space<vmem>> -> memref<128x4xf32, #tpu.memory_space<vmem>>
        %dma_start3A_53 = arith.constant 0 : i32
        %dma_start3A_54 = tpu.memref_slice %arg7[%run_scoped3A_41, %dma_start3A_53] : memref<8x128xi32, #tpu.memory_space<vmem>> -> memref<1x128xi32, #tpu.memory_space<vmem>>
        %dma_start3A_55 = tpu.memref_squeeze %dma_start3A_54 : memref<1x128xi32, #tpu.memory_space<vmem>> -> memref<128xi32, #tpu.memory_space<vmem>>
        %dma_start3A_56 = arith.constant 0 : i32
        %dma_start3A_57 = arith.constant 0 : i32
        %dma_start3A_58 = tpu.memref_slice %arg10[%dma_start3A_56, %dma_start3A_57] : memref<100096x4xf32, #tpu.memory_space<vmem_shared>> -> memref<100096x4xf32, #tpu.memory_space<vmem_shared>>
        tpu.enqueue_indirect_dma source(%dma_start3A_58 : memref<100096x4xf32, #tpu.memory_space<vmem_shared>>) target(%dma_start3A_52 : memref<128x4xf32, #tpu.memory_space<vmem>>) offsets(%dma_start3A_55 : memref<128xi32, #tpu.memory_space<vmem>>) semaphore(%run_scoped3A_49 : memref<!tpu.dma_semaphore, #tpu.memory_space<semaphore_mem>>)
        %dma_wait3A = arith.constant 0 : i32
        %dma_wait3A_59 = arith.constant 0 : i32
        %dma_wait3A_60 = tpu.memref_slice %arg9[%run_scoped3A_42, %dma_wait3A, %dma_wait3A_59] : memref<8x128x4xf32, #tpu.memory_space<vmem>> -> memref<1x128x4xf32, #tpu.memory_space<vmem>>
        %dma_wait3A_61 = tpu.memref_squeeze %dma_wait3A_60 : memref<1x128x4xf32, #tpu.memory_space<vmem>> -> memref<128x4xf32, #tpu.memory_space<vmem>>
        %dma_wait3A_62 = arith.constant 0 : i32
        %dma_wait3A_63 = tpu.memref_slice %arg7[%run_scoped3A_41, %dma_wait3A_62] : memref<8x128xi32, #tpu.memory_space<vmem>> -> memref<1x128xi32, #tpu.memory_space<vmem>>
        %dma_wait3A_64 = tpu.memref_squeeze %dma_wait3A_63 : memref<1x128xi32, #tpu.memory_space<vmem>> -> memref<128xi32, #tpu.memory_space<vmem>>
        %dma_wait3A_65 = arith.constant 0 : i32
        %dma_wait3A_66 = arith.constant 0 : i32
        %dma_wait3A_67 = tpu.memref_slice %arg10[%dma_wait3A_65, %dma_wait3A_66] : memref<100096x4xf32, #tpu.memory_space<vmem_shared>> -> memref<100096x4xf32, #tpu.memory_space<vmem_shared>>
        tpu.wait_indirect_dma semaphore(%run_scoped3A_49 : memref<!tpu.dma_semaphore, #tpu.memory_space<semaphore_mem>>) src(%dma_wait3A_67 : memref<100096x4xf32, #tpu.memory_space<vmem_shared>>) dst(%dma_wait3A_61 : memref<128x4xf32, #tpu.memory_space<vmem>>)
        tpu.yield
      }) : () -> ()
      %run_scoped3A_43 = arith.constant 6 : i32
      %run_scoped3A_44 = arith.constant 6 : i32
      "tpu.region"() ({
        %run_scoped3A_49 = tpu.sem_alloc : memref<!tpu.dma_semaphore, #tpu.memory_space<semaphore_mem>>
        %dma_start3A = arith.constant 0 : i32
        %dma_start3A_50 = arith.constant 0 : i32
        %dma_start3A_51 = tpu.memref_slice %arg9[%run_scoped3A_43, %dma_start3A, %dma_start3A_50] : memref<8x128x4xf32, #tpu.memory_space<vmem>> -> memref<1x128x4xf32, #tpu.memory_space<vmem>>
        %dma_start3A_52 = tpu.memref_squeeze %dma_start3A_51 : memref<1x128x4xf32, #tpu.memory_space<vmem>> -> memref<128x4xf32, #tpu.memory_space<vmem>>
        %dma_start3A_53 = arith.constant 0 : i32
        %dma_start3A_54 = tpu.memref_slice %arg8[%run_scoped3A_44, %dma_start3A_53] : memref<8x128xi32, #tpu.memory_space<vmem>> -> memref<1x128xi32, #tpu.memory_space<vmem>>
        %dma_start3A_55 = tpu.memref_squeeze %dma_start3A_54 : memref<1x128xi32, #tpu.memory_space<vmem>> -> memref<128xi32, #tpu.memory_space<vmem>>
        %dma_start3A_56 = arith.constant 0 : i32
        %dma_start3A_57 = arith.constant 0 : i32
        %dma_start3A_58 = tpu.memref_slice %arg11[%dma_start3A_56, %dma_start3A_57] : memref<100096x4xf32, #tpu.memory_space<vmem_shared>> -> memref<100096x4xf32, #tpu.memory_space<vmem_shared>>
        tpu.enqueue_indirect_dma source(%dma_start3A_52 : memref<128x4xf32, #tpu.memory_space<vmem>>) target(%dma_start3A_58 : memref<100096x4xf32, #tpu.memory_space<vmem_shared>>) offsets(%dma_start3A_55 : memref<128xi32, #tpu.memory_space<vmem>>) semaphore(%run_scoped3A_49 : memref<!tpu.dma_semaphore, #tpu.memory_space<semaphore_mem>>) {add = true}
        %dma_wait3A = arith.constant 0 : i32
        %dma_wait3A_59 = arith.constant 0 : i32
        %dma_wait3A_60 = tpu.memref_slice %arg9[%run_scoped3A_43, %dma_wait3A, %dma_wait3A_59] : memref<8x128x4xf32, #tpu.memory_space<vmem>> -> memref<1x128x4xf32, #tpu.memory_space<vmem>>
        %dma_wait3A_61 = tpu.memref_squeeze %dma_wait3A_60 : memref<1x128x4xf32, #tpu.memory_space<vmem>> -> memref<128x4xf32, #tpu.memory_space<vmem>>
        %dma_wait3A_62 = arith.constant 0 : i32
        %dma_wait3A_63 = tpu.memref_slice %arg8[%run_scoped3A_44, %dma_wait3A_62] : memref<8x128xi32, #tpu.memory_space<vmem>> -> memref<1x128xi32, #tpu.memory_space<vmem>>
        %dma_wait3A_64 = tpu.memref_squeeze %dma_wait3A_63 : memref<1x128xi32, #tpu.memory_space<vmem>> -> memref<128xi32, #tpu.memory_space<vmem>>
        %dma_wait3A_65 = arith.constant 0 : i32
        %dma_wait3A_66 = arith.constant 0 : i32
        %dma_wait3A_67 = tpu.memref_slice %arg11[%dma_wait3A_65, %dma_wait3A_66] : memref<100096x4xf32, #tpu.memory_space<vmem_shared>> -> memref<100096x4xf32, #tpu.memory_space<vmem_shared>>
        tpu.wait_indirect_dma semaphore(%run_scoped3A_49 : memref<!tpu.dma_semaphore, #tpu.memory_space<semaphore_mem>>) src(%dma_wait3A_61 : memref<128x4xf32, #tpu.memory_space<vmem>>) dst(%dma_wait3A_67 : memref<100096x4xf32, #tpu.memory_space<vmem_shared>>)
        tpu.yield
      }) : () -> ()
      %run_scoped3A_45 = arith.constant 7 : i32
      %run_scoped3A_46 = arith.constant 7 : i32
      "tpu.region"() ({
        %run_scoped3A_49 = tpu.sem_alloc : memref<!tpu.dma_semaphore, #tpu.memory_space<semaphore_mem>>
        %dma_start3A = arith.constant 0 : i32
        %dma_start3A_50 = arith.constant 0 : i32
        %dma_start3A_51 = tpu.memref_slice %arg9[%run_scoped3A_46, %dma_start3A, %dma_start3A_50] : memref<8x128x4xf32, #tpu.memory_space<vmem>> -> memref<1x128x4xf32, #tpu.memory_space<vmem>>
        %dma_start3A_52 = tpu.memref_squeeze %dma_start3A_51 : memref<1x128x4xf32, #tpu.memory_space<vmem>> -> memref<128x4xf32, #tpu.memory_space<vmem>>
        %dma_start3A_53 = arith.constant 0 : i32
        %dma_start3A_54 = tpu.memref_slice %arg7[%run_scoped3A_45, %dma_start3A_53] : memref<8x128xi32, #tpu.memory_space<vmem>> -> memref<1x128xi32, #tpu.memory_space<vmem>>
        %dma_start3A_55 = tpu.memref_squeeze %dma_start3A_54 : memref<1x128xi32, #tpu.memory_space<vmem>> -> memref<128xi32, #tpu.memory_space<vmem>>
        %dma_start3A_56 = arith.constant 0 : i32
        %dma_start3A_57 = arith.constant 0 : i32
        %dma_start3A_58 = tpu.memref_slice %arg10[%dma_start3A_56, %dma_start3A_57] : memref<100096x4xf32, #tpu.memory_space<vmem_shared>> -> memref<100096x4xf32, #tpu.memory_space<vmem_shared>>
        tpu.enqueue_indirect_dma source(%dma_start3A_58 : memref<100096x4xf32, #tpu.memory_space<vmem_shared>>) target(%dma_start3A_52 : memref<128x4xf32, #tpu.memory_space<vmem>>) offsets(%dma_start3A_55 : memref<128xi32, #tpu.memory_space<vmem>>) semaphore(%run_scoped3A_49 : memref<!tpu.dma_semaphore, #tpu.memory_space<semaphore_mem>>)
        %dma_wait3A = arith.constant 0 : i32
        %dma_wait3A_59 = arith.constant 0 : i32
        %dma_wait3A_60 = tpu.memref_slice %arg9[%run_scoped3A_46, %dma_wait3A, %dma_wait3A_59] : memref<8x128x4xf32, #tpu.memory_space<vmem>> -> memref<1x128x4xf32, #tpu.memory_space<vmem>>
        %dma_wait3A_61 = tpu.memref_squeeze %dma_wait3A_60 : memref<1x128x4xf32, #tpu.memory_space<vmem>> -> memref<128x4xf32, #tpu.memory_space<vmem>>
        %dma_wait3A_62 = arith.constant 0 : i32
        %dma_wait3A_63 = tpu.memref_slice %arg7[%run_scoped3A_45, %dma_wait3A_62] : memref<8x128xi32, #tpu.memory_space<vmem>> -> memref<1x128xi32, #tpu.memory_space<vmem>>
        %dma_wait3A_64 = tpu.memref_squeeze %dma_wait3A_63 : memref<1x128xi32, #tpu.memory_space<vmem>> -> memref<128xi32, #tpu.memory_space<vmem>>
        %dma_wait3A_65 = arith.constant 0 : i32
        %dma_wait3A_66 = arith.constant 0 : i32
        %dma_wait3A_67 = tpu.memref_slice %arg10[%dma_wait3A_65, %dma_wait3A_66] : memref<100096x4xf32, #tpu.memory_space<vmem_shared>> -> memref<100096x4xf32, #tpu.memory_space<vmem_shared>>
        tpu.wait_indirect_dma semaphore(%run_scoped3A_49 : memref<!tpu.dma_semaphore, #tpu.memory_space<semaphore_mem>>) src(%dma_wait3A_67 : memref<100096x4xf32, #tpu.memory_space<vmem_shared>>) dst(%dma_wait3A_61 : memref<128x4xf32, #tpu.memory_space<vmem>>)
        tpu.yield
      }) : () -> ()
      %run_scoped3A_47 = arith.constant 7 : i32
      %run_scoped3A_48 = arith.constant 7 : i32
      "tpu.region"() ({
        %run_scoped3A_49 = tpu.sem_alloc : memref<!tpu.dma_semaphore, #tpu.memory_space<semaphore_mem>>
        %dma_start3A = arith.constant 0 : i32
        %dma_start3A_50 = arith.constant 0 : i32
        %dma_start3A_51 = tpu.memref_slice %arg9[%run_scoped3A_47, %dma_start3A, %dma_start3A_50] : memref<8x128x4xf32, #tpu.memory_space<vmem>> -> memref<1x128x4xf32, #tpu.memory_space<vmem>>
        %dma_start3A_52 = tpu.memref_squeeze %dma_start3A_51 : memref<1x128x4xf32, #tpu.memory_space<vmem>> -> memref<128x4xf32, #tpu.memory_space<vmem>>
        %dma_start3A_53 = arith.constant 0 : i32
        %dma_start3A_54 = tpu.memref_slice %arg8[%run_scoped3A_48, %dma_start3A_53] : memref<8x128xi32, #tpu.memory_space<vmem>> -> memref<1x128xi32, #tpu.memory_space<vmem>>
        %dma_start3A_55 = tpu.memref_squeeze %dma_start3A_54 : memref<1x128xi32, #tpu.memory_space<vmem>> -> memref<128xi32, #tpu.memory_space<vmem>>
        %dma_start3A_56 = arith.constant 0 : i32
        %dma_start3A_57 = arith.constant 0 : i32
        %dma_start3A_58 = tpu.memref_slice %arg11[%dma_start3A_56, %dma_start3A_57] : memref<100096x4xf32, #tpu.memory_space<vmem_shared>> -> memref<100096x4xf32, #tpu.memory_space<vmem_shared>>
        tpu.enqueue_indirect_dma source(%dma_start3A_52 : memref<128x4xf32, #tpu.memory_space<vmem>>) target(%dma_start3A_58 : memref<100096x4xf32, #tpu.memory_space<vmem_shared>>) offsets(%dma_start3A_55 : memref<128xi32, #tpu.memory_space<vmem>>) semaphore(%run_scoped3A_49 : memref<!tpu.dma_semaphore, #tpu.memory_space<semaphore_mem>>) {add = true}
        %dma_wait3A = arith.constant 0 : i32
        %dma_wait3A_59 = arith.constant 0 : i32
        %dma_wait3A_60 = tpu.memref_slice %arg9[%run_scoped3A_47, %dma_wait3A, %dma_wait3A_59] : memref<8x128x4xf32, #tpu.memory_space<vmem>> -> memref<1x128x4xf32, #tpu.memory_space<vmem>>
        %dma_wait3A_61 = tpu.memref_squeeze %dma_wait3A_60 : memref<1x128x4xf32, #tpu.memory_space<vmem>> -> memref<128x4xf32, #tpu.memory_space<vmem>>
        %dma_wait3A_62 = arith.constant 0 : i32
        %dma_wait3A_63 = tpu.memref_slice %arg8[%run_scoped3A_48, %dma_wait3A_62] : memref<8x128xi32, #tpu.memory_space<vmem>> -> memref<1x128xi32, #tpu.memory_space<vmem>>
        %dma_wait3A_64 = tpu.memref_squeeze %dma_wait3A_63 : memref<1x128xi32, #tpu.memory_space<vmem>> -> memref<128xi32, #tpu.memory_space<vmem>>
        %dma_wait3A_65 = arith.constant 0 : i32
        %dma_wait3A_66 = arith.constant 0 : i32
        %dma_wait3A_67 = tpu.memref_slice %arg11[%dma_wait3A_65, %dma_wait3A_66] : memref<100096x4xf32, #tpu.memory_space<vmem_shared>> -> memref<100096x4xf32, #tpu.memory_space<vmem_shared>>
        tpu.wait_indirect_dma semaphore(%run_scoped3A_49 : memref<!tpu.dma_semaphore, #tpu.memory_space<semaphore_mem>>) src(%dma_wait3A_61 : memref<128x4xf32, #tpu.memory_space<vmem>>) dst(%dma_wait3A_67 : memref<100096x4xf32, #tpu.memory_space<vmem_shared>>)
        tpu.yield
      }) : () -> ()
    }
    %scan3A_9 = arith.constant 196 : i32
    %barrier3A_10 = arith.constant 0 : index
    tpu.barrier barrier_id(%barrier3A_10)
    %mul3A_11 = arith.constant 100096 : i32
    %mul3A_12 = arith.muli %arg0, %mul3A_11 : i32
    %add3A_13 = arith.addi %mul3A_12, %mul3A_0 : i32
    "tpu.region"() ({
      %run_scoped3A = tpu.sem_alloc : memref<!tpu.dma_semaphore, #tpu.memory_space<semaphore_mem>>
      %dma_start3A = arith.constant 0 : i32
      %dma_start3A_14 = tpu.memref_slice %arg6[%add3A_13, %dma_start3A] : memref<200192x4xf32, #tpu.memory_space<hbm>> -> memref<6256x4xf32, #tpu.memory_space<hbm>>
      %dma_start3A_15 = arith.constant 0 : i32
      %dma_start3A_16 = tpu.memref_slice %arg11[%mul3A_0, %dma_start3A_15] : memref<100096x4xf32, #tpu.memory_space<vmem_shared>> -> memref<6256x4xf32, #tpu.memory_space<vmem_shared>>
      tpu.enqueue_dma source(%dma_start3A_16 : memref<6256x4xf32, #tpu.memory_space<vmem_shared>>) target(%dma_start3A_14 : memref<6256x4xf32, #tpu.memory_space<hbm>>) target_semaphore(%run_scoped3A : memref<!tpu.dma_semaphore, #tpu.memory_space<semaphore_mem>>)
      %dma_wait3A = arith.constant 0 : i32
      %dma_wait3A_17 = tpu.memref_slice %arg6[%add3A_13, %dma_wait3A] : memref<200192x4xf32, #tpu.memory_space<hbm>> -> memref<6256x4xf32, #tpu.memory_space<hbm>>
      %dma_wait3A_18 = arith.constant 0 : i32
      %dma_wait3A_19 = tpu.memref_slice %arg11[%mul3A_0, %dma_wait3A_18] : memref<100096x4xf32, #tpu.memory_space<vmem_shared>> -> memref<6256x4xf32, #tpu.memory_space<vmem_shared>>
      tpu.wait_dma2 semaphore(%run_scoped3A : memref<!tpu.dma_semaphore, #tpu.memory_space<semaphore_mem>>) src(%dma_wait3A_19 : memref<6256x4xf32, #tpu.memory_space<vmem_shared>>) dst(%dma_wait3A_17 : memref<6256x4xf32, #tpu.memory_space<hbm>>)
      tpu.yield
    }) : () -> ()
    return
  }
}

#map = affine_map<(d0, d1) -> (0, 0)>
module attributes {stable_mosaic.version = 14 : i64} {
  func.func @_edge_aggregate(%arg0: i32, %arg1: i32, %arg2: memref<100096x4xf32, #tpu.memory_space<hbm>>, %arg3: memref<100096x4xf32, #tpu.memory_space<hbm>>, %arg4: memref<50176x128xi32, #tpu.memory_space<hbm>>, %arg5: memref<50176x128xi32, #tpu.memory_space<hbm>>, %arg6: memref<200192x4xf32, #tpu.memory_space<hbm>>, %arg7: memref<8x128xi32, #tpu.memory_space<vmem>>, %arg8: memref<8x128xi32, #tpu.memory_space<vmem>>, %arg9: memref<8x128x4xf32, #tpu.memory_space<vmem>>, %arg10: memref<100096x4xf32, #tpu.memory_space<vmem_shared>>, %arg11: memref<100096x4xf32, #tpu.memory_space<vmem_shared>>) attributes {dimension_semantics = [#tpu.dimension_semantics<core_parallel>, #tpu.dimension_semantics<subcore_parallel>], iteration_bounds = array<i64: 2, 16>, scalar_prefetch = 0 : i64, scratch_operands = 5 : i64, tpu.core_type = #tpu.core_type<sc_vector_subcore>, window_params = [{transform_indices = #map}, {transform_indices = #map}, {transform_indices = #map}, {transform_indices = #map}, {transform_indices = #map}]} {
    %mul3A = arith.constant 6256 : i32
    %mul3A_0 = arith.muli %arg1, %mul3A : i32
    "tpu.region"() ({
      %run_scoped3A = tpu.sem_alloc : memref<!tpu.dma_semaphore, #tpu.memory_space<semaphore_mem>>
      %dma_start3A = arith.constant 0 : i32
      %dma_start3A_14 = tpu.memref_slice %arg10[%mul3A_0, %dma_start3A] : memref<100096x4xf32, #tpu.memory_space<vmem_shared>> -> memref<6256x4xf32, #tpu.memory_space<vmem_shared>>
      %dma_start3A_15 = arith.constant 0 : i32
      %dma_start3A_16 = tpu.memref_slice %arg2[%mul3A_0, %dma_start3A_15] : memref<100096x4xf32, #tpu.memory_space<hbm>> -> memref<6256x4xf32, #tpu.memory_space<hbm>>
      tpu.enqueue_dma source(%dma_start3A_16 : memref<6256x4xf32, #tpu.memory_space<hbm>>) target(%dma_start3A_14 : memref<6256x4xf32, #tpu.memory_space<vmem_shared>>) target_semaphore(%run_scoped3A : memref<!tpu.dma_semaphore, #tpu.memory_space<semaphore_mem>>)
      %dma_wait3A = arith.constant 0 : i32
      %dma_wait3A_17 = tpu.memref_slice %arg10[%mul3A_0, %dma_wait3A] : memref<100096x4xf32, #tpu.memory_space<vmem_shared>> -> memref<6256x4xf32, #tpu.memory_space<vmem_shared>>
      %dma_wait3A_18 = arith.constant 0 : i32
      %dma_wait3A_19 = tpu.memref_slice %arg2[%mul3A_0, %dma_wait3A_18] : memref<100096x4xf32, #tpu.memory_space<hbm>> -> memref<6256x4xf32, #tpu.memory_space<hbm>>
      tpu.wait_dma2 semaphore(%run_scoped3A : memref<!tpu.dma_semaphore, #tpu.memory_space<semaphore_mem>>) src(%dma_wait3A_19 : memref<6256x4xf32, #tpu.memory_space<hbm>>) dst(%dma_wait3A_17 : memref<6256x4xf32, #tpu.memory_space<vmem_shared>>)
      tpu.yield
    }) : () -> ()
    "tpu.region"() ({
      %run_scoped3A = tpu.sem_alloc : memref<!tpu.dma_semaphore, #tpu.memory_space<semaphore_mem>>
      %dma_start3A = arith.constant 0 : i32
      %dma_start3A_14 = tpu.memref_slice %arg11[%mul3A_0, %dma_start3A] : memref<100096x4xf32, #tpu.memory_space<vmem_shared>> -> memref<6256x4xf32, #tpu.memory_space<vmem_shared>>
      %dma_start3A_15 = arith.constant 0 : i32
      %dma_start3A_16 = tpu.memref_slice %arg3[%mul3A_0, %dma_start3A_15] : memref<100096x4xf32, #tpu.memory_space<hbm>> -> memref<6256x4xf32, #tpu.memory_space<hbm>>
      tpu.enqueue_dma source(%dma_start3A_16 : memref<6256x4xf32, #tpu.memory_space<hbm>>) target(%dma_start3A_14 : memref<6256x4xf32, #tpu.memory_space<vmem_shared>>) target_semaphore(%run_scoped3A : memref<!tpu.dma_semaphore, #tpu.memory_space<semaphore_mem>>)
      %dma_wait3A = arith.constant 0 : i32
      %dma_wait3A_17 = tpu.memref_slice %arg11[%mul3A_0, %dma_wait3A] : memref<100096x4xf32, #tpu.memory_space<vmem_shared>> -> memref<6256x4xf32, #tpu.memory_space<vmem_shared>>
      %dma_wait3A_18 = arith.constant 0 : i32
      %dma_wait3A_19 = tpu.memref_slice %arg3[%mul3A_0, %dma_wait3A_18] : memref<100096x4xf32, #tpu.memory_space<hbm>> -> memref<6256x4xf32, #tpu.memory_space<hbm>>
      tpu.wait_dma2 semaphore(%run_scoped3A : memref<!tpu.dma_semaphore, #tpu.memory_space<semaphore_mem>>) src(%dma_wait3A_19 : memref<6256x4xf32, #tpu.memory_space<hbm>>) dst(%dma_wait3A_17 : memref<6256x4xf32, #tpu.memory_space<vmem_shared>>)
      tpu.yield
    }) : () -> ()
    %barrier3A = arith.constant 0 : index
    tpu.barrier barrier_id(%barrier3A)
    %mul3A_1 = arith.constant 16 : i32
    %mul3A_2 = arith.muli %arg0, %mul3A_1 : i32
    %add3A = arith.addi %mul3A_2, %arg1 : i32
    %mul3A_3 = arith.constant 1568 : i32
    %mul3A_4 = arith.muli %add3A, %mul3A_3 : i32
    %scan3A = arith.constant 0 : i32
    %scan3A_5 = arith.constant 0 : i32
    %scan3A_6 = arith.constant 196 : i32
    %scan3A_7 = arith.addi %scan3A_5, %scan3A_6 : i32
    %scan3A_8 = arith.constant 1 : i32
    scf.for %scan3A_14 = %scan3A_5 to %scan3A_7 step %scan3A_8  : i32 {
      %mul3A_15 = arith.constant 8 : i32
      %mul3A_16 = arith.muli %scan3A_14, %mul3A_15 : i32
      %add3A_17 = arith.addi %mul3A_4, %mul3A_16 : i32
      "tpu.region"() ({
        %run_scoped3A_49 = tpu.sem_alloc : memref<!tpu.dma_semaphore, #tpu.memory_space<semaphore_mem>>
        %dma_start3A = arith.constant 0 : i32
        %dma_start3A_50 = tpu.memref_slice %arg4[%add3A_17, %dma_start3A] : memref<50176x128xi32, #tpu.memory_space<hbm>> -> memref<8x128xi32, #tpu.memory_space<hbm>>
        %dma_start3A_51 = arith.constant 0 : i32
        %dma_start3A_52 = tpu.memref_slice %arg4[%add3A_17, %dma_start3A_51] : memref<50176x128xi32, #tpu.memory_space<hbm>> -> memref<8x128xi32, #tpu.memory_space<hbm>>
        tpu.enqueue_dma source(%dma_start3A_52 : memref<8x128xi32, #tpu.memory_space<hbm>>) target(%arg7 : memref<8x128xi32, #tpu.memory_space<vmem>>) target_semaphore(%run_scoped3A_49 : memref<!tpu.dma_semaphore, #tpu.memory_space<semaphore_mem>>)
        %dma_wait3A = arith.constant 0 : i32
        %dma_wait3A_53 = tpu.memref_slice %arg4[%add3A_17, %dma_wait3A] : memref<50176x128xi32, #tpu.memory_space<hbm>> -> memref<8x128xi32, #tpu.memory_space<hbm>>
        %dma_wait3A_54 = arith.constant 0 : i32
        %dma_wait3A_55 = tpu.memref_slice %arg4[%add3A_17, %dma_wait3A_54] : memref<50176x128xi32, #tpu.memory_space<hbm>> -> memref<8x128xi32, #tpu.memory_space<hbm>>
        tpu.wait_dma2 semaphore(%run_scoped3A_49 : memref<!tpu.dma_semaphore, #tpu.memory_space<semaphore_mem>>) src(%dma_wait3A_55 : memref<8x128xi32, #tpu.memory_space<hbm>>) dst(%arg7 : memref<8x128xi32, #tpu.memory_space<vmem>>)
        tpu.yield
      }) : () -> ()
      "tpu.region"() ({
        %run_scoped3A_49 = tpu.sem_alloc : memref<!tpu.dma_semaphore, #tpu.memory_space<semaphore_mem>>
        %dma_start3A = arith.constant 0 : i32
        %dma_start3A_50 = tpu.memref_slice %arg5[%add3A_17, %dma_start3A] : memref<50176x128xi32, #tpu.memory_space<hbm>> -> memref<8x128xi32, #tpu.memory_space<hbm>>
        %dma_start3A_51 = arith.constant 0 : i32
        %dma_start3A_52 = tpu.memref_slice %arg5[%add3A_17, %dma_start3A_51] : memref<50176x128xi32, #tpu.memory_space<hbm>> -> memref<8x128xi32, #tpu.memory_space<hbm>>
        tpu.enqueue_dma source(%dma_start3A_52 : memref<8x128xi32, #tpu.memory_space<hbm>>) target(%arg8 : memref<8x128xi32, #tpu.memory_space<vmem>>) target_semaphore(%run_scoped3A_49 : memref<!tpu.dma_semaphore, #tpu.memory_space<semaphore_mem>>)
        %dma_wait3A = arith.constant 0 : i32
        %dma_wait3A_53 = tpu.memref_slice %arg5[%add3A_17, %dma_wait3A] : memref<50176x128xi32, #tpu.memory_space<hbm>> -> memref<8x128xi32, #tpu.memory_space<hbm>>
        %dma_wait3A_54 = arith.constant 0 : i32
        %dma_wait3A_55 = tpu.memref_slice %arg5[%add3A_17, %dma_wait3A_54] : memref<50176x128xi32, #tpu.memory_space<hbm>> -> memref<8x128xi32, #tpu.memory_space<hbm>>
        tpu.wait_dma2 semaphore(%run_scoped3A_49 : memref<!tpu.dma_semaphore, #tpu.memory_space<semaphore_mem>>) src(%dma_wait3A_55 : memref<8x128xi32, #tpu.memory_space<hbm>>) dst(%arg8 : memref<8x128xi32, #tpu.memory_space<vmem>>)
        tpu.yield
      }) : () -> ()
      %run_scoped3A = arith.constant 0 : i32
      %run_scoped3A_18 = arith.constant 0 : i32
      "tpu.region"() ({
        %run_scoped3A_49 = tpu.sem_alloc : memref<!tpu.dma_semaphore, #tpu.memory_space<semaphore_mem>>
        %dma_start3A = arith.constant 0 : i32
        %dma_start3A_50 = arith.constant 0 : i32
        %dma_start3A_51 = tpu.memref_slice %arg9[%run_scoped3A_18, %dma_start3A, %dma_start3A_50] : memref<8x128x4xf32, #tpu.memory_space<vmem>> -> memref<1x128x4xf32, #tpu.memory_space<vmem>>
        %dma_start3A_52 = tpu.memref_squeeze %dma_start3A_51 : memref<1x128x4xf32, #tpu.memory_space<vmem>> -> memref<128x4xf32, #tpu.memory_space<vmem>>
        %dma_start3A_53 = arith.constant 0 : i32
        %dma_start3A_54 = tpu.memref_slice %arg7[%run_scoped3A, %dma_start3A_53] : memref<8x128xi32, #tpu.memory_space<vmem>> -> memref<1x128xi32, #tpu.memory_space<vmem>>
        %dma_start3A_55 = tpu.memref_squeeze %dma_start3A_54 : memref<1x128xi32, #tpu.memory_space<vmem>> -> memref<128xi32, #tpu.memory_space<vmem>>
        %dma_start3A_56 = arith.constant 0 : i32
        %dma_start3A_57 = arith.constant 0 : i32
        %dma_start3A_58 = tpu.memref_slice %arg10[%dma_start3A_56, %dma_start3A_57] : memref<100096x4xf32, #tpu.memory_space<vmem_shared>> -> memref<100096x4xf32, #tpu.memory_space<vmem_shared>>
        tpu.enqueue_indirect_dma source(%dma_start3A_58 : memref<100096x4xf32, #tpu.memory_space<vmem_shared>>) target(%dma_start3A_52 : memref<128x4xf32, #tpu.memory_space<vmem>>) offsets(%dma_start3A_55 : memref<128xi32, #tpu.memory_space<vmem>>) semaphore(%run_scoped3A_49 : memref<!tpu.dma_semaphore, #tpu.memory_space<semaphore_mem>>)
        %dma_wait3A = arith.constant 0 : i32
        %dma_wait3A_59 = arith.constant 0 : i32
        %dma_wait3A_60 = tpu.memref_slice %arg9[%run_scoped3A_18, %dma_wait3A, %dma_wait3A_59] : memref<8x128x4xf32, #tpu.memory_space<vmem>> -> memref<1x128x4xf32, #tpu.memory_space<vmem>>
        %dma_wait3A_61 = tpu.memref_squeeze %dma_wait3A_60 : memref<1x128x4xf32, #tpu.memory_space<vmem>> -> memref<128x4xf32, #tpu.memory_space<vmem>>
        %dma_wait3A_62 = arith.constant 0 : i32
        %dma_wait3A_63 = tpu.memref_slice %arg7[%run_scoped3A, %dma_wait3A_62] : memref<8x128xi32, #tpu.memory_space<vmem>> -> memref<1x128xi32, #tpu.memory_space<vmem>>
        %dma_wait3A_64 = tpu.memref_squeeze %dma_wait3A_63 : memref<1x128xi32, #tpu.memory_space<vmem>> -> memref<128xi32, #tpu.memory_space<vmem>>
        %dma_wait3A_65 = arith.constant 0 : i32
        %dma_wait3A_66 = arith.constant 0 : i32
        %dma_wait3A_67 = tpu.memref_slice %arg10[%dma_wait3A_65, %dma_wait3A_66] : memref<100096x4xf32, #tpu.memory_space<vmem_shared>> -> memref<100096x4xf32, #tpu.memory_space<vmem_shared>>
        tpu.wait_indirect_dma semaphore(%run_scoped3A_49 : memref<!tpu.dma_semaphore, #tpu.memory_space<semaphore_mem>>) src(%dma_wait3A_67 : memref<100096x4xf32, #tpu.memory_space<vmem_shared>>) dst(%dma_wait3A_61 : memref<128x4xf32, #tpu.memory_space<vmem>>)
        tpu.yield
      }) : () -> ()
      %run_scoped3A_19 = arith.constant 0 : i32
      %run_scoped3A_20 = arith.constant 0 : i32
      "tpu.region"() ({
        %run_scoped3A_49 = tpu.sem_alloc : memref<!tpu.dma_semaphore, #tpu.memory_space<semaphore_mem>>
        %dma_start3A = arith.constant 0 : i32
        %dma_start3A_50 = arith.constant 0 : i32
        %dma_start3A_51 = tpu.memref_slice %arg9[%run_scoped3A_19, %dma_start3A, %dma_start3A_50] : memref<8x128x4xf32, #tpu.memory_space<vmem>> -> memref<1x128x4xf32, #tpu.memory_space<vmem>>
        %dma_start3A_52 = tpu.memref_squeeze %dma_start3A_51 : memref<1x128x4xf32, #tpu.memory_space<vmem>> -> memref<128x4xf32, #tpu.memory_space<vmem>>
        %dma_start3A_53 = arith.constant 0 : i32
        %dma_start3A_54 = tpu.memref_slice %arg8[%run_scoped3A_20, %dma_start3A_53] : memref<8x128xi32, #tpu.memory_space<vmem>> -> memref<1x128xi32, #tpu.memory_space<vmem>>
        %dma_start3A_55 = tpu.memref_squeeze %dma_start3A_54 : memref<1x128xi32, #tpu.memory_space<vmem>> -> memref<128xi32, #tpu.memory_space<vmem>>
        %dma_start3A_56 = arith.constant 0 : i32
        %dma_start3A_57 = arith.constant 0 : i32
        %dma_start3A_58 = tpu.memref_slice %arg11[%dma_start3A_56, %dma_start3A_57] : memref<100096x4xf32, #tpu.memory_space<vmem_shared>> -> memref<100096x4xf32, #tpu.memory_space<vmem_shared>>
        tpu.enqueue_indirect_dma source(%dma_start3A_52 : memref<128x4xf32, #tpu.memory_space<vmem>>) target(%dma_start3A_58 : memref<100096x4xf32, #tpu.memory_space<vmem_shared>>) offsets(%dma_start3A_55 : memref<128xi32, #tpu.memory_space<vmem>>) semaphore(%run_scoped3A_49 : memref<!tpu.dma_semaphore, #tpu.memory_space<semaphore_mem>>) {add = true}
        %dma_wait3A = arith.constant 0 : i32
        %dma_wait3A_59 = arith.constant 0 : i32
        %dma_wait3A_60 = tpu.memref_slice %arg9[%run_scoped3A_19, %dma_wait3A, %dma_wait3A_59] : memref<8x128x4xf32, #tpu.memory_space<vmem>> -> memref<1x128x4xf32, #tpu.memory_space<vmem>>
        %dma_wait3A_61 = tpu.memref_squeeze %dma_wait3A_60 : memref<1x128x4xf32, #tpu.memory_space<vmem>> -> memref<128x4xf32, #tpu.memory_space<vmem>>
        %dma_wait3A_62 = arith.constant 0 : i32
        %dma_wait3A_63 = tpu.memref_slice %arg8[%run_scoped3A_20, %dma_wait3A_62] : memref<8x128xi32, #tpu.memory_space<vmem>> -> memref<1x128xi32, #tpu.memory_space<vmem>>
        %dma_wait3A_64 = tpu.memref_squeeze %dma_wait3A_63 : memref<1x128xi32, #tpu.memory_space<vmem>> -> memref<128xi32, #tpu.memory_space<vmem>>
        %dma_wait3A_65 = arith.constant 0 : i32
        %dma_wait3A_66 = arith.constant 0 : i32
        %dma_wait3A_67 = tpu.memref_slice %arg11[%dma_wait3A_65, %dma_wait3A_66] : memref<100096x4xf32, #tpu.memory_space<vmem_shared>> -> memref<100096x4xf32, #tpu.memory_space<vmem_shared>>
        tpu.wait_indirect_dma semaphore(%run_scoped3A_49 : memref<!tpu.dma_semaphore, #tpu.memory_space<semaphore_mem>>) src(%dma_wait3A_61 : memref<128x4xf32, #tpu.memory_space<vmem>>) dst(%dma_wait3A_67 : memref<100096x4xf32, #tpu.memory_space<vmem_shared>>)
        tpu.yield
      }) : () -> ()
      %run_scoped3A_21 = arith.constant 1 : i32
      %run_scoped3A_22 = arith.constant 1 : i32
      "tpu.region"() ({
        %run_scoped3A_49 = tpu.sem_alloc : memref<!tpu.dma_semaphore, #tpu.memory_space<semaphore_mem>>
        %dma_start3A = arith.constant 0 : i32
        %dma_start3A_50 = arith.constant 0 : i32
        %dma_start3A_51 = tpu.memref_slice %arg9[%run_scoped3A_22, %dma_start3A, %dma_start3A_50] : memref<8x128x4xf32, #tpu.memory_space<vmem>> -> memref<1x128x4xf32, #tpu.memory_space<vmem>>
        %dma_start3A_52 = tpu.memref_squeeze %dma_start3A_51 : memref<1x128x4xf32, #tpu.memory_space<vmem>> -> memref<128x4xf32, #tpu.memory_space<vmem>>
        %dma_start3A_53 = arith.constant 0 : i32
        %dma_start3A_54 = tpu.memref_slice %arg7[%run_scoped3A_21, %dma_start3A_53] : memref<8x128xi32, #tpu.memory_space<vmem>> -> memref<1x128xi32, #tpu.memory_space<vmem>>
        %dma_start3A_55 = tpu.memref_squeeze %dma_start3A_54 : memref<1x128xi32, #tpu.memory_space<vmem>> -> memref<128xi32, #tpu.memory_space<vmem>>
        %dma_start3A_56 = arith.constant 0 : i32
        %dma_start3A_57 = arith.constant 0 : i32
        %dma_start3A_58 = tpu.memref_slice %arg10[%dma_start3A_56, %dma_start3A_57] : memref<100096x4xf32, #tpu.memory_space<vmem_shared>> -> memref<100096x4xf32, #tpu.memory_space<vmem_shared>>
        tpu.enqueue_indirect_dma source(%dma_start3A_58 : memref<100096x4xf32, #tpu.memory_space<vmem_shared>>) target(%dma_start3A_52 : memref<128x4xf32, #tpu.memory_space<vmem>>) offsets(%dma_start3A_55 : memref<128xi32, #tpu.memory_space<vmem>>) semaphore(%run_scoped3A_49 : memref<!tpu.dma_semaphore, #tpu.memory_space<semaphore_mem>>)
        %dma_wait3A = arith.constant 0 : i32
        %dma_wait3A_59 = arith.constant 0 : i32
        %dma_wait3A_60 = tpu.memref_slice %arg9[%run_scoped3A_22, %dma_wait3A, %dma_wait3A_59] : memref<8x128x4xf32, #tpu.memory_space<vmem>> -> memref<1x128x4xf32, #tpu.memory_space<vmem>>
        %dma_wait3A_61 = tpu.memref_squeeze %dma_wait3A_60 : memref<1x128x4xf32, #tpu.memory_space<vmem>> -> memref<128x4xf32, #tpu.memory_space<vmem>>
        %dma_wait3A_62 = arith.constant 0 : i32
        %dma_wait3A_63 = tpu.memref_slice %arg7[%run_scoped3A_21, %dma_wait3A_62] : memref<8x128xi32, #tpu.memory_space<vmem>> -> memref<1x128xi32, #tpu.memory_space<vmem>>
        %dma_wait3A_64 = tpu.memref_squeeze %dma_wait3A_63 : memref<1x128xi32, #tpu.memory_space<vmem>> -> memref<128xi32, #tpu.memory_space<vmem>>
        %dma_wait3A_65 = arith.constant 0 : i32
        %dma_wait3A_66 = arith.constant 0 : i32
        %dma_wait3A_67 = tpu.memref_slice %arg10[%dma_wait3A_65, %dma_wait3A_66] : memref<100096x4xf32, #tpu.memory_space<vmem_shared>> -> memref<100096x4xf32, #tpu.memory_space<vmem_shared>>
        tpu.wait_indirect_dma semaphore(%run_scoped3A_49 : memref<!tpu.dma_semaphore, #tpu.memory_space<semaphore_mem>>) src(%dma_wait3A_67 : memref<100096x4xf32, #tpu.memory_space<vmem_shared>>) dst(%dma_wait3A_61 : memref<128x4xf32, #tpu.memory_space<vmem>>)
        tpu.yield
      }) : () -> ()
      %run_scoped3A_23 = arith.constant 1 : i32
      %run_scoped3A_24 = arith.constant 1 : i32
      "tpu.region"() ({
        %run_scoped3A_49 = tpu.sem_alloc : memref<!tpu.dma_semaphore, #tpu.memory_space<semaphore_mem>>
        %dma_start3A = arith.constant 0 : i32
        %dma_start3A_50 = arith.constant 0 : i32
        %dma_start3A_51 = tpu.memref_slice %arg9[%run_scoped3A_23, %dma_start3A, %dma_start3A_50] : memref<8x128x4xf32, #tpu.memory_space<vmem>> -> memref<1x128x4xf32, #tpu.memory_space<vmem>>
        %dma_start3A_52 = tpu.memref_squeeze %dma_start3A_51 : memref<1x128x4xf32, #tpu.memory_space<vmem>> -> memref<128x4xf32, #tpu.memory_space<vmem>>
        %dma_start3A_53 = arith.constant 0 : i32
        %dma_start3A_54 = tpu.memref_slice %arg8[%run_scoped3A_24, %dma_start3A_53] : memref<8x128xi32, #tpu.memory_space<vmem>> -> memref<1x128xi32, #tpu.memory_space<vmem>>
        %dma_start3A_55 = tpu.memref_squeeze %dma_start3A_54 : memref<1x128xi32, #tpu.memory_space<vmem>> -> memref<128xi32, #tpu.memory_space<vmem>>
        %dma_start3A_56 = arith.constant 0 : i32
        %dma_start3A_57 = arith.constant 0 : i32
        %dma_start3A_58 = tpu.memref_slice %arg11[%dma_start3A_56, %dma_start3A_57] : memref<100096x4xf32, #tpu.memory_space<vmem_shared>> -> memref<100096x4xf32, #tpu.memory_space<vmem_shared>>
        tpu.enqueue_indirect_dma source(%dma_start3A_52 : memref<128x4xf32, #tpu.memory_space<vmem>>) target(%dma_start3A_58 : memref<100096x4xf32, #tpu.memory_space<vmem_shared>>) offsets(%dma_start3A_55 : memref<128xi32, #tpu.memory_space<vmem>>) semaphore(%run_scoped3A_49 : memref<!tpu.dma_semaphore, #tpu.memory_space<semaphore_mem>>) {add = true}
        %dma_wait3A = arith.constant 0 : i32
        %dma_wait3A_59 = arith.constant 0 : i32
        %dma_wait3A_60 = tpu.memref_slice %arg9[%run_scoped3A_23, %dma_wait3A, %dma_wait3A_59] : memref<8x128x4xf32, #tpu.memory_space<vmem>> -> memref<1x128x4xf32, #tpu.memory_space<vmem>>
        %dma_wait3A_61 = tpu.memref_squeeze %dma_wait3A_60 : memref<1x128x4xf32, #tpu.memory_space<vmem>> -> memref<128x4xf32, #tpu.memory_space<vmem>>
        %dma_wait3A_62 = arith.constant 0 : i32
        %dma_wait3A_63 = tpu.memref_slice %arg8[%run_scoped3A_24, %dma_wait3A_62] : memref<8x128xi32, #tpu.memory_space<vmem>> -> memref<1x128xi32, #tpu.memory_space<vmem>>
        %dma_wait3A_64 = tpu.memref_squeeze %dma_wait3A_63 : memref<1x128xi32, #tpu.memory_space<vmem>> -> memref<128xi32, #tpu.memory_space<vmem>>
        %dma_wait3A_65 = arith.constant 0 : i32
        %dma_wait3A_66 = arith.constant 0 : i32
        %dma_wait3A_67 = tpu.memref_slice %arg11[%dma_wait3A_65, %dma_wait3A_66] : memref<100096x4xf32, #tpu.memory_space<vmem_shared>> -> memref<100096x4xf32, #tpu.memory_space<vmem_shared>>
        tpu.wait_indirect_dma semaphore(%run_scoped3A_49 : memref<!tpu.dma_semaphore, #tpu.memory_space<semaphore_mem>>) src(%dma_wait3A_61 : memref<128x4xf32, #tpu.memory_space<vmem>>) dst(%dma_wait3A_67 : memref<100096x4xf32, #tpu.memory_space<vmem_shared>>)
        tpu.yield
      }) : () -> ()
      %run_scoped3A_25 = arith.constant 2 : i32
      %run_scoped3A_26 = arith.constant 2 : i32
      "tpu.region"() ({
        %run_scoped3A_49 = tpu.sem_alloc : memref<!tpu.dma_semaphore, #tpu.memory_space<semaphore_mem>>
        %dma_start3A = arith.constant 0 : i32
        %dma_start3A_50 = arith.constant 0 : i32
        %dma_start3A_51 = tpu.memref_slice %arg9[%run_scoped3A_26, %dma_start3A, %dma_start3A_50] : memref<8x128x4xf32, #tpu.memory_space<vmem>> -> memref<1x128x4xf32, #tpu.memory_space<vmem>>
        %dma_start3A_52 = tpu.memref_squeeze %dma_start3A_51 : memref<1x128x4xf32, #tpu.memory_space<vmem>> -> memref<128x4xf32, #tpu.memory_space<vmem>>
        %dma_start3A_53 = arith.constant 0 : i32
        %dma_start3A_54 = tpu.memref_slice %arg7[%run_scoped3A_25, %dma_start3A_53] : memref<8x128xi32, #tpu.memory_space<vmem>> -> memref<1x128xi32, #tpu.memory_space<vmem>>
        %dma_start3A_55 = tpu.memref_squeeze %dma_start3A_54 : memref<1x128xi32, #tpu.memory_space<vmem>> -> memref<128xi32, #tpu.memory_space<vmem>>
        %dma_start3A_56 = arith.constant 0 : i32
        %dma_start3A_57 = arith.constant 0 : i32
        %dma_start3A_58 = tpu.memref_slice %arg10[%dma_start3A_56, %dma_start3A_57] : memref<100096x4xf32, #tpu.memory_space<vmem_shared>> -> memref<100096x4xf32, #tpu.memory_space<vmem_shared>>
        tpu.enqueue_indirect_dma source(%dma_start3A_58 : memref<100096x4xf32, #tpu.memory_space<vmem_shared>>) target(%dma_start3A_52 : memref<128x4xf32, #tpu.memory_space<vmem>>) offsets(%dma_start3A_55 : memref<128xi32, #tpu.memory_space<vmem>>) semaphore(%run_scoped3A_49 : memref<!tpu.dma_semaphore, #tpu.memory_space<semaphore_mem>>)
        %dma_wait3A = arith.constant 0 : i32
        %dma_wait3A_59 = arith.constant 0 : i32
        %dma_wait3A_60 = tpu.memref_slice %arg9[%run_scoped3A_26, %dma_wait3A, %dma_wait3A_59] : memref<8x128x4xf32, #tpu.memory_space<vmem>> -> memref<1x128x4xf32, #tpu.memory_space<vmem>>
        %dma_wait3A_61 = tpu.memref_squeeze %dma_wait3A_60 : memref<1x128x4xf32, #tpu.memory_space<vmem>> -> memref<128x4xf32, #tpu.memory_space<vmem>>
        %dma_wait3A_62 = arith.constant 0 : i32
        %dma_wait3A_63 = tpu.memref_slice %arg7[%run_scoped3A_25, %dma_wait3A_62] : memref<8x128xi32, #tpu.memory_space<vmem>> -> memref<1x128xi32, #tpu.memory_space<vmem>>
        %dma_wait3A_64 = tpu.memref_squeeze %dma_wait3A_63 : memref<1x128xi32, #tpu.memory_space<vmem>> -> memref<128xi32, #tpu.memory_space<vmem>>
        %dma_wait3A_65 = arith.constant 0 : i32
        %dma_wait3A_66 = arith.constant 0 : i32
        %dma_wait3A_67 = tpu.memref_slice %arg10[%dma_wait3A_65, %dma_wait3A_66] : memref<100096x4xf32, #tpu.memory_space<vmem_shared>> -> memref<100096x4xf32, #tpu.memory_space<vmem_shared>>
        tpu.wait_indirect_dma semaphore(%run_scoped3A_49 : memref<!tpu.dma_semaphore, #tpu.memory_space<semaphore_mem>>) src(%dma_wait3A_67 : memref<100096x4xf32, #tpu.memory_space<vmem_shared>>) dst(%dma_wait3A_61 : memref<128x4xf32, #tpu.memory_space<vmem>>)
        tpu.yield
      }) : () -> ()
      %run_scoped3A_27 = arith.constant 2 : i32
      %run_scoped3A_28 = arith.constant 2 : i32
      "tpu.region"() ({
        %run_scoped3A_49 = tpu.sem_alloc : memref<!tpu.dma_semaphore, #tpu.memory_space<semaphore_mem>>
        %dma_start3A = arith.constant 0 : i32
        %dma_start3A_50 = arith.constant 0 : i32
        %dma_start3A_51 = tpu.memref_slice %arg9[%run_scoped3A_27, %dma_start3A, %dma_start3A_50] : memref<8x128x4xf32, #tpu.memory_space<vmem>> -> memref<1x128x4xf32, #tpu.memory_space<vmem>>
        %dma_start3A_52 = tpu.memref_squeeze %dma_start3A_51 : memref<1x128x4xf32, #tpu.memory_space<vmem>> -> memref<128x4xf32, #tpu.memory_space<vmem>>
        %dma_start3A_53 = arith.constant 0 : i32
        %dma_start3A_54 = tpu.memref_slice %arg8[%run_scoped3A_28, %dma_start3A_53] : memref<8x128xi32, #tpu.memory_space<vmem>> -> memref<1x128xi32, #tpu.memory_space<vmem>>
        %dma_start3A_55 = tpu.memref_squeeze %dma_start3A_54 : memref<1x128xi32, #tpu.memory_space<vmem>> -> memref<128xi32, #tpu.memory_space<vmem>>
        %dma_start3A_56 = arith.constant 0 : i32
        %dma_start3A_57 = arith.constant 0 : i32
        %dma_start3A_58 = tpu.memref_slice %arg11[%dma_start3A_56, %dma_start3A_57] : memref<100096x4xf32, #tpu.memory_space<vmem_shared>> -> memref<100096x4xf32, #tpu.memory_space<vmem_shared>>
        tpu.enqueue_indirect_dma source(%dma_start3A_52 : memref<128x4xf32, #tpu.memory_space<vmem>>) target(%dma_start3A_58 : memref<100096x4xf32, #tpu.memory_space<vmem_shared>>) offsets(%dma_start3A_55 : memref<128xi32, #tpu.memory_space<vmem>>) semaphore(%run_scoped3A_49 : memref<!tpu.dma_semaphore, #tpu.memory_space<semaphore_mem>>) {add = true}
        %dma_wait3A = arith.constant 0 : i32
        %dma_wait3A_59 = arith.constant 0 : i32
        %dma_wait3A_60 = tpu.memref_slice %arg9[%run_scoped3A_27, %dma_wait3A, %dma_wait3A_59] : memref<8x128x4xf32, #tpu.memory_space<vmem>> -> memref<1x128x4xf32, #tpu.memory_space<vmem>>
        %dma_wait3A_61 = tpu.memref_squeeze %dma_wait3A_60 : memref<1x128x4xf32, #tpu.memory_space<vmem>> -> memref<128x4xf32, #tpu.memory_space<vmem>>
        %dma_wait3A_62 = arith.constant 0 : i32
        %dma_wait3A_63 = tpu.memref_slice %arg8[%run_scoped3A_28, %dma_wait3A_62] : memref<8x128xi32, #tpu.memory_space<vmem>> -> memref<1x128xi32, #tpu.memory_space<vmem>>
        %dma_wait3A_64 = tpu.memref_squeeze %dma_wait3A_63 : memref<1x128xi32, #tpu.memory_space<vmem>> -> memref<128xi32, #tpu.memory_space<vmem>>
        %dma_wait3A_65 = arith.constant 0 : i32
        %dma_wait3A_66 = arith.constant 0 : i32
        %dma_wait3A_67 = tpu.memref_slice %arg11[%dma_wait3A_65, %dma_wait3A_66] : memref<100096x4xf32, #tpu.memory_space<vmem_shared>> -> memref<100096x4xf32, #tpu.memory_space<vmem_shared>>
        tpu.wait_indirect_dma semaphore(%run_scoped3A_49 : memref<!tpu.dma_semaphore, #tpu.memory_space<semaphore_mem>>) src(%dma_wait3A_61 : memref<128x4xf32, #tpu.memory_space<vmem>>) dst(%dma_wait3A_67 : memref<100096x4xf32, #tpu.memory_space<vmem_shared>>)
        tpu.yield
      }) : () -> ()
      %run_scoped3A_29 = arith.constant 3 : i32
      %run_scoped3A_30 = arith.constant 3 : i32
      "tpu.region"() ({
        %run_scoped3A_49 = tpu.sem_alloc : memref<!tpu.dma_semaphore, #tpu.memory_space<semaphore_mem>>
        %dma_start3A = arith.constant 0 : i32
        %dma_start3A_50 = arith.constant 0 : i32
        %dma_start3A_51 = tpu.memref_slice %arg9[%run_scoped3A_30, %dma_start3A, %dma_start3A_50] : memref<8x128x4xf32, #tpu.memory_space<vmem>> -> memref<1x128x4xf32, #tpu.memory_space<vmem>>
        %dma_start3A_52 = tpu.memref_squeeze %dma_start3A_51 : memref<1x128x4xf32, #tpu.memory_space<vmem>> -> memref<128x4xf32, #tpu.memory_space<vmem>>
        %dma_start3A_53 = arith.constant 0 : i32
        %dma_start3A_54 = tpu.memref_slice %arg7[%run_scoped3A_29, %dma_start3A_53] : memref<8x128xi32, #tpu.memory_space<vmem>> -> memref<1x128xi32, #tpu.memory_space<vmem>>
        %dma_start3A_55 = tpu.memref_squeeze %dma_start3A_54 : memref<1x128xi32, #tpu.memory_space<vmem>> -> memref<128xi32, #tpu.memory_space<vmem>>
        %dma_start3A_56 = arith.constant 0 : i32
        %dma_start3A_57 = arith.constant 0 : i32
        %dma_start3A_58 = tpu.memref_slice %arg10[%dma_start3A_56, %dma_start3A_57] : memref<100096x4xf32, #tpu.memory_space<vmem_shared>> -> memref<100096x4xf32, #tpu.memory_space<vmem_shared>>
        tpu.enqueue_indirect_dma source(%dma_start3A_58 : memref<100096x4xf32, #tpu.memory_space<vmem_shared>>) target(%dma_start3A_52 : memref<128x4xf32, #tpu.memory_space<vmem>>) offsets(%dma_start3A_55 : memref<128xi32, #tpu.memory_space<vmem>>) semaphore(%run_scoped3A_49 : memref<!tpu.dma_semaphore, #tpu.memory_space<semaphore_mem>>)
        %dma_wait3A = arith.constant 0 : i32
        %dma_wait3A_59 = arith.constant 0 : i32
        %dma_wait3A_60 = tpu.memref_slice %arg9[%run_scoped3A_30, %dma_wait3A, %dma_wait3A_59] : memref<8x128x4xf32, #tpu.memory_space<vmem>> -> memref<1x128x4xf32, #tpu.memory_space<vmem>>
        %dma_wait3A_61 = tpu.memref_squeeze %dma_wait3A_60 : memref<1x128x4xf32, #tpu.memory_space<vmem>> -> memref<128x4xf32, #tpu.memory_space<vmem>>
        %dma_wait3A_62 = arith.constant 0 : i32
        %dma_wait3A_63 = tpu.memref_slice %arg7[%run_scoped3A_29, %dma_wait3A_62] : memref<8x128xi32, #tpu.memory_space<vmem>> -> memref<1x128xi32, #tpu.memory_space<vmem>>
        %dma_wait3A_64 = tpu.memref_squeeze %dma_wait3A_63 : memref<1x128xi32, #tpu.memory_space<vmem>> -> memref<128xi32, #tpu.memory_space<vmem>>
        %dma_wait3A_65 = arith.constant 0 : i32
        %dma_wait3A_66 = arith.constant 0 : i32
        %dma_wait3A_67 = tpu.memref_slice %arg10[%dma_wait3A_65, %dma_wait3A_66] : memref<100096x4xf32, #tpu.memory_space<vmem_shared>> -> memref<100096x4xf32, #tpu.memory_space<vmem_shared>>
        tpu.wait_indirect_dma semaphore(%run_scoped3A_49 : memref<!tpu.dma_semaphore, #tpu.memory_space<semaphore_mem>>) src(%dma_wait3A_67 : memref<100096x4xf32, #tpu.memory_space<vmem_shared>>) dst(%dma_wait3A_61 : memref<128x4xf32, #tpu.memory_space<vmem>>)
        tpu.yield
      }) : () -> ()
      %run_scoped3A_31 = arith.constant 3 : i32
      %run_scoped3A_32 = arith.constant 3 : i32
      "tpu.region"() ({
        %run_scoped3A_49 = tpu.sem_alloc : memref<!tpu.dma_semaphore, #tpu.memory_space<semaphore_mem>>
        %dma_start3A = arith.constant 0 : i32
        %dma_start3A_50 = arith.constant 0 : i32
        %dma_start3A_51 = tpu.memref_slice %arg9[%run_scoped3A_31, %dma_start3A, %dma_start3A_50] : memref<8x128x4xf32, #tpu.memory_space<vmem>> -> memref<1x128x4xf32, #tpu.memory_space<vmem>>
        %dma_start3A_52 = tpu.memref_squeeze %dma_start3A_51 : memref<1x128x4xf32, #tpu.memory_space<vmem>> -> memref<128x4xf32, #tpu.memory_space<vmem>>
        %dma_start3A_53 = arith.constant 0 : i32
        %dma_start3A_54 = tpu.memref_slice %arg8[%run_scoped3A_32, %dma_start3A_53] : memref<8x128xi32, #tpu.memory_space<vmem>> -> memref<1x128xi32, #tpu.memory_space<vmem>>
        %dma_start3A_55 = tpu.memref_squeeze %dma_start3A_54 : memref<1x128xi32, #tpu.memory_space<vmem>> -> memref<128xi32, #tpu.memory_space<vmem>>
        %dma_start3A_56 = arith.constant 0 : i32
        %dma_start3A_57 = arith.constant 0 : i32
        %dma_start3A_58 = tpu.memref_slice %arg11[%dma_start3A_56, %dma_start3A_57] : memref<100096x4xf32, #tpu.memory_space<vmem_shared>> -> memref<100096x4xf32, #tpu.memory_space<vmem_shared>>
        tpu.enqueue_indirect_dma source(%dma_start3A_52 : memref<128x4xf32, #tpu.memory_space<vmem>>) target(%dma_start3A_58 : memref<100096x4xf32, #tpu.memory_space<vmem_shared>>) offsets(%dma_start3A_55 : memref<128xi32, #tpu.memory_space<vmem>>) semaphore(%run_scoped3A_49 : memref<!tpu.dma_semaphore, #tpu.memory_space<semaphore_mem>>) {add = true}
        %dma_wait3A = arith.constant 0 : i32
        %dma_wait3A_59 = arith.constant 0 : i32
        %dma_wait3A_60 = tpu.memref_slice %arg9[%run_scoped3A_31, %dma_wait3A, %dma_wait3A_59] : memref<8x128x4xf32, #tpu.memory_space<vmem>> -> memref<1x128x4xf32, #tpu.memory_space<vmem>>
        %dma_wait3A_61 = tpu.memref_squeeze %dma_wait3A_60 : memref<1x128x4xf32, #tpu.memory_space<vmem>> -> memref<128x4xf32, #tpu.memory_space<vmem>>
        %dma_wait3A_62 = arith.constant 0 : i32
        %dma_wait3A_63 = tpu.memref_slice %arg8[%run_scoped3A_32, %dma_wait3A_62] : memref<8x128xi32, #tpu.memory_space<vmem>> -> memref<1x128xi32, #tpu.memory_space<vmem>>
        %dma_wait3A_64 = tpu.memref_squeeze %dma_wait3A_63 : memref<1x128xi32, #tpu.memory_space<vmem>> -> memref<128xi32, #tpu.memory_space<vmem>>
        %dma_wait3A_65 = arith.constant 0 : i32
        %dma_wait3A_66 = arith.constant 0 : i32
        %dma_wait3A_67 = tpu.memref_slice %arg11[%dma_wait3A_65, %dma_wait3A_66] : memref<100096x4xf32, #tpu.memory_space<vmem_shared>> -> memref<100096x4xf32, #tpu.memory_space<vmem_shared>>
        tpu.wait_indirect_dma semaphore(%run_scoped3A_49 : memref<!tpu.dma_semaphore, #tpu.memory_space<semaphore_mem>>) src(%dma_wait3A_61 : memref<128x4xf32, #tpu.memory_space<vmem>>) dst(%dma_wait3A_67 : memref<100096x4xf32, #tpu.memory_space<vmem_shared>>)
        tpu.yield
      }) : () -> ()
      %run_scoped3A_33 = arith.constant 4 : i32
      %run_scoped3A_34 = arith.constant 4 : i32
      "tpu.region"() ({
        %run_scoped3A_49 = tpu.sem_alloc : memref<!tpu.dma_semaphore, #tpu.memory_space<semaphore_mem>>
        %dma_start3A = arith.constant 0 : i32
        %dma_start3A_50 = arith.constant 0 : i32
        %dma_start3A_51 = tpu.memref_slice %arg9[%run_scoped3A_34, %dma_start3A, %dma_start3A_50] : memref<8x128x4xf32, #tpu.memory_space<vmem>> -> memref<1x128x4xf32, #tpu.memory_space<vmem>>
        %dma_start3A_52 = tpu.memref_squeeze %dma_start3A_51 : memref<1x128x4xf32, #tpu.memory_space<vmem>> -> memref<128x4xf32, #tpu.memory_space<vmem>>
        %dma_start3A_53 = arith.constant 0 : i32
        %dma_start3A_54 = tpu.memref_slice %arg7[%run_scoped3A_33, %dma_start3A_53] : memref<8x128xi32, #tpu.memory_space<vmem>> -> memref<1x128xi32, #tpu.memory_space<vmem>>
        %dma_start3A_55 = tpu.memref_squeeze %dma_start3A_54 : memref<1x128xi32, #tpu.memory_space<vmem>> -> memref<128xi32, #tpu.memory_space<vmem>>
        %dma_start3A_56 = arith.constant 0 : i32
        %dma_start3A_57 = arith.constant 0 : i32
        %dma_start3A_58 = tpu.memref_slice %arg10[%dma_start3A_56, %dma_start3A_57] : memref<100096x4xf32, #tpu.memory_space<vmem_shared>> -> memref<100096x4xf32, #tpu.memory_space<vmem_shared>>
        tpu.enqueue_indirect_dma source(%dma_start3A_58 : memref<100096x4xf32, #tpu.memory_space<vmem_shared>>) target(%dma_start3A_52 : memref<128x4xf32, #tpu.memory_space<vmem>>) offsets(%dma_start3A_55 : memref<128xi32, #tpu.memory_space<vmem>>) semaphore(%run_scoped3A_49 : memref<!tpu.dma_semaphore, #tpu.memory_space<semaphore_mem>>)
        %dma_wait3A = arith.constant 0 : i32
        %dma_wait3A_59 = arith.constant 0 : i32
        %dma_wait3A_60 = tpu.memref_slice %arg9[%run_scoped3A_34, %dma_wait3A, %dma_wait3A_59] : memref<8x128x4xf32, #tpu.memory_space<vmem>> -> memref<1x128x4xf32, #tpu.memory_space<vmem>>
        %dma_wait3A_61 = tpu.memref_squeeze %dma_wait3A_60 : memref<1x128x4xf32, #tpu.memory_space<vmem>> -> memref<128x4xf32, #tpu.memory_space<vmem>>
        %dma_wait3A_62 = arith.constant 0 : i32
        %dma_wait3A_63 = tpu.memref_slice %arg7[%run_scoped3A_33, %dma_wait3A_62] : memref<8x128xi32, #tpu.memory_space<vmem>> -> memref<1x128xi32, #tpu.memory_space<vmem>>
        %dma_wait3A_64 = tpu.memref_squeeze %dma_wait3A_63 : memref<1x128xi32, #tpu.memory_space<vmem>> -> memref<128xi32, #tpu.memory_space<vmem>>
        %dma_wait3A_65 = arith.constant 0 : i32
        %dma_wait3A_66 = arith.constant 0 : i32
        %dma_wait3A_67 = tpu.memref_slice %arg10[%dma_wait3A_65, %dma_wait3A_66] : memref<100096x4xf32, #tpu.memory_space<vmem_shared>> -> memref<100096x4xf32, #tpu.memory_space<vmem_shared>>
        tpu.wait_indirect_dma semaphore(%run_scoped3A_49 : memref<!tpu.dma_semaphore, #tpu.memory_space<semaphore_mem>>) src(%dma_wait3A_67 : memref<100096x4xf32, #tpu.memory_space<vmem_shared>>) dst(%dma_wait3A_61 : memref<128x4xf32, #tpu.memory_space<vmem>>)
        tpu.yield
      }) : () -> ()
      %run_scoped3A_35 = arith.constant 4 : i32
      %run_scoped3A_36 = arith.constant 4 : i32
      "tpu.region"() ({
        %run_scoped3A_49 = tpu.sem_alloc : memref<!tpu.dma_semaphore, #tpu.memory_space<semaphore_mem>>
        %dma_start3A = arith.constant 0 : i32
        %dma_start3A_50 = arith.constant 0 : i32
        %dma_start3A_51 = tpu.memref_slice %arg9[%run_scoped3A_35, %dma_start3A, %dma_start3A_50] : memref<8x128x4xf32, #tpu.memory_space<vmem>> -> memref<1x128x4xf32, #tpu.memory_space<vmem>>
        %dma_start3A_52 = tpu.memref_squeeze %dma_start3A_51 : memref<1x128x4xf32, #tpu.memory_space<vmem>> -> memref<128x4xf32, #tpu.memory_space<vmem>>
        %dma_start3A_53 = arith.constant 0 : i32
        %dma_start3A_54 = tpu.memref_slice %arg8[%run_scoped3A_36, %dma_start3A_53] : memref<8x128xi32, #tpu.memory_space<vmem>> -> memref<1x128xi32, #tpu.memory_space<vmem>>
        %dma_start3A_55 = tpu.memref_squeeze %dma_start3A_54 : memref<1x128xi32, #tpu.memory_space<vmem>> -> memref<128xi32, #tpu.memory_space<vmem>>
        %dma_start3A_56 = arith.constant 0 : i32
        %dma_start3A_57 = arith.constant 0 : i32
        %dma_start3A_58 = tpu.memref_slice %arg11[%dma_start3A_56, %dma_start3A_57] : memref<100096x4xf32, #tpu.memory_space<vmem_shared>> -> memref<100096x4xf32, #tpu.memory_space<vmem_shared>>
        tpu.enqueue_indirect_dma source(%dma_start3A_52 : memref<128x4xf32, #tpu.memory_space<vmem>>) target(%dma_start3A_58 : memref<100096x4xf32, #tpu.memory_space<vmem_shared>>) offsets(%dma_start3A_55 : memref<128xi32, #tpu.memory_space<vmem>>) semaphore(%run_scoped3A_49 : memref<!tpu.dma_semaphore, #tpu.memory_space<semaphore_mem>>) {add = true}
        %dma_wait3A = arith.constant 0 : i32
        %dma_wait3A_59 = arith.constant 0 : i32
        %dma_wait3A_60 = tpu.memref_slice %arg9[%run_scoped3A_35, %dma_wait3A, %dma_wait3A_59] : memref<8x128x4xf32, #tpu.memory_space<vmem>> -> memref<1x128x4xf32, #tpu.memory_space<vmem>>
        %dma_wait3A_61 = tpu.memref_squeeze %dma_wait3A_60 : memref<1x128x4xf32, #tpu.memory_space<vmem>> -> memref<128x4xf32, #tpu.memory_space<vmem>>
        %dma_wait3A_62 = arith.constant 0 : i32
        %dma_wait3A_63 = tpu.memref_slice %arg8[%run_scoped3A_36, %dma_wait3A_62] : memref<8x128xi32, #tpu.memory_space<vmem>> -> memref<1x128xi32, #tpu.memory_space<vmem>>
        %dma_wait3A_64 = tpu.memref_squeeze %dma_wait3A_63 : memref<1x128xi32, #tpu.memory_space<vmem>> -> memref<128xi32, #tpu.memory_space<vmem>>
        %dma_wait3A_65 = arith.constant 0 : i32
        %dma_wait3A_66 = arith.constant 0 : i32
        %dma_wait3A_67 = tpu.memref_slice %arg11[%dma_wait3A_65, %dma_wait3A_66] : memref<100096x4xf32, #tpu.memory_space<vmem_shared>> -> memref<100096x4xf32, #tpu.memory_space<vmem_shared>>
        tpu.wait_indirect_dma semaphore(%run_scoped3A_49 : memref<!tpu.dma_semaphore, #tpu.memory_space<semaphore_mem>>) src(%dma_wait3A_61 : memref<128x4xf32, #tpu.memory_space<vmem>>) dst(%dma_wait3A_67 : memref<100096x4xf32, #tpu.memory_space<vmem_shared>>)
        tpu.yield
      }) : () -> ()
      %run_scoped3A_37 = arith.constant 5 : i32
      %run_scoped3A_38 = arith.constant 5 : i32
      "tpu.region"() ({
        %run_scoped3A_49 = tpu.sem_alloc : memref<!tpu.dma_semaphore, #tpu.memory_space<semaphore_mem>>
        %dma_start3A = arith.constant 0 : i32
        %dma_start3A_50 = arith.constant 0 : i32
        %dma_start3A_51 = tpu.memref_slice %arg9[%run_scoped3A_38, %dma_start3A, %dma_start3A_50] : memref<8x128x4xf32, #tpu.memory_space<vmem>> -> memref<1x128x4xf32, #tpu.memory_space<vmem>>
        %dma_start3A_52 = tpu.memref_squeeze %dma_start3A_51 : memref<1x128x4xf32, #tpu.memory_space<vmem>> -> memref<128x4xf32, #tpu.memory_space<vmem>>
        %dma_start3A_53 = arith.constant 0 : i32
        %dma_start3A_54 = tpu.memref_slice %arg7[%run_scoped3A_37, %dma_start3A_53] : memref<8x128xi32, #tpu.memory_space<vmem>> -> memref<1x128xi32, #tpu.memory_space<vmem>>
        %dma_start3A_55 = tpu.memref_squeeze %dma_start3A_54 : memref<1x128xi32, #tpu.memory_space<vmem>> -> memref<128xi32, #tpu.memory_space<vmem>>
        %dma_start3A_56 = arith.constant 0 : i32
        %dma_start3A_57 = arith.constant 0 : i32
        %dma_start3A_58 = tpu.memref_slice %arg10[%dma_start3A_56, %dma_start3A_57] : memref<100096x4xf32, #tpu.memory_space<vmem_shared>> -> memref<100096x4xf32, #tpu.memory_space<vmem_shared>>
        tpu.enqueue_indirect_dma source(%dma_start3A_58 : memref<100096x4xf32, #tpu.memory_space<vmem_shared>>) target(%dma_start3A_52 : memref<128x4xf32, #tpu.memory_space<vmem>>) offsets(%dma_start3A_55 : memref<128xi32, #tpu.memory_space<vmem>>) semaphore(%run_scoped3A_49 : memref<!tpu.dma_semaphore, #tpu.memory_space<semaphore_mem>>)
        %dma_wait3A = arith.constant 0 : i32
        %dma_wait3A_59 = arith.constant 0 : i32
        %dma_wait3A_60 = tpu.memref_slice %arg9[%run_scoped3A_38, %dma_wait3A, %dma_wait3A_59] : memref<8x128x4xf32, #tpu.memory_space<vmem>> -> memref<1x128x4xf32, #tpu.memory_space<vmem>>
        %dma_wait3A_61 = tpu.memref_squeeze %dma_wait3A_60 : memref<1x128x4xf32, #tpu.memory_space<vmem>> -> memref<128x4xf32, #tpu.memory_space<vmem>>
        %dma_wait3A_62 = arith.constant 0 : i32
        %dma_wait3A_63 = tpu.memref_slice %arg7[%run_scoped3A_37, %dma_wait3A_62] : memref<8x128xi32, #tpu.memory_space<vmem>> -> memref<1x128xi32, #tpu.memory_space<vmem>>
        %dma_wait3A_64 = tpu.memref_squeeze %dma_wait3A_63 : memref<1x128xi32, #tpu.memory_space<vmem>> -> memref<128xi32, #tpu.memory_space<vmem>>
        %dma_wait3A_65 = arith.constant 0 : i32
        %dma_wait3A_66 = arith.constant 0 : i32
        %dma_wait3A_67 = tpu.memref_slice %arg10[%dma_wait3A_65, %dma_wait3A_66] : memref<100096x4xf32, #tpu.memory_space<vmem_shared>> -> memref<100096x4xf32, #tpu.memory_space<vmem_shared>>
        tpu.wait_indirect_dma semaphore(%run_scoped3A_49 : memref<!tpu.dma_semaphore, #tpu.memory_space<semaphore_mem>>) src(%dma_wait3A_67 : memref<100096x4xf32, #tpu.memory_space<vmem_shared>>) dst(%dma_wait3A_61 : memref<128x4xf32, #tpu.memory_space<vmem>>)
        tpu.yield
      }) : () -> ()
      %run_scoped3A_39 = arith.constant 5 : i32
      %run_scoped3A_40 = arith.constant 5 : i32
      "tpu.region"() ({
        %run_scoped3A_49 = tpu.sem_alloc : memref<!tpu.dma_semaphore, #tpu.memory_space<semaphore_mem>>
        %dma_start3A = arith.constant 0 : i32
        %dma_start3A_50 = arith.constant 0 : i32
        %dma_start3A_51 = tpu.memref_slice %arg9[%run_scoped3A_39, %dma_start3A, %dma_start3A_50] : memref<8x128x4xf32, #tpu.memory_space<vmem>> -> memref<1x128x4xf32, #tpu.memory_space<vmem>>
        %dma_start3A_52 = tpu.memref_squeeze %dma_start3A_51 : memref<1x128x4xf32, #tpu.memory_space<vmem>> -> memref<128x4xf32, #tpu.memory_space<vmem>>
        %dma_start3A_53 = arith.constant 0 : i32
        %dma_start3A_54 = tpu.memref_slice %arg8[%run_scoped3A_40, %dma_start3A_53] : memref<8x128xi32, #tpu.memory_space<vmem>> -> memref<1x128xi32, #tpu.memory_space<vmem>>
        %dma_start3A_55 = tpu.memref_squeeze %dma_start3A_54 : memref<1x128xi32, #tpu.memory_space<vmem>> -> memref<128xi32, #tpu.memory_space<vmem>>
        %dma_start3A_56 = arith.constant 0 : i32
        %dma_start3A_57 = arith.constant 0 : i32
        %dma_start3A_58 = tpu.memref_slice %arg11[%dma_start3A_56, %dma_start3A_57] : memref<100096x4xf32, #tpu.memory_space<vmem_shared>> -> memref<100096x4xf32, #tpu.memory_space<vmem_shared>>
        tpu.enqueue_indirect_dma source(%dma_start3A_52 : memref<128x4xf32, #tpu.memory_space<vmem>>) target(%dma_start3A_58 : memref<100096x4xf32, #tpu.memory_space<vmem_shared>>) offsets(%dma_start3A_55 : memref<128xi32, #tpu.memory_space<vmem>>) semaphore(%run_scoped3A_49 : memref<!tpu.dma_semaphore, #tpu.memory_space<semaphore_mem>>) {add = true}
        %dma_wait3A = arith.constant 0 : i32
        %dma_wait3A_59 = arith.constant 0 : i32
        %dma_wait3A_60 = tpu.memref_slice %arg9[%run_scoped3A_39, %dma_wait3A, %dma_wait3A_59] : memref<8x128x4xf32, #tpu.memory_space<vmem>> -> memref<1x128x4xf32, #tpu.memory_space<vmem>>
        %dma_wait3A_61 = tpu.memref_squeeze %dma_wait3A_60 : memref<1x128x4xf32, #tpu.memory_space<vmem>> -> memref<128x4xf32, #tpu.memory_space<vmem>>
        %dma_wait3A_62 = arith.constant 0 : i32
        %dma_wait3A_63 = tpu.memref_slice %arg8[%run_scoped3A_40, %dma_wait3A_62] : memref<8x128xi32, #tpu.memory_space<vmem>> -> memref<1x128xi32, #tpu.memory_space<vmem>>
        %dma_wait3A_64 = tpu.memref_squeeze %dma_wait3A_63 : memref<1x128xi32, #tpu.memory_space<vmem>> -> memref<128xi32, #tpu.memory_space<vmem>>
        %dma_wait3A_65 = arith.constant 0 : i32
        %dma_wait3A_66 = arith.constant 0 : i32
        %dma_wait3A_67 = tpu.memref_slice %arg11[%dma_wait3A_65, %dma_wait3A_66] : memref<100096x4xf32, #tpu.memory_space<vmem_shared>> -> memref<100096x4xf32, #tpu.memory_space<vmem_shared>>
        tpu.wait_indirect_dma semaphore(%run_scoped3A_49 : memref<!tpu.dma_semaphore, #tpu.memory_space<semaphore_mem>>) src(%dma_wait3A_61 : memref<128x4xf32, #tpu.memory_space<vmem>>) dst(%dma_wait3A_67 : memref<100096x4xf32, #tpu.memory_space<vmem_shared>>)
        tpu.yield
      }) : () -> ()
      %run_scoped3A_41 = arith.constant 6 : i32
      %run_scoped3A_42 = arith.constant 6 : i32
      "tpu.region"() ({
        %run_scoped3A_49 = tpu.sem_alloc : memref<!tpu.dma_semaphore, #tpu.memory_space<semaphore_mem>>
        %dma_start3A = arith.constant 0 : i32
        %dma_start3A_50 = arith.constant 0 : i32
        %dma_start3A_51 = tpu.memref_slice %arg9[%run_scoped3A_42, %dma_start3A, %dma_start3A_50] : memref<8x128x4xf32, #tpu.memory_space<vmem>> -> memref<1x128x4xf32, #tpu.memory_space<vmem>>
        %dma_start3A_52 = tpu.memref_squeeze %dma_start3A_51 : memref<1x128x4xf32, #tpu.memory_space<vmem>> -> memref<128x4xf32, #tpu.memory_space<vmem>>
        %dma_start3A_53 = arith.constant 0 : i32
        %dma_start3A_54 = tpu.memref_slice %arg7[%run_scoped3A_41, %dma_start3A_53] : memref<8x128xi32, #tpu.memory_space<vmem>> -> memref<1x128xi32, #tpu.memory_space<vmem>>
        %dma_start3A_55 = tpu.memref_squeeze %dma_start3A_54 : memref<1x128xi32, #tpu.memory_space<vmem>> -> memref<128xi32, #tpu.memory_space<vmem>>
        %dma_start3A_56 = arith.constant 0 : i32
        %dma_start3A_57 = arith.constant 0 : i32
        %dma_start3A_58 = tpu.memref_slice %arg10[%dma_start3A_56, %dma_start3A_57] : memref<100096x4xf32, #tpu.memory_space<vmem_shared>> -> memref<100096x4xf32, #tpu.memory_space<vmem_shared>>
        tpu.enqueue_indirect_dma source(%dma_start3A_58 : memref<100096x4xf32, #tpu.memory_space<vmem_shared>>) target(%dma_start3A_52 : memref<128x4xf32, #tpu.memory_space<vmem>>) offsets(%dma_start3A_55 : memref<128xi32, #tpu.memory_space<vmem>>) semaphore(%run_scoped3A_49 : memref<!tpu.dma_semaphore, #tpu.memory_space<semaphore_mem>>)
        %dma_wait3A = arith.constant 0 : i32
        %dma_wait3A_59 = arith.constant 0 : i32
        %dma_wait3A_60 = tpu.memref_slice %arg9[%run_scoped3A_42, %dma_wait3A, %dma_wait3A_59] : memref<8x128x4xf32, #tpu.memory_space<vmem>> -> memref<1x128x4xf32, #tpu.memory_space<vmem>>
        %dma_wait3A_61 = tpu.memref_squeeze %dma_wait3A_60 : memref<1x128x4xf32, #tpu.memory_space<vmem>> -> memref<128x4xf32, #tpu.memory_space<vmem>>
        %dma_wait3A_62 = arith.constant 0 : i32
        %dma_wait3A_63 = tpu.memref_slice %arg7[%run_scoped3A_41, %dma_wait3A_62] : memref<8x128xi32, #tpu.memory_space<vmem>> -> memref<1x128xi32, #tpu.memory_space<vmem>>
        %dma_wait3A_64 = tpu.memref_squeeze %dma_wait3A_63 : memref<1x128xi32, #tpu.memory_space<vmem>> -> memref<128xi32, #tpu.memory_space<vmem>>
        %dma_wait3A_65 = arith.constant 0 : i32
        %dma_wait3A_66 = arith.constant 0 : i32
        %dma_wait3A_67 = tpu.memref_slice %arg10[%dma_wait3A_65, %dma_wait3A_66] : memref<100096x4xf32, #tpu.memory_space<vmem_shared>> -> memref<100096x4xf32, #tpu.memory_space<vmem_shared>>
        tpu.wait_indirect_dma semaphore(%run_scoped3A_49 : memref<!tpu.dma_semaphore, #tpu.memory_space<semaphore_mem>>) src(%dma_wait3A_67 : memref<100096x4xf32, #tpu.memory_space<vmem_shared>>) dst(%dma_wait3A_61 : memref<128x4xf32, #tpu.memory_space<vmem>>)
        tpu.yield
      }) : () -> ()
      %run_scoped3A_43 = arith.constant 6 : i32
      %run_scoped3A_44 = arith.constant 6 : i32
      "tpu.region"() ({
        %run_scoped3A_49 = tpu.sem_alloc : memref<!tpu.dma_semaphore, #tpu.memory_space<semaphore_mem>>
        %dma_start3A = arith.constant 0 : i32
        %dma_start3A_50 = arith.constant 0 : i32
        %dma_start3A_51 = tpu.memref_slice %arg9[%run_scoped3A_43, %dma_start3A, %dma_start3A_50] : memref<8x128x4xf32, #tpu.memory_space<vmem>> -> memref<1x128x4xf32, #tpu.memory_space<vmem>>
        %dma_start3A_52 = tpu.memref_squeeze %dma_start3A_51 : memref<1x128x4xf32, #tpu.memory_space<vmem>> -> memref<128x4xf32, #tpu.memory_space<vmem>>
        %dma_start3A_53 = arith.constant 0 : i32
        %dma_start3A_54 = tpu.memref_slice %arg8[%run_scoped3A_44, %dma_start3A_53] : memref<8x128xi32, #tpu.memory_space<vmem>> -> memref<1x128xi32, #tpu.memory_space<vmem>>
        %dma_start3A_55 = tpu.memref_squeeze %dma_start3A_54 : memref<1x128xi32, #tpu.memory_space<vmem>> -> memref<128xi32, #tpu.memory_space<vmem>>
        %dma_start3A_56 = arith.constant 0 : i32
        %dma_start3A_57 = arith.constant 0 : i32
        %dma_start3A_58 = tpu.memref_slice %arg11[%dma_start3A_56, %dma_start3A_57] : memref<100096x4xf32, #tpu.memory_space<vmem_shared>> -> memref<100096x4xf32, #tpu.memory_space<vmem_shared>>
        tpu.enqueue_indirect_dma source(%dma_start3A_52 : memref<128x4xf32, #tpu.memory_space<vmem>>) target(%dma_start3A_58 : memref<100096x4xf32, #tpu.memory_space<vmem_shared>>) offsets(%dma_start3A_55 : memref<128xi32, #tpu.memory_space<vmem>>) semaphore(%run_scoped3A_49 : memref<!tpu.dma_semaphore, #tpu.memory_space<semaphore_mem>>) {add = true}
        %dma_wait3A = arith.constant 0 : i32
        %dma_wait3A_59 = arith.constant 0 : i32
        %dma_wait3A_60 = tpu.memref_slice %arg9[%run_scoped3A_43, %dma_wait3A, %dma_wait3A_59] : memref<8x128x4xf32, #tpu.memory_space<vmem>> -> memref<1x128x4xf32, #tpu.memory_space<vmem>>
        %dma_wait3A_61 = tpu.memref_squeeze %dma_wait3A_60 : memref<1x128x4xf32, #tpu.memory_space<vmem>> -> memref<128x4xf32, #tpu.memory_space<vmem>>
        %dma_wait3A_62 = arith.constant 0 : i32
        %dma_wait3A_63 = tpu.memref_slice %arg8[%run_scoped3A_44, %dma_wait3A_62] : memref<8x128xi32, #tpu.memory_space<vmem>> -> memref<1x128xi32, #tpu.memory_space<vmem>>
        %dma_wait3A_64 = tpu.memref_squeeze %dma_wait3A_63 : memref<1x128xi32, #tpu.memory_space<vmem>> -> memref<128xi32, #tpu.memory_space<vmem>>
        %dma_wait3A_65 = arith.constant 0 : i32
        %dma_wait3A_66 = arith.constant 0 : i32
        %dma_wait3A_67 = tpu.memref_slice %arg11[%dma_wait3A_65, %dma_wait3A_66] : memref<100096x4xf32, #tpu.memory_space<vmem_shared>> -> memref<100096x4xf32, #tpu.memory_space<vmem_shared>>
        tpu.wait_indirect_dma semaphore(%run_scoped3A_49 : memref<!tpu.dma_semaphore, #tpu.memory_space<semaphore_mem>>) src(%dma_wait3A_61 : memref<128x4xf32, #tpu.memory_space<vmem>>) dst(%dma_wait3A_67 : memref<100096x4xf32, #tpu.memory_space<vmem_shared>>)
        tpu.yield
      }) : () -> ()
      %run_scoped3A_45 = arith.constant 7 : i32
      %run_scoped3A_46 = arith.constant 7 : i32
      "tpu.region"() ({
        %run_scoped3A_49 = tpu.sem_alloc : memref<!tpu.dma_semaphore, #tpu.memory_space<semaphore_mem>>
        %dma_start3A = arith.constant 0 : i32
        %dma_start3A_50 = arith.constant 0 : i32
        %dma_start3A_51 = tpu.memref_slice %arg9[%run_scoped3A_46, %dma_start3A, %dma_start3A_50] : memref<8x128x4xf32, #tpu.memory_space<vmem>> -> memref<1x128x4xf32, #tpu.memory_space<vmem>>
        %dma_start3A_52 = tpu.memref_squeeze %dma_start3A_51 : memref<1x128x4xf32, #tpu.memory_space<vmem>> -> memref<128x4xf32, #tpu.memory_space<vmem>>
        %dma_start3A_53 = arith.constant 0 : i32
        %dma_start3A_54 = tpu.memref_slice %arg7[%run_scoped3A_45, %dma_start3A_53] : memref<8x128xi32, #tpu.memory_space<vmem>> -> memref<1x128xi32, #tpu.memory_space<vmem>>
        %dma_start3A_55 = tpu.memref_squeeze %dma_start3A_54 : memref<1x128xi32, #tpu.memory_space<vmem>> -> memref<128xi32, #tpu.memory_space<vmem>>
        %dma_start3A_56 = arith.constant 0 : i32
        %dma_start3A_57 = arith.constant 0 : i32
        %dma_start3A_58 = tpu.memref_slice %arg10[%dma_start3A_56, %dma_start3A_57] : memref<100096x4xf32, #tpu.memory_space<vmem_shared>> -> memref<100096x4xf32, #tpu.memory_space<vmem_shared>>
        tpu.enqueue_indirect_dma source(%dma_start3A_58 : memref<100096x4xf32, #tpu.memory_space<vmem_shared>>) target(%dma_start3A_52 : memref<128x4xf32, #tpu.memory_space<vmem>>) offsets(%dma_start3A_55 : memref<128xi32, #tpu.memory_space<vmem>>) semaphore(%run_scoped3A_49 : memref<!tpu.dma_semaphore, #tpu.memory_space<semaphore_mem>>)
        %dma_wait3A = arith.constant 0 : i32
        %dma_wait3A_59 = arith.constant 0 : i32
        %dma_wait3A_60 = tpu.memref_slice %arg9[%run_scoped3A_46, %dma_wait3A, %dma_wait3A_59] : memref<8x128x4xf32, #tpu.memory_space<vmem>> -> memref<1x128x4xf32, #tpu.memory_space<vmem>>
        %dma_wait3A_61 = tpu.memref_squeeze %dma_wait3A_60 : memref<1x128x4xf32, #tpu.memory_space<vmem>> -> memref<128x4xf32, #tpu.memory_space<vmem>>
        %dma_wait3A_62 = arith.constant 0 : i32
        %dma_wait3A_63 = tpu.memref_slice %arg7[%run_scoped3A_45, %dma_wait3A_62] : memref<8x128xi32, #tpu.memory_space<vmem>> -> memref<1x128xi32, #tpu.memory_space<vmem>>
        %dma_wait3A_64 = tpu.memref_squeeze %dma_wait3A_63 : memref<1x128xi32, #tpu.memory_space<vmem>> -> memref<128xi32, #tpu.memory_space<vmem>>
        %dma_wait3A_65 = arith.constant 0 : i32
        %dma_wait3A_66 = arith.constant 0 : i32
        %dma_wait3A_67 = tpu.memref_slice %arg10[%dma_wait3A_65, %dma_wait3A_66] : memref<100096x4xf32, #tpu.memory_space<vmem_shared>> -> memref<100096x4xf32, #tpu.memory_space<vmem_shared>>
        tpu.wait_indirect_dma semaphore(%run_scoped3A_49 : memref<!tpu.dma_semaphore, #tpu.memory_space<semaphore_mem>>) src(%dma_wait3A_67 : memref<100096x4xf32, #tpu.memory_space<vmem_shared>>) dst(%dma_wait3A_61 : memref<128x4xf32, #tpu.memory_space<vmem>>)
        tpu.yield
      }) : () -> ()
      %run_scoped3A_47 = arith.constant 7 : i32
      %run_scoped3A_48 = arith.constant 7 : i32
      "tpu.region"() ({
        %run_scoped3A_49 = tpu.sem_alloc : memref<!tpu.dma_semaphore, #tpu.memory_space<semaphore_mem>>
        %dma_start3A = arith.constant 0 : i32
        %dma_start3A_50 = arith.constant 0 : i32
        %dma_start3A_51 = tpu.memref_slice %arg9[%run_scoped3A_47, %dma_start3A, %dma_start3A_50] : memref<8x128x4xf32, #tpu.memory_space<vmem>> -> memref<1x128x4xf32, #tpu.memory_space<vmem>>
        %dma_start3A_52 = tpu.memref_squeeze %dma_start3A_51 : memref<1x128x4xf32, #tpu.memory_space<vmem>> -> memref<128x4xf32, #tpu.memory_space<vmem>>
        %dma_start3A_53 = arith.constant 0 : i32
        %dma_start3A_54 = tpu.memref_slice %arg8[%run_scoped3A_48, %dma_start3A_53] : memref<8x128xi32, #tpu.memory_space<vmem>> -> memref<1x128xi32, #tpu.memory_space<vmem>>
        %dma_start3A_55 = tpu.memref_squeeze %dma_start3A_54 : memref<1x128xi32, #tpu.memory_space<vmem>> -> memref<128xi32, #tpu.memory_space<vmem>>
        %dma_start3A_56 = arith.constant 0 : i32
        %dma_start3A_57 = arith.constant 0 : i32
        %dma_start3A_58 = tpu.memref_slice %arg11[%dma_start3A_56, %dma_start3A_57] : memref<100096x4xf32, #tpu.memory_space<vmem_shared>> -> memref<100096x4xf32, #tpu.memory_space<vmem_shared>>
        tpu.enqueue_indirect_dma source(%dma_start3A_52 : memref<128x4xf32, #tpu.memory_space<vmem>>) target(%dma_start3A_58 : memref<100096x4xf32, #tpu.memory_space<vmem_shared>>) offsets(%dma_start3A_55 : memref<128xi32, #tpu.memory_space<vmem>>) semaphore(%run_scoped3A_49 : memref<!tpu.dma_semaphore, #tpu.memory_space<semaphore_mem>>) {add = true}
        %dma_wait3A = arith.constant 0 : i32
        %dma_wait3A_59 = arith.constant 0 : i32
        %dma_wait3A_60 = tpu.memref_slice %arg9[%run_scoped3A_47, %dma_wait3A, %dma_wait3A_59] : memref<8x128x4xf32, #tpu.memory_space<vmem>> -> memref<1x128x4xf32, #tpu.memory_space<vmem>>
        %dma_wait3A_61 = tpu.memref_squeeze %dma_wait3A_60 : memref<1x128x4xf32, #tpu.memory_space<vmem>> -> memref<128x4xf32, #tpu.memory_space<vmem>>
        %dma_wait3A_62 = arith.constant 0 : i32
        %dma_wait3A_63 = tpu.memref_slice %arg8[%run_scoped3A_48, %dma_wait3A_62] : memref<8x128xi32, #tpu.memory_space<vmem>> -> memref<1x128xi32, #tpu.memory_space<vmem>>
        %dma_wait3A_64 = tpu.memref_squeeze %dma_wait3A_63 : memref<1x128xi32, #tpu.memory_space<vmem>> -> memref<128xi32, #tpu.memory_space<vmem>>
        %dma_wait3A_65 = arith.constant 0 : i32
        %dma_wait3A_66 = arith.constant 0 : i32
        %dma_wait3A_67 = tpu.memref_slice %arg11[%dma_wait3A_65, %dma_wait3A_66] : memref<100096x4xf32, #tpu.memory_space<vmem_shared>> -> memref<100096x4xf32, #tpu.memory_space<vmem_shared>>
        tpu.wait_indirect_dma semaphore(%run_scoped3A_49 : memref<!tpu.dma_semaphore, #tpu.memory_space<semaphore_mem>>) src(%dma_wait3A_61 : memref<128x4xf32, #tpu.memory_space<vmem>>) dst(%dma_wait3A_67 : memref<100096x4xf32, #tpu.memory_space<vmem_shared>>)
        tpu.yield
      }) : () -> ()
    }
    %scan3A_9 = arith.constant 196 : i32
    %barrier3A_10 = arith.constant 0 : index
    tpu.barrier barrier_id(%barrier3A_10)
    %mul3A_11 = arith.constant 100096 : i32
    %mul3A_12 = arith.muli %arg0, %mul3A_11 : i32
    %add3A_13 = arith.addi %mul3A_12, %mul3A_0 : i32
    "tpu.region"() ({
      %run_scoped3A = tpu.sem_alloc : memref<!tpu.dma_semaphore, #tpu.memory_space<semaphore_mem>>
      %dma_start3A = arith.constant 0 : i32
      %dma_start3A_14 = tpu.memref_slice %arg6[%add3A_13, %dma_start3A] : memref<200192x4xf32, #tpu.memory_space<hbm>> -> memref<6256x4xf32, #tpu.memory_space<hbm>>
      %dma_start3A_15 = arith.constant 0 : i32
      %dma_start3A_16 = tpu.memref_slice %arg11[%mul3A_0, %dma_start3A_15] : memref<100096x4xf32, #tpu.memory_space<vmem_shared>> -> memref<6256x4xf32, #tpu.memory_space<vmem_shared>>
      tpu.enqueue_dma source(%dma_start3A_16 : memref<6256x4xf32, #tpu.memory_space<vmem_shared>>) target(%dma_start3A_14 : memref<6256x4xf32, #tpu.memory_space<hbm>>) target_semaphore(%run_scoped3A : memref<!tpu.dma_semaphore, #tpu.memory_space<semaphore_mem>>)
      %dma_wait3A = arith.constant 0 : i32
      %dma_wait3A_17 = tpu.memref_slice %arg6[%add3A_13, %dma_wait3A] : memref<200192x4xf32, #tpu.memory_space<hbm>> -> memref<6256x4xf32, #tpu.memory_space<hbm>>
      %dma_wait3A_18 = arith.constant 0 : i32
      %dma_wait3A_19 = tpu.memref_slice %arg11[%mul3A_0, %dma_wait3A_18] : memref<100096x4xf32, #tpu.memory_space<vmem_shared>> -> memref<6256x4xf32, #tpu.memory_space<vmem_shared>>
      tpu.wait_dma2 semaphore(%run_scoped3A : memref<!tpu.dma_semaphore, #tpu.memory_space<semaphore_mem>>) src(%dma_wait3A_19 : memref<6256x4xf32, #tpu.memory_space<vmem_shared>>) dst(%dma_wait3A_17 : memref<6256x4xf32, #tpu.memory_space<hbm>>)
      tpu.yield
    }) : () -> ()
    return
  }
}

#map = affine_map<(d0, d1) -> (0, 0)>
module attributes {stable_mosaic.version = 14 : i64} {
  func.func @_edge_aggregate(%arg0: i32, %arg1: i32, %arg2: memref<100096x4xf32, #tpu.memory_space<hbm>>, %arg3: memref<100096x4xf32, #tpu.memory_space<hbm>>, %arg4: memref<50176x128xi32, #tpu.memory_space<hbm>>, %arg5: memref<50176x128xi32, #tpu.memory_space<hbm>>, %arg6: memref<200192x4xf32, #tpu.memory_space<hbm>>, %arg7: memref<8x128xi32, #tpu.memory_space<vmem>>, %arg8: memref<8x128xi32, #tpu.memory_space<vmem>>, %arg9: memref<8x128x4xf32, #tpu.memory_space<vmem>>, %arg10: memref<100096x4xf32, #tpu.memory_space<vmem_shared>>, %arg11: memref<100096x4xf32, #tpu.memory_space<vmem_shared>>) attributes {dimension_semantics = [#tpu.dimension_semantics<core_parallel>, #tpu.dimension_semantics<subcore_parallel>], iteration_bounds = array<i64: 2, 16>, scalar_prefetch = 0 : i64, scratch_operands = 5 : i64, tpu.core_type = #tpu.core_type<sc_vector_subcore>, window_params = [{transform_indices = #map}, {transform_indices = #map}, {transform_indices = #map}, {transform_indices = #map}, {transform_indices = #map}]} {
    %mul3A = arith.constant 6256 : i32
    %mul3A_0 = arith.muli %arg1, %mul3A : i32
    "tpu.region"() ({
      %run_scoped3A = tpu.sem_alloc : memref<!tpu.dma_semaphore, #tpu.memory_space<semaphore_mem>>
      %dma_start3A = arith.constant 0 : i32
      %dma_start3A_14 = tpu.memref_slice %arg10[%mul3A_0, %dma_start3A] : memref<100096x4xf32, #tpu.memory_space<vmem_shared>> -> memref<6256x4xf32, #tpu.memory_space<vmem_shared>>
      %dma_start3A_15 = arith.constant 0 : i32
      %dma_start3A_16 = tpu.memref_slice %arg2[%mul3A_0, %dma_start3A_15] : memref<100096x4xf32, #tpu.memory_space<hbm>> -> memref<6256x4xf32, #tpu.memory_space<hbm>>
      tpu.enqueue_dma source(%dma_start3A_16 : memref<6256x4xf32, #tpu.memory_space<hbm>>) target(%dma_start3A_14 : memref<6256x4xf32, #tpu.memory_space<vmem_shared>>) target_semaphore(%run_scoped3A : memref<!tpu.dma_semaphore, #tpu.memory_space<semaphore_mem>>)
      %dma_wait3A = arith.constant 0 : i32
      %dma_wait3A_17 = tpu.memref_slice %arg10[%mul3A_0, %dma_wait3A] : memref<100096x4xf32, #tpu.memory_space<vmem_shared>> -> memref<6256x4xf32, #tpu.memory_space<vmem_shared>>
      %dma_wait3A_18 = arith.constant 0 : i32
      %dma_wait3A_19 = tpu.memref_slice %arg2[%mul3A_0, %dma_wait3A_18] : memref<100096x4xf32, #tpu.memory_space<hbm>> -> memref<6256x4xf32, #tpu.memory_space<hbm>>
      tpu.wait_dma2 semaphore(%run_scoped3A : memref<!tpu.dma_semaphore, #tpu.memory_space<semaphore_mem>>) src(%dma_wait3A_19 : memref<6256x4xf32, #tpu.memory_space<hbm>>) dst(%dma_wait3A_17 : memref<6256x4xf32, #tpu.memory_space<vmem_shared>>)
      tpu.yield
    }) : () -> ()
    "tpu.region"() ({
      %run_scoped3A = tpu.sem_alloc : memref<!tpu.dma_semaphore, #tpu.memory_space<semaphore_mem>>
      %dma_start3A = arith.constant 0 : i32
      %dma_start3A_14 = tpu.memref_slice %arg11[%mul3A_0, %dma_start3A] : memref<100096x4xf32, #tpu.memory_space<vmem_shared>> -> memref<6256x4xf32, #tpu.memory_space<vmem_shared>>
      %dma_start3A_15 = arith.constant 0 : i32
      %dma_start3A_16 = tpu.memref_slice %arg3[%mul3A_0, %dma_start3A_15] : memref<100096x4xf32, #tpu.memory_space<hbm>> -> memref<6256x4xf32, #tpu.memory_space<hbm>>
      tpu.enqueue_dma source(%dma_start3A_16 : memref<6256x4xf32, #tpu.memory_space<hbm>>) target(%dma_start3A_14 : memref<6256x4xf32, #tpu.memory_space<vmem_shared>>) target_semaphore(%run_scoped3A : memref<!tpu.dma_semaphore, #tpu.memory_space<semaphore_mem>>)
      %dma_wait3A = arith.constant 0 : i32
      %dma_wait3A_17 = tpu.memref_slice %arg11[%mul3A_0, %dma_wait3A] : memref<100096x4xf32, #tpu.memory_space<vmem_shared>> -> memref<6256x4xf32, #tpu.memory_space<vmem_shared>>
      %dma_wait3A_18 = arith.constant 0 : i32
      %dma_wait3A_19 = tpu.memref_slice %arg3[%mul3A_0, %dma_wait3A_18] : memref<100096x4xf32, #tpu.memory_space<hbm>> -> memref<6256x4xf32, #tpu.memory_space<hbm>>
      tpu.wait_dma2 semaphore(%run_scoped3A : memref<!tpu.dma_semaphore, #tpu.memory_space<semaphore_mem>>) src(%dma_wait3A_19 : memref<6256x4xf32, #tpu.memory_space<hbm>>) dst(%dma_wait3A_17 : memref<6256x4xf32, #tpu.memory_space<vmem_shared>>)
      tpu.yield
    }) : () -> ()
    %barrier3A = arith.constant 0 : index
    tpu.barrier barrier_id(%barrier3A)
    %mul3A_1 = arith.constant 16 : i32
    %mul3A_2 = arith.muli %arg0, %mul3A_1 : i32
    %add3A = arith.addi %mul3A_2, %arg1 : i32
    %mul3A_3 = arith.constant 1568 : i32
    %mul3A_4 = arith.muli %add3A, %mul3A_3 : i32
    %scan3A = arith.constant 0 : i32
    %scan3A_5 = arith.constant 0 : i32
    %scan3A_6 = arith.constant 196 : i32
    %scan3A_7 = arith.addi %scan3A_5, %scan3A_6 : i32
    %scan3A_8 = arith.constant 1 : i32
    scf.for %scan3A_14 = %scan3A_5 to %scan3A_7 step %scan3A_8  : i32 {
      %mul3A_15 = arith.constant 8 : i32
      %mul3A_16 = arith.muli %scan3A_14, %mul3A_15 : i32
      %add3A_17 = arith.addi %mul3A_4, %mul3A_16 : i32
      "tpu.region"() ({
        %run_scoped3A_49 = tpu.sem_alloc : memref<!tpu.dma_semaphore, #tpu.memory_space<semaphore_mem>>
        %dma_start3A = arith.constant 0 : i32
        %dma_start3A_50 = tpu.memref_slice %arg4[%add3A_17, %dma_start3A] : memref<50176x128xi32, #tpu.memory_space<hbm>> -> memref<8x128xi32, #tpu.memory_space<hbm>>
        %dma_start3A_51 = arith.constant 0 : i32
        %dma_start3A_52 = tpu.memref_slice %arg4[%add3A_17, %dma_start3A_51] : memref<50176x128xi32, #tpu.memory_space<hbm>> -> memref<8x128xi32, #tpu.memory_space<hbm>>
        tpu.enqueue_dma source(%dma_start3A_52 : memref<8x128xi32, #tpu.memory_space<hbm>>) target(%arg7 : memref<8x128xi32, #tpu.memory_space<vmem>>) target_semaphore(%run_scoped3A_49 : memref<!tpu.dma_semaphore, #tpu.memory_space<semaphore_mem>>)
        %dma_wait3A = arith.constant 0 : i32
        %dma_wait3A_53 = tpu.memref_slice %arg4[%add3A_17, %dma_wait3A] : memref<50176x128xi32, #tpu.memory_space<hbm>> -> memref<8x128xi32, #tpu.memory_space<hbm>>
        %dma_wait3A_54 = arith.constant 0 : i32
        %dma_wait3A_55 = tpu.memref_slice %arg4[%add3A_17, %dma_wait3A_54] : memref<50176x128xi32, #tpu.memory_space<hbm>> -> memref<8x128xi32, #tpu.memory_space<hbm>>
        tpu.wait_dma2 semaphore(%run_scoped3A_49 : memref<!tpu.dma_semaphore, #tpu.memory_space<semaphore_mem>>) src(%dma_wait3A_55 : memref<8x128xi32, #tpu.memory_space<hbm>>) dst(%arg7 : memref<8x128xi32, #tpu.memory_space<vmem>>)
        tpu.yield
      }) : () -> ()
      "tpu.region"() ({
        %run_scoped3A_49 = tpu.sem_alloc : memref<!tpu.dma_semaphore, #tpu.memory_space<semaphore_mem>>
        %dma_start3A = arith.constant 0 : i32
        %dma_start3A_50 = tpu.memref_slice %arg5[%add3A_17, %dma_start3A] : memref<50176x128xi32, #tpu.memory_space<hbm>> -> memref<8x128xi32, #tpu.memory_space<hbm>>
        %dma_start3A_51 = arith.constant 0 : i32
        %dma_start3A_52 = tpu.memref_slice %arg5[%add3A_17, %dma_start3A_51] : memref<50176x128xi32, #tpu.memory_space<hbm>> -> memref<8x128xi32, #tpu.memory_space<hbm>>
        tpu.enqueue_dma source(%dma_start3A_52 : memref<8x128xi32, #tpu.memory_space<hbm>>) target(%arg8 : memref<8x128xi32, #tpu.memory_space<vmem>>) target_semaphore(%run_scoped3A_49 : memref<!tpu.dma_semaphore, #tpu.memory_space<semaphore_mem>>)
        %dma_wait3A = arith.constant 0 : i32
        %dma_wait3A_53 = tpu.memref_slice %arg5[%add3A_17, %dma_wait3A] : memref<50176x128xi32, #tpu.memory_space<hbm>> -> memref<8x128xi32, #tpu.memory_space<hbm>>
        %dma_wait3A_54 = arith.constant 0 : i32
        %dma_wait3A_55 = tpu.memref_slice %arg5[%add3A_17, %dma_wait3A_54] : memref<50176x128xi32, #tpu.memory_space<hbm>> -> memref<8x128xi32, #tpu.memory_space<hbm>>
        tpu.wait_dma2 semaphore(%run_scoped3A_49 : memref<!tpu.dma_semaphore, #tpu.memory_space<semaphore_mem>>) src(%dma_wait3A_55 : memref<8x128xi32, #tpu.memory_space<hbm>>) dst(%arg8 : memref<8x128xi32, #tpu.memory_space<vmem>>)
        tpu.yield
      }) : () -> ()
      %run_scoped3A = arith.constant 0 : i32
      %run_scoped3A_18 = arith.constant 0 : i32
      "tpu.region"() ({
        %run_scoped3A_49 = tpu.sem_alloc : memref<!tpu.dma_semaphore, #tpu.memory_space<semaphore_mem>>
        %dma_start3A = arith.constant 0 : i32
        %dma_start3A_50 = arith.constant 0 : i32
        %dma_start3A_51 = tpu.memref_slice %arg9[%run_scoped3A_18, %dma_start3A, %dma_start3A_50] : memref<8x128x4xf32, #tpu.memory_space<vmem>> -> memref<1x128x4xf32, #tpu.memory_space<vmem>>
        %dma_start3A_52 = tpu.memref_squeeze %dma_start3A_51 : memref<1x128x4xf32, #tpu.memory_space<vmem>> -> memref<128x4xf32, #tpu.memory_space<vmem>>
        %dma_start3A_53 = arith.constant 0 : i32
        %dma_start3A_54 = tpu.memref_slice %arg7[%run_scoped3A, %dma_start3A_53] : memref<8x128xi32, #tpu.memory_space<vmem>> -> memref<1x128xi32, #tpu.memory_space<vmem>>
        %dma_start3A_55 = tpu.memref_squeeze %dma_start3A_54 : memref<1x128xi32, #tpu.memory_space<vmem>> -> memref<128xi32, #tpu.memory_space<vmem>>
        %dma_start3A_56 = arith.constant 0 : i32
        %dma_start3A_57 = arith.constant 0 : i32
        %dma_start3A_58 = tpu.memref_slice %arg10[%dma_start3A_56, %dma_start3A_57] : memref<100096x4xf32, #tpu.memory_space<vmem_shared>> -> memref<100096x4xf32, #tpu.memory_space<vmem_shared>>
        tpu.enqueue_indirect_dma source(%dma_start3A_58 : memref<100096x4xf32, #tpu.memory_space<vmem_shared>>) target(%dma_start3A_52 : memref<128x4xf32, #tpu.memory_space<vmem>>) offsets(%dma_start3A_55 : memref<128xi32, #tpu.memory_space<vmem>>) semaphore(%run_scoped3A_49 : memref<!tpu.dma_semaphore, #tpu.memory_space<semaphore_mem>>)
        %dma_wait3A = arith.constant 0 : i32
        %dma_wait3A_59 = arith.constant 0 : i32
        %dma_wait3A_60 = tpu.memref_slice %arg9[%run_scoped3A_18, %dma_wait3A, %dma_wait3A_59] : memref<8x128x4xf32, #tpu.memory_space<vmem>> -> memref<1x128x4xf32, #tpu.memory_space<vmem>>
        %dma_wait3A_61 = tpu.memref_squeeze %dma_wait3A_60 : memref<1x128x4xf32, #tpu.memory_space<vmem>> -> memref<128x4xf32, #tpu.memory_space<vmem>>
        %dma_wait3A_62 = arith.constant 0 : i32
        %dma_wait3A_63 = tpu.memref_slice %arg7[%run_scoped3A, %dma_wait3A_62] : memref<8x128xi32, #tpu.memory_space<vmem>> -> memref<1x128xi32, #tpu.memory_space<vmem>>
        %dma_wait3A_64 = tpu.memref_squeeze %dma_wait3A_63 : memref<1x128xi32, #tpu.memory_space<vmem>> -> memref<128xi32, #tpu.memory_space<vmem>>
        %dma_wait3A_65 = arith.constant 0 : i32
        %dma_wait3A_66 = arith.constant 0 : i32
        %dma_wait3A_67 = tpu.memref_slice %arg10[%dma_wait3A_65, %dma_wait3A_66] : memref<100096x4xf32, #tpu.memory_space<vmem_shared>> -> memref<100096x4xf32, #tpu.memory_space<vmem_shared>>
        tpu.wait_indirect_dma semaphore(%run_scoped3A_49 : memref<!tpu.dma_semaphore, #tpu.memory_space<semaphore_mem>>) src(%dma_wait3A_67 : memref<100096x4xf32, #tpu.memory_space<vmem_shared>>) dst(%dma_wait3A_61 : memref<128x4xf32, #tpu.memory_space<vmem>>)
        tpu.yield
      }) : () -> ()
      %run_scoped3A_19 = arith.constant 0 : i32
      %run_scoped3A_20 = arith.constant 0 : i32
      "tpu.region"() ({
        %run_scoped3A_49 = tpu.sem_alloc : memref<!tpu.dma_semaphore, #tpu.memory_space<semaphore_mem>>
        %dma_start3A = arith.constant 0 : i32
        %dma_start3A_50 = arith.constant 0 : i32
        %dma_start3A_51 = tpu.memref_slice %arg9[%run_scoped3A_19, %dma_start3A, %dma_start3A_50] : memref<8x128x4xf32, #tpu.memory_space<vmem>> -> memref<1x128x4xf32, #tpu.memory_space<vmem>>
        %dma_start3A_52 = tpu.memref_squeeze %dma_start3A_51 : memref<1x128x4xf32, #tpu.memory_space<vmem>> -> memref<128x4xf32, #tpu.memory_space<vmem>>
        %dma_start3A_53 = arith.constant 0 : i32
        %dma_start3A_54 = tpu.memref_slice %arg8[%run_scoped3A_20, %dma_start3A_53] : memref<8x128xi32, #tpu.memory_space<vmem>> -> memref<1x128xi32, #tpu.memory_space<vmem>>
        %dma_start3A_55 = tpu.memref_squeeze %dma_start3A_54 : memref<1x128xi32, #tpu.memory_space<vmem>> -> memref<128xi32, #tpu.memory_space<vmem>>
        %dma_start3A_56 = arith.constant 0 : i32
        %dma_start3A_57 = arith.constant 0 : i32
        %dma_start3A_58 = tpu.memref_slice %arg11[%dma_start3A_56, %dma_start3A_57] : memref<100096x4xf32, #tpu.memory_space<vmem_shared>> -> memref<100096x4xf32, #tpu.memory_space<vmem_shared>>
        tpu.enqueue_indirect_dma source(%dma_start3A_52 : memref<128x4xf32, #tpu.memory_space<vmem>>) target(%dma_start3A_58 : memref<100096x4xf32, #tpu.memory_space<vmem_shared>>) offsets(%dma_start3A_55 : memref<128xi32, #tpu.memory_space<vmem>>) semaphore(%run_scoped3A_49 : memref<!tpu.dma_semaphore, #tpu.memory_space<semaphore_mem>>) {add = true}
        %dma_wait3A = arith.constant 0 : i32
        %dma_wait3A_59 = arith.constant 0 : i32
        %dma_wait3A_60 = tpu.memref_slice %arg9[%run_scoped3A_19, %dma_wait3A, %dma_wait3A_59] : memref<8x128x4xf32, #tpu.memory_space<vmem>> -> memref<1x128x4xf32, #tpu.memory_space<vmem>>
        %dma_wait3A_61 = tpu.memref_squeeze %dma_wait3A_60 : memref<1x128x4xf32, #tpu.memory_space<vmem>> -> memref<128x4xf32, #tpu.memory_space<vmem>>
        %dma_wait3A_62 = arith.constant 0 : i32
        %dma_wait3A_63 = tpu.memref_slice %arg8[%run_scoped3A_20, %dma_wait3A_62] : memref<8x128xi32, #tpu.memory_space<vmem>> -> memref<1x128xi32, #tpu.memory_space<vmem>>
        %dma_wait3A_64 = tpu.memref_squeeze %dma_wait3A_63 : memref<1x128xi32, #tpu.memory_space<vmem>> -> memref<128xi32, #tpu.memory_space<vmem>>
        %dma_wait3A_65 = arith.constant 0 : i32
        %dma_wait3A_66 = arith.constant 0 : i32
        %dma_wait3A_67 = tpu.memref_slice %arg11[%dma_wait3A_65, %dma_wait3A_66] : memref<100096x4xf32, #tpu.memory_space<vmem_shared>> -> memref<100096x4xf32, #tpu.memory_space<vmem_shared>>
        tpu.wait_indirect_dma semaphore(%run_scoped3A_49 : memref<!tpu.dma_semaphore, #tpu.memory_space<semaphore_mem>>) src(%dma_wait3A_61 : memref<128x4xf32, #tpu.memory_space<vmem>>) dst(%dma_wait3A_67 : memref<100096x4xf32, #tpu.memory_space<vmem_shared>>)
        tpu.yield
      }) : () -> ()
      %run_scoped3A_21 = arith.constant 1 : i32
      %run_scoped3A_22 = arith.constant 1 : i32
      "tpu.region"() ({
        %run_scoped3A_49 = tpu.sem_alloc : memref<!tpu.dma_semaphore, #tpu.memory_space<semaphore_mem>>
        %dma_start3A = arith.constant 0 : i32
        %dma_start3A_50 = arith.constant 0 : i32
        %dma_start3A_51 = tpu.memref_slice %arg9[%run_scoped3A_22, %dma_start3A, %dma_start3A_50] : memref<8x128x4xf32, #tpu.memory_space<vmem>> -> memref<1x128x4xf32, #tpu.memory_space<vmem>>
        %dma_start3A_52 = tpu.memref_squeeze %dma_start3A_51 : memref<1x128x4xf32, #tpu.memory_space<vmem>> -> memref<128x4xf32, #tpu.memory_space<vmem>>
        %dma_start3A_53 = arith.constant 0 : i32
        %dma_start3A_54 = tpu.memref_slice %arg7[%run_scoped3A_21, %dma_start3A_53] : memref<8x128xi32, #tpu.memory_space<vmem>> -> memref<1x128xi32, #tpu.memory_space<vmem>>
        %dma_start3A_55 = tpu.memref_squeeze %dma_start3A_54 : memref<1x128xi32, #tpu.memory_space<vmem>> -> memref<128xi32, #tpu.memory_space<vmem>>
        %dma_start3A_56 = arith.constant 0 : i32
        %dma_start3A_57 = arith.constant 0 : i32
        %dma_start3A_58 = tpu.memref_slice %arg10[%dma_start3A_56, %dma_start3A_57] : memref<100096x4xf32, #tpu.memory_space<vmem_shared>> -> memref<100096x4xf32, #tpu.memory_space<vmem_shared>>
        tpu.enqueue_indirect_dma source(%dma_start3A_58 : memref<100096x4xf32, #tpu.memory_space<vmem_shared>>) target(%dma_start3A_52 : memref<128x4xf32, #tpu.memory_space<vmem>>) offsets(%dma_start3A_55 : memref<128xi32, #tpu.memory_space<vmem>>) semaphore(%run_scoped3A_49 : memref<!tpu.dma_semaphore, #tpu.memory_space<semaphore_mem>>)
        %dma_wait3A = arith.constant 0 : i32
        %dma_wait3A_59 = arith.constant 0 : i32
        %dma_wait3A_60 = tpu.memref_slice %arg9[%run_scoped3A_22, %dma_wait3A, %dma_wait3A_59] : memref<8x128x4xf32, #tpu.memory_space<vmem>> -> memref<1x128x4xf32, #tpu.memory_space<vmem>>
        %dma_wait3A_61 = tpu.memref_squeeze %dma_wait3A_60 : memref<1x128x4xf32, #tpu.memory_space<vmem>> -> memref<128x4xf32, #tpu.memory_space<vmem>>
        %dma_wait3A_62 = arith.constant 0 : i32
        %dma_wait3A_63 = tpu.memref_slice %arg7[%run_scoped3A_21, %dma_wait3A_62] : memref<8x128xi32, #tpu.memory_space<vmem>> -> memref<1x128xi32, #tpu.memory_space<vmem>>
        %dma_wait3A_64 = tpu.memref_squeeze %dma_wait3A_63 : memref<1x128xi32, #tpu.memory_space<vmem>> -> memref<128xi32, #tpu.memory_space<vmem>>
        %dma_wait3A_65 = arith.constant 0 : i32
        %dma_wait3A_66 = arith.constant 0 : i32
        %dma_wait3A_67 = tpu.memref_slice %arg10[%dma_wait3A_65, %dma_wait3A_66] : memref<100096x4xf32, #tpu.memory_space<vmem_shared>> -> memref<100096x4xf32, #tpu.memory_space<vmem_shared>>
        tpu.wait_indirect_dma semaphore(%run_scoped3A_49 : memref<!tpu.dma_semaphore, #tpu.memory_space<semaphore_mem>>) src(%dma_wait3A_67 : memref<100096x4xf32, #tpu.memory_space<vmem_shared>>) dst(%dma_wait3A_61 : memref<128x4xf32, #tpu.memory_space<vmem>>)
        tpu.yield
      }) : () -> ()
      %run_scoped3A_23 = arith.constant 1 : i32
      %run_scoped3A_24 = arith.constant 1 : i32
      "tpu.region"() ({
        %run_scoped3A_49 = tpu.sem_alloc : memref<!tpu.dma_semaphore, #tpu.memory_space<semaphore_mem>>
        %dma_start3A = arith.constant 0 : i32
        %dma_start3A_50 = arith.constant 0 : i32
        %dma_start3A_51 = tpu.memref_slice %arg9[%run_scoped3A_23, %dma_start3A, %dma_start3A_50] : memref<8x128x4xf32, #tpu.memory_space<vmem>> -> memref<1x128x4xf32, #tpu.memory_space<vmem>>
        %dma_start3A_52 = tpu.memref_squeeze %dma_start3A_51 : memref<1x128x4xf32, #tpu.memory_space<vmem>> -> memref<128x4xf32, #tpu.memory_space<vmem>>
        %dma_start3A_53 = arith.constant 0 : i32
        %dma_start3A_54 = tpu.memref_slice %arg8[%run_scoped3A_24, %dma_start3A_53] : memref<8x128xi32, #tpu.memory_space<vmem>> -> memref<1x128xi32, #tpu.memory_space<vmem>>
        %dma_start3A_55 = tpu.memref_squeeze %dma_start3A_54 : memref<1x128xi32, #tpu.memory_space<vmem>> -> memref<128xi32, #tpu.memory_space<vmem>>
        %dma_start3A_56 = arith.constant 0 : i32
        %dma_start3A_57 = arith.constant 0 : i32
        %dma_start3A_58 = tpu.memref_slice %arg11[%dma_start3A_56, %dma_start3A_57] : memref<100096x4xf32, #tpu.memory_space<vmem_shared>> -> memref<100096x4xf32, #tpu.memory_space<vmem_shared>>
        tpu.enqueue_indirect_dma source(%dma_start3A_52 : memref<128x4xf32, #tpu.memory_space<vmem>>) target(%dma_start3A_58 : memref<100096x4xf32, #tpu.memory_space<vmem_shared>>) offsets(%dma_start3A_55 : memref<128xi32, #tpu.memory_space<vmem>>) semaphore(%run_scoped3A_49 : memref<!tpu.dma_semaphore, #tpu.memory_space<semaphore_mem>>) {add = true}
        %dma_wait3A = arith.constant 0 : i32
        %dma_wait3A_59 = arith.constant 0 : i32
        %dma_wait3A_60 = tpu.memref_slice %arg9[%run_scoped3A_23, %dma_wait3A, %dma_wait3A_59] : memref<8x128x4xf32, #tpu.memory_space<vmem>> -> memref<1x128x4xf32, #tpu.memory_space<vmem>>
        %dma_wait3A_61 = tpu.memref_squeeze %dma_wait3A_60 : memref<1x128x4xf32, #tpu.memory_space<vmem>> -> memref<128x4xf32, #tpu.memory_space<vmem>>
        %dma_wait3A_62 = arith.constant 0 : i32
        %dma_wait3A_63 = tpu.memref_slice %arg8[%run_scoped3A_24, %dma_wait3A_62] : memref<8x128xi32, #tpu.memory_space<vmem>> -> memref<1x128xi32, #tpu.memory_space<vmem>>
        %dma_wait3A_64 = tpu.memref_squeeze %dma_wait3A_63 : memref<1x128xi32, #tpu.memory_space<vmem>> -> memref<128xi32, #tpu.memory_space<vmem>>
        %dma_wait3A_65 = arith.constant 0 : i32
        %dma_wait3A_66 = arith.constant 0 : i32
        %dma_wait3A_67 = tpu.memref_slice %arg11[%dma_wait3A_65, %dma_wait3A_66] : memref<100096x4xf32, #tpu.memory_space<vmem_shared>> -> memref<100096x4xf32, #tpu.memory_space<vmem_shared>>
        tpu.wait_indirect_dma semaphore(%run_scoped3A_49 : memref<!tpu.dma_semaphore, #tpu.memory_space<semaphore_mem>>) src(%dma_wait3A_61 : memref<128x4xf32, #tpu.memory_space<vmem>>) dst(%dma_wait3A_67 : memref<100096x4xf32, #tpu.memory_space<vmem_shared>>)
        tpu.yield
      }) : () -> ()
      %run_scoped3A_25 = arith.constant 2 : i32
      %run_scoped3A_26 = arith.constant 2 : i32
      "tpu.region"() ({
        %run_scoped3A_49 = tpu.sem_alloc : memref<!tpu.dma_semaphore, #tpu.memory_space<semaphore_mem>>
        %dma_start3A = arith.constant 0 : i32
        %dma_start3A_50 = arith.constant 0 : i32
        %dma_start3A_51 = tpu.memref_slice %arg9[%run_scoped3A_26, %dma_start3A, %dma_start3A_50] : memref<8x128x4xf32, #tpu.memory_space<vmem>> -> memref<1x128x4xf32, #tpu.memory_space<vmem>>
        %dma_start3A_52 = tpu.memref_squeeze %dma_start3A_51 : memref<1x128x4xf32, #tpu.memory_space<vmem>> -> memref<128x4xf32, #tpu.memory_space<vmem>>
        %dma_start3A_53 = arith.constant 0 : i32
        %dma_start3A_54 = tpu.memref_slice %arg7[%run_scoped3A_25, %dma_start3A_53] : memref<8x128xi32, #tpu.memory_space<vmem>> -> memref<1x128xi32, #tpu.memory_space<vmem>>
        %dma_start3A_55 = tpu.memref_squeeze %dma_start3A_54 : memref<1x128xi32, #tpu.memory_space<vmem>> -> memref<128xi32, #tpu.memory_space<vmem>>
        %dma_start3A_56 = arith.constant 0 : i32
        %dma_start3A_57 = arith.constant 0 : i32
        %dma_start3A_58 = tpu.memref_slice %arg10[%dma_start3A_56, %dma_start3A_57] : memref<100096x4xf32, #tpu.memory_space<vmem_shared>> -> memref<100096x4xf32, #tpu.memory_space<vmem_shared>>
        tpu.enqueue_indirect_dma source(%dma_start3A_58 : memref<100096x4xf32, #tpu.memory_space<vmem_shared>>) target(%dma_start3A_52 : memref<128x4xf32, #tpu.memory_space<vmem>>) offsets(%dma_start3A_55 : memref<128xi32, #tpu.memory_space<vmem>>) semaphore(%run_scoped3A_49 : memref<!tpu.dma_semaphore, #tpu.memory_space<semaphore_mem>>)
        %dma_wait3A = arith.constant 0 : i32
        %dma_wait3A_59 = arith.constant 0 : i32
        %dma_wait3A_60 = tpu.memref_slice %arg9[%run_scoped3A_26, %dma_wait3A, %dma_wait3A_59] : memref<8x128x4xf32, #tpu.memory_space<vmem>> -> memref<1x128x4xf32, #tpu.memory_space<vmem>>
        %dma_wait3A_61 = tpu.memref_squeeze %dma_wait3A_60 : memref<1x128x4xf32, #tpu.memory_space<vmem>> -> memref<128x4xf32, #tpu.memory_space<vmem>>
        %dma_wait3A_62 = arith.constant 0 : i32
        %dma_wait3A_63 = tpu.memref_slice %arg7[%run_scoped3A_25, %dma_wait3A_62] : memref<8x128xi32, #tpu.memory_space<vmem>> -> memref<1x128xi32, #tpu.memory_space<vmem>>
        %dma_wait3A_64 = tpu.memref_squeeze %dma_wait3A_63 : memref<1x128xi32, #tpu.memory_space<vmem>> -> memref<128xi32, #tpu.memory_space<vmem>>
        %dma_wait3A_65 = arith.constant 0 : i32
        %dma_wait3A_66 = arith.constant 0 : i32
        %dma_wait3A_67 = tpu.memref_slice %arg10[%dma_wait3A_65, %dma_wait3A_66] : memref<100096x4xf32, #tpu.memory_space<vmem_shared>> -> memref<100096x4xf32, #tpu.memory_space<vmem_shared>>
        tpu.wait_indirect_dma semaphore(%run_scoped3A_49 : memref<!tpu.dma_semaphore, #tpu.memory_space<semaphore_mem>>) src(%dma_wait3A_67 : memref<100096x4xf32, #tpu.memory_space<vmem_shared>>) dst(%dma_wait3A_61 : memref<128x4xf32, #tpu.memory_space<vmem>>)
        tpu.yield
      }) : () -> ()
      %run_scoped3A_27 = arith.constant 2 : i32
      %run_scoped3A_28 = arith.constant 2 : i32
      "tpu.region"() ({
        %run_scoped3A_49 = tpu.sem_alloc : memref<!tpu.dma_semaphore, #tpu.memory_space<semaphore_mem>>
        %dma_start3A = arith.constant 0 : i32
        %dma_start3A_50 = arith.constant 0 : i32
        %dma_start3A_51 = tpu.memref_slice %arg9[%run_scoped3A_27, %dma_start3A, %dma_start3A_50] : memref<8x128x4xf32, #tpu.memory_space<vmem>> -> memref<1x128x4xf32, #tpu.memory_space<vmem>>
        %dma_start3A_52 = tpu.memref_squeeze %dma_start3A_51 : memref<1x128x4xf32, #tpu.memory_space<vmem>> -> memref<128x4xf32, #tpu.memory_space<vmem>>
        %dma_start3A_53 = arith.constant 0 : i32
        %dma_start3A_54 = tpu.memref_slice %arg8[%run_scoped3A_28, %dma_start3A_53] : memref<8x128xi32, #tpu.memory_space<vmem>> -> memref<1x128xi32, #tpu.memory_space<vmem>>
        %dma_start3A_55 = tpu.memref_squeeze %dma_start3A_54 : memref<1x128xi32, #tpu.memory_space<vmem>> -> memref<128xi32, #tpu.memory_space<vmem>>
        %dma_start3A_56 = arith.constant 0 : i32
        %dma_start3A_57 = arith.constant 0 : i32
        %dma_start3A_58 = tpu.memref_slice %arg11[%dma_start3A_56, %dma_start3A_57] : memref<100096x4xf32, #tpu.memory_space<vmem_shared>> -> memref<100096x4xf32, #tpu.memory_space<vmem_shared>>
        tpu.enqueue_indirect_dma source(%dma_start3A_52 : memref<128x4xf32, #tpu.memory_space<vmem>>) target(%dma_start3A_58 : memref<100096x4xf32, #tpu.memory_space<vmem_shared>>) offsets(%dma_start3A_55 : memref<128xi32, #tpu.memory_space<vmem>>) semaphore(%run_scoped3A_49 : memref<!tpu.dma_semaphore, #tpu.memory_space<semaphore_mem>>) {add = true}
        %dma_wait3A = arith.constant 0 : i32
        %dma_wait3A_59 = arith.constant 0 : i32
        %dma_wait3A_60 = tpu.memref_slice %arg9[%run_scoped3A_27, %dma_wait3A, %dma_wait3A_59] : memref<8x128x4xf32, #tpu.memory_space<vmem>> -> memref<1x128x4xf32, #tpu.memory_space<vmem>>
        %dma_wait3A_61 = tpu.memref_squeeze %dma_wait3A_60 : memref<1x128x4xf32, #tpu.memory_space<vmem>> -> memref<128x4xf32, #tpu.memory_space<vmem>>
        %dma_wait3A_62 = arith.constant 0 : i32
        %dma_wait3A_63 = tpu.memref_slice %arg8[%run_scoped3A_28, %dma_wait3A_62] : memref<8x128xi32, #tpu.memory_space<vmem>> -> memref<1x128xi32, #tpu.memory_space<vmem>>
        %dma_wait3A_64 = tpu.memref_squeeze %dma_wait3A_63 : memref<1x128xi32, #tpu.memory_space<vmem>> -> memref<128xi32, #tpu.memory_space<vmem>>
        %dma_wait3A_65 = arith.constant 0 : i32
        %dma_wait3A_66 = arith.constant 0 : i32
        %dma_wait3A_67 = tpu.memref_slice %arg11[%dma_wait3A_65, %dma_wait3A_66] : memref<100096x4xf32, #tpu.memory_space<vmem_shared>> -> memref<100096x4xf32, #tpu.memory_space<vmem_shared>>
        tpu.wait_indirect_dma semaphore(%run_scoped3A_49 : memref<!tpu.dma_semaphore, #tpu.memory_space<semaphore_mem>>) src(%dma_wait3A_61 : memref<128x4xf32, #tpu.memory_space<vmem>>) dst(%dma_wait3A_67 : memref<100096x4xf32, #tpu.memory_space<vmem_shared>>)
        tpu.yield
      }) : () -> ()
      %run_scoped3A_29 = arith.constant 3 : i32
      %run_scoped3A_30 = arith.constant 3 : i32
      "tpu.region"() ({
        %run_scoped3A_49 = tpu.sem_alloc : memref<!tpu.dma_semaphore, #tpu.memory_space<semaphore_mem>>
        %dma_start3A = arith.constant 0 : i32
        %dma_start3A_50 = arith.constant 0 : i32
        %dma_start3A_51 = tpu.memref_slice %arg9[%run_scoped3A_30, %dma_start3A, %dma_start3A_50] : memref<8x128x4xf32, #tpu.memory_space<vmem>> -> memref<1x128x4xf32, #tpu.memory_space<vmem>>
        %dma_start3A_52 = tpu.memref_squeeze %dma_start3A_51 : memref<1x128x4xf32, #tpu.memory_space<vmem>> -> memref<128x4xf32, #tpu.memory_space<vmem>>
        %dma_start3A_53 = arith.constant 0 : i32
        %dma_start3A_54 = tpu.memref_slice %arg7[%run_scoped3A_29, %dma_start3A_53] : memref<8x128xi32, #tpu.memory_space<vmem>> -> memref<1x128xi32, #tpu.memory_space<vmem>>
        %dma_start3A_55 = tpu.memref_squeeze %dma_start3A_54 : memref<1x128xi32, #tpu.memory_space<vmem>> -> memref<128xi32, #tpu.memory_space<vmem>>
        %dma_start3A_56 = arith.constant 0 : i32
        %dma_start3A_57 = arith.constant 0 : i32
        %dma_start3A_58 = tpu.memref_slice %arg10[%dma_start3A_56, %dma_start3A_57] : memref<100096x4xf32, #tpu.memory_space<vmem_shared>> -> memref<100096x4xf32, #tpu.memory_space<vmem_shared>>
        tpu.enqueue_indirect_dma source(%dma_start3A_58 : memref<100096x4xf32, #tpu.memory_space<vmem_shared>>) target(%dma_start3A_52 : memref<128x4xf32, #tpu.memory_space<vmem>>) offsets(%dma_start3A_55 : memref<128xi32, #tpu.memory_space<vmem>>) semaphore(%run_scoped3A_49 : memref<!tpu.dma_semaphore, #tpu.memory_space<semaphore_mem>>)
        %dma_wait3A = arith.constant 0 : i32
        %dma_wait3A_59 = arith.constant 0 : i32
        %dma_wait3A_60 = tpu.memref_slice %arg9[%run_scoped3A_30, %dma_wait3A, %dma_wait3A_59] : memref<8x128x4xf32, #tpu.memory_space<vmem>> -> memref<1x128x4xf32, #tpu.memory_space<vmem>>
        %dma_wait3A_61 = tpu.memref_squeeze %dma_wait3A_60 : memref<1x128x4xf32, #tpu.memory_space<vmem>> -> memref<128x4xf32, #tpu.memory_space<vmem>>
        %dma_wait3A_62 = arith.constant 0 : i32
        %dma_wait3A_63 = tpu.memref_slice %arg7[%run_scoped3A_29, %dma_wait3A_62] : memref<8x128xi32, #tpu.memory_space<vmem>> -> memref<1x128xi32, #tpu.memory_space<vmem>>
        %dma_wait3A_64 = tpu.memref_squeeze %dma_wait3A_63 : memref<1x128xi32, #tpu.memory_space<vmem>> -> memref<128xi32, #tpu.memory_space<vmem>>
        %dma_wait3A_65 = arith.constant 0 : i32
        %dma_wait3A_66 = arith.constant 0 : i32
        %dma_wait3A_67 = tpu.memref_slice %arg10[%dma_wait3A_65, %dma_wait3A_66] : memref<100096x4xf32, #tpu.memory_space<vmem_shared>> -> memref<100096x4xf32, #tpu.memory_space<vmem_shared>>
        tpu.wait_indirect_dma semaphore(%run_scoped3A_49 : memref<!tpu.dma_semaphore, #tpu.memory_space<semaphore_mem>>) src(%dma_wait3A_67 : memref<100096x4xf32, #tpu.memory_space<vmem_shared>>) dst(%dma_wait3A_61 : memref<128x4xf32, #tpu.memory_space<vmem>>)
        tpu.yield
      }) : () -> ()
      %run_scoped3A_31 = arith.constant 3 : i32
      %run_scoped3A_32 = arith.constant 3 : i32
      "tpu.region"() ({
        %run_scoped3A_49 = tpu.sem_alloc : memref<!tpu.dma_semaphore, #tpu.memory_space<semaphore_mem>>
        %dma_start3A = arith.constant 0 : i32
        %dma_start3A_50 = arith.constant 0 : i32
        %dma_start3A_51 = tpu.memref_slice %arg9[%run_scoped3A_31, %dma_start3A, %dma_start3A_50] : memref<8x128x4xf32, #tpu.memory_space<vmem>> -> memref<1x128x4xf32, #tpu.memory_space<vmem>>
        %dma_start3A_52 = tpu.memref_squeeze %dma_start3A_51 : memref<1x128x4xf32, #tpu.memory_space<vmem>> -> memref<128x4xf32, #tpu.memory_space<vmem>>
        %dma_start3A_53 = arith.constant 0 : i32
        %dma_start3A_54 = tpu.memref_slice %arg8[%run_scoped3A_32, %dma_start3A_53] : memref<8x128xi32, #tpu.memory_space<vmem>> -> memref<1x128xi32, #tpu.memory_space<vmem>>
        %dma_start3A_55 = tpu.memref_squeeze %dma_start3A_54 : memref<1x128xi32, #tpu.memory_space<vmem>> -> memref<128xi32, #tpu.memory_space<vmem>>
        %dma_start3A_56 = arith.constant 0 : i32
        %dma_start3A_57 = arith.constant 0 : i32
        %dma_start3A_58 = tpu.memref_slice %arg11[%dma_start3A_56, %dma_start3A_57] : memref<100096x4xf32, #tpu.memory_space<vmem_shared>> -> memref<100096x4xf32, #tpu.memory_space<vmem_shared>>
        tpu.enqueue_indirect_dma source(%dma_start3A_52 : memref<128x4xf32, #tpu.memory_space<vmem>>) target(%dma_start3A_58 : memref<100096x4xf32, #tpu.memory_space<vmem_shared>>) offsets(%dma_start3A_55 : memref<128xi32, #tpu.memory_space<vmem>>) semaphore(%run_scoped3A_49 : memref<!tpu.dma_semaphore, #tpu.memory_space<semaphore_mem>>) {add = true}
        %dma_wait3A = arith.constant 0 : i32
        %dma_wait3A_59 = arith.constant 0 : i32
        %dma_wait3A_60 = tpu.memref_slice %arg9[%run_scoped3A_31, %dma_wait3A, %dma_wait3A_59] : memref<8x128x4xf32, #tpu.memory_space<vmem>> -> memref<1x128x4xf32, #tpu.memory_space<vmem>>
        %dma_wait3A_61 = tpu.memref_squeeze %dma_wait3A_60 : memref<1x128x4xf32, #tpu.memory_space<vmem>> -> memref<128x4xf32, #tpu.memory_space<vmem>>
        %dma_wait3A_62 = arith.constant 0 : i32
        %dma_wait3A_63 = tpu.memref_slice %arg8[%run_scoped3A_32, %dma_wait3A_62] : memref<8x128xi32, #tpu.memory_space<vmem>> -> memref<1x128xi32, #tpu.memory_space<vmem>>
        %dma_wait3A_64 = tpu.memref_squeeze %dma_wait3A_63 : memref<1x128xi32, #tpu.memory_space<vmem>> -> memref<128xi32, #tpu.memory_space<vmem>>
        %dma_wait3A_65 = arith.constant 0 : i32
        %dma_wait3A_66 = arith.constant 0 : i32
        %dma_wait3A_67 = tpu.memref_slice %arg11[%dma_wait3A_65, %dma_wait3A_66] : memref<100096x4xf32, #tpu.memory_space<vmem_shared>> -> memref<100096x4xf32, #tpu.memory_space<vmem_shared>>
        tpu.wait_indirect_dma semaphore(%run_scoped3A_49 : memref<!tpu.dma_semaphore, #tpu.memory_space<semaphore_mem>>) src(%dma_wait3A_61 : memref<128x4xf32, #tpu.memory_space<vmem>>) dst(%dma_wait3A_67 : memref<100096x4xf32, #tpu.memory_space<vmem_shared>>)
        tpu.yield
      }) : () -> ()
      %run_scoped3A_33 = arith.constant 4 : i32
      %run_scoped3A_34 = arith.constant 4 : i32
      "tpu.region"() ({
        %run_scoped3A_49 = tpu.sem_alloc : memref<!tpu.dma_semaphore, #tpu.memory_space<semaphore_mem>>
        %dma_start3A = arith.constant 0 : i32
        %dma_start3A_50 = arith.constant 0 : i32
        %dma_start3A_51 = tpu.memref_slice %arg9[%run_scoped3A_34, %dma_start3A, %dma_start3A_50] : memref<8x128x4xf32, #tpu.memory_space<vmem>> -> memref<1x128x4xf32, #tpu.memory_space<vmem>>
        %dma_start3A_52 = tpu.memref_squeeze %dma_start3A_51 : memref<1x128x4xf32, #tpu.memory_space<vmem>> -> memref<128x4xf32, #tpu.memory_space<vmem>>
        %dma_start3A_53 = arith.constant 0 : i32
        %dma_start3A_54 = tpu.memref_slice %arg7[%run_scoped3A_33, %dma_start3A_53] : memref<8x128xi32, #tpu.memory_space<vmem>> -> memref<1x128xi32, #tpu.memory_space<vmem>>
        %dma_start3A_55 = tpu.memref_squeeze %dma_start3A_54 : memref<1x128xi32, #tpu.memory_space<vmem>> -> memref<128xi32, #tpu.memory_space<vmem>>
        %dma_start3A_56 = arith.constant 0 : i32
        %dma_start3A_57 = arith.constant 0 : i32
        %dma_start3A_58 = tpu.memref_slice %arg10[%dma_start3A_56, %dma_start3A_57] : memref<100096x4xf32, #tpu.memory_space<vmem_shared>> -> memref<100096x4xf32, #tpu.memory_space<vmem_shared>>
        tpu.enqueue_indirect_dma source(%dma_start3A_58 : memref<100096x4xf32, #tpu.memory_space<vmem_shared>>) target(%dma_start3A_52 : memref<128x4xf32, #tpu.memory_space<vmem>>) offsets(%dma_start3A_55 : memref<128xi32, #tpu.memory_space<vmem>>) semaphore(%run_scoped3A_49 : memref<!tpu.dma_semaphore, #tpu.memory_space<semaphore_mem>>)
        %dma_wait3A = arith.constant 0 : i32
        %dma_wait3A_59 = arith.constant 0 : i32
        %dma_wait3A_60 = tpu.memref_slice %arg9[%run_scoped3A_34, %dma_wait3A, %dma_wait3A_59] : memref<8x128x4xf32, #tpu.memory_space<vmem>> -> memref<1x128x4xf32, #tpu.memory_space<vmem>>
        %dma_wait3A_61 = tpu.memref_squeeze %dma_wait3A_60 : memref<1x128x4xf32, #tpu.memory_space<vmem>> -> memref<128x4xf32, #tpu.memory_space<vmem>>
        %dma_wait3A_62 = arith.constant 0 : i32
        %dma_wait3A_63 = tpu.memref_slice %arg7[%run_scoped3A_33, %dma_wait3A_62] : memref<8x128xi32, #tpu.memory_space<vmem>> -> memref<1x128xi32, #tpu.memory_space<vmem>>
        %dma_wait3A_64 = tpu.memref_squeeze %dma_wait3A_63 : memref<1x128xi32, #tpu.memory_space<vmem>> -> memref<128xi32, #tpu.memory_space<vmem>>
        %dma_wait3A_65 = arith.constant 0 : i32
        %dma_wait3A_66 = arith.constant 0 : i32
        %dma_wait3A_67 = tpu.memref_slice %arg10[%dma_wait3A_65, %dma_wait3A_66] : memref<100096x4xf32, #tpu.memory_space<vmem_shared>> -> memref<100096x4xf32, #tpu.memory_space<vmem_shared>>
        tpu.wait_indirect_dma semaphore(%run_scoped3A_49 : memref<!tpu.dma_semaphore, #tpu.memory_space<semaphore_mem>>) src(%dma_wait3A_67 : memref<100096x4xf32, #tpu.memory_space<vmem_shared>>) dst(%dma_wait3A_61 : memref<128x4xf32, #tpu.memory_space<vmem>>)
        tpu.yield
      }) : () -> ()
      %run_scoped3A_35 = arith.constant 4 : i32
      %run_scoped3A_36 = arith.constant 4 : i32
      "tpu.region"() ({
        %run_scoped3A_49 = tpu.sem_alloc : memref<!tpu.dma_semaphore, #tpu.memory_space<semaphore_mem>>
        %dma_start3A = arith.constant 0 : i32
        %dma_start3A_50 = arith.constant 0 : i32
        %dma_start3A_51 = tpu.memref_slice %arg9[%run_scoped3A_35, %dma_start3A, %dma_start3A_50] : memref<8x128x4xf32, #tpu.memory_space<vmem>> -> memref<1x128x4xf32, #tpu.memory_space<vmem>>
        %dma_start3A_52 = tpu.memref_squeeze %dma_start3A_51 : memref<1x128x4xf32, #tpu.memory_space<vmem>> -> memref<128x4xf32, #tpu.memory_space<vmem>>
        %dma_start3A_53 = arith.constant 0 : i32
        %dma_start3A_54 = tpu.memref_slice %arg8[%run_scoped3A_36, %dma_start3A_53] : memref<8x128xi32, #tpu.memory_space<vmem>> -> memref<1x128xi32, #tpu.memory_space<vmem>>
        %dma_start3A_55 = tpu.memref_squeeze %dma_start3A_54 : memref<1x128xi32, #tpu.memory_space<vmem>> -> memref<128xi32, #tpu.memory_space<vmem>>
        %dma_start3A_56 = arith.constant 0 : i32
        %dma_start3A_57 = arith.constant 0 : i32
        %dma_start3A_58 = tpu.memref_slice %arg11[%dma_start3A_56, %dma_start3A_57] : memref<100096x4xf32, #tpu.memory_space<vmem_shared>> -> memref<100096x4xf32, #tpu.memory_space<vmem_shared>>
        tpu.enqueue_indirect_dma source(%dma_start3A_52 : memref<128x4xf32, #tpu.memory_space<vmem>>) target(%dma_start3A_58 : memref<100096x4xf32, #tpu.memory_space<vmem_shared>>) offsets(%dma_start3A_55 : memref<128xi32, #tpu.memory_space<vmem>>) semaphore(%run_scoped3A_49 : memref<!tpu.dma_semaphore, #tpu.memory_space<semaphore_mem>>) {add = true}
        %dma_wait3A = arith.constant 0 : i32
        %dma_wait3A_59 = arith.constant 0 : i32
        %dma_wait3A_60 = tpu.memref_slice %arg9[%run_scoped3A_35, %dma_wait3A, %dma_wait3A_59] : memref<8x128x4xf32, #tpu.memory_space<vmem>> -> memref<1x128x4xf32, #tpu.memory_space<vmem>>
        %dma_wait3A_61 = tpu.memref_squeeze %dma_wait3A_60 : memref<1x128x4xf32, #tpu.memory_space<vmem>> -> memref<128x4xf32, #tpu.memory_space<vmem>>
        %dma_wait3A_62 = arith.constant 0 : i32
        %dma_wait3A_63 = tpu.memref_slice %arg8[%run_scoped3A_36, %dma_wait3A_62] : memref<8x128xi32, #tpu.memory_space<vmem>> -> memref<1x128xi32, #tpu.memory_space<vmem>>
        %dma_wait3A_64 = tpu.memref_squeeze %dma_wait3A_63 : memref<1x128xi32, #tpu.memory_space<vmem>> -> memref<128xi32, #tpu.memory_space<vmem>>
        %dma_wait3A_65 = arith.constant 0 : i32
        %dma_wait3A_66 = arith.constant 0 : i32
        %dma_wait3A_67 = tpu.memref_slice %arg11[%dma_wait3A_65, %dma_wait3A_66] : memref<100096x4xf32, #tpu.memory_space<vmem_shared>> -> memref<100096x4xf32, #tpu.memory_space<vmem_shared>>
        tpu.wait_indirect_dma semaphore(%run_scoped3A_49 : memref<!tpu.dma_semaphore, #tpu.memory_space<semaphore_mem>>) src(%dma_wait3A_61 : memref<128x4xf32, #tpu.memory_space<vmem>>) dst(%dma_wait3A_67 : memref<100096x4xf32, #tpu.memory_space<vmem_shared>>)
        tpu.yield
      }) : () -> ()
      %run_scoped3A_37 = arith.constant 5 : i32
      %run_scoped3A_38 = arith.constant 5 : i32
      "tpu.region"() ({
        %run_scoped3A_49 = tpu.sem_alloc : memref<!tpu.dma_semaphore, #tpu.memory_space<semaphore_mem>>
        %dma_start3A = arith.constant 0 : i32
        %dma_start3A_50 = arith.constant 0 : i32
        %dma_start3A_51 = tpu.memref_slice %arg9[%run_scoped3A_38, %dma_start3A, %dma_start3A_50] : memref<8x128x4xf32, #tpu.memory_space<vmem>> -> memref<1x128x4xf32, #tpu.memory_space<vmem>>
        %dma_start3A_52 = tpu.memref_squeeze %dma_start3A_51 : memref<1x128x4xf32, #tpu.memory_space<vmem>> -> memref<128x4xf32, #tpu.memory_space<vmem>>
        %dma_start3A_53 = arith.constant 0 : i32
        %dma_start3A_54 = tpu.memref_slice %arg7[%run_scoped3A_37, %dma_start3A_53] : memref<8x128xi32, #tpu.memory_space<vmem>> -> memref<1x128xi32, #tpu.memory_space<vmem>>
        %dma_start3A_55 = tpu.memref_squeeze %dma_start3A_54 : memref<1x128xi32, #tpu.memory_space<vmem>> -> memref<128xi32, #tpu.memory_space<vmem>>
        %dma_start3A_56 = arith.constant 0 : i32
        %dma_start3A_57 = arith.constant 0 : i32
        %dma_start3A_58 = tpu.memref_slice %arg10[%dma_start3A_56, %dma_start3A_57] : memref<100096x4xf32, #tpu.memory_space<vmem_shared>> -> memref<100096x4xf32, #tpu.memory_space<vmem_shared>>
        tpu.enqueue_indirect_dma source(%dma_start3A_58 : memref<100096x4xf32, #tpu.memory_space<vmem_shared>>) target(%dma_start3A_52 : memref<128x4xf32, #tpu.memory_space<vmem>>) offsets(%dma_start3A_55 : memref<128xi32, #tpu.memory_space<vmem>>) semaphore(%run_scoped3A_49 : memref<!tpu.dma_semaphore, #tpu.memory_space<semaphore_mem>>)
        %dma_wait3A = arith.constant 0 : i32
        %dma_wait3A_59 = arith.constant 0 : i32
        %dma_wait3A_60 = tpu.memref_slice %arg9[%run_scoped3A_38, %dma_wait3A, %dma_wait3A_59] : memref<8x128x4xf32, #tpu.memory_space<vmem>> -> memref<1x128x4xf32, #tpu.memory_space<vmem>>
        %dma_wait3A_61 = tpu.memref_squeeze %dma_wait3A_60 : memref<1x128x4xf32, #tpu.memory_space<vmem>> -> memref<128x4xf32, #tpu.memory_space<vmem>>
        %dma_wait3A_62 = arith.constant 0 : i32
        %dma_wait3A_63 = tpu.memref_slice %arg7[%run_scoped3A_37, %dma_wait3A_62] : memref<8x128xi32, #tpu.memory_space<vmem>> -> memref<1x128xi32, #tpu.memory_space<vmem>>
        %dma_wait3A_64 = tpu.memref_squeeze %dma_wait3A_63 : memref<1x128xi32, #tpu.memory_space<vmem>> -> memref<128xi32, #tpu.memory_space<vmem>>
        %dma_wait3A_65 = arith.constant 0 : i32
        %dma_wait3A_66 = arith.constant 0 : i32
        %dma_wait3A_67 = tpu.memref_slice %arg10[%dma_wait3A_65, %dma_wait3A_66] : memref<100096x4xf32, #tpu.memory_space<vmem_shared>> -> memref<100096x4xf32, #tpu.memory_space<vmem_shared>>
        tpu.wait_indirect_dma semaphore(%run_scoped3A_49 : memref<!tpu.dma_semaphore, #tpu.memory_space<semaphore_mem>>) src(%dma_wait3A_67 : memref<100096x4xf32, #tpu.memory_space<vmem_shared>>) dst(%dma_wait3A_61 : memref<128x4xf32, #tpu.memory_space<vmem>>)
        tpu.yield
      }) : () -> ()
      %run_scoped3A_39 = arith.constant 5 : i32
      %run_scoped3A_40 = arith.constant 5 : i32
      "tpu.region"() ({
        %run_scoped3A_49 = tpu.sem_alloc : memref<!tpu.dma_semaphore, #tpu.memory_space<semaphore_mem>>
        %dma_start3A = arith.constant 0 : i32
        %dma_start3A_50 = arith.constant 0 : i32
        %dma_start3A_51 = tpu.memref_slice %arg9[%run_scoped3A_39, %dma_start3A, %dma_start3A_50] : memref<8x128x4xf32, #tpu.memory_space<vmem>> -> memref<1x128x4xf32, #tpu.memory_space<vmem>>
        %dma_start3A_52 = tpu.memref_squeeze %dma_start3A_51 : memref<1x128x4xf32, #tpu.memory_space<vmem>> -> memref<128x4xf32, #tpu.memory_space<vmem>>
        %dma_start3A_53 = arith.constant 0 : i32
        %dma_start3A_54 = tpu.memref_slice %arg8[%run_scoped3A_40, %dma_start3A_53] : memref<8x128xi32, #tpu.memory_space<vmem>> -> memref<1x128xi32, #tpu.memory_space<vmem>>
        %dma_start3A_55 = tpu.memref_squeeze %dma_start3A_54 : memref<1x128xi32, #tpu.memory_space<vmem>> -> memref<128xi32, #tpu.memory_space<vmem>>
        %dma_start3A_56 = arith.constant 0 : i32
        %dma_start3A_57 = arith.constant 0 : i32
        %dma_start3A_58 = tpu.memref_slice %arg11[%dma_start3A_56, %dma_start3A_57] : memref<100096x4xf32, #tpu.memory_space<vmem_shared>> -> memref<100096x4xf32, #tpu.memory_space<vmem_shared>>
        tpu.enqueue_indirect_dma source(%dma_start3A_52 : memref<128x4xf32, #tpu.memory_space<vmem>>) target(%dma_start3A_58 : memref<100096x4xf32, #tpu.memory_space<vmem_shared>>) offsets(%dma_start3A_55 : memref<128xi32, #tpu.memory_space<vmem>>) semaphore(%run_scoped3A_49 : memref<!tpu.dma_semaphore, #tpu.memory_space<semaphore_mem>>) {add = true}
        %dma_wait3A = arith.constant 0 : i32
        %dma_wait3A_59 = arith.constant 0 : i32
        %dma_wait3A_60 = tpu.memref_slice %arg9[%run_scoped3A_39, %dma_wait3A, %dma_wait3A_59] : memref<8x128x4xf32, #tpu.memory_space<vmem>> -> memref<1x128x4xf32, #tpu.memory_space<vmem>>
        %dma_wait3A_61 = tpu.memref_squeeze %dma_wait3A_60 : memref<1x128x4xf32, #tpu.memory_space<vmem>> -> memref<128x4xf32, #tpu.memory_space<vmem>>
        %dma_wait3A_62 = arith.constant 0 : i32
        %dma_wait3A_63 = tpu.memref_slice %arg8[%run_scoped3A_40, %dma_wait3A_62] : memref<8x128xi32, #tpu.memory_space<vmem>> -> memref<1x128xi32, #tpu.memory_space<vmem>>
        %dma_wait3A_64 = tpu.memref_squeeze %dma_wait3A_63 : memref<1x128xi32, #tpu.memory_space<vmem>> -> memref<128xi32, #tpu.memory_space<vmem>>
        %dma_wait3A_65 = arith.constant 0 : i32
        %dma_wait3A_66 = arith.constant 0 : i32
        %dma_wait3A_67 = tpu.memref_slice %arg11[%dma_wait3A_65, %dma_wait3A_66] : memref<100096x4xf32, #tpu.memory_space<vmem_shared>> -> memref<100096x4xf32, #tpu.memory_space<vmem_shared>>
        tpu.wait_indirect_dma semaphore(%run_scoped3A_49 : memref<!tpu.dma_semaphore, #tpu.memory_space<semaphore_mem>>) src(%dma_wait3A_61 : memref<128x4xf32, #tpu.memory_space<vmem>>) dst(%dma_wait3A_67 : memref<100096x4xf32, #tpu.memory_space<vmem_shared>>)
        tpu.yield
      }) : () -> ()
      %run_scoped3A_41 = arith.constant 6 : i32
      %run_scoped3A_42 = arith.constant 6 : i32
      "tpu.region"() ({
        %run_scoped3A_49 = tpu.sem_alloc : memref<!tpu.dma_semaphore, #tpu.memory_space<semaphore_mem>>
        %dma_start3A = arith.constant 0 : i32
        %dma_start3A_50 = arith.constant 0 : i32
        %dma_start3A_51 = tpu.memref_slice %arg9[%run_scoped3A_42, %dma_start3A, %dma_start3A_50] : memref<8x128x4xf32, #tpu.memory_space<vmem>> -> memref<1x128x4xf32, #tpu.memory_space<vmem>>
        %dma_start3A_52 = tpu.memref_squeeze %dma_start3A_51 : memref<1x128x4xf32, #tpu.memory_space<vmem>> -> memref<128x4xf32, #tpu.memory_space<vmem>>
        %dma_start3A_53 = arith.constant 0 : i32
        %dma_start3A_54 = tpu.memref_slice %arg7[%run_scoped3A_41, %dma_start3A_53] : memref<8x128xi32, #tpu.memory_space<vmem>> -> memref<1x128xi32, #tpu.memory_space<vmem>>
        %dma_start3A_55 = tpu.memref_squeeze %dma_start3A_54 : memref<1x128xi32, #tpu.memory_space<vmem>> -> memref<128xi32, #tpu.memory_space<vmem>>
        %dma_start3A_56 = arith.constant 0 : i32
        %dma_start3A_57 = arith.constant 0 : i32
        %dma_start3A_58 = tpu.memref_slice %arg10[%dma_start3A_56, %dma_start3A_57] : memref<100096x4xf32, #tpu.memory_space<vmem_shared>> -> memref<100096x4xf32, #tpu.memory_space<vmem_shared>>
        tpu.enqueue_indirect_dma source(%dma_start3A_58 : memref<100096x4xf32, #tpu.memory_space<vmem_shared>>) target(%dma_start3A_52 : memref<128x4xf32, #tpu.memory_space<vmem>>) offsets(%dma_start3A_55 : memref<128xi32, #tpu.memory_space<vmem>>) semaphore(%run_scoped3A_49 : memref<!tpu.dma_semaphore, #tpu.memory_space<semaphore_mem>>)
        %dma_wait3A = arith.constant 0 : i32
        %dma_wait3A_59 = arith.constant 0 : i32
        %dma_wait3A_60 = tpu.memref_slice %arg9[%run_scoped3A_42, %dma_wait3A, %dma_wait3A_59] : memref<8x128x4xf32, #tpu.memory_space<vmem>> -> memref<1x128x4xf32, #tpu.memory_space<vmem>>
        %dma_wait3A_61 = tpu.memref_squeeze %dma_wait3A_60 : memref<1x128x4xf32, #tpu.memory_space<vmem>> -> memref<128x4xf32, #tpu.memory_space<vmem>>
        %dma_wait3A_62 = arith.constant 0 : i32
        %dma_wait3A_63 = tpu.memref_slice %arg7[%run_scoped3A_41, %dma_wait3A_62] : memref<8x128xi32, #tpu.memory_space<vmem>> -> memref<1x128xi32, #tpu.memory_space<vmem>>
        %dma_wait3A_64 = tpu.memref_squeeze %dma_wait3A_63 : memref<1x128xi32, #tpu.memory_space<vmem>> -> memref<128xi32, #tpu.memory_space<vmem>>
        %dma_wait3A_65 = arith.constant 0 : i32
        %dma_wait3A_66 = arith.constant 0 : i32
        %dma_wait3A_67 = tpu.memref_slice %arg10[%dma_wait3A_65, %dma_wait3A_66] : memref<100096x4xf32, #tpu.memory_space<vmem_shared>> -> memref<100096x4xf32, #tpu.memory_space<vmem_shared>>
        tpu.wait_indirect_dma semaphore(%run_scoped3A_49 : memref<!tpu.dma_semaphore, #tpu.memory_space<semaphore_mem>>) src(%dma_wait3A_67 : memref<100096x4xf32, #tpu.memory_space<vmem_shared>>) dst(%dma_wait3A_61 : memref<128x4xf32, #tpu.memory_space<vmem>>)
        tpu.yield
      }) : () -> ()
      %run_scoped3A_43 = arith.constant 6 : i32
      %run_scoped3A_44 = arith.constant 6 : i32
      "tpu.region"() ({
        %run_scoped3A_49 = tpu.sem_alloc : memref<!tpu.dma_semaphore, #tpu.memory_space<semaphore_mem>>
        %dma_start3A = arith.constant 0 : i32
        %dma_start3A_50 = arith.constant 0 : i32
        %dma_start3A_51 = tpu.memref_slice %arg9[%run_scoped3A_43, %dma_start3A, %dma_start3A_50] : memref<8x128x4xf32, #tpu.memory_space<vmem>> -> memref<1x128x4xf32, #tpu.memory_space<vmem>>
        %dma_start3A_52 = tpu.memref_squeeze %dma_start3A_51 : memref<1x128x4xf32, #tpu.memory_space<vmem>> -> memref<128x4xf32, #tpu.memory_space<vmem>>
        %dma_start3A_53 = arith.constant 0 : i32
        %dma_start3A_54 = tpu.memref_slice %arg8[%run_scoped3A_44, %dma_start3A_53] : memref<8x128xi32, #tpu.memory_space<vmem>> -> memref<1x128xi32, #tpu.memory_space<vmem>>
        %dma_start3A_55 = tpu.memref_squeeze %dma_start3A_54 : memref<1x128xi32, #tpu.memory_space<vmem>> -> memref<128xi32, #tpu.memory_space<vmem>>
        %dma_start3A_56 = arith.constant 0 : i32
        %dma_start3A_57 = arith.constant 0 : i32
        %dma_start3A_58 = tpu.memref_slice %arg11[%dma_start3A_56, %dma_start3A_57] : memref<100096x4xf32, #tpu.memory_space<vmem_shared>> -> memref<100096x4xf32, #tpu.memory_space<vmem_shared>>
        tpu.enqueue_indirect_dma source(%dma_start3A_52 : memref<128x4xf32, #tpu.memory_space<vmem>>) target(%dma_start3A_58 : memref<100096x4xf32, #tpu.memory_space<vmem_shared>>) offsets(%dma_start3A_55 : memref<128xi32, #tpu.memory_space<vmem>>) semaphore(%run_scoped3A_49 : memref<!tpu.dma_semaphore, #tpu.memory_space<semaphore_mem>>) {add = true}
        %dma_wait3A = arith.constant 0 : i32
        %dma_wait3A_59 = arith.constant 0 : i32
        %dma_wait3A_60 = tpu.memref_slice %arg9[%run_scoped3A_43, %dma_wait3A, %dma_wait3A_59] : memref<8x128x4xf32, #tpu.memory_space<vmem>> -> memref<1x128x4xf32, #tpu.memory_space<vmem>>
        %dma_wait3A_61 = tpu.memref_squeeze %dma_wait3A_60 : memref<1x128x4xf32, #tpu.memory_space<vmem>> -> memref<128x4xf32, #tpu.memory_space<vmem>>
        %dma_wait3A_62 = arith.constant 0 : i32
        %dma_wait3A_63 = tpu.memref_slice %arg8[%run_scoped3A_44, %dma_wait3A_62] : memref<8x128xi32, #tpu.memory_space<vmem>> -> memref<1x128xi32, #tpu.memory_space<vmem>>
        %dma_wait3A_64 = tpu.memref_squeeze %dma_wait3A_63 : memref<1x128xi32, #tpu.memory_space<vmem>> -> memref<128xi32, #tpu.memory_space<vmem>>
        %dma_wait3A_65 = arith.constant 0 : i32
        %dma_wait3A_66 = arith.constant 0 : i32
        %dma_wait3A_67 = tpu.memref_slice %arg11[%dma_wait3A_65, %dma_wait3A_66] : memref<100096x4xf32, #tpu.memory_space<vmem_shared>> -> memref<100096x4xf32, #tpu.memory_space<vmem_shared>>
        tpu.wait_indirect_dma semaphore(%run_scoped3A_49 : memref<!tpu.dma_semaphore, #tpu.memory_space<semaphore_mem>>) src(%dma_wait3A_61 : memref<128x4xf32, #tpu.memory_space<vmem>>) dst(%dma_wait3A_67 : memref<100096x4xf32, #tpu.memory_space<vmem_shared>>)
        tpu.yield
      }) : () -> ()
      %run_scoped3A_45 = arith.constant 7 : i32
      %run_scoped3A_46 = arith.constant 7 : i32
      "tpu.region"() ({
        %run_scoped3A_49 = tpu.sem_alloc : memref<!tpu.dma_semaphore, #tpu.memory_space<semaphore_mem>>
        %dma_start3A = arith.constant 0 : i32
        %dma_start3A_50 = arith.constant 0 : i32
        %dma_start3A_51 = tpu.memref_slice %arg9[%run_scoped3A_46, %dma_start3A, %dma_start3A_50] : memref<8x128x4xf32, #tpu.memory_space<vmem>> -> memref<1x128x4xf32, #tpu.memory_space<vmem>>
        %dma_start3A_52 = tpu.memref_squeeze %dma_start3A_51 : memref<1x128x4xf32, #tpu.memory_space<vmem>> -> memref<128x4xf32, #tpu.memory_space<vmem>>
        %dma_start3A_53 = arith.constant 0 : i32
        %dma_start3A_54 = tpu.memref_slice %arg7[%run_scoped3A_45, %dma_start3A_53] : memref<8x128xi32, #tpu.memory_space<vmem>> -> memref<1x128xi32, #tpu.memory_space<vmem>>
        %dma_start3A_55 = tpu.memref_squeeze %dma_start3A_54 : memref<1x128xi32, #tpu.memory_space<vmem>> -> memref<128xi32, #tpu.memory_space<vmem>>
        %dma_start3A_56 = arith.constant 0 : i32
        %dma_start3A_57 = arith.constant 0 : i32
        %dma_start3A_58 = tpu.memref_slice %arg10[%dma_start3A_56, %dma_start3A_57] : memref<100096x4xf32, #tpu.memory_space<vmem_shared>> -> memref<100096x4xf32, #tpu.memory_space<vmem_shared>>
        tpu.enqueue_indirect_dma source(%dma_start3A_58 : memref<100096x4xf32, #tpu.memory_space<vmem_shared>>) target(%dma_start3A_52 : memref<128x4xf32, #tpu.memory_space<vmem>>) offsets(%dma_start3A_55 : memref<128xi32, #tpu.memory_space<vmem>>) semaphore(%run_scoped3A_49 : memref<!tpu.dma_semaphore, #tpu.memory_space<semaphore_mem>>)
        %dma_wait3A = arith.constant 0 : i32
        %dma_wait3A_59 = arith.constant 0 : i32
        %dma_wait3A_60 = tpu.memref_slice %arg9[%run_scoped3A_46, %dma_wait3A, %dma_wait3A_59] : memref<8x128x4xf32, #tpu.memory_space<vmem>> -> memref<1x128x4xf32, #tpu.memory_space<vmem>>
        %dma_wait3A_61 = tpu.memref_squeeze %dma_wait3A_60 : memref<1x128x4xf32, #tpu.memory_space<vmem>> -> memref<128x4xf32, #tpu.memory_space<vmem>>
        %dma_wait3A_62 = arith.constant 0 : i32
        %dma_wait3A_63 = tpu.memref_slice %arg7[%run_scoped3A_45, %dma_wait3A_62] : memref<8x128xi32, #tpu.memory_space<vmem>> -> memref<1x128xi32, #tpu.memory_space<vmem>>
        %dma_wait3A_64 = tpu.memref_squeeze %dma_wait3A_63 : memref<1x128xi32, #tpu.memory_space<vmem>> -> memref<128xi32, #tpu.memory_space<vmem>>
        %dma_wait3A_65 = arith.constant 0 : i32
        %dma_wait3A_66 = arith.constant 0 : i32
        %dma_wait3A_67 = tpu.memref_slice %arg10[%dma_wait3A_65, %dma_wait3A_66] : memref<100096x4xf32, #tpu.memory_space<vmem_shared>> -> memref<100096x4xf32, #tpu.memory_space<vmem_shared>>
        tpu.wait_indirect_dma semaphore(%run_scoped3A_49 : memref<!tpu.dma_semaphore, #tpu.memory_space<semaphore_mem>>) src(%dma_wait3A_67 : memref<100096x4xf32, #tpu.memory_space<vmem_shared>>) dst(%dma_wait3A_61 : memref<128x4xf32, #tpu.memory_space<vmem>>)
        tpu.yield
      }) : () -> ()
      %run_scoped3A_47 = arith.constant 7 : i32
      %run_scoped3A_48 = arith.constant 7 : i32
      "tpu.region"() ({
        %run_scoped3A_49 = tpu.sem_alloc : memref<!tpu.dma_semaphore, #tpu.memory_space<semaphore_mem>>
        %dma_start3A = arith.constant 0 : i32
        %dma_start3A_50 = arith.constant 0 : i32
        %dma_start3A_51 = tpu.memref_slice %arg9[%run_scoped3A_47, %dma_start3A, %dma_start3A_50] : memref<8x128x4xf32, #tpu.memory_space<vmem>> -> memref<1x128x4xf32, #tpu.memory_space<vmem>>
        %dma_start3A_52 = tpu.memref_squeeze %dma_start3A_51 : memref<1x128x4xf32, #tpu.memory_space<vmem>> -> memref<128x4xf32, #tpu.memory_space<vmem>>
        %dma_start3A_53 = arith.constant 0 : i32
        %dma_start3A_54 = tpu.memref_slice %arg8[%run_scoped3A_48, %dma_start3A_53] : memref<8x128xi32, #tpu.memory_space<vmem>> -> memref<1x128xi32, #tpu.memory_space<vmem>>
        %dma_start3A_55 = tpu.memref_squeeze %dma_start3A_54 : memref<1x128xi32, #tpu.memory_space<vmem>> -> memref<128xi32, #tpu.memory_space<vmem>>
        %dma_start3A_56 = arith.constant 0 : i32
        %dma_start3A_57 = arith.constant 0 : i32
        %dma_start3A_58 = tpu.memref_slice %arg11[%dma_start3A_56, %dma_start3A_57] : memref<100096x4xf32, #tpu.memory_space<vmem_shared>> -> memref<100096x4xf32, #tpu.memory_space<vmem_shared>>
        tpu.enqueue_indirect_dma source(%dma_start3A_52 : memref<128x4xf32, #tpu.memory_space<vmem>>) target(%dma_start3A_58 : memref<100096x4xf32, #tpu.memory_space<vmem_shared>>) offsets(%dma_start3A_55 : memref<128xi32, #tpu.memory_space<vmem>>) semaphore(%run_scoped3A_49 : memref<!tpu.dma_semaphore, #tpu.memory_space<semaphore_mem>>) {add = true}
        %dma_wait3A = arith.constant 0 : i32
        %dma_wait3A_59 = arith.constant 0 : i32
        %dma_wait3A_60 = tpu.memref_slice %arg9[%run_scoped3A_47, %dma_wait3A, %dma_wait3A_59] : memref<8x128x4xf32, #tpu.memory_space<vmem>> -> memref<1x128x4xf32, #tpu.memory_space<vmem>>
        %dma_wait3A_61 = tpu.memref_squeeze %dma_wait3A_60 : memref<1x128x4xf32, #tpu.memory_space<vmem>> -> memref<128x4xf32, #tpu.memory_space<vmem>>
        %dma_wait3A_62 = arith.constant 0 : i32
        %dma_wait3A_63 = tpu.memref_slice %arg8[%run_scoped3A_48, %dma_wait3A_62] : memref<8x128xi32, #tpu.memory_space<vmem>> -> memref<1x128xi32, #tpu.memory_space<vmem>>
        %dma_wait3A_64 = tpu.memref_squeeze %dma_wait3A_63 : memref<1x128xi32, #tpu.memory_space<vmem>> -> memref<128xi32, #tpu.memory_space<vmem>>
        %dma_wait3A_65 = arith.constant 0 : i32
        %dma_wait3A_66 = arith.constant 0 : i32
        %dma_wait3A_67 = tpu.memref_slice %arg11[%dma_wait3A_65, %dma_wait3A_66] : memref<100096x4xf32, #tpu.memory_space<vmem_shared>> -> memref<100096x4xf32, #tpu.memory_space<vmem_shared>>
        tpu.wait_indirect_dma semaphore(%run_scoped3A_49 : memref<!tpu.dma_semaphore, #tpu.memory_space<semaphore_mem>>) src(%dma_wait3A_61 : memref<128x4xf32, #tpu.memory_space<vmem>>) dst(%dma_wait3A_67 : memref<100096x4xf32, #tpu.memory_space<vmem_shared>>)
        tpu.yield
      }) : () -> ()
    }
    %scan3A_9 = arith.constant 196 : i32
    %barrier3A_10 = arith.constant 0 : index
    tpu.barrier barrier_id(%barrier3A_10)
    %mul3A_11 = arith.constant 100096 : i32
    %mul3A_12 = arith.muli %arg0, %mul3A_11 : i32
    %add3A_13 = arith.addi %mul3A_12, %mul3A_0 : i32
    "tpu.region"() ({
      %run_scoped3A = tpu.sem_alloc : memref<!tpu.dma_semaphore, #tpu.memory_space<semaphore_mem>>
      %dma_start3A = arith.constant 0 : i32
      %dma_start3A_14 = tpu.memref_slice %arg6[%add3A_13, %dma_start3A] : memref<200192x4xf32, #tpu.memory_space<hbm>> -> memref<6256x4xf32, #tpu.memory_space<hbm>>
      %dma_start3A_15 = arith.constant 0 : i32
      %dma_start3A_16 = tpu.memref_slice %arg11[%mul3A_0, %dma_start3A_15] : memref<100096x4xf32, #tpu.memory_space<vmem_shared>> -> memref<6256x4xf32, #tpu.memory_space<vmem_shared>>
      tpu.enqueue_dma source(%dma_start3A_16 : memref<6256x4xf32, #tpu.memory_space<vmem_shared>>) target(%dma_start3A_14 : memref<6256x4xf32, #tpu.memory_space<hbm>>) target_semaphore(%run_scoped3A : memref<!tpu.dma_semaphore, #tpu.memory_space<semaphore_mem>>)
      %dma_wait3A = arith.constant 0 : i32
      %dma_wait3A_17 = tpu.memref_slice %arg6[%add3A_13, %dma_wait3A] : memref<200192x4xf32, #tpu.memory_space<hbm>> -> memref<6256x4xf32, #tpu.memory_space<hbm>>
      %dma_wait3A_18 = arith.constant 0 : i32
      %dma_wait3A_19 = tpu.memref_slice %arg11[%mul3A_0, %dma_wait3A_18] : memref<100096x4xf32, #tpu.memory_space<vmem_shared>> -> memref<6256x4xf32, #tpu.memory_space<vmem_shared>>
      tpu.wait_dma2 semaphore(%run_scoped3A : memref<!tpu.dma_semaphore, #tpu.memory_space<semaphore_mem>>) src(%dma_wait3A_19 : memref<6256x4xf32, #tpu.memory_space<vmem_shared>>) dst(%dma_wait3A_17 : memref<6256x4xf32, #tpu.memory_space<hbm>>)
      tpu.yield
    }) : () -> ()
    return
  }
}

</mosaic_0001>

<sc_bundles>
// kernel: kernel.12.cloned.1.call-start
scs
__scs_entry_jumppad:
0x0: {  	(pc) =	sbr.rel $0x88, $3  }
0x1: {  	(tag) =	ssettag $0x0;
	lr =	simm.s32 $0x1  }
0x2: {  	[smem:$0x3F97] =	sst lr;
	_ =	strace $0xD0000000  }
0x3: {  	_ = 	snop  }
0x4: {  	_ = 	snop  }
0x5: {  	_ = 	snop  }
0x6: {  	_ = 	snop  }
0x7: {  	_ = 	snop  }
__scs_overlays_trampoline_lowered:
0x8: {  	[smem:$0x3FA6] =	sst s0  }
0x9: {  	[smem:$0x3FA7] =	sst s1  }
0xa: {  	[smem:$0x3FA8] =	sst s2  }
0xb: {  	[smem:$0x3FA9] =	sst s3  }
0xc: {  	[smem:$0x3FAA] =	sst s4  }
0xd: {  	[smem:$0x3FAB] =	sst s5  }
0xe: {  	[smem:$0x3FAC] =	sst s6  }
0xf: {  	[smem:$0x3FAD] =	sst s7  }
0x10: {  	[smem:$0x3FAE] =	sst s8  }
0x11: {  	[smem:$0x3FAF] =	sst s9;
	s0 =	simm.s32 @!p0 $0x0  }
0x12: {  	s1 =	sld [smem:$0x3F95];
	s0 =	simm.s32 @p0 $0x1  }
0x13: {  	[smem:$0x3FB0] =	sst s0;
	s0 =	simm.s32 @!p1 $0x0  }
0x14: {  	s2 =	sld [smem:$0x3F94];
	s0 =	simm.s32 @p1 $0x1  }
0x15: {  	[smem:$0x3FB1] =	sst s0;
	s0 =	simm.s32 @!p2 $0x0  }
0x16: {  	s3 =	sld [smem:$0x3FDB];
	s0 =	simm.s32 @p2 $0x1  }
0x17: {  	s4 =	simm.s32 $0x1BF5;
	[smem:$0x3FB3] =	sst s0  }
0x18: {  	s0 =	sld [smem:$0x3F96];
	_ =	swait.ge [sflag:s4], $0x0  }
0x19: {  	s7 =	sld [smem:$0x3F97]  }
0x1a: {  	s8 =	sadd.s32 $0xFFFFE003, lr  }
0x1b: {  	s9 =	sadd.s32 $0xFFFFFEF7, lr;
	s5 =	simm.s32 $0xFFFFFFFF;
	p2 =	slt.u32 s8, $0xFFFFF086  }
0x1c: {  	p1 =	slt.u32 s9, $0xF7A;
	s5 =	simm.s32 @!p2 $0x0  }
0x1d: {  	s5 =	simm.s32 @p1 $0x1;
	p0 =	seq.s32 s7, s2  }
0x1e: {  	s7 =	smul.u32 @!p0 $0xF7A, s2;
	p2 =	seq.s32 @!p0 s5, $0x0  }
0x1f: {  	s9 =	smul.u32 $0xF7A, s1;
	s8 =	simm.s32 @!p0 $0x1BF5;
	p2 =	por !p2, p0  }
0x20: {  	[sflag:s8] =	ssyncset.s32 @!p0 $0xFFFFF086;
	s6 =	sadd.s32 @!p0 s3, s7;
	s7 =	simm.s32 @!p0 $0x108  }
0x21: {  	s3 =	sadd.s32 s3, s9;
	s6 =	sadd.s32 @!p0 $0x88, s6;
	s7 =	simm.s32 @p2 $0x1082  }
0x22: {  	[simem:s7], [sflag:s8] =	dma.local @!p0 [hbm:s6], $0xF7A  }
0x23: {  	s9 =	sor.u32 $0xD0000000, s2;
	s6 =	simm.s32 $0x108;
	_ =	swait.ge @!p0 [sflag:s8], $0x0  }
0x24: {  	s3 =	sadd.s32 $0x88, s3;
	s6 =	simm.s32 @!p1 $0x1082;
	[sflag:s4] =	ssyncset.s32 $0xFFFFF086  }
0x25: {  	[simem:s6], [sflag:s4] =	dma.local [hbm:s3], $0xF7A  }
0x26: {  	[smem:$0x3F97] =	sst s1;
	(tag) =	ssettag s2;
	_ =	strace s9  }
0x27: {  	s1 =	sld [smem:$0x3FA7]  }
0x28: {  	s2 =	sld [smem:$0x3FA8]  }
0x29: {  	s4 =	sld [smem:$0x3FAA]  }
0x2a: {  	p0 =	seq.s32 s5, $0x0;
	s5 =	sld [smem:$0x3FAB]  }
0x2b: {  	s6 =	sld [smem:$0x3FAC]  }
0x2c: {  	s7 =	sld [smem:$0x3FAD]  }
0x2d: {  	s3 =	simm.s32 $0x108;
	s8 =	sld [smem:$0x3FAE]  }
0x2e: {  	s3 =	simm.s32 @!p0 $0x1082;
	s9 =	sld [smem:$0x3FAF]  }
0x2f: {  	lr =	sadd.s32 s0, s3;
	s0 =	sld [smem:$0x3FA6]  }
0x30: {  	s3 =	sld [smem:$0x3FA9]  }
0x31: {  	[smem:$0x3FB2] =	sst s10  }
0x32: {  	s10 =	sld [smem:$0x3FB0];
	_ =	sdelay $0x3  }
0x33: {  	p0 =	seq.s32 s10, $0x1;
	s10 =	sld [smem:$0x3FB2];
	_ =	sdelay $0x3  }
0x34: {  	[smem:$0x3FB2] =	sst s10  }
0x35: {  	s10 =	sld [smem:$0x3FB1];
	_ =	sdelay $0x3  }
0x36: {  	p1 =	seq.s32 s10, $0x1;
	s10 =	sld [smem:$0x3FB2];
	_ =	sdelay $0x3  }
0x37: {  	[smem:$0x3FB2] =	sst s10  }
0x38: {  	s10 =	sld [smem:$0x3FB3]  }
0x39: {  	_ = 	snop;
	(pc) =	sbr.ind lr, $3  }
0x3a: {  	_ = 	snop  }
0x3b: {  	_ = 	snop  }
0x3c: {  	p2 =	seq.s32 s10, $0x1;
	s10 =	sld [smem:$0x3FB2]  }
0x3d: {  	_ =	shalt  }
0x3e: {  	_ =	shalt  }
0x3f: {  	_ =	shalt  }
0x40: {  	_ =	shalt  }
0x41: {  	_ =	shalt  }
0x42: {  	_ =	shalt  }
0x43: {  	_ =	shalt  }
0x44: {  	_ =	shalt  }
0x45: {  	_ =	shalt  }
0x46: {  	_ =	shalt  }
0x47: {  	_ =	shalt  }
0x48: {  	_ =	shalt  }
0x49: {  	_ =	shalt  }
0x4a: {  	_ =	shalt  }
0x4b: {  	_ =	shalt  }
0x4c: {  	_ =	shalt  }
0x4d: {  	_ =	shalt  }
0x4e: {  	_ =	shalt  }
0x4f: {  	_ =	shalt  }
0x50: {  	_ =	shalt  }
0x51: {  	_ =	shalt  }
0x52: {  	_ =	shalt  }
0x53: {  	_ =	shalt  }
0x54: {  	_ =	shalt  }
0x55: {  	_ =	shalt  }
0x56: {  	_ =	shalt  }
0x57: {  	_ =	shalt  }
0x58: {  	_ =	shalt  }
0x59: {  	_ =	shalt  }
0x5a: {  	_ =	shalt  }
0x5b: {  	_ =	shalt  }
0x5c: {  	_ =	shalt  }
0x5d: {  	_ =	shalt  }
0x5e: {  	_ =	shalt  }
0x5f: {  	_ =	shalt  }
0x60: {  	_ =	shalt  }
0x61: {  	_ =	shalt  }
0x62: {  	_ =	shalt  }
0x63: {  	_ =	shalt  }
0x64: {  	_ =	shalt  }
0x65: {  	_ =	shalt  }
0x66: {  	_ =	shalt  }
0x67: {  	_ =	shalt  }
0x68: {  	_ =	shalt  }
0x69: {  	_ =	shalt  }
0x6a: {  	_ =	shalt  }
0x6b: {  	_ =	shalt  }
0x6c: {  	_ =	shalt  }
0x6d: {  	_ =	shalt  }
0x6e: {  	_ =	shalt  }
0x6f: {  	_ =	shalt  }
0x70: {  	_ =	shalt  }
0x71: {  	_ =	shalt  }
0x72: {  	_ =	shalt  }
0x73: {  	_ =	shalt  }
0x74: {  	_ =	shalt  }
0x75: {  	_ =	shalt  }
0x76: {  	_ =	shalt  }
0x77: {  	_ =	shalt  }
0x78: {  	_ =	shalt  }
0x79: {  	_ =	shalt  }
0x7a: {  	_ =	shalt  }
0x7b: {  	_ =	shalt  }
0x7c: {  	_ =	shalt  }
0x7d: {  	_ =	shalt  }
0x7e: {  	_ =	shalt  }
0x7f: {  	_ =	shalt  }
0x80: {  	_ =	shalt  }
0x81: {  	_ =	shalt  }
0x82: {  	_ =	shalt  }
0x83: {  	_ =	shalt  }
0x84: {  	_ =	shalt  }
0x85: {  	_ =	shalt  }
0x86: {  	_ =	shalt  }
0x87: {  	_ =	shalt  }
.Lfunc_end0:
.L_simem_size_0:
called_computation.2_lowered:
.L_overlay_start_0:
0x88: {  	s2 =	sld [smem:$0x3FD9]  }
0x89: {  	s3 =	sld [smem:$0x3FFE];
	_ =	sdelay $0x1  }
0x8a: {  	s1 =	srdreg.scid  }
0x8b: {  	s0 =	sand.u32 $0x1, s1  }
0x8c: {  	s16 =	sshll.u32 s0, $0xA;
	s2 =	sadd.s32 s3, s2  }
0x8d: {  	s2 =	sadd.s32 s2, s16  }
0x8e: {  	[smem:$0x3FBE] =	sst s2  }
0x8f: {  	_ = 	snop  }
0x90: {  	(tm) =	ssettm $0x1  }
0x91: {  	s17 =	sld [smem:$0x3FFB];
	_ =	sdelay $0x3  }
0x92: {  	_ =	strace s17  }
0x93: {  	s2 =	sld [smem:$0x3FFC];
	_ =	sdelay $0x3  }
0x94: {  	_ =	strace s2  }
0x95: {  	s2 =	sld [smem:$0x3FFD];
	_ =	sdelay $0x3  }
0x96: {  	_ =	strace s2  }
0x97: {  	_ =	strace $0x8FFFFFFF  }
0x98: {  	s18 =	sld [smem:$0x3FDB];
	_ =	sdelay $0x1  }
0x99: {  	s19 =	simm.s32 $_scs_section_size  }
0x9a: {  	s4 =	simm.s32 $_size__tile_overlayer_lowered;
	s5 =	simm.s32 $_tile_overlayer_lowered  }
0x9b: {  	s22 =	simm.s32 $0x1BFF;
	s21 =	sshll.u32 s5, $0x1;
	s2 =	sadd.s32 s19, s18  }
0x9c: {  	s6 =	simm.s32 $0x0;
	s20 =	sshll.u32 s4, $0x1;
	s4 =	sadd.s32 s21, s2  }
0x9d: {  	[timem:s6], [sflag:s22] =	dma.local [hbm:s4], s20  }
0x9e: {  	_ =	swait.ge [sflag:s22], s20  }
0x9f: {  	s3 =	ssub.s32 $0x0, s20;
	[sflag:s22] =	ssyncset.done $0x0  }
0xa0: {  	[sflag:s22] =	ssyncadd.s32 s3;
	_ =	sdelay $0x1  }
0xa1: {  	s23 =	simm.s32 $0x1B8B  }
0xa2: {  	_ =	swait.ge [sflag:s23], $0x1  }
0xa3: {  	[sflag:s23] =	ssyncset.done $0x0  }
0xa4: {  	s25 =	simm.s32 $0x1B8E;
	s24 =	sld [smem:$0x3FFE];
	[sflag:s23] =	ssyncadd.s32 $0xFFFFFFFF  }
0xa5: {  	s26 =	simm.s32 $execute0_lowered;
	[smem:$0x3FD2] =	sst s25  }
0xa6: {  	s4 =	sshll.u32 s26, $0x1;
	_ =	strace $0x8000004C;
	[dreg:$0x1] =	wrdreg $0xFFFFFFFF  }
0xa7: {  	s28 =	simm.s32 $_size_execute0_lowered;
	s2 =	sadd.s32 s2, s4;
	[dreg:$0x0] =	wrdreg $0x0  }
0xa8: {  	s4 =	sshll.u32 s28, $0x1;
	[dreg:$0x2] =	wrdreg s2  }
0xa9: {  	[dreg:$0x3] =	wrdreg s4  }
0xaa: {  	[dreg:$0x4] =	wrdreg $0xC0  }
0xab: {  	_ =	task [dreg:s6], $0x5FFFF  }
0xac: {  	[dreg:$0x1] =	wrdreg $0xFFFFFFFF  }
0xad: {  	[dreg:$0x0] =	wrdreg $0x60  }
0xae: {  	[dreg:$0x2] =	wrdreg s24  }
0xaf: {  	[dreg:$0x3] =	wrdreg $0x28000  }
0xb0: {  	[dreg:$0x4] =	wrdreg $0x89C00  }
0xb1: {  	[dreg:$0x5] =	wrdreg $0x9  }
0xb2: {  	_ =	task.clear_ibuf [dreg:s6], $0x6FFFF;
	_ =	strace $0x9000004C  }
0xb3: {  	s29 =	simm.s32 $0x9;
	_ =	strace $0x8000004E  }
0xb4: {  	_ =	swait.ge [sflag:s29], $0x1  }
0xb5: {  	[sflag:s29] =	ssyncadd.s32 $0xFFFFFFFF  }
0xb6: {  	_ =	strace $0x9000004E  }
0xb7: {  	_ =	sfence  }
0xb8: {  	s30 =	sld [smem:$0x0];
	_ =	sdelay $0x2  }
0xb9: {  	s31 =	sshll.u32 s1, $0xD;
	s1 =	sshrl.u32 s1, $0x2  }
0xba: {  	s3 =	sand.u32 $0x4000, s31;
	s1 =	sadd.s32 s1, s30  }
0xbb: {  	s0 =	sor.u32 s3, s0;
	s1 =	sshll.u32 s1, $0x11  }
0xbc: {  	s0 =	sor.u32 s1, s0  }
0xbd: {  	s0 =	sadd.s32 $0x8F2B, s0  }
0xbe: {  	[sflag:s0] =	ssyncadd.remote.s32 $0x1  }
0xbf: {  	_ =	sfence.sel $0xFFFF  }
0xc0: {  	[dreg:$0x0] =	wrdreg $0xFFFFFFFF;
	(pc) =	sbr.abs _section_cstart, $3  }
0xc1: {  	[dreg:$0x1] =	wrdreg $0xFFFFFFFF  }
0xc2: {  	_ =	task.clear_ibuf [dreg:s6], $0x2FFFF;
	_ =	strace $0x9FFFFFFF  }
0xc3: {  	(tm) =	ssettm $0x7FFFFFFF  }
tec
execute0_lowered:
.L_overlay_start_1:
0x0: {  	(tag) =	ssettag $0x1  }
0x1: {  	s0 =	rddreg [dreg:$0x0]  }
0x2: {  	s2 =	rddreg [dreg:$0x1]  }
0x3: {  	s11 =	stileid.u32;
	s1 =	srdreg.scid  }
0x4: {  	s3 =	rddreg [dreg:$0x2];
	s4 =	simm.s32 $0x0;
	s13 =	simm.s32 $0x400  }
0x5: {  	s14 =	simm.s32 $0x80;
	s15 =	simm.s32 $0x800;
	s28 =	simm.s32 $0x280  }
0x6: {  	s29 =	simm.s32 $0x1C00;
	s30 =	simm.s32 $0x680;
	s5 =	smul.u32 $0xC380, s11  }
0x7: {  	s31 =	simm.s32 $0x300;
	s1 =	sand.u32 $0x1, s1;
	s7 =	smul.u32 $0x31000, s11  }
0x8: {  	[smem:$0x7FF] =	sst s4;
	s16 =	smul.u32 $0x1870, s11;
	s20 =	sshll.u32 s11, $0x6  }
0x9: {  	s11 =	simm.s32 $0x1;
	s6 =	smul.u32 $0x310000, s1;
	_ =	strace $0x8000004D  }
0xa: {  	s9 =	ssub.s32 $0x2, s1;
	s12 =	sor.u32 $0x1C01, s20;
	s1 =	smul.u32 $0x18700, s1  }
0xb: {  	s20 =	simm.s32 $0x500;
	s8 =	sshrl.u32 s5, $0x3;
	s17 =	sshrl.u32 s9, $0x1  }
0xc: {  	s19 =	sadd.s32 s5, s2;
	s5 =	sadd.s32 s5, s3;
	[dreg:$0x7] =	wrdreg s12  }
0xd: {  	s6 =	sadd.s32 s7, s6;
	s8 =	sadd.s32 s8, s0;
	s18 =	ssub.s32 s9, s17  }
0xe: {  	s26 =	sshrl.u32 s19, $0x3;
	s17 =	simm.s32 $0x480;
	s19 =	simm.s32 $0x1000  }
0xf: {  	s7 =	simm.s32 $0x2400;
	s9 =	simm.s32 $0x0;
	s6 =	sshrl.u32 s6, $0x3  }
0x10: {  	s21 =	sadd.s32 $0x187A00, s8;
	s22 =	sadd.s32 $0x24AA00, s8;
	[dreg:$0xb] =	wrdreg s26  }
0x11: {  	s25 =	smax.u32 s18, $0x1;
	s18 =	simm.s32 $0x100;
	[dreg:$0x6] =	wrdreg s21  }
0x12: {  	s26 =	simm.s32 $0x600;
	s8 =	simm.s32 $0x780;
	[dreg:$0x8] =	wrdreg s22  }
0x13: {  	s10 =	sadd.s32 s6, s0;
	s0 =	sadd.s32 s16, s0;
	[dreg:$0xa] =	wrdreg s25  }
0x14: {  	s16 =	simm.s32 $0xC00;
	s21 =	simm.s32 $0x180;
	s22 =	simm.s32 $0x1400  }
0x15: {  	s25 =	simm.s32 $0x1800;
	s23 =	sadd.s32 $0xC3A00, s10;
	s0 =	sadd.s32 s1, s0  }
0x16: {  	s24 =	sadd.s32 $0x27BA00, s10;
	s10 =	sshrl.u32 s5, $0x3;
	[dreg:$0x4] =	wrdreg s23  }
0x17: {  	s1 =	simm.s32 $0x2000;
	s5 =	simm.s32 $0x380;
	[dreg:$0x5] =	wrdreg s24  }
0x18: {  	s0 =	sadd.s32 $0x1A0200, s0;
	s23 =	simm.s32 $0x580;
	[dreg:$0xc] =	wrdreg s10  }
0x19: {  	s24 =	simm.s32 $0x200;
	[dreg:$0x9] =	wrdreg s0;
	s0 =	simm.s32 $0x700  }
.LBB2_1:
0x1a: {  	[dreg:$0xd] =	wrdreg s9  }
0x1b: {  	s6 =	rddreg [dreg:$0x6]  }
0x1c: {  	s9 =	smov.u32 s10;
	s10 =	rddreg [dreg:$0xb]  }
0x1d: {  	[spmem:s10], [sflag:s12] =	dma.local [hbm:s6], $0x1870  }
0x1e: {  	_ =	swait.ge [sflag:s11], $0x1870  }
0x1f: {  	[sflag:s11] =	ssyncset.done $0x0  }
0x20: {  	s10 =	rddreg [dreg:$0x8];
	[sflag:s11] =	ssyncadd.s32 $0xFFFFE790  }
0x21: {  	[spmem:s9], [sflag:s12] =	dma.local [hbm:s10], $0x1870  }
0x22: {  	_ =	swait.ge [sflag:s11], $0x1870  }
0x23: {  	[sflag:s11] =	ssyncset.done $0x0  }
0x24: {  	[sflag:s11] =	ssyncadd.s32 $0xFFFFE790  }
0x25: {  	[bflag:$0x0] =	sbarrier.arrive $0xFFFF  }
0x26: {  	s9 =	rddreg [dreg:$0x5]  }
0x27: {  	s10 =	sadd.s32 $0x0, s9  }
0x28: {  	[tilespmem:s4], [sflag:$0x1] =	stream.linear.gather [hbm4b:s10+s4], $0x400, $0x38;
	[tilespmem:$0xEB80] =	vst v63  }
0x29: {  	_ =	swait.ge [sflag:s11], $0x400  }
0x2a: {  	s12 =	rddreg [dreg:$0x4];
	[sflag:s11] =	ssyncset.done $0x0  }
0x2b: {  	[sflag:s11] =	ssyncadd.s32 $0xFFFFFC00;
	s10 =	sadd.s32 $0x0, s12  }
0x2c: {  	[tilespmem:s13], [sflag:$0x1] =	stream.linear.gather [hbm4b:s10+s4], $0x400, $0x38;
	[tilespmem:$0xEB80] =	vst v63  }
0x2d: {  	_ =	swait.ge [sflag:s11], $0x400  }
0x2e: {  	[sflag:s11] =	ssyncset.done $0x0  }
0x2f: {  	[sflag:s11] =	ssyncadd.s32 $0xFFFFFC00  }
0x30: {  	[tilespmem:s15], [sflag:$0x1] =	stream.indirect.gather [spmem:s2], $0x4, s4, s14, $0xb8;
	[tilespmem:$0xEB80] =	vst v63  }
0x31: {  	_ =	swait.ge [sflag:s11], $0x200  }
0x32: {  	[sflag:s11] =	ssyncset.done $0x0  }
0x33: {  	[sflag:s11] =	ssyncadd.s32 $0xFFFFFE00  }
0x34: {  	[spmem:s3] =	stream.indirect.scatter.add.f32 [tilespmem:s15], [sflag:$0x1], $0x4, s13, s14, $0xb8;
	[tilespmem:$0xEB80] =	vst v63  }
0x35: {  	_ =	swait.ge [sflag:s11], $0x200  }
0x36: {  	[sflag:s11] =	ssyncset.done $0x0  }
0x37: {  	[sflag:s11] =	ssyncadd.s32 $0xFFFFFE00  }
0x38: {  	[tilespmem:s16], [sflag:$0x1] =	stream.indirect.gather [spmem:s2], $0x4, s14, s14, $0xb8;
	[tilespmem:$0xEB80] =	vst v63  }
0x39: {  	_ =	swait.ge [sflag:s11], $0x200  }
0x3a: {  	[sflag:s11] =	ssyncset.done $0x0  }
0x3b: {  	[sflag:s11] =	ssyncadd.s32 $0xFFFFFE00  }
0x3c: {  	[spmem:s3] =	stream.indirect.scatter.add.f32 [tilespmem:s16], [sflag:$0x1], $0x4, s17, s14, $0xb8;
	[tilespmem:$0xEB80] =	vst v63  }
0x3d: {  	_ =	swait.ge [sflag:s11], $0x200  }
0x3e: {  	[sflag:s11] =	ssyncset.done $0x0  }
0x3f: {  	[sflag:s11] =	ssyncadd.s32 $0xFFFFFE00  }
0x40: {  	[tilespmem:s19], [sflag:$0x1] =	stream.indirect.gather [spmem:s2], $0x4, s18, s14, $0xb8;
	[tilespmem:$0xEB80] =	vst v63  }
0x41: {  	_ =	swait.ge [sflag:s11], $0x200  }
0x42: {  	[sflag:s11] =	ssyncset.done $0x0  }
0x43: {  	[sflag:s11] =	ssyncadd.s32 $0xFFFFFE00  }
0x44: {  	[spmem:s3] =	stream.indirect.scatter.add.f32 [tilespmem:s19], [sflag:$0x1], $0x4, s20, s14, $0xb8;
	[tilespmem:$0xEB80] =	vst v63  }
0x45: {  	_ =	swait.ge [sflag:s11], $0x200  }
0x46: {  	[sflag:s11] =	ssyncset.done $0x0  }
0x47: {  	[sflag:s11] =	ssyncadd.s32 $0xFFFFFE00  }
0x48: {  	[tilespmem:s22], [sflag:$0x1] =	stream.indirect.gather [spmem:s2], $0x4, s21, s14, $0xb8;
	[tilespmem:$0xEB80] =	vst v63  }
0x49: {  	_ =	swait.ge [sflag:s11], $0x200  }
0x4a: {  	[sflag:s11] =	ssyncset.done $0x0  }
0x4b: {  	[sflag:s11] =	ssyncadd.s32 $0xFFFFFE00  }
0x4c: {  	[spmem:s3] =	stream.indirect.scatter.add.f32 [tilespmem:s22], [sflag:$0x1], $0x4, s23, s14, $0xb8;
	[tilespmem:$0xEB80] =	vst v63  }
0x4d: {  	_ =	swait.ge [sflag:s11], $0x200  }
0x4e: {  	[sflag:s11] =	ssyncset.done $0x0  }
0x4f: {  	[sflag:s11] =	ssyncadd.s32 $0xFFFFFE00  }
0x50: {  	[tilespmem:s25], [sflag:$0x1] =	stream.indirect.gather [spmem:s2], $0x4, s24, s14, $0xb8;
	[tilespmem:$0xEB80] =	vst v63  }
0x51: {  	_ =	swait.ge [sflag:s11], $0x200  }
0x52: {  	[sflag:s11] =	ssyncset.done $0x0  }
0x53: {  	[sflag:s11] =	ssyncadd.s32 $0xFFFFFE00  }
0x54: {  	[spmem:s3] =	stream.indirect.scatter.add.f32 [tilespmem:s25], [sflag:$0x1], $0x4, s26, s14, $0xb8;
	[tilespmem:$0xEB80] =	vst v63  }
0x55: {  	_ =	swait.ge [sflag:s11], $0x200  }
0x56: {  	[sflag:s11] =	ssyncset.done $0x0  }
0x57: {  	[sflag:s11] =	ssyncadd.s32 $0xFFFFFE00  }
0x58: {  	[tilespmem:s29], [sflag:$0x1] =	stream.indirect.gather [spmem:s2], $0x4, s28, s14, $0xb8;
	[tilespmem:$0xEB80] =	vst v63  }
0x59: {  	_ =	swait.ge [sflag:s11], $0x200  }
0x5a: {  	[sflag:s11] =	ssyncset.done $0x0  }
0x5b: {  	[sflag:s11] =	ssyncadd.s32 $0xFFFFFE00  }
0x5c: {  	[spmem:s3] =	stream.indirect.scatter.add.f32 [tilespmem:s29], [sflag:$0x1], $0x4, s30, s14, $0xb8;
	[tilespmem:$0xEB80] =	vst v63  }
0x5d: {  	_ =	swait.ge [sflag:s11], $0x200  }
0x5e: {  	[sflag:s11] =	ssyncset.done $0x0  }
0x5f: {  	[sflag:s11] =	ssyncadd.s32 $0xFFFFFE00  }
0x60: {  	[tilespmem:s1], [sflag:$0x1] =	stream.indirect.gather [spmem:s2], $0x4, s31, s14, $0xb8;
	[tilespmem:$0xEB80] =	vst v63  }
0x61: {  	_ =	swait.ge [sflag:s11], $0x200  }
0x62: {  	[sflag:s11] =	ssyncset.done $0x0  }
0x63: {  	[sflag:s11] =	ssyncadd.s32 $0xFFFFFE00  }
0x64: {  	[spmem:s3] =	stream.indirect.scatter.add.f32 [tilespmem:s1], [sflag:$0x1], $0x4, s0, s14, $0xb8;
	[tilespmem:$0xEB80] =	vst v63  }
0x65: {  	_ =	swait.ge [sflag:s11], $0x200  }
0x66: {  	[sflag:s11] =	ssyncset.done $0x0  }
0x67: {  	[sflag:s11] =	ssyncadd.s32 $0xFFFFFE00  }
0x68: {  	[tilespmem:s7], [sflag:$0x1] =	stream.indirect.gather [spmem:s2], $0x4, s5, s14, $0xb8;
	[tilespmem:$0xEB80] =	vst v63  }
0x69: {  	_ =	swait.ge [sflag:s11], $0x200  }
0x6a: {  	[sflag:s11] =	ssyncset.done $0x0  }
0x6b: {  	[sflag:s11] =	ssyncadd.s32 $0xFFFFFE00  }
0x6c: {  	[spmem:s3] =	stream.indirect.scatter.add.f32 [tilespmem:s7], [sflag:$0x1], $0x4, s8, s14, $0xb8;
	[tilespmem:$0xEB80] =	vst v63  }
0x6d: {  	s10 =	simm.s32 $0x80;
	_ =	swait.ge [sflag:s11], $0x200  }
.LBB2_2:
0x6e: {  	s12 =	rddreg [dreg:$0x5];
	s6 =	smov.u32 s10;
	[sflag:s11] =	ssyncset.done $0x0  }
0x6f: {  	s12 =	sadd.s32 s6, s12;
	[sflag:s11] =	ssyncadd.s32 $0xFFFFFE00  }
0x70: {  	[tilespmem:s4], [sflag:$0x1] =	stream.linear.gather [hbm4b:s12+s4], $0x400, $0x38;
	[tilespmem:$0xEB80] =	vst v63  }
0x71: {  	_ =	swait.ge [sflag:s11], $0x400  }
0x72: {  	s9 =	rddreg [dreg:$0x4];
	[sflag:s11] =	ssyncset.done $0x0  }
0x73: {  	[sflag:s11] =	ssyncadd.s32 $0xFFFFFC00;
	s6 =	sadd.s32 s6, s9  }
0x74: {  	[tilespmem:s13], [sflag:$0x1] =	stream.linear.gather [hbm4b:s6+s4], $0x400, $0x38;
	[tilespmem:$0xEB80] =	vst v63  }
0x75: {  	_ =	swait.ge [sflag:s11], $0x400  }
0x76: {  	[sflag:s11] =	ssyncset.done $0x0  }
0x77: {  	[sflag:s11] =	ssyncadd.s32 $0xFFFFFC00  }
0x78: {  	[tilespmem:s15], [sflag:$0x1] =	stream.indirect.gather [spmem:s2], $0x4, s4, s14, $0xb8;
	[tilespmem:$0xEB80] =	vst v63  }
0x79: {  	_ =	swait.ge [sflag:s11], $0x200  }
0x7a: {  	[sflag:s11] =	ssyncset.done $0x0  }
0x7b: {  	[sflag:s11] =	ssyncadd.s32 $0xFFFFFE00  }
0x7c: {  	[spmem:s3] =	stream.indirect.scatter.add.f32 [tilespmem:s15], [sflag:$0x1], $0x4, s13, s14, $0xb8;
	[tilespmem:$0xEB80] =	vst v63  }
0x7d: {  	_ =	swait.ge [sflag:s11], $0x200  }
0x7e: {  	[sflag:s11] =	ssyncset.done $0x0  }
0x7f: {  	[sflag:s11] =	ssyncadd.s32 $0xFFFFFE00  }
0x80: {  	[tilespmem:s16], [sflag:$0x1] =	stream.indirect.gather [spmem:s2], $0x4, s14, s14, $0xb8;
	[tilespmem:$0xEB80] =	vst v63  }
0x81: {  	_ =	swait.ge [sflag:s11], $0x200  }
0x82: {  	[sflag:s11] =	ssyncset.done $0x0  }
0x83: {  	[sflag:s11] =	ssyncadd.s32 $0xFFFFFE00  }
0x84: {  	[spmem:s3] =	stream.indirect.scatter.add.f32 [tilespmem:s16], [sflag:$0x1], $0x4, s17, s14, $0xb8;
	[tilespmem:$0xEB80] =	vst v63  }
0x85: {  	_ =	swait.ge [sflag:s11], $0x200  }
0x86: {  	[sflag:s11] =	ssyncset.done $0x0  }
0x87: {  	[sflag:s11] =	ssyncadd.s32 $0xFFFFFE00  }
0x88: {  	[tilespmem:s19], [sflag:$0x1] =	stream.indirect.gather [spmem:s2], $0x4, s18, s14, $0xb8;
	[tilespmem:$0xEB80] =	vst v63  }
0x89: {  	_ =	swait.ge [sflag:s11], $0x200  }
0x8a: {  	[sflag:s11] =	ssyncset.done $0x0  }
0x8b: {  	[sflag:s11] =	ssyncadd.s32 $0xFFFFFE00  }
0x8c: {  	[spmem:s3] =	stream.indirect.scatter.add.f32 [tilespmem:s19], [sflag:$0x1], $0x4, s20, s14, $0xb8;
	[tilespmem:$0xEB80] =	vst v63  }
0x8d: {  	_ =	swait.ge [sflag:s11], $0x200  }
0x8e: {  	[sflag:s11] =	ssyncset.done $0x0  }
0x8f: {  	[sflag:s11] =	ssyncadd.s32 $0xFFFFFE00  }
0x90: {  	[tilespmem:s22], [sflag:$0x1] =	stream.indirect.gather [spmem:s2], $0x4, s21, s14, $0xb8;
	[tilespmem:$0xEB80] =	vst v63  }
0x91: {  	_ =	swait.ge [sflag:s11], $0x200  }
0x92: {  	[sflag:s11] =	ssyncset.done $0x0  }
0x93: {  	[sflag:s11] =	ssyncadd.s32 $0xFFFFFE00  }
0x94: {  	[spmem:s3] =	stream.indirect.scatter.add.f32 [tilespmem:s22], [sflag:$0x1], $0x4, s23, s14, $0xb8;
	[tilespmem:$0xEB80] =	vst v63  }
0x95: {  	_ =	swait.ge [sflag:s11], $0x200  }
0x96: {  	[sflag:s11] =	ssyncset.done $0x0  }
0x97: {  	[sflag:s11] =	ssyncadd.s32 $0xFFFFFE00  }
0x98: {  	[tilespmem:s25], [sflag:$0x1] =	stream.indirect.gather [spmem:s2], $0x4, s24, s14, $0xb8;
	[tilespmem:$0xEB80] =	vst v63  }
0x99: {  	_ =	swait.ge [sflag:s11], $0x200  }
0x9a: {  	[sflag:s11] =	ssyncset.done $0x0  }
0x9b: {  	[sflag:s11] =	ssyncadd.s32 $0xFFFFFE00  }
0x9c: {  	[spmem:s3] =	stream.indirect.scatter.add.f32 [tilespmem:s25], [sflag:$0x1], $0x4, s26, s14, $0xb8;
	[tilespmem:$0xEB80] =	vst v63  }
0x9d: {  	_ =	swait.ge [sflag:s11], $0x200  }
0x9e: {  	[sflag:s11] =	ssyncset.done $0x0  }
0x9f: {  	[sflag:s11] =	ssyncadd.s32 $0xFFFFFE00  }
0xa0: {  	[tilespmem:s29], [sflag:$0x1] =	stream.indirect.gather [spmem:s2], $0x4, s28, s14, $0xb8;
	[tilespmem:$0xEB80] =	vst v63  }
0xa1: {  	_ =	swait.ge [sflag:s11], $0x200  }
0xa2: {  	[sflag:s11] =	ssyncset.done $0x0  }
0xa3: {  	[sflag:s11] =	ssyncadd.s32 $0xFFFFFE00  }
0xa4: {  	[spmem:s3] =	stream.indirect.scatter.add.f32 [tilespmem:s29], [sflag:$0x1], $0x4, s30, s14, $0xb8;
	[tilespmem:$0xEB80] =	vst v63  }
0xa5: {  	_ =	swait.ge [sflag:s11], $0x200  }
0xa6: {  	[sflag:s11] =	ssyncset.done $0x0  }
0xa7: {  	[sflag:s11] =	ssyncadd.s32 $0xFFFFFE00  }
0xa8: {  	[tilespmem:s1], [sflag:$0x1] =	stream.indirect.gather [spmem:s2], $0x4, s31, s14, $0xb8;
	[tilespmem:$0xEB80] =	vst v63  }
0xa9: {  	_ =	swait.ge [sflag:s11], $0x200  }
0xaa: {  	[sflag:s11] =	ssyncset.done $0x0  }
0xab: {  	[sflag:s11] =	ssyncadd.s32 $0xFFFFFE00  }
0xac: {  	[spmem:s3] =	stream.indirect.scatter.add.f32 [tilespmem:s1], [sflag:$0x1], $0x4, s0, s14, $0xb8;
	[tilespmem:$0xEB80] =	vst v63  }
0xad: {  	_ =	swait.ge [sflag:s11], $0x200  }
0xae: {  	[sflag:s11] =	ssyncset.done $0x0  }
0xaf: {  	p0 =	sne.s32 s10, $0x6180;
	[sflag:s11] =	ssyncadd.s32 $0xFFFFFE00  }
0xb0: {  	[tilespmem:s7], [sflag:$0x1] =	stream.indirect.gather [spmem:s2], $0x4, s5, s14, $0xb8;
	[tilespmem:$0xEB80] =	vst v63  }
.Ltmp0:
0xb1: {  	_ =	swait.ge [sflag:s11], $0x200;
	(pc) =	sbr.rel @p0 .LBB2_2-.Ltmp0, $4  }
0xb2: {  	[sflag:s11] =	ssyncset.done $0x0  }
0xb3: {  	[sflag:s11] =	ssyncadd.s32 $0xFFFFFE00  }
0xb4: {  	[spmem:s3] =	stream.indirect.scatter.add.f32 [tilespmem:s7], [sflag:$0x1], $0x4, s8, s14, $0xb8;
	[tilespmem:$0xEB80] =	vst v63  }
0xb5: {  	s10 =	sadd.s32 $0x80, s10;
	_ =	swait.ge [sflag:s11], $0x200  }
0xb6: {  	[sflag:s11] =	ssyncset.done $0x0  }
0xb7: {  	[sflag:s11] =	ssyncadd.s32 $0xFFFFFE00  }
0xb8: {  	[bflag:$0x0] =	sbarrier.arrive $0xFFFF  }
0xb9: {  	s12 =	rddreg [dreg:$0x7]  }
0xba: {  	s6 =	rddreg [dreg:$0x9]  }
0xbb: {  	s10 =	rddreg [dreg:$0xc]  }
0xbc: {  	[hbm:s6], [sflag:s12] =	dma.local [spmem:s10], $0x1870  }
0xbd: {  	_ =	swait.ge [sflag:s11], $0x1870  }
0xbe: {  	s9 =	rddreg [dreg:$0xd]  }
0xbf: {  	s6 =	rddreg [dreg:$0xa];
	s9 =	sadd.s32 $0x1, s9  }
0xc0: {  	p0 =	sne.s32 s9, s6  }
.Ltmp1:
0xc1: {  	_ = 	snop;
	(pc) =	sbr.rel @p0 .LBB2_1-.Ltmp1, $3  }
0xc2: {  	_ =	sdelay $0x1  }
0xc3: {  	[sflag:s11] =	ssyncset.done $0x0  }
0xc4: {  	[sflag:s11] =	ssyncadd.s32 $0xFFFFE790  }
0xc5: {  	_ =	sfence.sel $0x180000  }
0xc6: {  	[bflag:$0x0] =	sbarrier.arrive $0xFFFF  }
0xc7: {  	_ =	strace $0x9000004D  }
0xc8: {  	s0 =	stileid.u32;
	[bflag:$0x2] =	sbarrier.arrive $0xFFFF  }
0xc9: {  	p0 =	sne.s32 s0, $0x0;
	s0 =	rddreg [dreg:$0x3]  }
0xca: {  	s0 =	sadd.s32 @!p0 $0x100000, s0  }
0xcb: {  	[sflag:s0] =	ssyncadd.tile.s32 @!p0 $0x1;
	_ =	shalt  }
.Lfunc_end2:
_tile_overlayer_lowered:
.L_overlay_start_2:
0xcc: {  	(tag) =	ssettag $0x2  }
0xcd: {  	s0 =	rddreg [dreg:$0x0];
	s2 =	stileid.u32  }
0xce: {  	s1 =	rddreg [dreg:$0x1];
	p0 =	sne.s32 s2, $0x0  }
0xcf: {  	s3 =	rddreg [dreg:$0x2];
	[bflag:$0x3] =	sbarrier.arrive $0xFFFF;
	s2 =	simm.s32 @!p0 $0x1C01  }
0xd0: {  	[timem:s3], [sflag:s2] =	dma.local @!p0 [hbm:s0], s1  }
0xd1: {  	s0 =	simm.s32 @!p0 $0x1  }
0xd2: {  	_ =	swait.ge @!p0 [sflag:s0], s1  }
0xd3: {  	s1 =	ssub.s32 @!p0 $0x0, s1;
	[sflag:s0] =	ssyncset.done @!p0 $0x0  }
0xd4: {  	[sflag:s0] =	ssyncadd.s32 @!p0 s1  }
0xd5: {  	[bflag:$0x3] =	sbarrier.arrive $0xFFFF  }
0xd6: {  	_ =	shalt  }

// kernel: kernel.15.cloned.1.call-start
scs
__scs_entry_jumppad:
0x0: {  	(pc) =	sbr.rel $0x88, $3  }
0x1: {  	(tag) =	ssettag $0x0;
	lr =	simm.s32 $0x1  }
0x2: {  	[smem:$0x3F97] =	sst lr;
	_ =	strace $0xD0000000  }
0x3: {  	_ = 	snop  }
0x4: {  	_ = 	snop  }
0x5: {  	_ = 	snop  }
0x6: {  	_ = 	snop  }
0x7: {  	_ = 	snop  }
__scs_overlays_trampoline_lowered:
0x8: {  	[smem:$0x3FA6] =	sst s0  }
0x9: {  	[smem:$0x3FA7] =	sst s1  }
0xa: {  	[smem:$0x3FA8] =	sst s2  }
0xb: {  	[smem:$0x3FA9] =	sst s3  }
0xc: {  	[smem:$0x3FAA] =	sst s4  }
0xd: {  	[smem:$0x3FAB] =	sst s5  }
0xe: {  	[smem:$0x3FAC] =	sst s6  }
0xf: {  	[smem:$0x3FAD] =	sst s7  }
0x10: {  	[smem:$0x3FAE] =	sst s8  }
0x11: {  	[smem:$0x3FAF] =	sst s9;
	s0 =	simm.s32 @!p0 $0x0  }
0x12: {  	s1 =	sld [smem:$0x3F95];
	s0 =	simm.s32 @p0 $0x1  }
0x13: {  	[smem:$0x3FB0] =	sst s0;
	s0 =	simm.s32 @!p1 $0x0  }
0x14: {  	s2 =	sld [smem:$0x3F94];
	s0 =	simm.s32 @p1 $0x1  }
0x15: {  	[smem:$0x3FB1] =	sst s0;
	s0 =	simm.s32 @!p2 $0x0  }
0x16: {  	s3 =	sld [smem:$0x3FDB];
	s0 =	simm.s32 @p2 $0x1  }
0x17: {  	s4 =	simm.s32 $0x1BF5;
	[smem:$0x3FB3] =	sst s0  }
0x18: {  	s0 =	sld [smem:$0x3F96];
	_ =	swait.ge [sflag:s4], $0x0  }
0x19: {  	s7 =	sld [smem:$0x3F97]  }
0x1a: {  	s8 =	sadd.s32 $0xFFFFE003, lr  }
0x1b: {  	s9 =	sadd.s32 $0xFFFFFEF7, lr;
	s5 =	simm.s32 $0xFFFFFFFF;
	p2 =	slt.u32 s8, $0xFFFFF086  }
0x1c: {  	p1 =	slt.u32 s9, $0xF7A;
	s5 =	simm.s32 @!p2 $0x0  }
0x1d: {  	s5 =	simm.s32 @p1 $0x1;
	p0 =	seq.s32 s7, s2  }
0x1e: {  	s7 =	smul.u32 @!p0 $0xF7A, s2;
	p2 =	seq.s32 @!p0 s5, $0x0  }
0x1f: {  	s9 =	smul.u32 $0xF7A, s1;
	s8 =	simm.s32 @!p0 $0x1BF5;
	p2 =	por !p2, p0  }
0x20: {  	[sflag:s8] =	ssyncset.s32 @!p0 $0xFFFFF086;
	s6 =	sadd.s32 @!p0 s3, s7;
	s7 =	simm.s32 @!p0 $0x108  }
0x21: {  	s3 =	sadd.s32 s3, s9;
	s6 =	sadd.s32 @!p0 $0x88, s6;
	s7 =	simm.s32 @p2 $0x1082  }
0x22: {  	[simem:s7], [sflag:s8] =	dma.local @!p0 [hbm:s6], $0xF7A  }
0x23: {  	s9 =	sor.u32 $0xD0000000, s2;
	s6 =	simm.s32 $0x108;
	_ =	swait.ge @!p0 [sflag:s8], $0x0  }
0x24: {  	s3 =	sadd.s32 $0x88, s3;
	s6 =	simm.s32 @!p1 $0x1082;
	[sflag:s4] =	ssyncset.s32 $0xFFFFF086  }
0x25: {  	[simem:s6], [sflag:s4] =	dma.local [hbm:s3], $0xF7A  }
0x26: {  	[smem:$0x3F97] =	sst s1;
	(tag) =	ssettag s2;
	_ =	strace s9  }
0x27: {  	s1 =	sld [smem:$0x3FA7]  }
0x28: {  	s2 =	sld [smem:$0x3FA8]  }
0x29: {  	s4 =	sld [smem:$0x3FAA]  }
0x2a: {  	p0 =	seq.s32 s5, $0x0;
	s5 =	sld [smem:$0x3FAB]  }
0x2b: {  	s6 =	sld [smem:$0x3FAC]  }
0x2c: {  	s7 =	sld [smem:$0x3FAD]  }
0x2d: {  	s3 =	simm.s32 $0x108;
	s8 =	sld [smem:$0x3FAE]  }
0x2e: {  	s3 =	simm.s32 @!p0 $0x1082;
	s9 =	sld [smem:$0x3FAF]  }
0x2f: {  	lr =	sadd.s32 s0, s3;
	s0 =	sld [smem:$0x3FA6]  }
0x30: {  	s3 =	sld [smem:$0x3FA9]  }
0x31: {  	[smem:$0x3FB2] =	sst s10  }
0x32: {  	s10 =	sld [smem:$0x3FB0];
	_ =	sdelay $0x3  }
0x33: {  	p0 =	seq.s32 s10, $0x1;
	s10 =	sld [smem:$0x3FB2];
	_ =	sdelay $0x3  }
0x34: {  	[smem:$0x3FB2] =	sst s10  }
0x35: {  	s10 =	sld [smem:$0x3FB1];
	_ =	sdelay $0x3  }
0x36: {  	p1 =	seq.s32 s10, $0x1;
	s10 =	sld [smem:$0x3FB2];
	_ =	sdelay $0x3  }
0x37: {  	[smem:$0x3FB2] =	sst s10  }
0x38: {  	s10 =	sld [smem:$0x3FB3]  }
0x39: {  	_ = 	snop;
	(pc) =	sbr.ind lr, $3  }
0x3a: {  	_ = 	snop  }
0x3b: {  	_ = 	snop  }
0x3c: {  	p2 =	seq.s32 s10, $0x1;
	s10 =	sld [smem:$0x3FB2]  }
0x3d: {  	_ =	shalt  }
0x3e: {  	_ =	shalt  }
0x3f: {  	_ =	shalt  }
0x40: {  	_ =	shalt  }
0x41: {  	_ =	shalt  }
0x42: {  	_ =	shalt  }
0x43: {  	_ =	shalt  }
0x44: {  	_ =	shalt  }
0x45: {  	_ =	shalt  }
0x46: {  	_ =	shalt  }
0x47: {  	_ =	shalt  }
0x48: {  	_ =	shalt  }
0x49: {  	_ =	shalt  }
0x4a: {  	_ =	shalt  }
0x4b: {  	_ =	shalt  }
0x4c: {  	_ =	shalt  }
0x4d: {  	_ =	shalt  }
0x4e: {  	_ =	shalt  }
0x4f: {  	_ =	shalt  }
0x50: {  	_ =	shalt  }
0x51: {  	_ =	shalt  }
0x52: {  	_ =	shalt  }
0x53: {  	_ =	shalt  }
0x54: {  	_ =	shalt  }
0x55: {  	_ =	shalt  }
0x56: {  	_ =	shalt  }
0x57: {  	_ =	shalt  }
0x58: {  	_ =	shalt  }
0x59: {  	_ =	shalt  }
0x5a: {  	_ =	shalt  }
0x5b: {  	_ =	shalt  }
0x5c: {  	_ =	shalt  }
0x5d: {  	_ =	shalt  }
0x5e: {  	_ =	shalt  }
0x5f: {  	_ =	shalt  }
0x60: {  	_ =	shalt  }
0x61: {  	_ =	shalt  }
0x62: {  	_ =	shalt  }
0x63: {  	_ =	shalt  }
0x64: {  	_ =	shalt  }
0x65: {  	_ =	shalt  }
0x66: {  	_ =	shalt  }
0x67: {  	_ =	shalt  }
0x68: {  	_ =	shalt  }
0x69: {  	_ =	shalt  }
0x6a: {  	_ =	shalt  }
0x6b: {  	_ =	shalt  }
0x6c: {  	_ =	shalt  }
0x6d: {  	_ =	shalt  }
0x6e: {  	_ =	shalt  }
0x6f: {  	_ =	shalt  }
0x70: {  	_ =	shalt  }
0x71: {  	_ =	shalt  }
0x72: {  	_ =	shalt  }
0x73: {  	_ =	shalt  }
0x74: {  	_ =	shalt  }
0x75: {  	_ =	shalt  }
0x76: {  	_ =	shalt  }
0x77: {  	_ =	shalt  }
0x78: {  	_ =	shalt  }
0x79: {  	_ =	shalt  }
0x7a: {  	_ =	shalt  }
0x7b: {  	_ =	shalt  }
0x7c: {  	_ =	shalt  }
0x7d: {  	_ =	shalt  }
0x7e: {  	_ =	shalt  }
0x7f: {  	_ =	shalt  }
0x80: {  	_ =	shalt  }
0x81: {  	_ =	shalt  }
0x82: {  	_ =	shalt  }
0x83: {  	_ =	shalt  }
0x84: {  	_ =	shalt  }
0x85: {  	_ =	shalt  }
0x86: {  	_ =	shalt  }
0x87: {  	_ =	shalt  }
.Lfunc_end0:
.L_simem_size_0:
called_computation.3_lowered:
.L_overlay_start_0:
0x88: {  	s2 =	sld [smem:$0x3FD9]  }
0x89: {  	s3 =	sld [smem:$0x3FFE];
	_ =	sdelay $0x1  }
0x8a: {  	s1 =	srdreg.scid  }
0x8b: {  	s0 =	sand.u32 $0x1, s1  }
0x8c: {  	s16 =	sshll.u32 s0, $0xA;
	s2 =	sadd.s32 s3, s2  }
0x8d: {  	s2 =	sadd.s32 s2, s16  }
0x8e: {  	[smem:$0x3FBE] =	sst s2  }
0x8f: {  	_ = 	snop  }
0x90: {  	(tm) =	ssettm $0x1  }
0x91: {  	s17 =	sld [smem:$0x3FFB];
	_ =	sdelay $0x3  }
0x92: {  	_ =	strace s17  }
0x93: {  	s2 =	sld [smem:$0x3FFC];
	_ =	sdelay $0x3  }
0x94: {  	_ =	strace s2  }
0x95: {  	s2 =	sld [smem:$0x3FFD];
	_ =	sdelay $0x3  }
0x96: {  	_ =	strace s2  }
0x97: {  	_ =	strace $0x8FFFFFFF  }
0x98: {  	s18 =	sld [smem:$0x3FDB];
	_ =	sdelay $0x1  }
0x99: {  	s19 =	simm.s32 $_scs_section_size  }
0x9a: {  	s4 =	simm.s32 $_size__tile_overlayer_lowered;
	s5 =	simm.s32 $_tile_overlayer_lowered  }
0x9b: {  	s22 =	simm.s32 $0x1BFF;
	s21 =	sshll.u32 s5, $0x1;
	s2 =	sadd.s32 s19, s18  }
0x9c: {  	s6 =	simm.s32 $0x0;
	s20 =	sshll.u32 s4, $0x1;
	s4 =	sadd.s32 s21, s2  }
0x9d: {  	[timem:s6], [sflag:s22] =	dma.local [hbm:s4], s20  }
0x9e: {  	_ =	swait.ge [sflag:s22], s20  }
0x9f: {  	s3 =	ssub.s32 $0x0, s20;
	[sflag:s22] =	ssyncset.done $0x0  }
0xa0: {  	[sflag:s22] =	ssyncadd.s32 s3;
	_ =	sdelay $0x1  }
0xa1: {  	s23 =	simm.s32 $0x1B8B  }
0xa2: {  	_ =	swait.ge [sflag:s23], $0x1  }
0xa3: {  	[sflag:s23] =	ssyncset.done $0x0  }
0xa4: {  	s25 =	simm.s32 $0x1B8E;
	s24 =	sld [smem:$0x3FFE];
	[sflag:s23] =	ssyncadd.s32 $0xFFFFFFFF  }
0xa5: {  	s26 =	simm.s32 $execute0_lowered;
	[smem:$0x3FD2] =	sst s25  }
0xa6: {  	s4 =	sshll.u32 s26, $0x1;
	_ =	strace $0x8000004F;
	[dreg:$0x1] =	wrdreg $0xFFFFFFFF  }
0xa7: {  	s28 =	simm.s32 $_size_execute0_lowered;
	s2 =	sadd.s32 s2, s4;
	[dreg:$0x0] =	wrdreg $0x0  }
0xa8: {  	s4 =	sshll.u32 s28, $0x1;
	[dreg:$0x2] =	wrdreg s2  }
0xa9: {  	[dreg:$0x3] =	wrdreg s4  }
0xaa: {  	[dreg:$0x4] =	wrdreg $0xC0  }
0xab: {  	_ =	task [dreg:s6], $0x5FFFF  }
0xac: {  	[dreg:$0x1] =	wrdreg $0xFFFFFFFF  }
0xad: {  	[dreg:$0x0] =	wrdreg $0x60  }
0xae: {  	[dreg:$0x2] =	wrdreg s24  }
0xaf: {  	[dreg:$0x3] =	wrdreg $0x28000  }
0xb0: {  	[dreg:$0x4] =	wrdreg $0x89C00  }
0xb1: {  	[dreg:$0x5] =	wrdreg $0x9  }
0xb2: {  	_ =	task.clear_ibuf [dreg:s6], $0x6FFFF;
	_ =	strace $0x9000004F  }
0xb3: {  	s29 =	simm.s32 $0x9;
	_ =	strace $0x80000051  }
0xb4: {  	_ =	swait.ge [sflag:s29], $0x1  }
0xb5: {  	[sflag:s29] =	ssyncadd.s32 $0xFFFFFFFF  }
0xb6: {  	_ =	strace $0x90000051  }
0xb7: {  	_ =	sfence  }
0xb8: {  	s30 =	sld [smem:$0x0];
	_ =	sdelay $0x2  }
0xb9: {  	s31 =	sshll.u32 s1, $0xD;
	s1 =	sshrl.u32 s1, $0x2  }
0xba: {  	s3 =	sand.u32 $0x4000, s31;
	s1 =	sadd.s32 s1, s30  }
0xbb: {  	s0 =	sor.u32 s3, s0;
	s1 =	sshll.u32 s1, $0x11  }
0xbc: {  	s0 =	sor.u32 s1, s0  }
0xbd: {  	s0 =	sadd.s32 $0x8F2B, s0  }
0xbe: {  	[sflag:s0] =	ssyncadd.remote.s32 $0x1  }
0xbf: {  	_ =	sfence.sel $0xFFFF  }
0xc0: {  	[dreg:$0x0] =	wrdreg $0xFFFFFFFF;
	(pc) =	sbr.abs _section_cstart, $3  }
0xc1: {  	[dreg:$0x1] =	wrdreg $0xFFFFFFFF  }
0xc2: {  	_ =	task.clear_ibuf [dreg:s6], $0x2FFFF;
	_ =	strace $0x9FFFFFFF  }
0xc3: {  	(tm) =	ssettm $0x7FFFFFFF  }
tec
execute0_lowered:
.L_overlay_start_1:
0x0: {  	(tag) =	ssettag $0x1  }
0x1: {  	s0 =	rddreg [dreg:$0x0]  }
0x2: {  	s2 =	rddreg [dreg:$0x1]  }
0x3: {  	s11 =	stileid.u32;
	s1 =	srdreg.scid  }
0x4: {  	s3 =	rddreg [dreg:$0x2];
	s4 =	simm.s32 $0x0;
	s13 =	simm.s32 $0x400  }
0x5: {  	s14 =	simm.s32 $0x80;
	s15 =	simm.s32 $0x800;
	s28 =	simm.s32 $0x280  }
0x6: {  	s29 =	simm.s32 $0x1C00;
	s30 =	simm.s32 $0x680;
	s5 =	smul.u32 $0xC380, s11  }
0x7: {  	s31 =	simm.s32 $0x300;
	s1 =	sand.u32 $0x1, s1;
	s7 =	smul.u32 $0x31000, s11  }
0x8: {  	[smem:$0x7FF] =	sst s4;
	s16 =	smul.u32 $0x1870, s11;
	s20 =	sshll.u32 s11, $0x6  }
0x9: {  	s11 =	simm.s32 $0x1;
	s6 =	smul.u32 $0x310000, s1;
	_ =	strace $0x80000050  }
0xa: {  	s9 =	ssub.s32 $0x2, s1;
	s12 =	sor.u32 $0x1C01, s20;
	s1 =	smul.u32 $0x18700, s1  }
0xb: {  	s20 =	simm.s32 $0x500;
	s8 =	sshrl.u32 s5, $0x3;
	s17 =	sshrl.u32 s9, $0x1  }
0xc: {  	s19 =	sadd.s32 s5, s2;
	s5 =	sadd.s32 s5, s3;
	[dreg:$0x7] =	wrdreg s12  }
0xd: {  	s6 =	sadd.s32 s7, s6;
	s8 =	sadd.s32 s8, s0;
	s18 =	ssub.s32 s9, s17  }
0xe: {  	s26 =	sshrl.u32 s19, $0x3;
	s17 =	simm.s32 $0x480;
	s19 =	simm.s32 $0x1000  }
0xf: {  	s7 =	simm.s32 $0x2400;
	s9 =	simm.s32 $0x0;
	s6 =	sshrl.u32 s6, $0x3  }
0x10: {  	s21 =	sadd.s32 $0x187A00, s8;
	s22 =	sadd.s32 $0x24AA00, s8;
	[dreg:$0xb] =	wrdreg s26  }
0x11: {  	s25 =	smax.u32 s18, $0x1;
	s18 =	simm.s32 $0x100;
	[dreg:$0x6] =	wrdreg s21  }
0x12: {  	s26 =	simm.s32 $0x600;
	s8 =	simm.s32 $0x780;
	[dreg:$0x8] =	wrdreg s22  }
0x13: {  	s10 =	sadd.s32 s6, s0;
	s0 =	sadd.s32 s16, s0;
	[dreg:$0xa] =	wrdreg s25  }
0x14: {  	s16 =	simm.s32 $0xC00;
	s21 =	simm.s32 $0x180;
	s22 =	simm.s32 $0x1400  }
0x15: {  	s25 =	simm.s32 $0x1800;
	s23 =	sadd.s32 $0xC3A00, s10;
	s0 =	sadd.s32 s1, s0  }
0x16: {  	s24 =	sadd.s32 $0x27BA00, s10;
	s10 =	sshrl.u32 s5, $0x3;
	[dreg:$0x4] =	wrdreg s23  }
0x17: {  	s1 =	simm.s32 $0x2000;
	s5 =	simm.s32 $0x380;
	[dreg:$0x5] =	wrdreg s24  }
0x18: {  	s0 =	sadd.s32 $0x1A0200, s0;
	s23 =	simm.s32 $0x580;
	[dreg:$0xc] =	wrdreg s10  }
0x19: {  	s24 =	simm.s32 $0x200;
	[dreg:$0x9] =	wrdreg s0;
	s0 =	simm.s32 $0x700  }
.LBB2_1:
0x1a: {  	[dreg:$0xd] =	wrdreg s9  }
0x1b: {  	s6 =	rddreg [dreg:$0x6]  }
0x1c: {  	s9 =	smov.u32 s10;
	s10 =	rddreg [dreg:$0xb]  }
0x1d: {  	[spmem:s10], [sflag:s12] =	dma.local [hbm:s6], $0x1870  }
0x1e: {  	_ =	swait.ge [sflag:s11], $0x1870  }
0x1f: {  	[sflag:s11] =	ssyncset.done $0x0  }
0x20: {  	s10 =	rddreg [dreg:$0x8];
	[sflag:s11] =	ssyncadd.s32 $0xFFFFE790  }
0x21: {  	[spmem:s9], [sflag:s12] =	dma.local [hbm:s10], $0x1870  }
0x22: {  	_ =	swait.ge [sflag:s11], $0x1870  }
0x23: {  	[sflag:s11] =	ssyncset.done $0x0  }
0x24: {  	[sflag:s11] =	ssyncadd.s32 $0xFFFFE790  }
0x25: {  	[bflag:$0x0] =	sbarrier.arrive $0xFFFF  }
0x26: {  	s9 =	rddreg [dreg:$0x5]  }
0x27: {  	s10 =	sadd.s32 $0x0, s9  }
0x28: {  	[tilespmem:s4], [sflag:$0x1] =	stream.linear.gather [hbm4b:s10+s4], $0x400, $0x38;
	[tilespmem:$0xEB80] =	vst v63  }
0x29: {  	_ =	swait.ge [sflag:s11], $0x400  }
0x2a: {  	s12 =	rddreg [dreg:$0x4];
	[sflag:s11] =	ssyncset.done $0x0  }
0x2b: {  	[sflag:s11] =	ssyncadd.s32 $0xFFFFFC00;
	s10 =	sadd.s32 $0x0, s12  }
0x2c: {  	[tilespmem:s13], [sflag:$0x1] =	stream.linear.gather [hbm4b:s10+s4], $0x400, $0x38;
	[tilespmem:$0xEB80] =	vst v63  }
0x2d: {  	_ =	swait.ge [sflag:s11], $0x400  }
0x2e: {  	[sflag:s11] =	ssyncset.done $0x0  }
0x2f: {  	[sflag:s11] =	ssyncadd.s32 $0xFFFFFC00  }
0x30: {  	[tilespmem:s15], [sflag:$0x1] =	stream.indirect.gather [spmem:s2], $0x4, s4, s14, $0xb8;
	[tilespmem:$0xEB80] =	vst v63  }
0x31: {  	_ =	swait.ge [sflag:s11], $0x200  }
0x32: {  	[sflag:s11] =	ssyncset.done $0x0  }
0x33: {  	[sflag:s11] =	ssyncadd.s32 $0xFFFFFE00  }
0x34: {  	[spmem:s3] =	stream.indirect.scatter.add.f32 [tilespmem:s15], [sflag:$0x1], $0x4, s13, s14, $0xb8;
	[tilespmem:$0xEB80] =	vst v63  }
0x35: {  	_ =	swait.ge [sflag:s11], $0x200  }
0x36: {  	[sflag:s11] =	ssyncset.done $0x0  }
0x37: {  	[sflag:s11] =	ssyncadd.s32 $0xFFFFFE00  }
0x38: {  	[tilespmem:s16], [sflag:$0x1] =	stream.indirect.gather [spmem:s2], $0x4, s14, s14, $0xb8;
	[tilespmem:$0xEB80] =	vst v63  }
0x39: {  	_ =	swait.ge [sflag:s11], $0x200  }
0x3a: {  	[sflag:s11] =	ssyncset.done $0x0  }
0x3b: {  	[sflag:s11] =	ssyncadd.s32 $0xFFFFFE00  }
0x3c: {  	[spmem:s3] =	stream.indirect.scatter.add.f32 [tilespmem:s16], [sflag:$0x1], $0x4, s17, s14, $0xb8;
	[tilespmem:$0xEB80] =	vst v63  }
0x3d: {  	_ =	swait.ge [sflag:s11], $0x200  }
0x3e: {  	[sflag:s11] =	ssyncset.done $0x0  }
0x3f: {  	[sflag:s11] =	ssyncadd.s32 $0xFFFFFE00  }
0x40: {  	[tilespmem:s19], [sflag:$0x1] =	stream.indirect.gather [spmem:s2], $0x4, s18, s14, $0xb8;
	[tilespmem:$0xEB80] =	vst v63  }
0x41: {  	_ =	swait.ge [sflag:s11], $0x200  }
0x42: {  	[sflag:s11] =	ssyncset.done $0x0  }
0x43: {  	[sflag:s11] =	ssyncadd.s32 $0xFFFFFE00  }
0x44: {  	[spmem:s3] =	stream.indirect.scatter.add.f32 [tilespmem:s19], [sflag:$0x1], $0x4, s20, s14, $0xb8;
	[tilespmem:$0xEB80] =	vst v63  }
0x45: {  	_ =	swait.ge [sflag:s11], $0x200  }
0x46: {  	[sflag:s11] =	ssyncset.done $0x0  }
0x47: {  	[sflag:s11] =	ssyncadd.s32 $0xFFFFFE00  }
0x48: {  	[tilespmem:s22], [sflag:$0x1] =	stream.indirect.gather [spmem:s2], $0x4, s21, s14, $0xb8;
	[tilespmem:$0xEB80] =	vst v63  }
0x49: {  	_ =	swait.ge [sflag:s11], $0x200  }
0x4a: {  	[sflag:s11] =	ssyncset.done $0x0  }
0x4b: {  	[sflag:s11] =	ssyncadd.s32 $0xFFFFFE00  }
0x4c: {  	[spmem:s3] =	stream.indirect.scatter.add.f32 [tilespmem:s22], [sflag:$0x1], $0x4, s23, s14, $0xb8;
	[tilespmem:$0xEB80] =	vst v63  }
0x4d: {  	_ =	swait.ge [sflag:s11], $0x200  }
0x4e: {  	[sflag:s11] =	ssyncset.done $0x0  }
0x4f: {  	[sflag:s11] =	ssyncadd.s32 $0xFFFFFE00  }
0x50: {  	[tilespmem:s25], [sflag:$0x1] =	stream.indirect.gather [spmem:s2], $0x4, s24, s14, $0xb8;
	[tilespmem:$0xEB80] =	vst v63  }
0x51: {  	_ =	swait.ge [sflag:s11], $0x200  }
0x52: {  	[sflag:s11] =	ssyncset.done $0x0  }
0x53: {  	[sflag:s11] =	ssyncadd.s32 $0xFFFFFE00  }
0x54: {  	[spmem:s3] =	stream.indirect.scatter.add.f32 [tilespmem:s25], [sflag:$0x1], $0x4, s26, s14, $0xb8;
	[tilespmem:$0xEB80] =	vst v63  }
0x55: {  	_ =	swait.ge [sflag:s11], $0x200  }
0x56: {  	[sflag:s11] =	ssyncset.done $0x0  }
0x57: {  	[sflag:s11] =	ssyncadd.s32 $0xFFFFFE00  }
0x58: {  	[tilespmem:s29], [sflag:$0x1] =	stream.indirect.gather [spmem:s2], $0x4, s28, s14, $0xb8;
	[tilespmem:$0xEB80] =	vst v63  }
0x59: {  	_ =	swait.ge [sflag:s11], $0x200  }
0x5a: {  	[sflag:s11] =	ssyncset.done $0x0  }
0x5b: {  	[sflag:s11] =	ssyncadd.s32 $0xFFFFFE00  }
0x5c: {  	[spmem:s3] =	stream.indirect.scatter.add.f32 [tilespmem:s29], [sflag:$0x1], $0x4, s30, s14, $0xb8;
	[tilespmem:$0xEB80] =	vst v63  }
0x5d: {  	_ =	swait.ge [sflag:s11], $0x200  }
0x5e: {  	[sflag:s11] =	ssyncset.done $0x0  }
0x5f: {  	[sflag:s11] =	ssyncadd.s32 $0xFFFFFE00  }
0x60: {  	[tilespmem:s1], [sflag:$0x1] =	stream.indirect.gather [spmem:s2], $0x4, s31, s14, $0xb8;
	[tilespmem:$0xEB80] =	vst v63  }
0x61: {  	_ =	swait.ge [sflag:s11], $0x200  }
0x62: {  	[sflag:s11] =	ssyncset.done $0x0  }
0x63: {  	[sflag:s11] =	ssyncadd.s32 $0xFFFFFE00  }
0x64: {  	[spmem:s3] =	stream.indirect.scatter.add.f32 [tilespmem:s1], [sflag:$0x1], $0x4, s0, s14, $0xb8;
	[tilespmem:$0xEB80] =	vst v63  }
0x65: {  	_ =	swait.ge [sflag:s11], $0x200  }
0x66: {  	[sflag:s11] =	ssyncset.done $0x0  }
0x67: {  	[sflag:s11] =	ssyncadd.s32 $0xFFFFFE00  }
0x68: {  	[tilespmem:s7], [sflag:$0x1] =	stream.indirect.gather [spmem:s2], $0x4, s5, s14, $0xb8;
	[tilespmem:$0xEB80] =	vst v63  }
0x69: {  	_ =	swait.ge [sflag:s11], $0x200  }
0x6a: {  	[sflag:s11] =	ssyncset.done $0x0  }
0x6b: {  	[sflag:s11] =	ssyncadd.s32 $0xFFFFFE00  }
0x6c: {  	[spmem:s3] =	stream.indirect.scatter.add.f32 [tilespmem:s7], [sflag:$0x1], $0x4, s8, s14, $0xb8;
	[tilespmem:$0xEB80] =	vst v63  }
0x6d: {  	s10 =	simm.s32 $0x80;
	_ =	swait.ge [sflag:s11], $0x200  }
.LBB2_2:
0x6e: {  	s12 =	rddreg [dreg:$0x5];
	s6 =	smov.u32 s10;
	[sflag:s11] =	ssyncset.done $0x0  }
0x6f: {  	s12 =	sadd.s32 s6, s12;
	[sflag:s11] =	ssyncadd.s32 $0xFFFFFE00  }
0x70: {  	[tilespmem:s4], [sflag:$0x1] =	stream.linear.gather [hbm4b:s12+s4], $0x400, $0x38;
	[tilespmem:$0xEB80] =	vst v63  }
0x71: {  	_ =	swait.ge [sflag:s11], $0x400  }
0x72: {  	s9 =	rddreg [dreg:$0x4];
	[sflag:s11] =	ssyncset.done $0x0  }
0x73: {  	[sflag:s11] =	ssyncadd.s32 $0xFFFFFC00;
	s6 =	sadd.s32 s6, s9  }
0x74: {  	[tilespmem:s13], [sflag:$0x1] =	stream.linear.gather [hbm4b:s6+s4], $0x400, $0x38;
	[tilespmem:$0xEB80] =	vst v63  }
0x75: {  	_ =	swait.ge [sflag:s11], $0x400  }
0x76: {  	[sflag:s11] =	ssyncset.done $0x0  }
0x77: {  	[sflag:s11] =	ssyncadd.s32 $0xFFFFFC00  }
0x78: {  	[tilespmem:s15], [sflag:$0x1] =	stream.indirect.gather [spmem:s2], $0x4, s4, s14, $0xb8;
	[tilespmem:$0xEB80] =	vst v63  }
0x79: {  	_ =	swait.ge [sflag:s11], $0x200  }
0x7a: {  	[sflag:s11] =	ssyncset.done $0x0  }
0x7b: {  	[sflag:s11] =	ssyncadd.s32 $0xFFFFFE00  }
0x7c: {  	[spmem:s3] =	stream.indirect.scatter.add.f32 [tilespmem:s15], [sflag:$0x1], $0x4, s13, s14, $0xb8;
	[tilespmem:$0xEB80] =	vst v63  }
0x7d: {  	_ =	swait.ge [sflag:s11], $0x200  }
0x7e: {  	[sflag:s11] =	ssyncset.done $0x0  }
0x7f: {  	[sflag:s11] =	ssyncadd.s32 $0xFFFFFE00  }
0x80: {  	[tilespmem:s16], [sflag:$0x1] =	stream.indirect.gather [spmem:s2], $0x4, s14, s14, $0xb8;
	[tilespmem:$0xEB80] =	vst v63  }
0x81: {  	_ =	swait.ge [sflag:s11], $0x200  }
0x82: {  	[sflag:s11] =	ssyncset.done $0x0  }
0x83: {  	[sflag:s11] =	ssyncadd.s32 $0xFFFFFE00  }
0x84: {  	[spmem:s3] =	stream.indirect.scatter.add.f32 [tilespmem:s16], [sflag:$0x1], $0x4, s17, s14, $0xb8;
	[tilespmem:$0xEB80] =	vst v63  }
0x85: {  	_ =	swait.ge [sflag:s11], $0x200  }
0x86: {  	[sflag:s11] =	ssyncset.done $0x0  }
0x87: {  	[sflag:s11] =	ssyncadd.s32 $0xFFFFFE00  }
0x88: {  	[tilespmem:s19], [sflag:$0x1] =	stream.indirect.gather [spmem:s2], $0x4, s18, s14, $0xb8;
	[tilespmem:$0xEB80] =	vst v63  }
0x89: {  	_ =	swait.ge [sflag:s11], $0x200  }
0x8a: {  	[sflag:s11] =	ssyncset.done $0x0  }
0x8b: {  	[sflag:s11] =	ssyncadd.s32 $0xFFFFFE00  }
0x8c: {  	[spmem:s3] =	stream.indirect.scatter.add.f32 [tilespmem:s19], [sflag:$0x1], $0x4, s20, s14, $0xb8;
	[tilespmem:$0xEB80] =	vst v63  }
0x8d: {  	_ =	swait.ge [sflag:s11], $0x200  }
0x8e: {  	[sflag:s11] =	ssyncset.done $0x0  }
0x8f: {  	[sflag:s11] =	ssyncadd.s32 $0xFFFFFE00  }
0x90: {  	[tilespmem:s22], [sflag:$0x1] =	stream.indirect.gather [spmem:s2], $0x4, s21, s14, $0xb8;
	[tilespmem:$0xEB80] =	vst v63  }
0x91: {  	_ =	swait.ge [sflag:s11], $0x200  }
0x92: {  	[sflag:s11] =	ssyncset.done $0x0  }
0x93: {  	[sflag:s11] =	ssyncadd.s32 $0xFFFFFE00  }
0x94: {  	[spmem:s3] =	stream.indirect.scatter.add.f32 [tilespmem:s22], [sflag:$0x1], $0x4, s23, s14, $0xb8;
	[tilespmem:$0xEB80] =	vst v63  }
0x95: {  	_ =	swait.ge [sflag:s11], $0x200  }
0x96: {  	[sflag:s11] =	ssyncset.done $0x0  }
0x97: {  	[sflag:s11] =	ssyncadd.s32 $0xFFFFFE00  }
0x98: {  	[tilespmem:s25], [sflag:$0x1] =	stream.indirect.gather [spmem:s2], $0x4, s24, s14, $0xb8;
	[tilespmem:$0xEB80] =	vst v63  }
0x99: {  	_ =	swait.ge [sflag:s11], $0x200  }
0x9a: {  	[sflag:s11] =	ssyncset.done $0x0  }
0x9b: {  	[sflag:s11] =	ssyncadd.s32 $0xFFFFFE00  }
0x9c: {  	[spmem:s3] =	stream.indirect.scatter.add.f32 [tilespmem:s25], [sflag:$0x1], $0x4, s26, s14, $0xb8;
	[tilespmem:$0xEB80] =	vst v63  }
0x9d: {  	_ =	swait.ge [sflag:s11], $0x200  }
0x9e: {  	[sflag:s11] =	ssyncset.done $0x0  }
0x9f: {  	[sflag:s11] =	ssyncadd.s32 $0xFFFFFE00  }
0xa0: {  	[tilespmem:s29], [sflag:$0x1] =	stream.indirect.gather [spmem:s2], $0x4, s28, s14, $0xb8;
	[tilespmem:$0xEB80] =	vst v63  }
0xa1: {  	_ =	swait.ge [sflag:s11], $0x200  }
0xa2: {  	[sflag:s11] =	ssyncset.done $0x0  }
0xa3: {  	[sflag:s11] =	ssyncadd.s32 $0xFFFFFE00  }
0xa4: {  	[spmem:s3] =	stream.indirect.scatter.add.f32 [tilespmem:s29], [sflag:$0x1], $0x4, s30, s14, $0xb8;
	[tilespmem:$0xEB80] =	vst v63  }
0xa5: {  	_ =	swait.ge [sflag:s11], $0x200  }
0xa6: {  	[sflag:s11] =	ssyncset.done $0x0  }
0xa7: {  	[sflag:s11] =	ssyncadd.s32 $0xFFFFFE00  }
0xa8: {  	[tilespmem:s1], [sflag:$0x1] =	stream.indirect.gather [spmem:s2], $0x4, s31, s14, $0xb8;
	[tilespmem:$0xEB80] =	vst v63  }
0xa9: {  	_ =	swait.ge [sflag:s11], $0x200  }
0xaa: {  	[sflag:s11] =	ssyncset.done $0x0  }
0xab: {  	[sflag:s11] =	ssyncadd.s32 $0xFFFFFE00  }
0xac: {  	[spmem:s3] =	stream.indirect.scatter.add.f32 [tilespmem:s1], [sflag:$0x1], $0x4, s0, s14, $0xb8;
	[tilespmem:$0xEB80] =	vst v63  }
0xad: {  	_ =	swait.ge [sflag:s11], $0x200  }
0xae: {  	[sflag:s11] =	ssyncset.done $0x0  }
0xaf: {  	p0 =	sne.s32 s10, $0x6180;
	[sflag:s11] =	ssyncadd.s32 $0xFFFFFE00  }
0xb0: {  	[tilespmem:s7], [sflag:$0x1] =	stream.indirect.gather [spmem:s2], $0x4, s5, s14, $0xb8;
	[tilespmem:$0xEB80] =	vst v63  }
.Ltmp0:
0xb1: {  	_ =	swait.ge [sflag:s11], $0x200;
	(pc) =	sbr.rel @p0 .LBB2_2-.Ltmp0, $4  }
0xb2: {  	[sflag:s11] =	ssyncset.done $0x0  }
0xb3: {  	[sflag:s11] =	ssyncadd.s32 $0xFFFFFE00  }
0xb4: {  	[spmem:s3] =	stream.indirect.scatter.add.f32 [tilespmem:s7], [sflag:$0x1], $0x4, s8, s14, $0xb8;
	[tilespmem:$0xEB80] =	vst v63  }
0xb5: {  	s10 =	sadd.s32 $0x80, s10;
	_ =	swait.ge [sflag:s11], $0x200  }
0xb6: {  	[sflag:s11] =	ssyncset.done $0x0  }
0xb7: {  	[sflag:s11] =	ssyncadd.s32 $0xFFFFFE00  }
0xb8: {  	[bflag:$0x0] =	sbarrier.arrive $0xFFFF  }
0xb9: {  	s12 =	rddreg [dreg:$0x7]  }
0xba: {  	s6 =	rddreg [dreg:$0x9]  }
0xbb: {  	s10 =	rddreg [dreg:$0xc]  }
0xbc: {  	[hbm:s6], [sflag:s12] =	dma.local [spmem:s10], $0x1870  }
0xbd: {  	_ =	swait.ge [sflag:s11], $0x1870  }
0xbe: {  	s9 =	rddreg [dreg:$0xd]  }
0xbf: {  	s6 =	rddreg [dreg:$0xa];
	s9 =	sadd.s32 $0x1, s9  }
0xc0: {  	p0 =	sne.s32 s9, s6  }
.Ltmp1:
0xc1: {  	_ = 	snop;
	(pc) =	sbr.rel @p0 .LBB2_1-.Ltmp1, $3  }
0xc2: {  	_ =	sdelay $0x1  }
0xc3: {  	[sflag:s11] =	ssyncset.done $0x0  }
0xc4: {  	[sflag:s11] =	ssyncadd.s32 $0xFFFFE790  }
0xc5: {  	_ =	sfence.sel $0x180000  }
0xc6: {  	[bflag:$0x0] =	sbarrier.arrive $0xFFFF  }
0xc7: {  	_ =	strace $0x90000050  }
0xc8: {  	s0 =	stileid.u32;
	[bflag:$0x2] =	sbarrier.arrive $0xFFFF  }
0xc9: {  	p0 =	sne.s32 s0, $0x0;
	s0 =	rddreg [dreg:$0x3]  }
0xca: {  	s0 =	sadd.s32 @!p0 $0x100000, s0  }
0xcb: {  	[sflag:s0] =	ssyncadd.tile.s32 @!p0 $0x1;
	_ =	shalt  }
.Lfunc_end2:
_tile_overlayer_lowered:
.L_overlay_start_2:
0xcc: {  	(tag) =	ssettag $0x2  }
0xcd: {  	s0 =	rddreg [dreg:$0x0];
	s2 =	stileid.u32  }
0xce: {  	s1 =	rddreg [dreg:$0x1];
	p0 =	sne.s32 s2, $0x0  }
0xcf: {  	s3 =	rddreg [dreg:$0x2];
	[bflag:$0x3] =	sbarrier.arrive $0xFFFF;
	s2 =	simm.s32 @!p0 $0x1C01  }
0xd0: {  	[timem:s3], [sflag:s2] =	dma.local @!p0 [hbm:s0], s1  }
0xd1: {  	s0 =	simm.s32 @!p0 $0x1  }
0xd2: {  	_ =	swait.ge @!p0 [sflag:s0], s1  }
0xd3: {  	s1 =	ssub.s32 @!p0 $0x0, s1;
	[sflag:s0] =	ssyncset.done @!p0 $0x0  }
0xd4: {  	[sflag:s0] =	ssyncadd.s32 @!p0 s1  }
0xd5: {  	[bflag:$0x3] =	sbarrier.arrive $0xFFFF  }
0xd6: {  	_ =	shalt  }

// kernel: kernel.6.cloned.1.call-start
scs
__scs_entry_jumppad:
0x0: {  	(pc) =	sbr.rel $0x88, $3  }
0x1: {  	(tag) =	ssettag $0x0;
	lr =	simm.s32 $0x1  }
0x2: {  	[smem:$0x3F97] =	sst lr;
	_ =	strace $0xD0000000  }
0x3: {  	_ = 	snop  }
0x4: {  	_ = 	snop  }
0x5: {  	_ = 	snop  }
0x6: {  	_ = 	snop  }
0x7: {  	_ = 	snop  }
__scs_overlays_trampoline_lowered:
0x8: {  	[smem:$0x3FA6] =	sst s0  }
0x9: {  	[smem:$0x3FA7] =	sst s1  }
0xa: {  	[smem:$0x3FA8] =	sst s2  }
0xb: {  	[smem:$0x3FA9] =	sst s3  }
0xc: {  	[smem:$0x3FAA] =	sst s4  }
0xd: {  	[smem:$0x3FAB] =	sst s5  }
0xe: {  	[smem:$0x3FAC] =	sst s6  }
0xf: {  	[smem:$0x3FAD] =	sst s7  }
0x10: {  	[smem:$0x3FAE] =	sst s8  }
0x11: {  	[smem:$0x3FAF] =	sst s9;
	s0 =	simm.s32 @!p0 $0x0  }
0x12: {  	s1 =	sld [smem:$0x3F95];
	s0 =	simm.s32 @p0 $0x1  }
0x13: {  	[smem:$0x3FB0] =	sst s0;
	s0 =	simm.s32 @!p1 $0x0  }
0x14: {  	s2 =	sld [smem:$0x3F94];
	s0 =	simm.s32 @p1 $0x1  }
0x15: {  	[smem:$0x3FB1] =	sst s0;
	s0 =	simm.s32 @!p2 $0x0  }
0x16: {  	s3 =	sld [smem:$0x3FDB];
	s0 =	simm.s32 @p2 $0x1  }
0x17: {  	s4 =	simm.s32 $0x1BF5;
	[smem:$0x3FB3] =	sst s0  }
0x18: {  	s0 =	sld [smem:$0x3F96];
	_ =	swait.ge [sflag:s4], $0x0  }
0x19: {  	s7 =	sld [smem:$0x3F97]  }
0x1a: {  	s8 =	sadd.s32 $0xFFFFE003, lr  }
0x1b: {  	s9 =	sadd.s32 $0xFFFFFEF7, lr;
	s5 =	simm.s32 $0xFFFFFFFF;
	p2 =	slt.u32 s8, $0xFFFFF086  }
0x1c: {  	p1 =	slt.u32 s9, $0xF7A;
	s5 =	simm.s32 @!p2 $0x0  }
0x1d: {  	s5 =	simm.s32 @p1 $0x1;
	p0 =	seq.s32 s7, s2  }
0x1e: {  	s7 =	smul.u32 @!p0 $0xF7A, s2;
	p2 =	seq.s32 @!p0 s5, $0x0  }
0x1f: {  	s9 =	smul.u32 $0xF7A, s1;
	s8 =	simm.s32 @!p0 $0x1BF5;
	p2 =	por !p2, p0  }
0x20: {  	[sflag:s8] =	ssyncset.s32 @!p0 $0xFFFFF086;
	s6 =	sadd.s32 @!p0 s3, s7;
	s7 =	simm.s32 @!p0 $0x108  }
0x21: {  	s3 =	sadd.s32 s3, s9;
	s6 =	sadd.s32 @!p0 $0x88, s6;
	s7 =	simm.s32 @p2 $0x1082  }
0x22: {  	[simem:s7], [sflag:s8] =	dma.local @!p0 [hbm:s6], $0xF7A  }
0x23: {  	s9 =	sor.u32 $0xD0000000, s2;
	s6 =	simm.s32 $0x108;
	_ =	swait.ge @!p0 [sflag:s8], $0x0  }
0x24: {  	s3 =	sadd.s32 $0x88, s3;
	s6 =	simm.s32 @!p1 $0x1082;
	[sflag:s4] =	ssyncset.s32 $0xFFFFF086  }
0x25: {  	[simem:s6], [sflag:s4] =	dma.local [hbm:s3], $0xF7A  }
0x26: {  	[smem:$0x3F97] =	sst s1;
	(tag) =	ssettag s2;
	_ =	strace s9  }
0x27: {  	s1 =	sld [smem:$0x3FA7]  }
0x28: {  	s2 =	sld [smem:$0x3FA8]  }
0x29: {  	s4 =	sld [smem:$0x3FAA]  }
0x2a: {  	p0 =	seq.s32 s5, $0x0;
	s5 =	sld [smem:$0x3FAB]  }
0x2b: {  	s6 =	sld [smem:$0x3FAC]  }
0x2c: {  	s7 =	sld [smem:$0x3FAD]  }
0x2d: {  	s3 =	simm.s32 $0x108;
	s8 =	sld [smem:$0x3FAE]  }
0x2e: {  	s3 =	simm.s32 @!p0 $0x1082;
	s9 =	sld [smem:$0x3FAF]  }
0x2f: {  	lr =	sadd.s32 s0, s3;
	s0 =	sld [smem:$0x3FA6]  }
0x30: {  	s3 =	sld [smem:$0x3FA9]  }
0x31: {  	[smem:$0x3FB2] =	sst s10  }
0x32: {  	s10 =	sld [smem:$0x3FB0];
	_ =	sdelay $0x3  }
0x33: {  	p0 =	seq.s32 s10, $0x1;
	s10 =	sld [smem:$0x3FB2];
	_ =	sdelay $0x3  }
0x34: {  	[smem:$0x3FB2] =	sst s10  }
0x35: {  	s10 =	sld [smem:$0x3FB1];
	_ =	sdelay $0x3  }
0x36: {  	p1 =	seq.s32 s10, $0x1;
	s10 =	sld [smem:$0x3FB2];
	_ =	sdelay $0x3  }
0x37: {  	[smem:$0x3FB2] =	sst s10  }
0x38: {  	s10 =	sld [smem:$0x3FB3]  }
0x39: {  	_ = 	snop;
	(pc) =	sbr.ind lr, $3  }
0x3a: {  	_ = 	snop  }
0x3b: {  	_ = 	snop  }
0x3c: {  	p2 =	seq.s32 s10, $0x1;
	s10 =	sld [smem:$0x3FB2]  }
0x3d: {  	_ =	shalt  }
0x3e: {  	_ =	shalt  }
0x3f: {  	_ =	shalt  }
0x40: {  	_ =	shalt  }
0x41: {  	_ =	shalt  }
0x42: {  	_ =	shalt  }
0x43: {  	_ =	shalt  }
0x44: {  	_ =	shalt  }
0x45: {  	_ =	shalt  }
0x46: {  	_ =	shalt  }
0x47: {  	_ =	shalt  }
0x48: {  	_ =	shalt  }
0x49: {  	_ =	shalt  }
0x4a: {  	_ =	shalt  }
0x4b: {  	_ =	shalt  }
0x4c: {  	_ =	shalt  }
0x4d: {  	_ =	shalt  }
0x4e: {  	_ =	shalt  }
0x4f: {  	_ =	shalt  }
0x50: {  	_ =	shalt  }
0x51: {  	_ =	shalt  }
0x52: {  	_ =	shalt  }
0x53: {  	_ =	shalt  }
0x54: {  	_ =	shalt  }
0x55: {  	_ =	shalt  }
0x56: {  	_ =	shalt  }
0x57: {  	_ =	shalt  }
0x58: {  	_ =	shalt  }
0x59: {  	_ =	shalt  }
0x5a: {  	_ =	shalt  }
0x5b: {  	_ =	shalt  }
0x5c: {  	_ =	shalt  }
0x5d: {  	_ =	shalt  }
0x5e: {  	_ =	shalt  }
0x5f: {  	_ =	shalt  }
0x60: {  	_ =	shalt  }
0x61: {  	_ =	shalt  }
0x62: {  	_ =	shalt  }
0x63: {  	_ =	shalt  }
0x64: {  	_ =	shalt  }
0x65: {  	_ =	shalt  }
0x66: {  	_ =	shalt  }
0x67: {  	_ =	shalt  }
0x68: {  	_ =	shalt  }
0x69: {  	_ =	shalt  }
0x6a: {  	_ =	shalt  }
0x6b: {  	_ =	shalt  }
0x6c: {  	_ =	shalt  }
0x6d: {  	_ =	shalt  }
0x6e: {  	_ =	shalt  }
0x6f: {  	_ =	shalt  }
0x70: {  	_ =	shalt  }
0x71: {  	_ =	shalt  }
0x72: {  	_ =	shalt  }
0x73: {  	_ =	shalt  }
0x74: {  	_ =	shalt  }
0x75: {  	_ =	shalt  }
0x76: {  	_ =	shalt  }
0x77: {  	_ =	shalt  }
0x78: {  	_ =	shalt  }
0x79: {  	_ =	shalt  }
0x7a: {  	_ =	shalt  }
0x7b: {  	_ =	shalt  }
0x7c: {  	_ =	shalt  }
0x7d: {  	_ =	shalt  }
0x7e: {  	_ =	shalt  }
0x7f: {  	_ =	shalt  }
0x80: {  	_ =	shalt  }
0x81: {  	_ =	shalt  }
0x82: {  	_ =	shalt  }
0x83: {  	_ =	shalt  }
0x84: {  	_ =	shalt  }
0x85: {  	_ =	shalt  }
0x86: {  	_ =	shalt  }
0x87: {  	_ =	shalt  }
.Lfunc_end0:
.L_simem_size_0:
called_computation_lowered:
.L_overlay_start_0:
0x88: {  	s2 =	sld [smem:$0x3FD9]  }
0x89: {  	s3 =	sld [smem:$0x3FFE];
	_ =	sdelay $0x1  }
0x8a: {  	s1 =	srdreg.scid  }
0x8b: {  	s0 =	sand.u32 $0x1, s1  }
0x8c: {  	s16 =	sshll.u32 s0, $0xA;
	s2 =	sadd.s32 s3, s2  }
0x8d: {  	s2 =	sadd.s32 s2, s16  }
0x8e: {  	[smem:$0x3FBE] =	sst s2  }
0x8f: {  	_ = 	snop  }
0x90: {  	(tm) =	ssettm $0x1  }
0x91: {  	s17 =	sld [smem:$0x3FFB];
	_ =	sdelay $0x3  }
0x92: {  	_ =	strace s17  }
0x93: {  	s2 =	sld [smem:$0x3FFC];
	_ =	sdelay $0x3  }
0x94: {  	_ =	strace s2  }
0x95: {  	s2 =	sld [smem:$0x3FFD];
	_ =	sdelay $0x3  }
0x96: {  	_ =	strace s2  }
0x97: {  	_ =	strace $0x8FFFFFFF  }
0x98: {  	s18 =	sld [smem:$0x3FDB];
	_ =	sdelay $0x1  }
0x99: {  	s19 =	simm.s32 $_scs_section_size  }
0x9a: {  	s4 =	simm.s32 $_size__tile_overlayer_lowered;
	s5 =	simm.s32 $_tile_overlayer_lowered  }
0x9b: {  	s22 =	simm.s32 $0x1BFF;
	s21 =	sshll.u32 s5, $0x1;
	s2 =	sadd.s32 s19, s18  }
0x9c: {  	s6 =	simm.s32 $0x0;
	s20 =	sshll.u32 s4, $0x1;
	s4 =	sadd.s32 s21, s2  }
0x9d: {  	[timem:s6], [sflag:s22] =	dma.local [hbm:s4], s20  }
0x9e: {  	_ =	swait.ge [sflag:s22], s20  }
0x9f: {  	s3 =	ssub.s32 $0x0, s20;
	[sflag:s22] =	ssyncset.done $0x0  }
0xa0: {  	[sflag:s22] =	ssyncadd.s32 s3;
	_ =	sdelay $0x1  }
0xa1: {  	s23 =	simm.s32 $0x1B8B  }
0xa2: {  	_ =	swait.ge [sflag:s23], $0x1  }
0xa3: {  	[sflag:s23] =	ssyncset.done $0x0  }
0xa4: {  	s25 =	simm.s32 $0x1B8E;
	s24 =	sld [smem:$0x3FFE];
	[sflag:s23] =	ssyncadd.s32 $0xFFFFFFFF  }
0xa5: {  	s26 =	simm.s32 $execute0_lowered;
	[smem:$0x3FD2] =	sst s25  }
0xa6: {  	s4 =	sshll.u32 s26, $0x1;
	_ =	strace $0x80000046;
	[dreg:$0x1] =	wrdreg $0xFFFFFFFF  }
0xa7: {  	s28 =	simm.s32 $_size_execute0_lowered;
	s2 =	sadd.s32 s2, s4;
	[dreg:$0x0] =	wrdreg $0x0  }
0xa8: {  	s4 =	sshll.u32 s28, $0x1;
	[dreg:$0x2] =	wrdreg s2  }
0xa9: {  	[dreg:$0x3] =	wrdreg s4  }
0xaa: {  	[dreg:$0x4] =	wrdreg $0xC0  }
0xab: {  	_ =	task [dreg:s6], $0x5FFFF  }
0xac: {  	[dreg:$0x1] =	wrdreg $0xFFFFFFFF  }
0xad: {  	[dreg:$0x0] =	wrdreg $0x60  }
0xae: {  	[dreg:$0x2] =	wrdreg s24  }
0xaf: {  	[dreg:$0x3] =	wrdreg $0x28000  }
0xb0: {  	[dreg:$0x4] =	wrdreg $0x89C00  }
0xb1: {  	[dreg:$0x5] =	wrdreg $0x9  }
0xb2: {  	_ =	task.clear_ibuf [dreg:s6], $0x6FFFF;
	_ =	strace $0x90000046  }
0xb3: {  	s29 =	simm.s32 $0x9;
	_ =	strace $0x80000048  }
0xb4: {  	_ =	swait.ge [sflag:s29], $0x1  }
0xb5: {  	[sflag:s29] =	ssyncadd.s32 $0xFFFFFFFF  }
0xb6: {  	_ =	strace $0x90000048  }
0xb7: {  	_ =	sfence  }
0xb8: {  	s30 =	sld [smem:$0x0];
	_ =	sdelay $0x2  }
0xb9: {  	s31 =	sshll.u32 s1, $0xD;
	s1 =	sshrl.u32 s1, $0x2  }
0xba: {  	s3 =	sand.u32 $0x4000, s31;
	s1 =	sadd.s32 s1, s30  }
0xbb: {  	s0 =	sor.u32 s3, s0;
	s1 =	sshll.u32 s1, $0x11  }
0xbc: {  	s0 =	sor.u32 s1, s0  }
0xbd: {  	s0 =	sadd.s32 $0x8F2B, s0  }
0xbe: {  	[sflag:s0] =	ssyncadd.remote.s32 $0x1  }
0xbf: {  	_ =	sfence.sel $0xFFFF  }
0xc0: {  	[dreg:$0x0] =	wrdreg $0xFFFFFFFF;
	(pc) =	sbr.abs _section_cstart, $3  }
0xc1: {  	[dreg:$0x1] =	wrdreg $0xFFFFFFFF  }
0xc2: {  	_ =	task.clear_ibuf [dreg:s6], $0x2FFFF;
	_ =	strace $0x9FFFFFFF  }
0xc3: {  	(tm) =	ssettm $0x7FFFFFFF  }
tec
execute0_lowered:
.L_overlay_start_1:
0x0: {  	(tag) =	ssettag $0x1  }
0x1: {  	s0 =	rddreg [dreg:$0x0]  }
0x2: {  	s2 =	rddreg [dreg:$0x1]  }
0x3: {  	s11 =	stileid.u32;
	s1 =	srdreg.scid  }
0x4: {  	s3 =	rddreg [dreg:$0x2];
	s4 =	simm.s32 $0x0;
	s13 =	simm.s32 $0x400  }
0x5: {  	s14 =	simm.s32 $0x80;
	s15 =	simm.s32 $0x800;
	s28 =	simm.s32 $0x280  }
0x6: {  	s29 =	simm.s32 $0x1C00;
	s30 =	simm.s32 $0x680;
	s5 =	smul.u32 $0xC380, s11  }
0x7: {  	s31 =	simm.s32 $0x300;
	s1 =	sand.u32 $0x1, s1;
	s7 =	smul.u32 $0x31000, s11  }
0x8: {  	[smem:$0x7FF] =	sst s4;
	s16 =	smul.u32 $0x1870, s11;
	s20 =	sshll.u32 s11, $0x6  }
0x9: {  	s11 =	simm.s32 $0x1;
	s6 =	smul.u32 $0x310000, s1;
	_ =	strace $0x80000047  }
0xa: {  	s9 =	ssub.s32 $0x2, s1;
	s12 =	sor.u32 $0x1C01, s20;
	s1 =	smul.u32 $0x18700, s1  }
0xb: {  	s20 =	simm.s32 $0x500;
	s8 =	sshrl.u32 s5, $0x3;
	s17 =	sshrl.u32 s9, $0x1  }
0xc: {  	s19 =	sadd.s32 s5, s2;
	s5 =	sadd.s32 s5, s3;
	[dreg:$0x7] =	wrdreg s12  }
0xd: {  	s6 =	sadd.s32 s7, s6;
	s8 =	sadd.s32 s8, s0;
	s18 =	ssub.s32 s9, s17  }
0xe: {  	s26 =	sshrl.u32 s19, $0x3;
	s17 =	simm.s32 $0x480;
	s19 =	simm.s32 $0x1000  }
0xf: {  	s7 =	simm.s32 $0x2400;
	s9 =	simm.s32 $0x0;
	s6 =	sshrl.u32 s6, $0x3  }
0x10: {  	s21 =	sadd.s32 $0x263200, s8;
	s22 =	sadd.s32 $0x24AA00, s8;
	[dreg:$0xb] =	wrdreg s26  }
0x11: {  	s25 =	smax.u32 s18, $0x1;
	s18 =	simm.s32 $0x100;
	[dreg:$0x6] =	wrdreg s21  }
0x12: {  	s26 =	simm.s32 $0x600;
	s8 =	simm.s32 $0x780;
	[dreg:$0x8] =	wrdreg s22  }
0x13: {  	s10 =	sadd.s32 s6, s0;
	s0 =	sadd.s32 s16, s0;
	[dreg:$0xa] =	wrdreg s25  }
0x14: {  	s16 =	simm.s32 $0xC00;
	s21 =	simm.s32 $0x180;
	s22 =	simm.s32 $0x1400  }
0x15: {  	s25 =	simm.s32 $0x1800;
	s23 =	sadd.s32 $0xC3A00, s10;
	s0 =	sadd.s32 s1, s0  }
0x16: {  	s24 =	sadd.s32 $0x27BA00, s10;
	s10 =	sshrl.u32 s5, $0x3;
	[dreg:$0x4] =	wrdreg s23  }
0x17: {  	s1 =	simm.s32 $0x2000;
	s5 =	simm.s32 $0x380;
	[dreg:$0x5] =	wrdreg s24  }
0x18: {  	s0 =	sadd.s32 $0x187A00, s0;
	s23 =	simm.s32 $0x580;
	[dreg:$0xc] =	wrdreg s10  }
0x19: {  	s24 =	simm.s32 $0x200;
	[dreg:$0x9] =	wrdreg s0;
	s0 =	simm.s32 $0x700  }
.LBB2_1:
0x1a: {  	[dreg:$0xd] =	wrdreg s9  }
0x1b: {  	s6 =	rddreg [dreg:$0x6]  }
0x1c: {  	s9 =	smov.u32 s10;
	s10 =	rddreg [dreg:$0xb]  }
0x1d: {  	[spmem:s10], [sflag:s12] =	dma.local [hbm:s6], $0x1870  }
0x1e: {  	_ =	swait.ge [sflag:s11], $0x1870  }
0x1f: {  	[sflag:s11] =	ssyncset.done $0x0  }
0x20: {  	s10 =	rddreg [dreg:$0x8];
	[sflag:s11] =	ssyncadd.s32 $0xFFFFE790  }
0x21: {  	[spmem:s9], [sflag:s12] =	dma.local [hbm:s10], $0x1870  }
0x22: {  	_ =	swait.ge [sflag:s11], $0x1870  }
0x23: {  	[sflag:s11] =	ssyncset.done $0x0  }
0x24: {  	[sflag:s11] =	ssyncadd.s32 $0xFFFFE790  }
0x25: {  	[bflag:$0x0] =	sbarrier.arrive $0xFFFF  }
0x26: {  	s9 =	rddreg [dreg:$0x5]  }
0x27: {  	s10 =	sadd.s32 $0x0, s9  }
0x28: {  	[tilespmem:s4], [sflag:$0x1] =	stream.linear.gather [hbm4b:s10+s4], $0x400, $0x38;
	[tilespmem:$0xEB80] =	vst v63  }
0x29: {  	_ =	swait.ge [sflag:s11], $0x400  }
0x2a: {  	s12 =	rddreg [dreg:$0x4];
	[sflag:s11] =	ssyncset.done $0x0  }
0x2b: {  	[sflag:s11] =	ssyncadd.s32 $0xFFFFFC00;
	s10 =	sadd.s32 $0x0, s12  }
0x2c: {  	[tilespmem:s13], [sflag:$0x1] =	stream.linear.gather [hbm4b:s10+s4], $0x400, $0x38;
	[tilespmem:$0xEB80] =	vst v63  }
0x2d: {  	_ =	swait.ge [sflag:s11], $0x400  }
0x2e: {  	[sflag:s11] =	ssyncset.done $0x0  }
0x2f: {  	[sflag:s11] =	ssyncadd.s32 $0xFFFFFC00  }
0x30: {  	[tilespmem:s15], [sflag:$0x1] =	stream.indirect.gather [spmem:s2], $0x4, s4, s14, $0xb8;
	[tilespmem:$0xEB80] =	vst v63  }
0x31: {  	_ =	swait.ge [sflag:s11], $0x200  }
0x32: {  	[sflag:s11] =	ssyncset.done $0x0  }
0x33: {  	[sflag:s11] =	ssyncadd.s32 $0xFFFFFE00  }
0x34: {  	[spmem:s3] =	stream.indirect.scatter.add.f32 [tilespmem:s15], [sflag:$0x1], $0x4, s13, s14, $0xb8;
	[tilespmem:$0xEB80] =	vst v63  }
0x35: {  	_ =	swait.ge [sflag:s11], $0x200  }
0x36: {  	[sflag:s11] =	ssyncset.done $0x0  }
0x37: {  	[sflag:s11] =	ssyncadd.s32 $0xFFFFFE00  }
0x38: {  	[tilespmem:s16], [sflag:$0x1] =	stream.indirect.gather [spmem:s2], $0x4, s14, s14, $0xb8;
	[tilespmem:$0xEB80] =	vst v63  }
0x39: {  	_ =	swait.ge [sflag:s11], $0x200  }
0x3a: {  	[sflag:s11] =	ssyncset.done $0x0  }
0x3b: {  	[sflag:s11] =	ssyncadd.s32 $0xFFFFFE00  }
0x3c: {  	[spmem:s3] =	stream.indirect.scatter.add.f32 [tilespmem:s16], [sflag:$0x1], $0x4, s17, s14, $0xb8;
	[tilespmem:$0xEB80] =	vst v63  }
0x3d: {  	_ =	swait.ge [sflag:s11], $0x200  }
0x3e: {  	[sflag:s11] =	ssyncset.done $0x0  }
0x3f: {  	[sflag:s11] =	ssyncadd.s32 $0xFFFFFE00  }
0x40: {  	[tilespmem:s19], [sflag:$0x1] =	stream.indirect.gather [spmem:s2], $0x4, s18, s14, $0xb8;
	[tilespmem:$0xEB80] =	vst v63  }
0x41: {  	_ =	swait.ge [sflag:s11], $0x200  }
0x42: {  	[sflag:s11] =	ssyncset.done $0x0  }
0x43: {  	[sflag:s11] =	ssyncadd.s32 $0xFFFFFE00  }
0x44: {  	[spmem:s3] =	stream.indirect.scatter.add.f32 [tilespmem:s19], [sflag:$0x1], $0x4, s20, s14, $0xb8;
	[tilespmem:$0xEB80] =	vst v63  }
0x45: {  	_ =	swait.ge [sflag:s11], $0x200  }
0x46: {  	[sflag:s11] =	ssyncset.done $0x0  }
0x47: {  	[sflag:s11] =	ssyncadd.s32 $0xFFFFFE00  }
0x48: {  	[tilespmem:s22], [sflag:$0x1] =	stream.indirect.gather [spmem:s2], $0x4, s21, s14, $0xb8;
	[tilespmem:$0xEB80] =	vst v63  }
0x49: {  	_ =	swait.ge [sflag:s11], $0x200  }
0x4a: {  	[sflag:s11] =	ssyncset.done $0x0  }
0x4b: {  	[sflag:s11] =	ssyncadd.s32 $0xFFFFFE00  }
0x4c: {  	[spmem:s3] =	stream.indirect.scatter.add.f32 [tilespmem:s22], [sflag:$0x1], $0x4, s23, s14, $0xb8;
	[tilespmem:$0xEB80] =	vst v63  }
0x4d: {  	_ =	swait.ge [sflag:s11], $0x200  }
0x4e: {  	[sflag:s11] =	ssyncset.done $0x0  }
0x4f: {  	[sflag:s11] =	ssyncadd.s32 $0xFFFFFE00  }
0x50: {  	[tilespmem:s25], [sflag:$0x1] =	stream.indirect.gather [spmem:s2], $0x4, s24, s14, $0xb8;
	[tilespmem:$0xEB80] =	vst v63  }
0x51: {  	_ =	swait.ge [sflag:s11], $0x200  }
0x52: {  	[sflag:s11] =	ssyncset.done $0x0  }
0x53: {  	[sflag:s11] =	ssyncadd.s32 $0xFFFFFE00  }
0x54: {  	[spmem:s3] =	stream.indirect.scatter.add.f32 [tilespmem:s25], [sflag:$0x1], $0x4, s26, s14, $0xb8;
	[tilespmem:$0xEB80] =	vst v63  }
0x55: {  	_ =	swait.ge [sflag:s11], $0x200  }
0x56: {  	[sflag:s11] =	ssyncset.done $0x0  }
0x57: {  	[sflag:s11] =	ssyncadd.s32 $0xFFFFFE00  }
0x58: {  	[tilespmem:s29], [sflag:$0x1] =	stream.indirect.gather [spmem:s2], $0x4, s28, s14, $0xb8;
	[tilespmem:$0xEB80] =	vst v63  }
0x59: {  	_ =	swait.ge [sflag:s11], $0x200  }
0x5a: {  	[sflag:s11] =	ssyncset.done $0x0  }
0x5b: {  	[sflag:s11] =	ssyncadd.s32 $0xFFFFFE00  }
0x5c: {  	[spmem:s3] =	stream.indirect.scatter.add.f32 [tilespmem:s29], [sflag:$0x1], $0x4, s30, s14, $0xb8;
	[tilespmem:$0xEB80] =	vst v63  }
0x5d: {  	_ =	swait.ge [sflag:s11], $0x200  }
0x5e: {  	[sflag:s11] =	ssyncset.done $0x0  }
0x5f: {  	[sflag:s11] =	ssyncadd.s32 $0xFFFFFE00  }
0x60: {  	[tilespmem:s1], [sflag:$0x1] =	stream.indirect.gather [spmem:s2], $0x4, s31, s14, $0xb8;
	[tilespmem:$0xEB80] =	vst v63  }
0x61: {  	_ =	swait.ge [sflag:s11], $0x200  }
0x62: {  	[sflag:s11] =	ssyncset.done $0x0  }
0x63: {  	[sflag:s11] =	ssyncadd.s32 $0xFFFFFE00  }
0x64: {  	[spmem:s3] =	stream.indirect.scatter.add.f32 [tilespmem:s1], [sflag:$0x1], $0x4, s0, s14, $0xb8;
	[tilespmem:$0xEB80] =	vst v63  }
0x65: {  	_ =	swait.ge [sflag:s11], $0x200  }
0x66: {  	[sflag:s11] =	ssyncset.done $0x0  }
0x67: {  	[sflag:s11] =	ssyncadd.s32 $0xFFFFFE00  }
0x68: {  	[tilespmem:s7], [sflag:$0x1] =	stream.indirect.gather [spmem:s2], $0x4, s5, s14, $0xb8;
	[tilespmem:$0xEB80] =	vst v63  }
0x69: {  	_ =	swait.ge [sflag:s11], $0x200  }
0x6a: {  	[sflag:s11] =	ssyncset.done $0x0  }
0x6b: {  	[sflag:s11] =	ssyncadd.s32 $0xFFFFFE00  }
0x6c: {  	[spmem:s3] =	stream.indirect.scatter.add.f32 [tilespmem:s7], [sflag:$0x1], $0x4, s8, s14, $0xb8;
	[tilespmem:$0xEB80] =	vst v63  }
0x6d: {  	s10 =	simm.s32 $0x80;
	_ =	swait.ge [sflag:s11], $0x200  }
.LBB2_2:
0x6e: {  	s12 =	rddreg [dreg:$0x5];
	s6 =	smov.u32 s10;
	[sflag:s11] =	ssyncset.done $0x0  }
0x6f: {  	s12 =	sadd.s32 s6, s12;
	[sflag:s11] =	ssyncadd.s32 $0xFFFFFE00  }
0x70: {  	[tilespmem:s4], [sflag:$0x1] =	stream.linear.gather [hbm4b:s12+s4], $0x400, $0x38;
	[tilespmem:$0xEB80] =	vst v63  }
0x71: {  	_ =	swait.ge [sflag:s11], $0x400  }
0x72: {  	s9 =	rddreg [dreg:$0x4];
	[sflag:s11] =	ssyncset.done $0x0  }
0x73: {  	[sflag:s11] =	ssyncadd.s32 $0xFFFFFC00;
	s6 =	sadd.s32 s6, s9  }
0x74: {  	[tilespmem:s13], [sflag:$0x1] =	stream.linear.gather [hbm4b:s6+s4], $0x400, $0x38;
	[tilespmem:$0xEB80] =	vst v63  }
0x75: {  	_ =	swait.ge [sflag:s11], $0x400  }
0x76: {  	[sflag:s11] =	ssyncset.done $0x0  }
0x77: {  	[sflag:s11] =	ssyncadd.s32 $0xFFFFFC00  }
0x78: {  	[tilespmem:s15], [sflag:$0x1] =	stream.indirect.gather [spmem:s2], $0x4, s4, s14, $0xb8;
	[tilespmem:$0xEB80] =	vst v63  }
0x79: {  	_ =	swait.ge [sflag:s11], $0x200  }
0x7a: {  	[sflag:s11] =	ssyncset.done $0x0  }
0x7b: {  	[sflag:s11] =	ssyncadd.s32 $0xFFFFFE00  }
0x7c: {  	[spmem:s3] =	stream.indirect.scatter.add.f32 [tilespmem:s15], [sflag:$0x1], $0x4, s13, s14, $0xb8;
	[tilespmem:$0xEB80] =	vst v63  }
0x7d: {  	_ =	swait.ge [sflag:s11], $0x200  }
0x7e: {  	[sflag:s11] =	ssyncset.done $0x0  }
0x7f: {  	[sflag:s11] =	ssyncadd.s32 $0xFFFFFE00  }
0x80: {  	[tilespmem:s16], [sflag:$0x1] =	stream.indirect.gather [spmem:s2], $0x4, s14, s14, $0xb8;
	[tilespmem:$0xEB80] =	vst v63  }
0x81: {  	_ =	swait.ge [sflag:s11], $0x200  }
0x82: {  	[sflag:s11] =	ssyncset.done $0x0  }
0x83: {  	[sflag:s11] =	ssyncadd.s32 $0xFFFFFE00  }
0x84: {  	[spmem:s3] =	stream.indirect.scatter.add.f32 [tilespmem:s16], [sflag:$0x1], $0x4, s17, s14, $0xb8;
	[tilespmem:$0xEB80] =	vst v63  }
0x85: {  	_ =	swait.ge [sflag:s11], $0x200  }
0x86: {  	[sflag:s11] =	ssyncset.done $0x0  }
0x87: {  	[sflag:s11] =	ssyncadd.s32 $0xFFFFFE00  }
0x88: {  	[tilespmem:s19], [sflag:$0x1] =	stream.indirect.gather [spmem:s2], $0x4, s18, s14, $0xb8;
	[tilespmem:$0xEB80] =	vst v63  }
0x89: {  	_ =	swait.ge [sflag:s11], $0x200  }
0x8a: {  	[sflag:s11] =	ssyncset.done $0x0  }
0x8b: {  	[sflag:s11] =	ssyncadd.s32 $0xFFFFFE00  }
0x8c: {  	[spmem:s3] =	stream.indirect.scatter.add.f32 [tilespmem:s19], [sflag:$0x1], $0x4, s20, s14, $0xb8;
	[tilespmem:$0xEB80] =	vst v63  }
0x8d: {  	_ =	swait.ge [sflag:s11], $0x200  }
0x8e: {  	[sflag:s11] =	ssyncset.done $0x0  }
0x8f: {  	[sflag:s11] =	ssyncadd.s32 $0xFFFFFE00  }
0x90: {  	[tilespmem:s22], [sflag:$0x1] =	stream.indirect.gather [spmem:s2], $0x4, s21, s14, $0xb8;
	[tilespmem:$0xEB80] =	vst v63  }
0x91: {  	_ =	swait.ge [sflag:s11], $0x200  }
0x92: {  	[sflag:s11] =	ssyncset.done $0x0  }
0x93: {  	[sflag:s11] =	ssyncadd.s32 $0xFFFFFE00  }
0x94: {  	[spmem:s3] =	stream.indirect.scatter.add.f32 [tilespmem:s22], [sflag:$0x1], $0x4, s23, s14, $0xb8;
	[tilespmem:$0xEB80] =	vst v63  }
0x95: {  	_ =	swait.ge [sflag:s11], $0x200  }
0x96: {  	[sflag:s11] =	ssyncset.done $0x0  }
0x97: {  	[sflag:s11] =	ssyncadd.s32 $0xFFFFFE00  }
0x98: {  	[tilespmem:s25], [sflag:$0x1] =	stream.indirect.gather [spmem:s2], $0x4, s24, s14, $0xb8;
	[tilespmem:$0xEB80] =	vst v63  }
0x99: {  	_ =	swait.ge [sflag:s11], $0x200  }
0x9a: {  	[sflag:s11] =	ssyncset.done $0x0  }
0x9b: {  	[sflag:s11] =	ssyncadd.s32 $0xFFFFFE00  }
0x9c: {  	[spmem:s3] =	stream.indirect.scatter.add.f32 [tilespmem:s25], [sflag:$0x1], $0x4, s26, s14, $0xb8;
	[tilespmem:$0xEB80] =	vst v63  }
0x9d: {  	_ =	swait.ge [sflag:s11], $0x200  }
0x9e: {  	[sflag:s11] =	ssyncset.done $0x0  }
0x9f: {  	[sflag:s11] =	ssyncadd.s32 $0xFFFFFE00  }
0xa0: {  	[tilespmem:s29], [sflag:$0x1] =	stream.indirect.gather [spmem:s2], $0x4, s28, s14, $0xb8;
	[tilespmem:$0xEB80] =	vst v63  }
0xa1: {  	_ =	swait.ge [sflag:s11], $0x200  }
0xa2: {  	[sflag:s11] =	ssyncset.done $0x0  }
0xa3: {  	[sflag:s11] =	ssyncadd.s32 $0xFFFFFE00  }
0xa4: {  	[spmem:s3] =	stream.indirect.scatter.add.f32 [tilespmem:s29], [sflag:$0x1], $0x4, s30, s14, $0xb8;
	[tilespmem:$0xEB80] =	vst v63  }
0xa5: {  	_ =	swait.ge [sflag:s11], $0x200  }
0xa6: {  	[sflag:s11] =	ssyncset.done $0x0  }
0xa7: {  	[sflag:s11] =	ssyncadd.s32 $0xFFFFFE00  }
0xa8: {  	[tilespmem:s1], [sflag:$0x1] =	stream.indirect.gather [spmem:s2], $0x4, s31, s14, $0xb8;
	[tilespmem:$0xEB80] =	vst v63  }
0xa9: {  	_ =	swait.ge [sflag:s11], $0x200  }
0xaa: {  	[sflag:s11] =	ssyncset.done $0x0  }
0xab: {  	[sflag:s11] =	ssyncadd.s32 $0xFFFFFE00  }
0xac: {  	[spmem:s3] =	stream.indirect.scatter.add.f32 [tilespmem:s1], [sflag:$0x1], $0x4, s0, s14, $0xb8;
	[tilespmem:$0xEB80] =	vst v63  }
0xad: {  	_ =	swait.ge [sflag:s11], $0x200  }
0xae: {  	[sflag:s11] =	ssyncset.done $0x0  }
0xaf: {  	p0 =	sne.s32 s10, $0x6180;
	[sflag:s11] =	ssyncadd.s32 $0xFFFFFE00  }
0xb0: {  	[tilespmem:s7], [sflag:$0x1] =	stream.indirect.gather [spmem:s2], $0x4, s5, s14, $0xb8;
	[tilespmem:$0xEB80] =	vst v63  }
.Ltmp0:
0xb1: {  	_ =	swait.ge [sflag:s11], $0x200;
	(pc) =	sbr.rel @p0 .LBB2_2-.Ltmp0, $4  }
0xb2: {  	[sflag:s11] =	ssyncset.done $0x0  }
0xb3: {  	[sflag:s11] =	ssyncadd.s32 $0xFFFFFE00  }
0xb4: {  	[spmem:s3] =	stream.indirect.scatter.add.f32 [tilespmem:s7], [sflag:$0x1], $0x4, s8, s14, $0xb8;
	[tilespmem:$0xEB80] =	vst v63  }
0xb5: {  	s10 =	sadd.s32 $0x80, s10;
	_ =	swait.ge [sflag:s11], $0x200  }
0xb6: {  	[sflag:s11] =	ssyncset.done $0x0  }
0xb7: {  	[sflag:s11] =	ssyncadd.s32 $0xFFFFFE00  }
0xb8: {  	[bflag:$0x0] =	sbarrier.arrive $0xFFFF  }
0xb9: {  	s12 =	rddreg [dreg:$0x7]  }
0xba: {  	s6 =	rddreg [dreg:$0x9]  }
0xbb: {  	s10 =	rddreg [dreg:$0xc]  }
0xbc: {  	[hbm:s6], [sflag:s12] =	dma.local [spmem:s10], $0x1870  }
0xbd: {  	_ =	swait.ge [sflag:s11], $0x1870  }
0xbe: {  	s9 =	rddreg [dreg:$0xd]  }
0xbf: {  	s6 =	rddreg [dreg:$0xa];
	s9 =	sadd.s32 $0x1, s9  }
0xc0: {  	p0 =	sne.s32 s9, s6  }
.Ltmp1:
0xc1: {  	_ = 	snop;
	(pc) =	sbr.rel @p0 .LBB2_1-.Ltmp1, $3  }
0xc2: {  	_ =	sdelay $0x1  }
0xc3: {  	[sflag:s11] =	ssyncset.done $0x0  }
0xc4: {  	[sflag:s11] =	ssyncadd.s32 $0xFFFFE790  }
0xc5: {  	_ =	sfence.sel $0x180000  }
0xc6: {  	[bflag:$0x0] =	sbarrier.arrive $0xFFFF  }
0xc7: {  	_ =	strace $0x90000047  }
0xc8: {  	s0 =	stileid.u32;
	[bflag:$0x2] =	sbarrier.arrive $0xFFFF  }
0xc9: {  	p0 =	sne.s32 s0, $0x0;
	s0 =	rddreg [dreg:$0x3]  }
0xca: {  	s0 =	sadd.s32 @!p0 $0x100000, s0  }
0xcb: {  	[sflag:s0] =	ssyncadd.tile.s32 @!p0 $0x1;
	_ =	shalt  }
.Lfunc_end2:
_tile_overlayer_lowered:
.L_overlay_start_2:
0xcc: {  	(tag) =	ssettag $0x2  }
0xcd: {  	s0 =	rddreg [dreg:$0x0];
	s2 =	stileid.u32  }
0xce: {  	s1 =	rddreg [dreg:$0x1];
	p0 =	sne.s32 s2, $0x0  }
0xcf: {  	s3 =	rddreg [dreg:$0x2];
	[bflag:$0x3] =	sbarrier.arrive $0xFFFF;
	s2 =	simm.s32 @!p0 $0x1C01  }
0xd0: {  	[timem:s3], [sflag:s2] =	dma.local @!p0 [hbm:s0], s1  }
0xd1: {  	s0 =	simm.s32 @!p0 $0x1  }
0xd2: {  	_ =	swait.ge @!p0 [sflag:s0], s1  }
0xd3: {  	s1 =	ssub.s32 @!p0 $0x0, s1;
	[sflag:s0] =	ssyncset.done @!p0 $0x0  }
0xd4: {  	[sflag:s0] =	ssyncadd.s32 @!p0 s1  }
0xd5: {  	[bflag:$0x3] =	sbarrier.arrive $0xFFFF  }
0xd6: {  	_ =	shalt  }

// kernel: kernel.9.cloned.1.call-start
scs
__scs_entry_jumppad:
0x0: {  	(pc) =	sbr.rel $0x88, $3  }
0x1: {  	(tag) =	ssettag $0x0;
	lr =	simm.s32 $0x1  }
0x2: {  	[smem:$0x3F97] =	sst lr;
	_ =	strace $0xD0000000  }
0x3: {  	_ = 	snop  }
0x4: {  	_ = 	snop  }
0x5: {  	_ = 	snop  }
0x6: {  	_ = 	snop  }
0x7: {  	_ = 	snop  }
__scs_overlays_trampoline_lowered:
0x8: {  	[smem:$0x3FA6] =	sst s0  }
0x9: {  	[smem:$0x3FA7] =	sst s1  }
0xa: {  	[smem:$0x3FA8] =	sst s2  }
0xb: {  	[smem:$0x3FA9] =	sst s3  }
0xc: {  	[smem:$0x3FAA] =	sst s4  }
0xd: {  	[smem:$0x3FAB] =	sst s5  }
0xe: {  	[smem:$0x3FAC] =	sst s6  }
0xf: {  	[smem:$0x3FAD] =	sst s7  }
0x10: {  	[smem:$0x3FAE] =	sst s8  }
0x11: {  	[smem:$0x3FAF] =	sst s9;
	s0 =	simm.s32 @!p0 $0x0  }
0x12: {  	s1 =	sld [smem:$0x3F95];
	s0 =	simm.s32 @p0 $0x1  }
0x13: {  	[smem:$0x3FB0] =	sst s0;
	s0 =	simm.s32 @!p1 $0x0  }
0x14: {  	s2 =	sld [smem:$0x3F94];
	s0 =	simm.s32 @p1 $0x1  }
0x15: {  	[smem:$0x3FB1] =	sst s0;
	s0 =	simm.s32 @!p2 $0x0  }
0x16: {  	s3 =	sld [smem:$0x3FDB];
	s0 =	simm.s32 @p2 $0x1  }
0x17: {  	s4 =	simm.s32 $0x1BF5;
	[smem:$0x3FB3] =	sst s0  }
0x18: {  	s0 =	sld [smem:$0x3F96];
	_ =	swait.ge [sflag:s4], $0x0  }
0x19: {  	s7 =	sld [smem:$0x3F97]  }
0x1a: {  	s8 =	sadd.s32 $0xFFFFE003, lr  }
0x1b: {  	s9 =	sadd.s32 $0xFFFFFEF7, lr;
	s5 =	simm.s32 $0xFFFFFFFF;
	p2 =	slt.u32 s8, $0xFFFFF086  }
0x1c: {  	p1 =	slt.u32 s9, $0xF7A;
	s5 =	simm.s32 @!p2 $0x0  }
0x1d: {  	s5 =	simm.s32 @p1 $0x1;
	p0 =	seq.s32 s7, s2  }
0x1e: {  	s7 =	smul.u32 @!p0 $0xF7A, s2;
	p2 =	seq.s32 @!p0 s5, $0x0  }
0x1f: {  	s9 =	smul.u32 $0xF7A, s1;
	s8 =	simm.s32 @!p0 $0x1BF5;
	p2 =	por !p2, p0  }
0x20: {  	[sflag:s8] =	ssyncset.s32 @!p0 $0xFFFFF086;
	s6 =	sadd.s32 @!p0 s3, s7;
	s7 =	simm.s32 @!p0 $0x108  }
0x21: {  	s3 =	sadd.s32 s3, s9;
	s6 =	sadd.s32 @!p0 $0x88, s6;
	s7 =	simm.s32 @p2 $0x1082  }
0x22: {  	[simem:s7], [sflag:s8] =	dma.local @!p0 [hbm:s6], $0xF7A  }
0x23: {  	s9 =	sor.u32 $0xD0000000, s2;
	s6 =	simm.s32 $0x108;
	_ =	swait.ge @!p0 [sflag:s8], $0x0  }
0x24: {  	s3 =	sadd.s32 $0x88, s3;
	s6 =	simm.s32 @!p1 $0x1082;
	[sflag:s4] =	ssyncset.s32 $0xFFFFF086  }
0x25: {  	[simem:s6], [sflag:s4] =	dma.local [hbm:s3], $0xF7A  }
0x26: {  	[smem:$0x3F97] =	sst s1;
	(tag) =	ssettag s2;
	_ =	strace s9  }
0x27: {  	s1 =	sld [smem:$0x3FA7]  }
0x28: {  	s2 =	sld [smem:$0x3FA8]  }
0x29: {  	s4 =	sld [smem:$0x3FAA]  }
0x2a: {  	p0 =	seq.s32 s5, $0x0;
	s5 =	sld [smem:$0x3FAB]  }
0x2b: {  	s6 =	sld [smem:$0x3FAC]  }
0x2c: {  	s7 =	sld [smem:$0x3FAD]  }
0x2d: {  	s3 =	simm.s32 $0x108;
	s8 =	sld [smem:$0x3FAE]  }
0x2e: {  	s3 =	simm.s32 @!p0 $0x1082;
	s9 =	sld [smem:$0x3FAF]  }
0x2f: {  	lr =	sadd.s32 s0, s3;
	s0 =	sld [smem:$0x3FA6]  }
0x30: {  	s3 =	sld [smem:$0x3FA9]  }
0x31: {  	[smem:$0x3FB2] =	sst s10  }
0x32: {  	s10 =	sld [smem:$0x3FB0];
	_ =	sdelay $0x3  }
0x33: {  	p0 =	seq.s32 s10, $0x1;
	s10 =	sld [smem:$0x3FB2];
	_ =	sdelay $0x3  }
0x34: {  	[smem:$0x3FB2] =	sst s10  }
0x35: {  	s10 =	sld [smem:$0x3FB1];
	_ =	sdelay $0x3  }
0x36: {  	p1 =	seq.s32 s10, $0x1;
	s10 =	sld [smem:$0x3FB2];
	_ =	sdelay $0x3  }
0x37: {  	[smem:$0x3FB2] =	sst s10  }
0x38: {  	s10 =	sld [smem:$0x3FB3]  }
0x39: {  	_ = 	snop;
	(pc) =	sbr.ind lr, $3  }
0x3a: {  	_ = 	snop  }
0x3b: {  	_ = 	snop  }
0x3c: {  	p2 =	seq.s32 s10, $0x1;
	s10 =	sld [smem:$0x3FB2]  }
0x3d: {  	_ =	shalt  }
0x3e: {  	_ =	shalt  }
0x3f: {  	_ =	shalt  }
0x40: {  	_ =	shalt  }
0x41: {  	_ =	shalt  }
0x42: {  	_ =	shalt  }
0x43: {  	_ =	shalt  }
0x44: {  	_ =	shalt  }
0x45: {  	_ =	shalt  }
0x46: {  	_ =	shalt  }
0x47: {  	_ =	shalt  }
0x48: {  	_ =	shalt  }
0x49: {  	_ =	shalt  }
0x4a: {  	_ =	shalt  }
0x4b: {  	_ =	shalt  }
0x4c: {  	_ =	shalt  }
0x4d: {  	_ =	shalt  }
0x4e: {  	_ =	shalt  }
0x4f: {  	_ =	shalt  }
0x50: {  	_ =	shalt  }
0x51: {  	_ =	shalt  }
0x52: {  	_ =	shalt  }
0x53: {  	_ =	shalt  }
0x54: {  	_ =	shalt  }
0x55: {  	_ =	shalt  }
0x56: {  	_ =	shalt  }
0x57: {  	_ =	shalt  }
0x58: {  	_ =	shalt  }
0x59: {  	_ =	shalt  }
0x5a: {  	_ =	shalt  }
0x5b: {  	_ =	shalt  }
0x5c: {  	_ =	shalt  }
0x5d: {  	_ =	shalt  }
0x5e: {  	_ =	shalt  }
0x5f: {  	_ =	shalt  }
0x60: {  	_ =	shalt  }
0x61: {  	_ =	shalt  }
0x62: {  	_ =	shalt  }
0x63: {  	_ =	shalt  }
0x64: {  	_ =	shalt  }
0x65: {  	_ =	shalt  }
0x66: {  	_ =	shalt  }
0x67: {  	_ =	shalt  }
0x68: {  	_ =	shalt  }
0x69: {  	_ =	shalt  }
0x6a: {  	_ =	shalt  }
0x6b: {  	_ =	shalt  }
0x6c: {  	_ =	shalt  }
0x6d: {  	_ =	shalt  }
0x6e: {  	_ =	shalt  }
0x6f: {  	_ =	shalt  }
0x70: {  	_ =	shalt  }
0x71: {  	_ =	shalt  }
0x72: {  	_ =	shalt  }
0x73: {  	_ =	shalt  }
0x74: {  	_ =	shalt  }
0x75: {  	_ =	shalt  }
0x76: {  	_ =	shalt  }
0x77: {  	_ =	shalt  }
0x78: {  	_ =	shalt  }
0x79: {  	_ =	shalt  }
0x7a: {  	_ =	shalt  }
0x7b: {  	_ =	shalt  }
0x7c: {  	_ =	shalt  }
0x7d: {  	_ =	shalt  }
0x7e: {  	_ =	shalt  }
0x7f: {  	_ =	shalt  }
0x80: {  	_ =	shalt  }
0x81: {  	_ =	shalt  }
0x82: {  	_ =	shalt  }
0x83: {  	_ =	shalt  }
0x84: {  	_ =	shalt  }
0x85: {  	_ =	shalt  }
0x86: {  	_ =	shalt  }
0x87: {  	_ =	shalt  }
.Lfunc_end0:
.L_simem_size_0:
called_computation.1_lowered:
.L_overlay_start_0:
0x88: {  	s2 =	sld [smem:$0x3FD9]  }
0x89: {  	s3 =	sld [smem:$0x3FFE];
	_ =	sdelay $0x1  }
0x8a: {  	s1 =	srdreg.scid  }
0x8b: {  	s0 =	sand.u32 $0x1, s1  }
0x8c: {  	s16 =	sshll.u32 s0, $0xA;
	s2 =	sadd.s32 s3, s2  }
0x8d: {  	s2 =	sadd.s32 s2, s16  }
0x8e: {  	[smem:$0x3FBE] =	sst s2  }
0x8f: {  	_ = 	snop  }
0x90: {  	(tm) =	ssettm $0x1  }
0x91: {  	s17 =	sld [smem:$0x3FFB];
	_ =	sdelay $0x3  }
0x92: {  	_ =	strace s17  }
0x93: {  	s2 =	sld [smem:$0x3FFC];
	_ =	sdelay $0x3  }
0x94: {  	_ =	strace s2  }
0x95: {  	s2 =	sld [smem:$0x3FFD];
	_ =	sdelay $0x3  }
0x96: {  	_ =	strace s2  }
0x97: {  	_ =	strace $0x8FFFFFFF  }
0x98: {  	s18 =	sld [smem:$0x3FDB];
	_ =	sdelay $0x1  }
0x99: {  	s19 =	simm.s32 $_scs_section_size  }
0x9a: {  	s4 =	simm.s32 $_size__tile_overlayer_lowered;
	s5 =	simm.s32 $_tile_overlayer_lowered  }
0x9b: {  	s22 =	simm.s32 $0x1BFF;
	s21 =	sshll.u32 s5, $0x1;
	s2 =	sadd.s32 s19, s18  }
0x9c: {  	s6 =	simm.s32 $0x0;
	s20 =	sshll.u32 s4, $0x1;
	s4 =	sadd.s32 s21, s2  }
0x9d: {  	[timem:s6], [sflag:s22] =	dma.local [hbm:s4], s20  }
0x9e: {  	_ =	swait.ge [sflag:s22], s20  }
0x9f: {  	s3 =	ssub.s32 $0x0, s20;
	[sflag:s22] =	ssyncset.done $0x0  }
0xa0: {  	[sflag:s22] =	ssyncadd.s32 s3;
	_ =	sdelay $0x1  }
0xa1: {  	s23 =	simm.s32 $0x1B8B  }
0xa2: {  	_ =	swait.ge [sflag:s23], $0x1  }
0xa3: {  	[sflag:s23] =	ssyncset.done $0x0  }
0xa4: {  	s25 =	simm.s32 $0x1B8E;
	s24 =	sld [smem:$0x3FFE];
	[sflag:s23] =	ssyncadd.s32 $0xFFFFFFFF  }
0xa5: {  	s26 =	simm.s32 $execute0_lowered;
	[smem:$0x3FD2] =	sst s25  }
0xa6: {  	s4 =	sshll.u32 s26, $0x1;
	_ =	strace $0x80000049;
	[dreg:$0x1] =	wrdreg $0xFFFFFFFF  }
0xa7: {  	s28 =	simm.s32 $_size_execute0_lowered;
	s2 =	sadd.s32 s2, s4;
	[dreg:$0x0] =	wrdreg $0x0  }
0xa8: {  	s4 =	sshll.u32 s28, $0x1;
	[dreg:$0x2] =	wrdreg s2  }
0xa9: {  	[dreg:$0x3] =	wrdreg s4  }
0xaa: {  	[dreg:$0x4] =	wrdreg $0xC0  }
0xab: {  	_ =	task [dreg:s6], $0x5FFFF  }
0xac: {  	[dreg:$0x1] =	wrdreg $0xFFFFFFFF  }
0xad: {  	[dreg:$0x0] =	wrdreg $0x60  }
0xae: {  	[dreg:$0x2] =	wrdreg s24  }
0xaf: {  	[dreg:$0x3] =	wrdreg $0x28000  }
0xb0: {  	[dreg:$0x4] =	wrdreg $0x89C00  }
0xb1: {  	[dreg:$0x5] =	wrdreg $0x9  }
0xb2: {  	_ =	task.clear_ibuf [dreg:s6], $0x6FFFF;
	_ =	strace $0x90000049  }
0xb3: {  	s29 =	simm.s32 $0x9;
	_ =	strace $0x8000004B  }
0xb4: {  	_ =	swait.ge [sflag:s29], $0x1  }
0xb5: {  	[sflag:s29] =	ssyncadd.s32 $0xFFFFFFFF  }
0xb6: {  	_ =	strace $0x9000004B  }
0xb7: {  	_ =	sfence  }
0xb8: {  	s30 =	sld [smem:$0x0];
	_ =	sdelay $0x2  }
0xb9: {  	s31 =	sshll.u32 s1, $0xD;
	s1 =	sshrl.u32 s1, $0x2  }
0xba: {  	s3 =	sand.u32 $0x4000, s31;
	s1 =	sadd.s32 s1, s30  }
0xbb: {  	s0 =	sor.u32 s3, s0;
	s1 =	sshll.u32 s1, $0x11  }
0xbc: {  	s0 =	sor.u32 s1, s0  }
0xbd: {  	s0 =	sadd.s32 $0x8F2B, s0  }
0xbe: {  	[sflag:s0] =	ssyncadd.remote.s32 $0x1  }
0xbf: {  	_ =	sfence.sel $0xFFFF  }
0xc0: {  	[dreg:$0x0] =	wrdreg $0xFFFFFFFF;
	(pc) =	sbr.abs _section_cstart, $3  }
0xc1: {  	[dreg:$0x1] =	wrdreg $0xFFFFFFFF  }
0xc2: {  	_ =	task.clear_ibuf [dreg:s6], $0x2FFFF;
	_ =	strace $0x9FFFFFFF  }
0xc3: {  	(tm) =	ssettm $0x7FFFFFFF  }
tec
execute0_lowered:
.L_overlay_start_1:
0x0: {  	(tag) =	ssettag $0x1  }
0x1: {  	s0 =	rddreg [dreg:$0x0]  }
0x2: {  	s2 =	rddreg [dreg:$0x1]  }
0x3: {  	s11 =	stileid.u32;
	s1 =	srdreg.scid  }
0x4: {  	s3 =	rddreg [dreg:$0x2];
	s4 =	simm.s32 $0x0;
	s13 =	simm.s32 $0x400  }
0x5: {  	s14 =	simm.s32 $0x80;
	s15 =	simm.s32 $0x800;
	s28 =	simm.s32 $0x280  }
0x6: {  	s29 =	simm.s32 $0x1C00;
	s30 =	simm.s32 $0x680;
	s5 =	smul.u32 $0xC380, s11  }
0x7: {  	s31 =	simm.s32 $0x300;
	s1 =	sand.u32 $0x1, s1;
	s7 =	smul.u32 $0x31000, s11  }
0x8: {  	[smem:$0x7FF] =	sst s4;
	s16 =	smul.u32 $0x1870, s11;
	s20 =	sshll.u32 s11, $0x6  }
0x9: {  	s11 =	simm.s32 $0x1;
	s6 =	smul.u32 $0x310000, s1;
	_ =	strace $0x8000004A  }
0xa: {  	s9 =	ssub.s32 $0x2, s1;
	s12 =	sor.u32 $0x1C01, s20;
	s1 =	smul.u32 $0x18700, s1  }
0xb: {  	s20 =	simm.s32 $0x500;
	s8 =	sshrl.u32 s5, $0x3;
	s17 =	sshrl.u32 s9, $0x1  }
0xc: {  	s19 =	sadd.s32 s5, s2;
	s5 =	sadd.s32 s5, s3;
	[dreg:$0x7] =	wrdreg s12  }
0xd: {  	s6 =	sadd.s32 s7, s6;
	s8 =	sadd.s32 s8, s0;
	s18 =	ssub.s32 s9, s17  }
0xe: {  	s26 =	sshrl.u32 s19, $0x3;
	s17 =	simm.s32 $0x480;
	s19 =	simm.s32 $0x1000  }
0xf: {  	s7 =	simm.s32 $0x2400;
	s9 =	simm.s32 $0x0;
	s6 =	sshrl.u32 s6, $0x3  }
0x10: {  	s21 =	sadd.s32 $0x187A00, s8;
	s22 =	sadd.s32 $0x24AA00, s8;
	[dreg:$0xb] =	wrdreg s26  }
0x11: {  	s25 =	smax.u32 s18, $0x1;
	s18 =	simm.s32 $0x100;
	[dreg:$0x6] =	wrdreg s21  }
0x12: {  	s26 =	simm.s32 $0x600;
	s8 =	simm.s32 $0x780;
	[dreg:$0x8] =	wrdreg s22  }
0x13: {  	s10 =	sadd.s32 s6, s0;
	s0 =	sadd.s32 s16, s0;
	[dreg:$0xa] =	wrdreg s25  }
0x14: {  	s16 =	simm.s32 $0xC00;
	s21 =	simm.s32 $0x180;
	s22 =	simm.s32 $0x1400  }
0x15: {  	s25 =	simm.s32 $0x1800;
	s23 =	sadd.s32 $0xC3A00, s10;
	s0 =	sadd.s32 s1, s0  }
0x16: {  	s24 =	sadd.s32 $0x27BA00, s10;
	s10 =	sshrl.u32 s5, $0x3;
	[dreg:$0x4] =	wrdreg s23  }
0x17: {  	s1 =	simm.s32 $0x2000;
	s5 =	simm.s32 $0x380;
	[dreg:$0x5] =	wrdreg s24  }
0x18: {  	s0 =	sadd.s32 $0x1A0200, s0;
	s23 =	simm.s32 $0x580;
	[dreg:$0xc] =	wrdreg s10  }
0x19: {  	s24 =	simm.s32 $0x200;
	[dreg:$0x9] =	wrdreg s0;
	s0 =	simm.s32 $0x700  }
.LBB2_1:
0x1a: {  	[dreg:$0xd] =	wrdreg s9  }
0x1b: {  	s6 =	rddreg [dreg:$0x6]  }
0x1c: {  	s9 =	smov.u32 s10;
	s10 =	rddreg [dreg:$0xb]  }
0x1d: {  	[spmem:s10], [sflag:s12] =	dma.local [hbm:s6], $0x1870  }
0x1e: {  	_ =	swait.ge [sflag:s11], $0x1870  }
0x1f: {  	[sflag:s11] =	ssyncset.done $0x0  }
0x20: {  	s10 =	rddreg [dreg:$0x8];
	[sflag:s11] =	ssyncadd.s32 $0xFFFFE790  }
0x21: {  	[spmem:s9], [sflag:s12] =	dma.local [hbm:s10], $0x1870  }
0x22: {  	_ =	swait.ge [sflag:s11], $0x1870  }
0x23: {  	[sflag:s11] =	ssyncset.done $0x0  }
0x24: {  	[sflag:s11] =	ssyncadd.s32 $0xFFFFE790  }
0x25: {  	[bflag:$0x0] =	sbarrier.arrive $0xFFFF  }
0x26: {  	s9 =	rddreg [dreg:$0x5]  }
0x27: {  	s10 =	sadd.s32 $0x0, s9  }
0x28: {  	[tilespmem:s4], [sflag:$0x1] =	stream.linear.gather [hbm4b:s10+s4], $0x400, $0x38;
	[tilespmem:$0xEB80] =	vst v63  }
0x29: {  	_ =	swait.ge [sflag:s11], $0x400  }
0x2a: {  	s12 =	rddreg [dreg:$0x4];
	[sflag:s11] =	ssyncset.done $0x0  }
0x2b: {  	[sflag:s11] =	ssyncadd.s32 $0xFFFFFC00;
	s10 =	sadd.s32 $0x0, s12  }
0x2c: {  	[tilespmem:s13], [sflag:$0x1] =	stream.linear.gather [hbm4b:s10+s4], $0x400, $0x38;
	[tilespmem:$0xEB80] =	vst v63  }
0x2d: {  	_ =	swait.ge [sflag:s11], $0x400  }
0x2e: {  	[sflag:s11] =	ssyncset.done $0x0  }
0x2f: {  	[sflag:s11] =	ssyncadd.s32 $0xFFFFFC00  }
0x30: {  	[tilespmem:s15], [sflag:$0x1] =	stream.indirect.gather [spmem:s2], $0x4, s4, s14, $0xb8;
	[tilespmem:$0xEB80] =	vst v63  }
0x31: {  	_ =	swait.ge [sflag:s11], $0x200  }
0x32: {  	[sflag:s11] =	ssyncset.done $0x0  }
0x33: {  	[sflag:s11] =	ssyncadd.s32 $0xFFFFFE00  }
0x34: {  	[spmem:s3] =	stream.indirect.scatter.add.f32 [tilespmem:s15], [sflag:$0x1], $0x4, s13, s14, $0xb8;
	[tilespmem:$0xEB80] =	vst v63  }
0x35: {  	_ =	swait.ge [sflag:s11], $0x200  }
0x36: {  	[sflag:s11] =	ssyncset.done $0x0  }
0x37: {  	[sflag:s11] =	ssyncadd.s32 $0xFFFFFE00  }
0x38: {  	[tilespmem:s16], [sflag:$0x1] =	stream.indirect.gather [spmem:s2], $0x4, s14, s14, $0xb8;
	[tilespmem:$0xEB80] =	vst v63  }
0x39: {  	_ =	swait.ge [sflag:s11], $0x200  }
0x3a: {  	[sflag:s11] =	ssyncset.done $0x0  }
0x3b: {  	[sflag:s11] =	ssyncadd.s32 $0xFFFFFE00  }
0x3c: {  	[spmem:s3] =	stream.indirect.scatter.add.f32 [tilespmem:s16], [sflag:$0x1], $0x4, s17, s14, $0xb8;
	[tilespmem:$0xEB80] =	vst v63  }
0x3d: {  	_ =	swait.ge [sflag:s11], $0x200  }
0x3e: {  	[sflag:s11] =	ssyncset.done $0x0  }
0x3f: {  	[sflag:s11] =	ssyncadd.s32 $0xFFFFFE00  }
0x40: {  	[tilespmem:s19], [sflag:$0x1] =	stream.indirect.gather [spmem:s2], $0x4, s18, s14, $0xb8;
	[tilespmem:$0xEB80] =	vst v63  }
0x41: {  	_ =	swait.ge [sflag:s11], $0x200  }
0x42: {  	[sflag:s11] =	ssyncset.done $0x0  }
0x43: {  	[sflag:s11] =	ssyncadd.s32 $0xFFFFFE00  }
0x44: {  	[spmem:s3] =	stream.indirect.scatter.add.f32 [tilespmem:s19], [sflag:$0x1], $0x4, s20, s14, $0xb8;
	[tilespmem:$0xEB80] =	vst v63  }
0x45: {  	_ =	swait.ge [sflag:s11], $0x200  }
0x46: {  	[sflag:s11] =	ssyncset.done $0x0  }
0x47: {  	[sflag:s11] =	ssyncadd.s32 $0xFFFFFE00  }
0x48: {  	[tilespmem:s22], [sflag:$0x1] =	stream.indirect.gather [spmem:s2], $0x4, s21, s14, $0xb8;
	[tilespmem:$0xEB80] =	vst v63  }
0x49: {  	_ =	swait.ge [sflag:s11], $0x200  }
0x4a: {  	[sflag:s11] =	ssyncset.done $0x0  }
0x4b: {  	[sflag:s11] =	ssyncadd.s32 $0xFFFFFE00  }
0x4c: {  	[spmem:s3] =	stream.indirect.scatter.add.f32 [tilespmem:s22], [sflag:$0x1], $0x4, s23, s14, $0xb8;
	[tilespmem:$0xEB80] =	vst v63  }
0x4d: {  	_ =	swait.ge [sflag:s11], $0x200  }
0x4e: {  	[sflag:s11] =	ssyncset.done $0x0  }
0x4f: {  	[sflag:s11] =	ssyncadd.s32 $0xFFFFFE00  }
0x50: {  	[tilespmem:s25], [sflag:$0x1] =	stream.indirect.gather [spmem:s2], $0x4, s24, s14, $0xb8;
	[tilespmem:$0xEB80] =	vst v63  }
0x51: {  	_ =	swait.ge [sflag:s11], $0x200  }
0x52: {  	[sflag:s11] =	ssyncset.done $0x0  }
0x53: {  	[sflag:s11] =	ssyncadd.s32 $0xFFFFFE00  }
0x54: {  	[spmem:s3] =	stream.indirect.scatter.add.f32 [tilespmem:s25], [sflag:$0x1], $0x4, s26, s14, $0xb8;
	[tilespmem:$0xEB80] =	vst v63  }
0x55: {  	_ =	swait.ge [sflag:s11], $0x200  }
0x56: {  	[sflag:s11] =	ssyncset.done $0x0  }
0x57: {  	[sflag:s11] =	ssyncadd.s32 $0xFFFFFE00  }
0x58: {  	[tilespmem:s29], [sflag:$0x1] =	stream.indirect.gather [spmem:s2], $0x4, s28, s14, $0xb8;
	[tilespmem:$0xEB80] =	vst v63  }
0x59: {  	_ =	swait.ge [sflag:s11], $0x200  }
0x5a: {  	[sflag:s11] =	ssyncset.done $0x0  }
0x5b: {  	[sflag:s11] =	ssyncadd.s32 $0xFFFFFE00  }
0x5c: {  	[spmem:s3] =	stream.indirect.scatter.add.f32 [tilespmem:s29], [sflag:$0x1], $0x4, s30, s14, $0xb8;
	[tilespmem:$0xEB80] =	vst v63  }
0x5d: {  	_ =	swait.ge [sflag:s11], $0x200  }
0x5e: {  	[sflag:s11] =	ssyncset.done $0x0  }
0x5f: {  	[sflag:s11] =	ssyncadd.s32 $0xFFFFFE00  }
0x60: {  	[tilespmem:s1], [sflag:$0x1] =	stream.indirect.gather [spmem:s2], $0x4, s31, s14, $0xb8;
	[tilespmem:$0xEB80] =	vst v63  }
0x61: {  	_ =	swait.ge [sflag:s11], $0x200  }
0x62: {  	[sflag:s11] =	ssyncset.done $0x0  }
0x63: {  	[sflag:s11] =	ssyncadd.s32 $0xFFFFFE00  }
0x64: {  	[spmem:s3] =	stream.indirect.scatter.add.f32 [tilespmem:s1], [sflag:$0x1], $0x4, s0, s14, $0xb8;
	[tilespmem:$0xEB80] =	vst v63  }
0x65: {  	_ =	swait.ge [sflag:s11], $0x200  }
0x66: {  	[sflag:s11] =	ssyncset.done $0x0  }
0x67: {  	[sflag:s11] =	ssyncadd.s32 $0xFFFFFE00  }
0x68: {  	[tilespmem:s7], [sflag:$0x1] =	stream.indirect.gather [spmem:s2], $0x4, s5, s14, $0xb8;
	[tilespmem:$0xEB80] =	vst v63  }
0x69: {  	_ =	swait.ge [sflag:s11], $0x200  }
0x6a: {  	[sflag:s11] =	ssyncset.done $0x0  }
0x6b: {  	[sflag:s11] =	ssyncadd.s32 $0xFFFFFE00  }
0x6c: {  	[spmem:s3] =	stream.indirect.scatter.add.f32 [tilespmem:s7], [sflag:$0x1], $0x4, s8, s14, $0xb8;
	[tilespmem:$0xEB80] =	vst v63  }
0x6d: {  	s10 =	simm.s32 $0x80;
	_ =	swait.ge [sflag:s11], $0x200  }
.LBB2_2:
0x6e: {  	s12 =	rddreg [dreg:$0x5];
	s6 =	smov.u32 s10;
	[sflag:s11] =	ssyncset.done $0x0  }
0x6f: {  	s12 =	sadd.s32 s6, s12;
	[sflag:s11] =	ssyncadd.s32 $0xFFFFFE00  }
0x70: {  	[tilespmem:s4], [sflag:$0x1] =	stream.linear.gather [hbm4b:s12+s4], $0x400, $0x38;
	[tilespmem:$0xEB80] =	vst v63  }
0x71: {  	_ =	swait.ge [sflag:s11], $0x400  }
0x72: {  	s9 =	rddreg [dreg:$0x4];
	[sflag:s11] =	ssyncset.done $0x0  }
0x73: {  	[sflag:s11] =	ssyncadd.s32 $0xFFFFFC00;
	s6 =	sadd.s32 s6, s9  }
0x74: {  	[tilespmem:s13], [sflag:$0x1] =	stream.linear.gather [hbm4b:s6+s4], $0x400, $0x38;
	[tilespmem:$0xEB80] =	vst v63  }
0x75: {  	_ =	swait.ge [sflag:s11], $0x400  }
0x76: {  	[sflag:s11] =	ssyncset.done $0x0  }
0x77: {  	[sflag:s11] =	ssyncadd.s32 $0xFFFFFC00  }
0x78: {  	[tilespmem:s15], [sflag:$0x1] =	stream.indirect.gather [spmem:s2], $0x4, s4, s14, $0xb8;
	[tilespmem:$0xEB80] =	vst v63  }
0x79: {  	_ =	swait.ge [sflag:s11], $0x200  }
0x7a: {  	[sflag:s11] =	ssyncset.done $0x0  }
0x7b: {  	[sflag:s11] =	ssyncadd.s32 $0xFFFFFE00  }
0x7c: {  	[spmem:s3] =	stream.indirect.scatter.add.f32 [tilespmem:s15], [sflag:$0x1], $0x4, s13, s14, $0xb8;
	[tilespmem:$0xEB80] =	vst v63  }
0x7d: {  	_ =	swait.ge [sflag:s11], $0x200  }
0x7e: {  	[sflag:s11] =	ssyncset.done $0x0  }
0x7f: {  	[sflag:s11] =	ssyncadd.s32 $0xFFFFFE00  }
0x80: {  	[tilespmem:s16], [sflag:$0x1] =	stream.indirect.gather [spmem:s2], $0x4, s14, s14, $0xb8;
	[tilespmem:$0xEB80] =	vst v63  }
0x81: {  	_ =	swait.ge [sflag:s11], $0x200  }
0x82: {  	[sflag:s11] =	ssyncset.done $0x0  }
0x83: {  	[sflag:s11] =	ssyncadd.s32 $0xFFFFFE00  }
0x84: {  	[spmem:s3] =	stream.indirect.scatter.add.f32 [tilespmem:s16], [sflag:$0x1], $0x4, s17, s14, $0xb8;
	[tilespmem:$0xEB80] =	vst v63  }
0x85: {  	_ =	swait.ge [sflag:s11], $0x200  }
0x86: {  	[sflag:s11] =	ssyncset.done $0x0  }
0x87: {  	[sflag:s11] =	ssyncadd.s32 $0xFFFFFE00  }
0x88: {  	[tilespmem:s19], [sflag:$0x1] =	stream.indirect.gather [spmem:s2], $0x4, s18, s14, $0xb8;
	[tilespmem:$0xEB80] =	vst v63  }
0x89: {  	_ =	swait.ge [sflag:s11], $0x200  }
0x8a: {  	[sflag:s11] =	ssyncset.done $0x0  }
0x8b: {  	[sflag:s11] =	ssyncadd.s32 $0xFFFFFE00  }
0x8c: {  	[spmem:s3] =	stream.indirect.scatter.add.f32 [tilespmem:s19], [sflag:$0x1], $0x4, s20, s14, $0xb8;
	[tilespmem:$0xEB80] =	vst v63  }
0x8d: {  	_ =	swait.ge [sflag:s11], $0x200  }
0x8e: {  	[sflag:s11] =	ssyncset.done $0x0  }
0x8f: {  	[sflag:s11] =	ssyncadd.s32 $0xFFFFFE00  }
0x90: {  	[tilespmem:s22], [sflag:$0x1] =	stream.indirect.gather [spmem:s2], $0x4, s21, s14, $0xb8;
	[tilespmem:$0xEB80] =	vst v63  }
0x91: {  	_ =	swait.ge [sflag:s11], $0x200  }
0x92: {  	[sflag:s11] =	ssyncset.done $0x0  }
0x93: {  	[sflag:s11] =	ssyncadd.s32 $0xFFFFFE00  }
0x94: {  	[spmem:s3] =	stream.indirect.scatter.add.f32 [tilespmem:s22], [sflag:$0x1], $0x4, s23, s14, $0xb8;
	[tilespmem:$0xEB80] =	vst v63  }
0x95: {  	_ =	swait.ge [sflag:s11], $0x200  }
0x96: {  	[sflag:s11] =	ssyncset.done $0x0  }
0x97: {  	[sflag:s11] =	ssyncadd.s32 $0xFFFFFE00  }
0x98: {  	[tilespmem:s25], [sflag:$0x1] =	stream.indirect.gather [spmem:s2], $0x4, s24, s14, $0xb8;
	[tilespmem:$0xEB80] =	vst v63  }
0x99: {  	_ =	swait.ge [sflag:s11], $0x200  }
0x9a: {  	[sflag:s11] =	ssyncset.done $0x0  }
0x9b: {  	[sflag:s11] =	ssyncadd.s32 $0xFFFFFE00  }
0x9c: {  	[spmem:s3] =	stream.indirect.scatter.add.f32 [tilespmem:s25], [sflag:$0x1], $0x4, s26, s14, $0xb8;
	[tilespmem:$0xEB80] =	vst v63  }
0x9d: {  	_ =	swait.ge [sflag:s11], $0x200  }
0x9e: {  	[sflag:s11] =	ssyncset.done $0x0  }
0x9f: {  	[sflag:s11] =	ssyncadd.s32 $0xFFFFFE00  }
0xa0: {  	[tilespmem:s29], [sflag:$0x1] =	stream.indirect.gather [spmem:s2], $0x4, s28, s14, $0xb8;
	[tilespmem:$0xEB80] =	vst v63  }
0xa1: {  	_ =	swait.ge [sflag:s11], $0x200  }
0xa2: {  	[sflag:s11] =	ssyncset.done $0x0  }
0xa3: {  	[sflag:s11] =	ssyncadd.s32 $0xFFFFFE00  }
0xa4: {  	[spmem:s3] =	stream.indirect.scatter.add.f32 [tilespmem:s29], [sflag:$0x1], $0x4, s30, s14, $0xb8;
	[tilespmem:$0xEB80] =	vst v63  }
0xa5: {  	_ =	swait.ge [sflag:s11], $0x200  }
0xa6: {  	[sflag:s11] =	ssyncset.done $0x0  }
0xa7: {  	[sflag:s11] =	ssyncadd.s32 $0xFFFFFE00  }
0xa8: {  	[tilespmem:s1], [sflag:$0x1] =	stream.indirect.gather [spmem:s2], $0x4, s31, s14, $0xb8;
	[tilespmem:$0xEB80] =	vst v63  }
0xa9: {  	_ =	swait.ge [sflag:s11], $0x200  }
0xaa: {  	[sflag:s11] =	ssyncset.done $0x0  }
0xab: {  	[sflag:s11] =	ssyncadd.s32 $0xFFFFFE00  }
0xac: {  	[spmem:s3] =	stream.indirect.scatter.add.f32 [tilespmem:s1], [sflag:$0x1], $0x4, s0, s14, $0xb8;
	[tilespmem:$0xEB80] =	vst v63  }
0xad: {  	_ =	swait.ge [sflag:s11], $0x200  }
0xae: {  	[sflag:s11] =	ssyncset.done $0x0  }
0xaf: {  	p0 =	sne.s32 s10, $0x6180;
	[sflag:s11] =	ssyncadd.s32 $0xFFFFFE00  }
0xb0: {  	[tilespmem:s7], [sflag:$0x1] =	stream.indirect.gather [spmem:s2], $0x4, s5, s14, $0xb8;
	[tilespmem:$0xEB80] =	vst v63  }
.Ltmp0:
0xb1: {  	_ =	swait.ge [sflag:s11], $0x200;
	(pc) =	sbr.rel @p0 .LBB2_2-.Ltmp0, $4  }
0xb2: {  	[sflag:s11] =	ssyncset.done $0x0  }
0xb3: {  	[sflag:s11] =	ssyncadd.s32 $0xFFFFFE00  }
0xb4: {  	[spmem:s3] =	stream.indirect.scatter.add.f32 [tilespmem:s7], [sflag:$0x1], $0x4, s8, s14, $0xb8;
	[tilespmem:$0xEB80] =	vst v63  }
0xb5: {  	s10 =	sadd.s32 $0x80, s10;
	_ =	swait.ge [sflag:s11], $0x200  }
0xb6: {  	[sflag:s11] =	ssyncset.done $0x0  }
0xb7: {  	[sflag:s11] =	ssyncadd.s32 $0xFFFFFE00  }
0xb8: {  	[bflag:$0x0] =	sbarrier.arrive $0xFFFF  }
0xb9: {  	s12 =	rddreg [dreg:$0x7]  }
0xba: {  	s6 =	rddreg [dreg:$0x9]  }
0xbb: {  	s10 =	rddreg [dreg:$0xc]  }
0xbc: {  	[hbm:s6], [sflag:s12] =	dma.local [spmem:s10], $0x1870  }
0xbd: {  	_ =	swait.ge [sflag:s11], $0x1870  }
0xbe: {  	s9 =	rddreg [dreg:$0xd]  }
0xbf: {  	s6 =	rddreg [dreg:$0xa];
	s9 =	sadd.s32 $0x1, s9  }
0xc0: {  	p0 =	sne.s32 s9, s6  }
.Ltmp1:
0xc1: {  	_ = 	snop;
	(pc) =	sbr.rel @p0 .LBB2_1-.Ltmp1, $3  }
0xc2: {  	_ =	sdelay $0x1  }
0xc3: {  	[sflag:s11] =	ssyncset.done $0x0  }
0xc4: {  	[sflag:s11] =	ssyncadd.s32 $0xFFFFE790  }
0xc5: {  	_ =	sfence.sel $0x180000  }
0xc6: {  	[bflag:$0x0] =	sbarrier.arrive $0xFFFF  }
0xc7: {  	_ =	strace $0x9000004A  }
0xc8: {  	s0 =	stileid.u32;
	[bflag:$0x2] =	sbarrier.arrive $0xFFFF  }
0xc9: {  	p0 =	sne.s32 s0, $0x0;
	s0 =	rddreg [dreg:$0x3]  }
0xca: {  	s0 =	sadd.s32 @!p0 $0x100000, s0  }
0xcb: {  	[sflag:s0] =	ssyncadd.tile.s32 @!p0 $0x1;
	_ =	shalt  }
.Lfunc_end2:
_tile_overlayer_lowered:
.L_overlay_start_2:
0xcc: {  	(tag) =	ssettag $0x2  }
0xcd: {  	s0 =	rddreg [dreg:$0x0];
	s2 =	stileid.u32  }
0xce: {  	s1 =	rddreg [dreg:$0x1];
	p0 =	sne.s32 s2, $0x0  }
0xcf: {  	s3 =	rddreg [dreg:$0x2];
	[bflag:$0x3] =	sbarrier.arrive $0xFFFF;
	s2 =	simm.s32 @!p0 $0x1C01  }
0xd0: {  	[timem:s3], [sflag:s2] =	dma.local @!p0 [hbm:s0], s1  }
0xd1: {  	s0 =	simm.s32 @!p0 $0x1  }
0xd2: {  	_ =	swait.ge @!p0 [sflag:s0], s1  }
0xd3: {  	s1 =	ssub.s32 @!p0 $0x0, s1;
	[sflag:s0] =	ssyncset.done @!p0 $0x0  }
0xd4: {  	[sflag:s0] =	ssyncadd.s32 @!p0 s1  }
0xd5: {  	[bflag:$0x3] =	sbarrier.arrive $0xFFFF  }
0xd6: {  	_ =	shalt  }

</sc_bundles>
